<compile_context>
chip_gen: v7x
topology: tpu7x:2x2x1
jax: 0.10.2.dev20260603
libtpu: 0.0.44.dev20260713+nightly
codegen_flags: <defaults>
</compile_context>

<pallas_src>
import functools

import jax
import jax.numpy as jnp
from jax import lax
from jax.experimental import pallas as pl
from jax.experimental.pallas import tpu as pltpu
from jax.experimental.pallas import tpu_sc as plsc

EMBED = 64
SCALE = float(EMBED) ** 0.5

NC = 2
NS = 16
NW = NC * NS
BB = 128
NBUF = 4

_MESH = dict(core_axis_name="c", subcore_axis_name="s")


def _make_converter(v):
    nfull = v // BB
    rem = v - nfull * BB
    base, extra = divmod(nfull, NW)
    assert rem % 2 == 0

    @functools.partial(
        pl.kernel,
        mesh=plsc.VectorSubcoreMesh(**_MESH),
        out_type=jax.ShapeDtypeStruct((v // 2, 2 * EMBED), jnp.float32),
        scratch_types=[
            pltpu.VMEM((4, EMBED, BB), jnp.float32),
            pltpu.VMEM((3, BB // 2, 2 * EMBED), jnp.float32),
            pltpu.SemaphoreType.DMA,
            pltpu.SemaphoreType.DMA,
        ],
        compiler_params=pltpu.CompilerParams(needs_layout_passes=False),
    )
    def conv(tab_t, rem2, out, panels, pairs, gsem, ssem):
        wid = lax.axis_index("s") * NC + lax.axis_index("c")
        count = base + (wid < extra).astype(jnp.int32)
        iota = lax.iota(jnp.int32, 16)

        @pl.when(wid == (NW - 1) if rem else wid < 0)
        def _():
            pltpu.sync_copy(rem2, pairs.at[0, pl.ds(0, rem // 2)])
            pltpu.sync_copy(pairs.at[0, pl.ds(0, rem // 2)],
                            out.at[pl.ds(nfull * (BB // 2), rem // 2)])

        def blk(i):
            return wid + i * NW

        def transpose_scale(pin, pout):
            pp = panels.at[pin]
            po = pairs.at[pout]

            @plsc.parallel_loop(0, (BB // 16) * EMBED, 1, unroll=8)
            def _(i):
                kk = i >> 6
                g = (i >> 4) & 3
                k = i & 15
                vvec = iota + (kk << 4)
                evec = lax.bitwise_xor(iota, k) + (g << 4)
                val = plsc.load_gather(pp, [evec, vvec])
                plsc.store_scatter(
                    po,
                    [lax.shift_right_logical(vvec, 1),
                     lax.shift_left(lax.bitwise_and(vvec, 1), 6) + evec],
                    val * SCALE)

        def body(i, carry):
            @pl.when(i < count)
            def _():
                pltpu.async_copy(
                    tab_t.at[:, pl.ds(blk(i) * BB, BB)],
                    panels.at[lax.rem(i, 4)], gsem)

            @pl.when(i >= 3)
            def _():
                j = i - 3
                pltpu.make_async_copy(
                    tab_t.at[:, pl.ds(0, BB)],
                    panels.at[lax.rem(j, 4)], gsem).wait()

                @pl.when(j >= 3)
                def _():
                    pltpu.make_async_copy(
                        pairs.at[lax.rem(j, 3)],
                        out.at[pl.ds(0, BB // 2)], ssem).wait()

                transpose_scale(lax.rem(j, 4), lax.rem(j, 3))
                pltpu.async_copy(
                    pairs.at[lax.rem(j, 3)],
                    out.at[pl.ds(blk(j) * (BB // 2), BB // 2)], ssem)
            return carry

        lax.fori_loop(0, count + 3, body, 0)
        for d in range(3):
            pltpu.make_async_copy(
                pairs.at[d], out.at[pl.ds(0, BB // 2)], ssem).wait()

    return conv


def _make_lookup(b, s):
    assert b == NW * BB and EMBED == 64

    @functools.partial(
        pl.kernel,
        mesh=plsc.VectorSubcoreMesh(**_MESH),
        out_type=jax.ShapeDtypeStruct((s, 8, NW, 8, BB), jnp.float32),
        scratch_types=[
            pltpu.VMEM((s, BB), jnp.int32),
            pltpu.VMEM((NBUF, BB, EMBED), jnp.float32),
            pltpu.VMEM((2, EMBED, BB), jnp.float32),
            pltpu.SemaphoreType.DMA,
            pltpu.SemaphoreType.DMA,
        ],
        compiler_params=pltpu.CompilerParams(
            use_tc_tiling_on_sc=False, needs_layout_passes=False),
    )
    def k(idx_hbm, table_hbm, out_hbm, idx_v, rows, tiles, gsem, ssem):
        wid = lax.axis_index("s") * NC + lax.axis_index("c")

        pltpu.sync_copy(idx_hbm.at[:, pl.ds(wid * BB, BB)], idx_v)

        iota = lax.iota(jnp.int32, 16)

        def start_gather(step, p):
            pltpu.async_copy(table_hbm.at[idx_v.at[step]], rows.at[p], gsem)

        def wait_gather(p):
            pltpu.make_async_copy(
                table_hbm.at[pl.ds(0, BB)], rows.at[p], gsem).wait()

        def transpose(p, p2):
            rp = rows.at[p]
            tp = tiles.at[p2]

            @plsc.parallel_loop(0, (BB // 16) * EMBED, 1, unroll=8)
            def _(i):
                kk = i >> 6
                g = (i >> 4) & 3
                k = i & 15
                bvec = iota + (kk << 4)
                evec = lax.bitwise_xor(iota, k) + (g << 4)
                val = plsc.load_gather(rp, [bvec, evec])
                plsc.store_scatter(tp, [evec, bvec], val)

        def start_store(step, p2):
            for a in range(8):
                pltpu.async_copy(
                    tiles.at[p2, pl.ds(a * 8, 8)],
                    out_hbm.at[step, a, wid], ssem)

        def wait_store(p2):
            for a in range(8):
                pltpu.make_async_copy(
                    tiles.at[p2, pl.ds(a * 8, 8)],
                    out_hbm.at[0, a, wid], ssem).wait()

        for p in range(NBUF):
            start_gather(p, p)

        def outer(i, carry):
            s0 = i * NBUF
            for p in range(NBUF):
                step = s0 + p
                wait_gather(p)

                @pl.when(step >= 2)
                def _():
                    wait_store(step % 2)

                transpose(p, step % 2)
                start_store(step, step % 2)
                start_gather(jnp.minimum(step + NBUF, s - 1), p)
            return carry

        lax.fori_loop(0, s // NBUF, outer, 0)
        wait_store(0)
        wait_store(1)
        for _ in range(NBUF):
            wait_gather(0)

    return k


def kernel(word_ids, table):
    b, s = word_ids.shape
    v = table.shape[0]
    nfull = v // BB
    rem2 = (SCALE * table[nfull * BB:]).reshape(-1, 2 * EMBED)
    table2 = _make_converter(v)(table.T, rem2)
    out5 = _make_lookup(b, s)(word_ids.T, table2.reshape(v, EMBED))
    return out5.transpose(2, 4, 0, 1, 3).reshape(b, s, EMBED)

# --- scband reference (transcript-rebuilt; emitter-appended) ---
"""Pipeline reference for scband-word-embedding-16088947491218 (READ-ONLY COPY).

The authoritative reference and input builder live on the scoring server;
editing this copy changes nothing except your own understanding.
"""

import jax, jax.numpy as jnp
import numpy as np

VOCAB = 1000000
EMBED = 64
PAD_IDX = 0

def setup_inputs(seed: int = 0) -> dict:
    key = jax.random.key(seed)
    k1, k2 = jax.random.split(key)
    word_ids = jax.random.randint(k1, (4096, 200), 0, VOCAB, dtype=jnp.int64 if jax.config.jax_enable_x64 else jnp.int32).astype(jnp.int32)
    table = jax.random.normal(k2, (VOCAB, EMBED), dtype=jnp.float32) * (EMBED ** -0.5)
    # padding_idx row is zeroed (matches nn.Embedding padding_idx semantics)
    table = table.at[PAD_IDX].set(0.0)
    return {"word_ids": word_ids, "table": table}

def reference(word_ids, table):
    # word_embedding = embedding(word_ids); then scale by sqrt(embedding_size)
    emb = jnp.take(table, word_ids, axis=0)
    return (EMBED ** 0.5) * emb

if __name__ == "__main__":
    import jax
    _d = setup_inputs()
    print(jax.jit(kernel)(*tuple(_d.values())))

</pallas_src>

<mosaic_0001>
#map = affine_map<(d0, d1) -> (0, 0)>
module attributes {stable_mosaic.version = 14 : i64} {
  func.func @conv(%arg0: i32, %arg1: i32, %arg2: memref<64x1000000xf32, #tpu.memory_space<hbm>>, %arg3: memref<32x128xf32, #tpu.memory_space<hbm>>, %arg4: memref<500000x128xf32, #tpu.memory_space<hbm>>, %arg5: memref<4x64x128xf32, #tpu.memory_space<vmem>>, %arg6: memref<3x64x128xf32, #tpu.memory_space<vmem>>, %arg7: memref<!tpu.dma_semaphore, #tpu.memory_space<semaphore_mem>>, %arg8: memref<!tpu.dma_semaphore, #tpu.memory_space<semaphore_mem>>) attributes {dimension_semantics = [#tpu.dimension_semantics<core_parallel>, #tpu.dimension_semantics<subcore_parallel>], iteration_bounds = array<i64: 2, 16>, scalar_prefetch = 0 : i64, scratch_operands = 4 : i64, tpu.core_type = #tpu.core_type<sc_vector_subcore>, window_params = [{transform_indices = #map}, {transform_indices = #map}, {transform_indices = #map}]} {
    %mul3A = arith.constant 2 : i32
    %mul3A_0 = arith.muli %arg1, %mul3A : i32
    %add3A = arith.addi %mul3A_0, %arg0 : i32
    %lt3A = arith.constant 4 : i32
    %lt3A_1 = arith.cmpi slt, %add3A, %lt3A : i32
    %convert_element_type3A = arith.extui %lt3A_1 : i1 to i32
    %add3A_2 = arith.constant 244 : i32
    %add3A_3 = arith.addi %add3A_2, %convert_element_type3A : i32
    %iota3A = tpu.iota {dimensions = array<i32: 0>} : vector<16xi32>
    %eq3A = arith.constant 31 : i32
    %eq3A_4 = arith.cmpi eq, %add3A, %eq3A : i32
    %convert_element_type3A_5 = arith.extui %eq3A_4 : i1 to i32
    %cond3A = arith.constant 0 : i32
    %cond3A_6 = arith.cmpi ne, %convert_element_type3A_5, %cond3A : i32
    scf.if %cond3A_6 {
      %run_scoped3A = arith.constant 0 : i32
      "tpu.region"() ({
        %run_scoped3A_63 = tpu.sem_alloc : memref<!tpu.dma_semaphore, #tpu.memory_space<semaphore_mem>>
        %dma_start3A = arith.constant 0 : i32
        %dma_start3A_64 = arith.constant 0 : i32
        %dma_start3A_65 = tpu.memref_slice %arg6[%run_scoped3A, %dma_start3A, %dma_start3A_64] : memref<3x64x128xf32, #tpu.memory_space<vmem>> -> memref<1x32x128xf32, #tpu.memory_space<vmem>>
        %dma_start3A_66 = tpu.memref_squeeze %dma_start3A_65 : memref<1x32x128xf32, #tpu.memory_space<vmem>> -> memref<32x128xf32, #tpu.memory_space<vmem>>
        %dma_start3A_67 = arith.constant 0 : i32
        %dma_start3A_68 = arith.constant 0 : i32
        %dma_start3A_69 = tpu.memref_slice %arg6[%run_scoped3A, %dma_start3A_67, %dma_start3A_68] : memref<3x64x128xf32, #tpu.memory_space<vmem>> -> memref<1x32x128xf32, #tpu.memory_space<vmem>>
        %dma_start3A_70 = tpu.memref_squeeze %dma_start3A_69 : memref<1x32x128xf32, #tpu.memory_space<vmem>> -> memref<32x128xf32, #tpu.memory_space<vmem>>
        tpu.enqueue_dma source(%arg3 : memref<32x128xf32, #tpu.memory_space<hbm>>) target(%dma_start3A_70 : memref<32x128xf32, #tpu.memory_space<vmem>>) target_semaphore(%run_scoped3A_63 : memref<!tpu.dma_semaphore, #tpu.memory_space<semaphore_mem>>)
        %dma_wait3A_71 = arith.constant 0 : i32
        %dma_wait3A_72 = arith.constant 0 : i32
        %dma_wait3A_73 = tpu.memref_slice %arg6[%run_scoped3A, %dma_wait3A_71, %dma_wait3A_72] : memref<3x64x128xf32, #tpu.memory_space<vmem>> -> memref<1x32x128xf32, #tpu.memory_space<vmem>>
        %dma_wait3A_74 = tpu.memref_squeeze %dma_wait3A_73 : memref<1x32x128xf32, #tpu.memory_space<vmem>> -> memref<32x128xf32, #tpu.memory_space<vmem>>
        %dma_wait3A_75 = arith.constant 0 : i32
        %dma_wait3A_76 = arith.constant 0 : i32
        %dma_wait3A_77 = tpu.memref_slice %arg6[%run_scoped3A, %dma_wait3A_75, %dma_wait3A_76] : memref<3x64x128xf32, #tpu.memory_space<vmem>> -> memref<1x32x128xf32, #tpu.memory_space<vmem>>
        %dma_wait3A_78 = tpu.memref_squeeze %dma_wait3A_77 : memref<1x32x128xf32, #tpu.memory_space<vmem>> -> memref<32x128xf32, #tpu.memory_space<vmem>>
        tpu.wait_dma2 semaphore(%run_scoped3A_63 : memref<!tpu.dma_semaphore, #tpu.memory_space<semaphore_mem>>) src(%arg3 : memref<32x128xf32, #tpu.memory_space<hbm>>) dst(%dma_wait3A_78 : memref<32x128xf32, #tpu.memory_space<vmem>>)
        tpu.yield
      }) : () -> ()
      %run_scoped3A_62 = arith.constant 0 : i32
      "tpu.region"() ({
        %run_scoped3A_63 = tpu.sem_alloc : memref<!tpu.dma_semaphore, #tpu.memory_space<semaphore_mem>>
        %dma_start3A = arith.constant 0 : i32
        %dma_start3A_64 = arith.constant 0 : i32
        %dma_start3A_65 = tpu.memref_slice %arg6[%run_scoped3A_62, %dma_start3A, %dma_start3A_64] : memref<3x64x128xf32, #tpu.memory_space<vmem>> -> memref<1x32x128xf32, #tpu.memory_space<vmem>>
        %dma_start3A_66 = tpu.memref_squeeze %dma_start3A_65 : memref<1x32x128xf32, #tpu.memory_space<vmem>> -> memref<32x128xf32, #tpu.memory_space<vmem>>
        %dma_start3A_67 = arith.constant 499968 : i32
        %dma_start3A_68 = arith.constant 0 : i32
        %dma_start3A_69 = tpu.memref_slice %arg4[%dma_start3A_67, %dma_start3A_68] : memref<500000x128xf32, #tpu.memory_space<hbm>> -> memref<32x128xf32, #tpu.memory_space<hbm>>
        %dma_start3A_70 = arith.constant 499968 : i32
        %dma_start3A_71 = arith.constant 0 : i32
        %dma_start3A_72 = tpu.memref_slice %arg4[%dma_start3A_70, %dma_start3A_71] : memref<500000x128xf32, #tpu.memory_space<hbm>> -> memref<32x128xf32, #tpu.memory_space<hbm>>
        %dma_start3A_73 = arith.constant 0 : i32
        %dma_start3A_74 = arith.constant 0 : i32
        %dma_start3A_75 = tpu.memref_slice %arg6[%run_scoped3A_62, %dma_start3A_73, %dma_start3A_74] : memref<3x64x128xf32, #tpu.memory_space<vmem>> -> memref<1x32x128xf32, #tpu.memory_space<vmem>>
        %dma_start3A_76 = tpu.memref_squeeze %dma_start3A_75 : memref<1x32x128xf32, #tpu.memory_space<vmem>> -> memref<32x128xf32, #tpu.memory_space<vmem>>
        tpu.enqueue_dma source(%dma_start3A_76 : memref<32x128xf32, #tpu.memory_space<vmem>>) target(%dma_start3A_72 : memref<32x128xf32, #tpu.memory_space<hbm>>) target_semaphore(%run_scoped3A_63 : memref<!tpu.dma_semaphore, #tpu.memory_space<semaphore_mem>>)
        %dma_wait3A_77 = arith.constant 0 : i32
        %dma_wait3A_78 = arith.constant 0 : i32
        %dma_wait3A_79 = tpu.memref_slice %arg6[%run_scoped3A_62, %dma_wait3A_77, %dma_wait3A_78] : memref<3x64x128xf32, #tpu.memory_space<vmem>> -> memref<1x32x128xf32, #tpu.memory_space<vmem>>
        %dma_wait3A_80 = tpu.memref_squeeze %dma_wait3A_79 : memref<1x32x128xf32, #tpu.memory_space<vmem>> -> memref<32x128xf32, #tpu.memory_space<vmem>>
        %dma_wait3A_81 = arith.constant 499968 : i32
        %dma_wait3A_82 = arith.constant 0 : i32
        %dma_wait3A_83 = tpu.memref_slice %arg4[%dma_wait3A_81, %dma_wait3A_82] : memref<500000x128xf32, #tpu.memory_space<hbm>> -> memref<32x128xf32, #tpu.memory_space<hbm>>
        %dma_wait3A_84 = arith.constant 499968 : i32
        %dma_wait3A_85 = arith.constant 0 : i32
        %dma_wait3A_86 = tpu.memref_slice %arg4[%dma_wait3A_84, %dma_wait3A_85] : memref<500000x128xf32, #tpu.memory_space<hbm>> -> memref<32x128xf32, #tpu.memory_space<hbm>>
        %dma_wait3A_87 = arith.constant 0 : i32
        %dma_wait3A_88 = arith.constant 0 : i32
        %dma_wait3A_89 = tpu.memref_slice %arg6[%run_scoped3A_62, %dma_wait3A_87, %dma_wait3A_88] : memref<3x64x128xf32, #tpu.memory_space<vmem>> -> memref<1x32x128xf32, #tpu.memory_space<vmem>>
        %dma_wait3A_90 = tpu.memref_squeeze %dma_wait3A_89 : memref<1x32x128xf32, #tpu.memory_space<vmem>> -> memref<32x128xf32, #tpu.memory_space<vmem>>
        tpu.wait_dma2 semaphore(%run_scoped3A_63 : memref<!tpu.dma_semaphore, #tpu.memory_space<semaphore_mem>>) src(%dma_wait3A_90 : memref<32x128xf32, #tpu.memory_space<vmem>>) dst(%dma_wait3A_86 : memref<32x128xf32, #tpu.memory_space<hbm>>)
        tpu.yield
      }) : () -> ()
    } else {
    }
    %add3A_7 = arith.constant 3 : i32
    %add3A_8 = arith.addi %add3A_3, %add3A_7 : i32
    %while3A = arith.constant 0 : i32
    %while3A_9 = arith.constant 0 : i32
    %while3A_10 = arith.subi %add3A_8, %while3A_9 : i32
    %while3A_11 = arith.addi %while3A_9, %while3A_10 : i32
    %while3A_12 = arith.constant 1 : i32
    %while3A_13 = arith.divsi %while3A_10, %while3A_12 : i32
    %while3A_14 = arith.muli %while3A_13, %while3A_12 : i32
    %while3A_15 = arith.addi %while3A_9, %while3A_14 : i32
    %while3A_16 = arith.constant 1 : i32
    scf.for %while3A_62 = %while3A_9 to %while3A_15 step %while3A_16  : i32 {
      %lt3A_63 = arith.cmpi slt, %while3A_62, %add3A_3 : i32
      %convert_element_type3A_64 = arith.extui %lt3A_63 : i1 to i32
      %cond3A_65 = arith.constant 0 : i32
      %cond3A_66 = arith.cmpi ne, %convert_element_type3A_64, %cond3A_65 : i32
      scf.if %cond3A_66 {
        %mul3A_71 = arith.constant 32 : i32
        %mul3A_72 = arith.muli %while3A_62, %mul3A_71 : i32
        %add3A_73 = arith.addi %add3A, %mul3A_72 : i32
        %mul3A_74 = arith.constant 128 : i32
        %mul3A_75 = arith.muli %add3A_73, %mul3A_74 : i32
        %rem3A = arith.constant 4 : i32
        %rem3A_76 = arith.remsi %while3A_62, %rem3A : i32
        %dma_start3A = arith.constant 0 : i32
        %dma_start3A_77 = arith.constant 0 : i32
        %dma_start3A_78 = tpu.memref_slice %arg5[%rem3A_76, %dma_start3A, %dma_start3A_77] : memref<4x64x128xf32, #tpu.memory_space<vmem>> -> memref<1x64x128xf32, #tpu.memory_space<vmem>>
        %dma_start3A_79 = tpu.memref_squeeze %dma_start3A_78 : memref<1x64x128xf32, #tpu.memory_space<vmem>> -> memref<64x128xf32, #tpu.memory_space<vmem>>
        %dma_start3A_80 = arith.constant 0 : i32
        %dma_start3A_81 = tpu.memref_slice %arg2[%dma_start3A_80, %mul3A_75] : memref<64x1000000xf32, #tpu.memory_space<hbm>> -> memref<64x128xf32, #tpu.memory_space<hbm>>
        %dma_start3A_82 = arith.constant 0 : i32
        %dma_start3A_83 = arith.constant 0 : i32
        %dma_start3A_84 = tpu.memref_slice %arg5[%rem3A_76, %dma_start3A_82, %dma_start3A_83] : memref<4x64x128xf32, #tpu.memory_space<vmem>> -> memref<1x64x128xf32, #tpu.memory_space<vmem>>
        %dma_start3A_85 = tpu.memref_squeeze %dma_start3A_84 : memref<1x64x128xf32, #tpu.memory_space<vmem>> -> memref<64x128xf32, #tpu.memory_space<vmem>>
        %dma_start3A_86 = arith.constant 0 : i32
        %dma_start3A_87 = tpu.memref_slice %arg2[%dma_start3A_86, %mul3A_75] : memref<64x1000000xf32, #tpu.memory_space<hbm>> -> memref<64x128xf32, #tpu.memory_space<hbm>>
        tpu.enqueue_dma source(%dma_start3A_87 : memref<64x128xf32, #tpu.memory_space<hbm>>) target(%dma_start3A_85 : memref<64x128xf32, #tpu.memory_space<vmem>>) target_semaphore(%arg7 : memref<!tpu.dma_semaphore, #tpu.memory_space<semaphore_mem>>)
      } else {
      }
      %ge3A = arith.constant 3 : i32
      %ge3A_67 = arith.cmpi sge, %while3A_62, %ge3A : i32
      %convert_element_type3A_68 = arith.extui %ge3A_67 : i1 to i32
      %cond3A_69 = arith.constant 0 : i32
      %cond3A_70 = arith.cmpi ne, %convert_element_type3A_68, %cond3A_69 : i32
      scf.if %cond3A_70 {
        %sub3A = arith.constant 3 : i32
        %sub3A_71 = arith.subi %while3A_62, %sub3A : i32
        %rem3A = arith.constant 4 : i32
        %rem3A_72 = arith.remsi %sub3A_71, %rem3A : i32
        %dma_wait3A_73 = arith.constant 0 : i32
        %dma_wait3A_74 = arith.constant 0 : i32
        %dma_wait3A_75 = tpu.memref_slice %arg5[%rem3A_72, %dma_wait3A_73, %dma_wait3A_74] : memref<4x64x128xf32, #tpu.memory_space<vmem>> -> memref<1x64x128xf32, #tpu.memory_space<vmem>>
        %dma_wait3A_76 = tpu.memref_squeeze %dma_wait3A_75 : memref<1x64x128xf32, #tpu.memory_space<vmem>> -> memref<64x128xf32, #tpu.memory_space<vmem>>
        %dma_wait3A_77 = arith.constant 0 : i32
        %dma_wait3A_78 = arith.constant 0 : i32
        %dma_wait3A_79 = tpu.memref_slice %arg2[%dma_wait3A_77, %dma_wait3A_78] : memref<64x1000000xf32, #tpu.memory_space<hbm>> -> memref<64x128xf32, #tpu.memory_space<hbm>>
        %dma_wait3A_80 = arith.constant 0 : i32
        %dma_wait3A_81 = arith.constant 0 : i32
        %dma_wait3A_82 = tpu.memref_slice %arg5[%rem3A_72, %dma_wait3A_80, %dma_wait3A_81] : memref<4x64x128xf32, #tpu.memory_space<vmem>> -> memref<1x64x128xf32, #tpu.memory_space<vmem>>
        %dma_wait3A_83 = tpu.memref_squeeze %dma_wait3A_82 : memref<1x64x128xf32, #tpu.memory_space<vmem>> -> memref<64x128xf32, #tpu.memory_space<vmem>>
        %dma_wait3A_84 = arith.constant 0 : i32
        %dma_wait3A_85 = arith.constant 0 : i32
        %dma_wait3A_86 = tpu.memref_slice %arg2[%dma_wait3A_84, %dma_wait3A_85] : memref<64x1000000xf32, #tpu.memory_space<hbm>> -> memref<64x128xf32, #tpu.memory_space<hbm>>
        tpu.wait_dma2 semaphore(%arg7 : memref<!tpu.dma_semaphore, #tpu.memory_space<semaphore_mem>>) src(%dma_wait3A_86 : memref<64x128xf32, #tpu.memory_space<hbm>>) dst(%dma_wait3A_83 : memref<64x128xf32, #tpu.memory_space<vmem>>)
        %ge3A_87 = arith.constant 3 : i32
        %ge3A_88 = arith.cmpi sge, %sub3A_71, %ge3A_87 : i32
        %convert_element_type3A_89 = arith.extui %ge3A_88 : i1 to i32
        %cond3A_90 = arith.constant 0 : i32
        %cond3A_91 = arith.cmpi ne, %convert_element_type3A_89, %cond3A_90 : i32
        scf.if %cond3A_91 {
          %rem3A_116 = arith.constant 3 : i32
          %rem3A_117 = arith.remsi %sub3A_71, %rem3A_116 : i32
          %dma_wait3A_118 = arith.constant 0 : i32
          %dma_wait3A_119 = arith.constant 0 : i32
          %dma_wait3A_120 = tpu.memref_slice %arg6[%rem3A_117, %dma_wait3A_118, %dma_wait3A_119] : memref<3x64x128xf32, #tpu.memory_space<vmem>> -> memref<1x64x128xf32, #tpu.memory_space<vmem>>
          %dma_wait3A_121 = tpu.memref_squeeze %dma_wait3A_120 : memref<1x64x128xf32, #tpu.memory_space<vmem>> -> memref<64x128xf32, #tpu.memory_space<vmem>>
          %dma_wait3A_122 = arith.constant 0 : i32
          %dma_wait3A_123 = arith.constant 0 : i32
          %dma_wait3A_124 = tpu.memref_slice %arg4[%dma_wait3A_122, %dma_wait3A_123] : memref<500000x128xf32, #tpu.memory_space<hbm>> -> memref<64x128xf32, #tpu.memory_space<hbm>>
          %dma_wait3A_125 = arith.constant 0 : i32
          %dma_wait3A_126 = arith.constant 0 : i32
          %dma_wait3A_127 = tpu.memref_slice %arg4[%dma_wait3A_125, %dma_wait3A_126] : memref<500000x128xf32, #tpu.memory_space<hbm>> -> memref<64x128xf32, #tpu.memory_space<hbm>>
          %dma_wait3A_128 = arith.constant 0 : i32
          %dma_wait3A_129 = arith.constant 0 : i32
          %dma_wait3A_130 = tpu.memref_slice %arg6[%rem3A_117, %dma_wait3A_128, %dma_wait3A_129] : memref<3x64x128xf32, #tpu.memory_space<vmem>> -> memref<1x64x128xf32, #tpu.memory_space<vmem>>
          %dma_wait3A_131 = tpu.memref_squeeze %dma_wait3A_130 : memref<1x64x128xf32, #tpu.memory_space<vmem>> -> memref<64x128xf32, #tpu.memory_space<vmem>>
          tpu.wait_dma2 semaphore(%arg8 : memref<!tpu.dma_semaphore, #tpu.memory_space<semaphore_mem>>) src(%dma_wait3A_131 : memref<64x128xf32, #tpu.memory_space<vmem>>) dst(%dma_wait3A_127 : memref<64x128xf32, #tpu.memory_space<hbm>>)
        } else {
        }
        %rem3A_92 = arith.constant 4 : i32
        %rem3A_93 = arith.remsi %sub3A_71, %rem3A_92 : i32
        %rem3A_94 = arith.constant 3 : i32
        %rem3A_95 = arith.remsi %sub3A_71, %rem3A_94 : i32
        %parallel_loop3A = arith.constant 0 : i32
        %parallel_loop3A_96 = arith.constant 512 : i32
        %parallel_loop3A_97 = arith.constant 1 : i32
        scf.for %parallel_loop3A_116 = %parallel_loop3A to %parallel_loop3A_96 step %parallel_loop3A_97  : i32 {
          %parallel_loop3A_117 = arith.constant 6 : i32
          %parallel_loop3A_118 = arith.shrsi %parallel_loop3A_116, %parallel_loop3A_117 : i32
          %parallel_loop3A_119 = arith.constant 4 : i32
          %parallel_loop3A_120 = arith.shrsi %parallel_loop3A_116, %parallel_loop3A_119 : i32
          %parallel_loop3A_121 = arith.constant 3 : i32
          %parallel_loop3A_122 = arith.andi %parallel_loop3A_120, %parallel_loop3A_121 : i32
          %parallel_loop3A_123 = arith.constant 15 : i32
          %parallel_loop3A_124 = arith.andi %parallel_loop3A_116, %parallel_loop3A_123 : i32
          %parallel_loop3A_125 = arith.constant 4 : i32
          %parallel_loop3A_126 = arith.shli %parallel_loop3A_118, %parallel_loop3A_125 : i32
          %parallel_loop3A_127 = vector.broadcast %parallel_loop3A_126 : i32 to vector<16xi32>
          %parallel_loop3A_128 = arith.addi %iota3A, %parallel_loop3A_127 : vector<16xi32>
          %parallel_loop3A_129 = vector.broadcast %parallel_loop3A_124 : i32 to vector<16xi32>
          %parallel_loop3A_130 = arith.xori %iota3A, %parallel_loop3A_129 : vector<16xi32>
          %parallel_loop3A_131 = arith.constant 4 : i32
          %parallel_loop3A_132 = arith.shli %parallel_loop3A_122, %parallel_loop3A_131 : i32
          %parallel_loop3A_133 = vector.broadcast %parallel_loop3A_132 : i32 to vector<16xi32>
          %parallel_loop3A_134 = arith.addi %parallel_loop3A_130, %parallel_loop3A_133 : vector<16xi32>
          %parallel_loop3A_135 = arith.constant 0 : i32
          %parallel_loop3A_136 = arith.constant 0 : i32
          %parallel_loop3A_137 = tpu.memref_slice %arg5[%rem3A_93, %parallel_loop3A_135, %parallel_loop3A_136] : memref<4x64x128xf32, #tpu.memory_space<vmem>> -> memref<1x64x128xf32, #tpu.memory_space<vmem>>
          %parallel_loop3A_138 = tpu.memref_squeeze %parallel_loop3A_137 : memref<1x64x128xf32, #tpu.memory_space<vmem>> -> memref<64x128xf32, #tpu.memory_space<vmem>>
          %parallel_loop3A_139 = tpu.vector_load_idx %parallel_loop3A_138[%parallel_loop3A_134, %parallel_loop3A_128] : memref<64x128xf32, #tpu.memory_space<vmem>>[vector<16xi32>, vector<16xi32>], vector<16xf32>,
          %parallel_loop3A_140 = arith.constant 1 : i32
          %parallel_loop3A_141 = vector.broadcast %parallel_loop3A_140 : i32 to vector<16xi32>
          %parallel_loop3A_142 = arith.shrui %parallel_loop3A_128, %parallel_loop3A_141 : vector<16xi32>
          %parallel_loop3A_143 = arith.constant 1 : i32
          %parallel_loop3A_144 = vector.broadcast %parallel_loop3A_143 : i32 to vector<16xi32>
          %parallel_loop3A_145 = arith.andi %parallel_loop3A_128, %parallel_loop3A_144 : vector<16xi32>
          %parallel_loop3A_146 = arith.constant 6 : i32
          %parallel_loop3A_147 = vector.broadcast %parallel_loop3A_146 : i32 to vector<16xi32>
          %parallel_loop3A_148 = arith.shli %parallel_loop3A_145, %parallel_loop3A_147 : vector<16xi32>
          %parallel_loop3A_149 = arith.addi %parallel_loop3A_148, %parallel_loop3A_134 : vector<16xi32>
          %parallel_loop3A_150 = arith.constant 8.000000e+00 : f32
          %parallel_loop3A_151 = vector.broadcast %parallel_loop3A_150 : f32 to vector<16xf32>
          %parallel_loop3A_152 = arith.mulf %parallel_loop3A_139, %parallel_loop3A_151 : vector<16xf32>
          %parallel_loop3A_153 = arith.constant 0 : i32
          %parallel_loop3A_154 = arith.constant 0 : i32
          %parallel_loop3A_155 = tpu.memref_slice %arg6[%rem3A_95, %parallel_loop3A_153, %parallel_loop3A_154] : memref<3x64x128xf32, #tpu.memory_space<vmem>> -> memref<1x64x128xf32, #tpu.memory_space<vmem>>
          %parallel_loop3A_156 = tpu.memref_squeeze %parallel_loop3A_155 : memref<1x64x128xf32, #tpu.memory_space<vmem>> -> memref<64x128xf32, #tpu.memory_space<vmem>>
          tpu.vector_store_idx %parallel_loop3A_156[%parallel_loop3A_142, %parallel_loop3A_149], %parallel_loop3A_152 : memref<64x128xf32, #tpu.memory_space<vmem>>[vector<16xi32>, vector<16xi32>], vector<16xf32>,
        } {sc.loop_unroll_factor = 8 : i64, sc.parallel_access}
        %rem3A_98 = arith.constant 3 : i32
        %rem3A_99 = arith.remsi %sub3A_71, %rem3A_98 : i32
        %mul3A_100 = arith.constant 32 : i32
        %mul3A_101 = arith.muli %sub3A_71, %mul3A_100 : i32
        %add3A_102 = arith.addi %add3A, %mul3A_101 : i32
        %mul3A_103 = arith.constant 64 : i32
        %mul3A_104 = arith.muli %add3A_102, %mul3A_103 : i32
        %dma_start3A = arith.constant 0 : i32
        %dma_start3A_105 = arith.constant 0 : i32
        %dma_start3A_106 = tpu.memref_slice %arg6[%rem3A_99, %dma_start3A, %dma_start3A_105] : memref<3x64x128xf32, #tpu.memory_space<vmem>> -> memref<1x64x128xf32, #tpu.memory_space<vmem>>
        %dma_start3A_107 = tpu.memref_squeeze %dma_start3A_106 : memref<1x64x128xf32, #tpu.memory_space<vmem>> -> memref<64x128xf32, #tpu.memory_space<vmem>>
        %dma_start3A_108 = arith.constant 0 : i32
        %dma_start3A_109 = tpu.memref_slice %arg4[%mul3A_104, %dma_start3A_108] : memref<500000x128xf32, #tpu.memory_space<hbm>> -> memref<64x128xf32, #tpu.memory_space<hbm>>
        %dma_start3A_110 = arith.constant 0 : i32
        %dma_start3A_111 = tpu.memref_slice %arg4[%mul3A_104, %dma_start3A_110] : memref<500000x128xf32, #tpu.memory_space<hbm>> -> memref<64x128xf32, #tpu.memory_space<hbm>>
        %dma_start3A_112 = arith.constant 0 : i32
        %dma_start3A_113 = arith.constant 0 : i32
        %dma_start3A_114 = tpu.memref_slice %arg6[%rem3A_99, %dma_start3A_112, %dma_start3A_113] : memref<3x64x128xf32, #tpu.memory_space<vmem>> -> memref<1x64x128xf32, #tpu.memory_space<vmem>>
        %dma_start3A_115 = tpu.memref_squeeze %dma_start3A_114 : memref<1x64x128xf32, #tpu.memory_space<vmem>> -> memref<64x128xf32, #tpu.memory_space<vmem>>
        tpu.enqueue_dma source(%dma_start3A_115 : memref<64x128xf32, #tpu.memory_space<vmem>>) target(%dma_start3A_111 : memref<64x128xf32, #tpu.memory_space<hbm>>) target_semaphore(%arg8 : memref<!tpu.dma_semaphore, #tpu.memory_space<semaphore_mem>>)
      } else {
      }
    }
    %while3A_17 = arith.constant 1 : i32
    scf.for %while3A_62 = %while3A_15 to %while3A_11 step %while3A_17  : i32 {
      %lt3A_63 = arith.cmpi slt, %while3A_62, %add3A_3 : i32
      %convert_element_type3A_64 = arith.extui %lt3A_63 : i1 to i32
      %cond3A_65 = arith.constant 0 : i32
      %cond3A_66 = arith.cmpi ne, %convert_element_type3A_64, %cond3A_65 : i32
      scf.if %cond3A_66 {
        %mul3A_71 = arith.constant 32 : i32
        %mul3A_72 = arith.muli %while3A_62, %mul3A_71 : i32
        %add3A_73 = arith.addi %add3A, %mul3A_72 : i32
        %mul3A_74 = arith.constant 128 : i32
        %mul3A_75 = arith.muli %add3A_73, %mul3A_74 : i32
        %rem3A = arith.constant 4 : i32
        %rem3A_76 = arith.remsi %while3A_62, %rem3A : i32
        %dma_start3A = arith.constant 0 : i32
        %dma_start3A_77 = arith.constant 0 : i32
        %dma_start3A_78 = tpu.memref_slice %arg5[%rem3A_76, %dma_start3A, %dma_start3A_77] : memref<4x64x128xf32, #tpu.memory_space<vmem>> -> memref<1x64x128xf32, #tpu.memory_space<vmem>>
        %dma_start3A_79 = tpu.memref_squeeze %dma_start3A_78 : memref<1x64x128xf32, #tpu.memory_space<vmem>> -> memref<64x128xf32, #tpu.memory_space<vmem>>
        %dma_start3A_80 = arith.constant 0 : i32
        %dma_start3A_81 = tpu.memref_slice %arg2[%dma_start3A_80, %mul3A_75] : memref<64x1000000xf32, #tpu.memory_space<hbm>> -> memref<64x128xf32, #tpu.memory_space<hbm>>
        %dma_start3A_82 = arith.constant 0 : i32
        %dma_start3A_83 = arith.constant 0 : i32
        %dma_start3A_84 = tpu.memref_slice %arg5[%rem3A_76, %dma_start3A_82, %dma_start3A_83] : memref<4x64x128xf32, #tpu.memory_space<vmem>> -> memref<1x64x128xf32, #tpu.memory_space<vmem>>
        %dma_start3A_85 = tpu.memref_squeeze %dma_start3A_84 : memref<1x64x128xf32, #tpu.memory_space<vmem>> -> memref<64x128xf32, #tpu.memory_space<vmem>>
        %dma_start3A_86 = arith.constant 0 : i32
        %dma_start3A_87 = tpu.memref_slice %arg2[%dma_start3A_86, %mul3A_75] : memref<64x1000000xf32, #tpu.memory_space<hbm>> -> memref<64x128xf32, #tpu.memory_space<hbm>>
        tpu.enqueue_dma source(%dma_start3A_87 : memref<64x128xf32, #tpu.memory_space<hbm>>) target(%dma_start3A_85 : memref<64x128xf32, #tpu.memory_space<vmem>>) target_semaphore(%arg7 : memref<!tpu.dma_semaphore, #tpu.memory_space<semaphore_mem>>)
      } else {
      }
      %ge3A = arith.constant 3 : i32
      %ge3A_67 = arith.cmpi sge, %while3A_62, %ge3A : i32
      %convert_element_type3A_68 = arith.extui %ge3A_67 : i1 to i32
      %cond3A_69 = arith.constant 0 : i32
      %cond3A_70 = arith.cmpi ne, %convert_element_type3A_68, %cond3A_69 : i32
      scf.if %cond3A_70 {
        %sub3A = arith.constant 3 : i32
        %sub3A_71 = arith.subi %while3A_62, %sub3A : i32
        %rem3A = arith.constant 4 : i32
        %rem3A_72 = arith.remsi %sub3A_71, %rem3A : i32
        %dma_wait3A_73 = arith.constant 0 : i32
        %dma_wait3A_74 = arith.constant 0 : i32
        %dma_wait3A_75 = tpu.memref_slice %arg5[%rem3A_72, %dma_wait3A_73, %dma_wait3A_74] : memref<4x64x128xf32, #tpu.memory_space<vmem>> -> memref<1x64x128xf32, #tpu.memory_space<vmem>>
        %dma_wait3A_76 = tpu.memref_squeeze %dma_wait3A_75 : memref<1x64x128xf32, #tpu.memory_space<vmem>> -> memref<64x128xf32, #tpu.memory_space<vmem>>
        %dma_wait3A_77 = arith.constant 0 : i32
        %dma_wait3A_78 = arith.constant 0 : i32
        %dma_wait3A_79 = tpu.memref_slice %arg2[%dma_wait3A_77, %dma_wait3A_78] : memref<64x1000000xf32, #tpu.memory_space<hbm>> -> memref<64x128xf32, #tpu.memory_space<hbm>>
        %dma_wait3A_80 = arith.constant 0 : i32
        %dma_wait3A_81 = arith.constant 0 : i32
        %dma_wait3A_82 = tpu.memref_slice %arg5[%rem3A_72, %dma_wait3A_80, %dma_wait3A_81] : memref<4x64x128xf32, #tpu.memory_space<vmem>> -> memref<1x64x128xf32, #tpu.memory_space<vmem>>
        %dma_wait3A_83 = tpu.memref_squeeze %dma_wait3A_82 : memref<1x64x128xf32, #tpu.memory_space<vmem>> -> memref<64x128xf32, #tpu.memory_space<vmem>>
        %dma_wait3A_84 = arith.constant 0 : i32
        %dma_wait3A_85 = arith.constant 0 : i32
        %dma_wait3A_86 = tpu.memref_slice %arg2[%dma_wait3A_84, %dma_wait3A_85] : memref<64x1000000xf32, #tpu.memory_space<hbm>> -> memref<64x128xf32, #tpu.memory_space<hbm>>
        tpu.wait_dma2 semaphore(%arg7 : memref<!tpu.dma_semaphore, #tpu.memory_space<semaphore_mem>>) src(%dma_wait3A_86 : memref<64x128xf32, #tpu.memory_space<hbm>>) dst(%dma_wait3A_83 : memref<64x128xf32, #tpu.memory_space<vmem>>)
        %ge3A_87 = arith.constant 3 : i32
        %ge3A_88 = arith.cmpi sge, %sub3A_71, %ge3A_87 : i32
        %convert_element_type3A_89 = arith.extui %ge3A_88 : i1 to i32
        %cond3A_90 = arith.constant 0 : i32
        %cond3A_91 = arith.cmpi ne, %convert_element_type3A_89, %cond3A_90 : i32
        scf.if %cond3A_91 {
          %rem3A_116 = arith.constant 3 : i32
          %rem3A_117 = arith.remsi %sub3A_71, %rem3A_116 : i32
          %dma_wait3A_118 = arith.constant 0 : i32
          %dma_wait3A_119 = arith.constant 0 : i32
          %dma_wait3A_120 = tpu.memref_slice %arg6[%rem3A_117, %dma_wait3A_118, %dma_wait3A_119] : memref<3x64x128xf32, #tpu.memory_space<vmem>> -> memref<1x64x128xf32, #tpu.memory_space<vmem>>
          %dma_wait3A_121 = tpu.memref_squeeze %dma_wait3A_120 : memref<1x64x128xf32, #tpu.memory_space<vmem>> -> memref<64x128xf32, #tpu.memory_space<vmem>>
          %dma_wait3A_122 = arith.constant 0 : i32
          %dma_wait3A_123 = arith.constant 0 : i32
          %dma_wait3A_124 = tpu.memref_slice %arg4[%dma_wait3A_122, %dma_wait3A_123] : memref<500000x128xf32, #tpu.memory_space<hbm>> -> memref<64x128xf32, #tpu.memory_space<hbm>>
          %dma_wait3A_125 = arith.constant 0 : i32
          %dma_wait3A_126 = arith.constant 0 : i32
          %dma_wait3A_127 = tpu.memref_slice %arg4[%dma_wait3A_125, %dma_wait3A_126] : memref<500000x128xf32, #tpu.memory_space<hbm>> -> memref<64x128xf32, #tpu.memory_space<hbm>>
          %dma_wait3A_128 = arith.constant 0 : i32
          %dma_wait3A_129 = arith.constant 0 : i32
          %dma_wait3A_130 = tpu.memref_slice %arg6[%rem3A_117, %dma_wait3A_128, %dma_wait3A_129] : memref<3x64x128xf32, #tpu.memory_space<vmem>> -> memref<1x64x128xf32, #tpu.memory_space<vmem>>
          %dma_wait3A_131 = tpu.memref_squeeze %dma_wait3A_130 : memref<1x64x128xf32, #tpu.memory_space<vmem>> -> memref<64x128xf32, #tpu.memory_space<vmem>>
          tpu.wait_dma2 semaphore(%arg8 : memref<!tpu.dma_semaphore, #tpu.memory_space<semaphore_mem>>) src(%dma_wait3A_131 : memref<64x128xf32, #tpu.memory_space<vmem>>) dst(%dma_wait3A_127 : memref<64x128xf32, #tpu.memory_space<hbm>>)
        } else {
        }
        %rem3A_92 = arith.constant 4 : i32
        %rem3A_93 = arith.remsi %sub3A_71, %rem3A_92 : i32
        %rem3A_94 = arith.constant 3 : i32
        %rem3A_95 = arith.remsi %sub3A_71, %rem3A_94 : i32
        %parallel_loop3A = arith.constant 0 : i32
        %parallel_loop3A_96 = arith.constant 512 : i32
        %parallel_loop3A_97 = arith.constant 1 : i32
        scf.for %parallel_loop3A_116 = %parallel_loop3A to %parallel_loop3A_96 step %parallel_loop3A_97  : i32 {
          %parallel_loop3A_117 = arith.constant 6 : i32
          %parallel_loop3A_118 = arith.shrsi %parallel_loop3A_116, %parallel_loop3A_117 : i32
          %parallel_loop3A_119 = arith.constant 4 : i32
          %parallel_loop3A_120 = arith.shrsi %parallel_loop3A_116, %parallel_loop3A_119 : i32
          %parallel_loop3A_121 = arith.constant 3 : i32
          %parallel_loop3A_122 = arith.andi %parallel_loop3A_120, %parallel_loop3A_121 : i32
          %parallel_loop3A_123 = arith.constant 15 : i32
          %parallel_loop3A_124 = arith.andi %parallel_loop3A_116, %parallel_loop3A_123 : i32
          %parallel_loop3A_125 = arith.constant 4 : i32
          %parallel_loop3A_126 = arith.shli %parallel_loop3A_118, %parallel_loop3A_125 : i32
          %parallel_loop3A_127 = vector.broadcast %parallel_loop3A_126 : i32 to vector<16xi32>
          %parallel_loop3A_128 = arith.addi %iota3A, %parallel_loop3A_127 : vector<16xi32>
          %parallel_loop3A_129 = vector.broadcast %parallel_loop3A_124 : i32 to vector<16xi32>
          %parallel_loop3A_130 = arith.xori %iota3A, %parallel_loop3A_129 : vector<16xi32>
          %parallel_loop3A_131 = arith.constant 4 : i32
          %parallel_loop3A_132 = arith.shli %parallel_loop3A_122, %parallel_loop3A_131 : i32
          %parallel_loop3A_133 = vector.broadcast %parallel_loop3A_132 : i32 to vector<16xi32>
          %parallel_loop3A_134 = arith.addi %parallel_loop3A_130, %parallel_loop3A_133 : vector<16xi32>
          %parallel_loop3A_135 = arith.constant 0 : i32
          %parallel_loop3A_136 = arith.constant 0 : i32
          %parallel_loop3A_137 = tpu.memref_slice %arg5[%rem3A_93, %parallel_loop3A_135, %parallel_loop3A_136] : memref<4x64x128xf32, #tpu.memory_space<vmem>> -> memref<1x64x128xf32, #tpu.memory_space<vmem>>
          %parallel_loop3A_138 = tpu.memref_squeeze %parallel_loop3A_137 : memref<1x64x128xf32, #tpu.memory_space<vmem>> -> memref<64x128xf32, #tpu.memory_space<vmem>>
          %parallel_loop3A_139 = tpu.vector_load_idx %parallel_loop3A_138[%parallel_loop3A_134, %parallel_loop3A_128] : memref<64x128xf32, #tpu.memory_space<vmem>>[vector<16xi32>, vector<16xi32>], vector<16xf32>,
          %parallel_loop3A_140 = arith.constant 1 : i32
          %parallel_loop3A_141 = vector.broadcast %parallel_loop3A_140 : i32 to vector<16xi32>
          %parallel_loop3A_142 = arith.shrui %parallel_loop3A_128, %parallel_loop3A_141 : vector<16xi32>
          %parallel_loop3A_143 = arith.constant 1 : i32
          %parallel_loop3A_144 = vector.broadcast %parallel_loop3A_143 : i32 to vector<16xi32>
          %parallel_loop3A_145 = arith.andi %parallel_loop3A_128, %parallel_loop3A_144 : vector<16xi32>
          %parallel_loop3A_146 = arith.constant 6 : i32
          %parallel_loop3A_147 = vector.broadcast %parallel_loop3A_146 : i32 to vector<16xi32>
          %parallel_loop3A_148 = arith.shli %parallel_loop3A_145, %parallel_loop3A_147 : vector<16xi32>
          %parallel_loop3A_149 = arith.addi %parallel_loop3A_148, %parallel_loop3A_134 : vector<16xi32>
          %parallel_loop3A_150 = arith.constant 8.000000e+00 : f32
          %parallel_loop3A_151 = vector.broadcast %parallel_loop3A_150 : f32 to vector<16xf32>
          %parallel_loop3A_152 = arith.mulf %parallel_loop3A_139, %parallel_loop3A_151 : vector<16xf32>
          %parallel_loop3A_153 = arith.constant 0 : i32
          %parallel_loop3A_154 = arith.constant 0 : i32
          %parallel_loop3A_155 = tpu.memref_slice %arg6[%rem3A_95, %parallel_loop3A_153, %parallel_loop3A_154] : memref<3x64x128xf32, #tpu.memory_space<vmem>> -> memref<1x64x128xf32, #tpu.memory_space<vmem>>
          %parallel_loop3A_156 = tpu.memref_squeeze %parallel_loop3A_155 : memref<1x64x128xf32, #tpu.memory_space<vmem>> -> memref<64x128xf32, #tpu.memory_space<vmem>>
          tpu.vector_store_idx %parallel_loop3A_156[%parallel_loop3A_142, %parallel_loop3A_149], %parallel_loop3A_152 : memref<64x128xf32, #tpu.memory_space<vmem>>[vector<16xi32>, vector<16xi32>], vector<16xf32>,
        } {sc.loop_unroll_factor = 8 : i64, sc.parallel_access}
        %rem3A_98 = arith.constant 3 : i32
        %rem3A_99 = arith.remsi %sub3A_71, %rem3A_98 : i32
        %mul3A_100 = arith.constant 32 : i32
        %mul3A_101 = arith.muli %sub3A_71, %mul3A_100 : i32
        %add3A_102 = arith.addi %add3A, %mul3A_101 : i32
        %mul3A_103 = arith.constant 64 : i32
        %mul3A_104 = arith.muli %add3A_102, %mul3A_103 : i32
        %dma_start3A = arith.constant 0 : i32
        %dma_start3A_105 = arith.constant 0 : i32
        %dma_start3A_106 = tpu.memref_slice %arg6[%rem3A_99, %dma_start3A, %dma_start3A_105] : memref<3x64x128xf32, #tpu.memory_space<vmem>> -> memref<1x64x128xf32, #tpu.memory_space<vmem>>
        %dma_start3A_107 = tpu.memref_squeeze %dma_start3A_106 : memref<1x64x128xf32, #tpu.memory_space<vmem>> -> memref<64x128xf32, #tpu.memory_space<vmem>>
        %dma_start3A_108 = arith.constant 0 : i32
        %dma_start3A_109 = tpu.memref_slice %arg4[%mul3A_104, %dma_start3A_108] : memref<500000x128xf32, #tpu.memory_space<hbm>> -> memref<64x128xf32, #tpu.memory_space<hbm>>
        %dma_start3A_110 = arith.constant 0 : i32
        %dma_start3A_111 = tpu.memref_slice %arg4[%mul3A_104, %dma_start3A_110] : memref<500000x128xf32, #tpu.memory_space<hbm>> -> memref<64x128xf32, #tpu.memory_space<hbm>>
        %dma_start3A_112 = arith.constant 0 : i32
        %dma_start3A_113 = arith.constant 0 : i32
        %dma_start3A_114 = tpu.memref_slice %arg6[%rem3A_99, %dma_start3A_112, %dma_start3A_113] : memref<3x64x128xf32, #tpu.memory_space<vmem>> -> memref<1x64x128xf32, #tpu.memory_space<vmem>>
        %dma_start3A_115 = tpu.memref_squeeze %dma_start3A_114 : memref<1x64x128xf32, #tpu.memory_space<vmem>> -> memref<64x128xf32, #tpu.memory_space<vmem>>
        tpu.enqueue_dma source(%dma_start3A_115 : memref<64x128xf32, #tpu.memory_space<vmem>>) target(%dma_start3A_111 : memref<64x128xf32, #tpu.memory_space<hbm>>) target_semaphore(%arg8 : memref<!tpu.dma_semaphore, #tpu.memory_space<semaphore_mem>>)
      } else {
      }
    }
    %dma_wait3A = arith.constant 0 : i32
    %dma_wait3A_18 = arith.constant 0 : i32
    %dma_wait3A_19 = arith.constant 0 : i32
    %dma_wait3A_20 = tpu.memref_slice %arg6[%dma_wait3A, %dma_wait3A_18, %dma_wait3A_19] : memref<3x64x128xf32, #tpu.memory_space<vmem>> -> memref<1x64x128xf32, #tpu.memory_space<vmem>>
    %dma_wait3A_21 = tpu.memref_squeeze %dma_wait3A_20 : memref<1x64x128xf32, #tpu.memory_space<vmem>> -> memref<64x128xf32, #tpu.memory_space<vmem>>
    %dma_wait3A_22 = arith.constant 0 : i32
    %dma_wait3A_23 = arith.constant 0 : i32
    %dma_wait3A_24 = tpu.memref_slice %arg4[%dma_wait3A_22, %dma_wait3A_23] : memref<500000x128xf32, #tpu.memory_space<hbm>> -> memref<64x128xf32, #tpu.memory_space<hbm>>
    %dma_wait3A_25 = arith.constant 0 : i32
    %dma_wait3A_26 = arith.constant 0 : i32
    %dma_wait3A_27 = tpu.memref_slice %arg4[%dma_wait3A_25, %dma_wait3A_26] : memref<500000x128xf32, #tpu.memory_space<hbm>> -> memref<64x128xf32, #tpu.memory_space<hbm>>
    %dma_wait3A_28 = arith.constant 0 : i32
    %dma_wait3A_29 = arith.constant 0 : i32
    %dma_wait3A_30 = tpu.memref_slice %arg6[%dma_wait3A, %dma_wait3A_28, %dma_wait3A_29] : memref<3x64x128xf32, #tpu.memory_space<vmem>> -> memref<1x64x128xf32, #tpu.memory_space<vmem>>
    %dma_wait3A_31 = tpu.memref_squeeze %dma_wait3A_30 : memref<1x64x128xf32, #tpu.memory_space<vmem>> -> memref<64x128xf32, #tpu.memory_space<vmem>>
    tpu.wait_dma2 semaphore(%arg8 : memref<!tpu.dma_semaphore, #tpu.memory_space<semaphore_mem>>) src(%dma_wait3A_31 : memref<64x128xf32, #tpu.memory_space<vmem>>) dst(%dma_wait3A_27 : memref<64x128xf32, #tpu.memory_space<hbm>>)
    %dma_wait3A_32 = arith.constant 1 : i32
    %dma_wait3A_33 = arith.constant 0 : i32
    %dma_wait3A_34 = arith.constant 0 : i32
    %dma_wait3A_35 = tpu.memref_slice %arg6[%dma_wait3A_32, %dma_wait3A_33, %dma_wait3A_34] : memref<3x64x128xf32, #tpu.memory_space<vmem>> -> memref<1x64x128xf32, #tpu.memory_space<vmem>>
    %dma_wait3A_36 = tpu.memref_squeeze %dma_wait3A_35 : memref<1x64x128xf32, #tpu.memory_space<vmem>> -> memref<64x128xf32, #tpu.memory_space<vmem>>
    %dma_wait3A_37 = arith.constant 0 : i32
    %dma_wait3A_38 = arith.constant 0 : i32
    %dma_wait3A_39 = tpu.memref_slice %arg4[%dma_wait3A_37, %dma_wait3A_38] : memref<500000x128xf32, #tpu.memory_space<hbm>> -> memref<64x128xf32, #tpu.memory_space<hbm>>
    %dma_wait3A_40 = arith.constant 0 : i32
    %dma_wait3A_41 = arith.constant 0 : i32
    %dma_wait3A_42 = tpu.memref_slice %arg4[%dma_wait3A_40, %dma_wait3A_41] : memref<500000x128xf32, #tpu.memory_space<hbm>> -> memref<64x128xf32, #tpu.memory_space<hbm>>
    %dma_wait3A_43 = arith.constant 0 : i32
    %dma_wait3A_44 = arith.constant 0 : i32
    %dma_wait3A_45 = tpu.memref_slice %arg6[%dma_wait3A_32, %dma_wait3A_43, %dma_wait3A_44] : memref<3x64x128xf32, #tpu.memory_space<vmem>> -> memref<1x64x128xf32, #tpu.memory_space<vmem>>
    %dma_wait3A_46 = tpu.memref_squeeze %dma_wait3A_45 : memref<1x64x128xf32, #tpu.memory_space<vmem>> -> memref<64x128xf32, #tpu.memory_space<vmem>>
    tpu.wait_dma2 semaphore(%arg8 : memref<!tpu.dma_semaphore, #tpu.memory_space<semaphore_mem>>) src(%dma_wait3A_46 : memref<64x128xf32, #tpu.memory_space<vmem>>) dst(%dma_wait3A_42 : memref<64x128xf32, #tpu.memory_space<hbm>>)
    %dma_wait3A_47 = arith.constant 2 : i32
    %dma_wait3A_48 = arith.constant 0 : i32
    %dma_wait3A_49 = arith.constant 0 : i32
    %dma_wait3A_50 = tpu.memref_slice %arg6[%dma_wait3A_47, %dma_wait3A_48, %dma_wait3A_49] : memref<3x64x128xf32, #tpu.memory_space<vmem>> -> memref<1x64x128xf32, #tpu.memory_space<vmem>>
    %dma_wait3A_51 = tpu.memref_squeeze %dma_wait3A_50 : memref<1x64x128xf32, #tpu.memory_space<vmem>> -> memref<64x128xf32, #tpu.memory_space<vmem>>
    %dma_wait3A_52 = arith.constant 0 : i32
    %dma_wait3A_53 = arith.constant 0 : i32
    %dma_wait3A_54 = tpu.memref_slice %arg4[%dma_wait3A_52, %dma_wait3A_53] : memref<500000x128xf32, #tpu.memory_space<hbm>> -> memref<64x128xf32, #tpu.memory_space<hbm>>
    %dma_wait3A_55 = arith.constant 0 : i32
    %dma_wait3A_56 = arith.constant 0 : i32
    %dma_wait3A_57 = tpu.memref_slice %arg4[%dma_wait3A_55, %dma_wait3A_56] : memref<500000x128xf32, #tpu.memory_space<hbm>> -> memref<64x128xf32, #tpu.memory_space<hbm>>
    %dma_wait3A_58 = arith.constant 0 : i32
    %dma_wait3A_59 = arith.constant 0 : i32
    %dma_wait3A_60 = tpu.memref_slice %arg6[%dma_wait3A_47, %dma_wait3A_58, %dma_wait3A_59] : memref<3x64x128xf32, #tpu.memory_space<vmem>> -> memref<1x64x128xf32, #tpu.memory_space<vmem>>
    %dma_wait3A_61 = tpu.memref_squeeze %dma_wait3A_60 : memref<1x64x128xf32, #tpu.memory_space<vmem>> -> memref<64x128xf32, #tpu.memory_space<vmem>>
    tpu.wait_dma2 semaphore(%arg8 : memref<!tpu.dma_semaphore, #tpu.memory_space<semaphore_mem>>) src(%dma_wait3A_61 : memref<64x128xf32, #tpu.memory_space<vmem>>) dst(%dma_wait3A_57 : memref<64x128xf32, #tpu.memory_space<hbm>>)
    return
  }
}

#map = affine_map<(d0, d1) -> (0, 0)>
#map1 = affine_map<(d0, d1) -> (0, 0, 0, 0, 0)>
module attributes {stable_mosaic.version = 14 : i64} {
  func.func @k(%arg0: i32, %arg1: i32, %arg2: memref<200x4096xi32, #tpu.memory_space<hbm>>, %arg3: memref<1000000x64xf32, #tpu.memory_space<hbm>>, %arg4: memref<200x8x32x8x128xf32, #tpu.memory_space<hbm>>, %arg5: memref<200x128xi32, #tpu.memory_space<vmem>>, %arg6: memref<4x128x64xf32, #tpu.memory_space<vmem>>, %arg7: memref<2x64x128xf32, #tpu.memory_space<vmem>>, %arg8: memref<!tpu.dma_semaphore, #tpu.memory_space<semaphore_mem>>, %arg9: memref<!tpu.dma_semaphore, #tpu.memory_space<semaphore_mem>>) attributes {dimension_semantics = [#tpu.dimension_semantics<core_parallel>, #tpu.dimension_semantics<subcore_parallel>], iteration_bounds = array<i64: 2, 16>, scalar_prefetch = 0 : i64, scratch_operands = 5 : i64, tpu.core_type = #tpu.core_type<sc_vector_subcore>, window_params = [{transform_indices = #map}, {transform_indices = #map}, {transform_indices = #map1}]} {
    %mul3A = arith.constant 2 : i32
    %mul3A_0 = arith.muli %arg1, %mul3A : i32
    %add3A = arith.addi %mul3A_0, %arg0 : i32
    %mul3A_1 = arith.constant 128 : i32
    %mul3A_2 = arith.muli %add3A, %mul3A_1 : i32
    "tpu.region"() ({
      %run_scoped3A = tpu.sem_alloc : memref<!tpu.dma_semaphore, #tpu.memory_space<semaphore_mem>>
      %dma_start3A_418 = arith.constant 0 : i32
      %dma_start3A_419 = tpu.memref_slice %arg2[%dma_start3A_418, %mul3A_2] : memref<200x4096xi32, #tpu.memory_space<hbm>> -> memref<200x128xi32, #tpu.memory_space<hbm>>
      %dma_start3A_420 = arith.constant 0 : i32
      %dma_start3A_421 = tpu.memref_slice %arg2[%dma_start3A_420, %mul3A_2] : memref<200x4096xi32, #tpu.memory_space<hbm>> -> memref<200x128xi32, #tpu.memory_space<hbm>>
      tpu.enqueue_dma source(%dma_start3A_421 : memref<200x128xi32, #tpu.memory_space<hbm>>) target(%arg5 : memref<200x128xi32, #tpu.memory_space<vmem>>) target_semaphore(%run_scoped3A : memref<!tpu.dma_semaphore, #tpu.memory_space<semaphore_mem>>)
      %dma_wait3A_422 = arith.constant 0 : i32
      %dma_wait3A_423 = tpu.memref_slice %arg2[%dma_wait3A_422, %mul3A_2] : memref<200x4096xi32, #tpu.memory_space<hbm>> -> memref<200x128xi32, #tpu.memory_space<hbm>>
      %dma_wait3A_424 = arith.constant 0 : i32
      %dma_wait3A_425 = tpu.memref_slice %arg2[%dma_wait3A_424, %mul3A_2] : memref<200x4096xi32, #tpu.memory_space<hbm>> -> memref<200x128xi32, #tpu.memory_space<hbm>>
      tpu.wait_dma2 semaphore(%run_scoped3A : memref<!tpu.dma_semaphore, #tpu.memory_space<semaphore_mem>>) src(%dma_wait3A_425 : memref<200x128xi32, #tpu.memory_space<hbm>>) dst(%arg5 : memref<200x128xi32, #tpu.memory_space<vmem>>)
      tpu.yield
    }) : () -> ()
    %iota3A = tpu.iota {dimensions = array<i32: 0>} : vector<16xi32>
    %dma_start3A = arith.constant 0 : i32
    %dma_start3A_3 = arith.constant 0 : i32
    %dma_start3A_4 = arith.constant 0 : i32
    %dma_start3A_5 = arith.constant 0 : i32
    %dma_start3A_6 = tpu.memref_slice %arg6[%dma_start3A_3, %dma_start3A_4, %dma_start3A_5] : memref<4x128x64xf32, #tpu.memory_space<vmem>> -> memref<1x128x64xf32, #tpu.memory_space<vmem>>
    %dma_start3A_7 = tpu.memref_squeeze %dma_start3A_6 : memref<1x128x64xf32, #tpu.memory_space<vmem>> -> memref<128x64xf32, #tpu.memory_space<vmem>>
    %dma_start3A_8 = arith.constant 0 : i32
    %dma_start3A_9 = tpu.memref_slice %arg5[%dma_start3A, %dma_start3A_8] : memref<200x128xi32, #tpu.memory_space<vmem>> -> memref<1x128xi32, #tpu.memory_space<vmem>>
    %dma_start3A_10 = tpu.memref_squeeze %dma_start3A_9 : memref<1x128xi32, #tpu.memory_space<vmem>> -> memref<128xi32, #tpu.memory_space<vmem>>
    %dma_start3A_11 = arith.constant 0 : i32
    %dma_start3A_12 = arith.constant 0 : i32
    %dma_start3A_13 = tpu.memref_slice %arg3[%dma_start3A_11, %dma_start3A_12] : memref<1000000x64xf32, #tpu.memory_space<hbm>> -> memref<1000000x64xf32, #tpu.memory_space<hbm>>
    tpu.enqueue_indirect_dma source(%dma_start3A_13 : memref<1000000x64xf32, #tpu.memory_space<hbm>>) target(%dma_start3A_7 : memref<128x64xf32, #tpu.memory_space<vmem>>) offsets(%dma_start3A_10 : memref<128xi32, #tpu.memory_space<vmem>>) semaphore(%arg8 : memref<!tpu.dma_semaphore, #tpu.memory_space<semaphore_mem>>)
    %dma_start3A_14 = arith.constant 1 : i32
    %dma_start3A_15 = arith.constant 1 : i32
    %dma_start3A_16 = arith.constant 0 : i32
    %dma_start3A_17 = arith.constant 0 : i32
    %dma_start3A_18 = tpu.memref_slice %arg6[%dma_start3A_15, %dma_start3A_16, %dma_start3A_17] : memref<4x128x64xf32, #tpu.memory_space<vmem>> -> memref<1x128x64xf32, #tpu.memory_space<vmem>>
    %dma_start3A_19 = tpu.memref_squeeze %dma_start3A_18 : memref<1x128x64xf32, #tpu.memory_space<vmem>> -> memref<128x64xf32, #tpu.memory_space<vmem>>
    %dma_start3A_20 = arith.constant 0 : i32
    %dma_start3A_21 = tpu.memref_slice %arg5[%dma_start3A_14, %dma_start3A_20] : memref<200x128xi32, #tpu.memory_space<vmem>> -> memref<1x128xi32, #tpu.memory_space<vmem>>
    %dma_start3A_22 = tpu.memref_squeeze %dma_start3A_21 : memref<1x128xi32, #tpu.memory_space<vmem>> -> memref<128xi32, #tpu.memory_space<vmem>>
    %dma_start3A_23 = arith.constant 0 : i32
    %dma_start3A_24 = arith.constant 0 : i32
    %dma_start3A_25 = tpu.memref_slice %arg3[%dma_start3A_23, %dma_start3A_24] : memref<1000000x64xf32, #tpu.memory_space<hbm>> -> memref<1000000x64xf32, #tpu.memory_space<hbm>>
    tpu.enqueue_indirect_dma source(%dma_start3A_25 : memref<1000000x64xf32, #tpu.memory_space<hbm>>) target(%dma_start3A_19 : memref<128x64xf32, #tpu.memory_space<vmem>>) offsets(%dma_start3A_22 : memref<128xi32, #tpu.memory_space<vmem>>) semaphore(%arg8 : memref<!tpu.dma_semaphore, #tpu.memory_space<semaphore_mem>>)
    %dma_start3A_26 = arith.constant 2 : i32
    %dma_start3A_27 = arith.constant 2 : i32
    %dma_start3A_28 = arith.constant 0 : i32
    %dma_start3A_29 = arith.constant 0 : i32
    %dma_start3A_30 = tpu.memref_slice %arg6[%dma_start3A_27, %dma_start3A_28, %dma_start3A_29] : memref<4x128x64xf32, #tpu.memory_space<vmem>> -> memref<1x128x64xf32, #tpu.memory_space<vmem>>
    %dma_start3A_31 = tpu.memref_squeeze %dma_start3A_30 : memref<1x128x64xf32, #tpu.memory_space<vmem>> -> memref<128x64xf32, #tpu.memory_space<vmem>>
    %dma_start3A_32 = arith.constant 0 : i32
    %dma_start3A_33 = tpu.memref_slice %arg5[%dma_start3A_26, %dma_start3A_32] : memref<200x128xi32, #tpu.memory_space<vmem>> -> memref<1x128xi32, #tpu.memory_space<vmem>>
    %dma_start3A_34 = tpu.memref_squeeze %dma_start3A_33 : memref<1x128xi32, #tpu.memory_space<vmem>> -> memref<128xi32, #tpu.memory_space<vmem>>
    %dma_start3A_35 = arith.constant 0 : i32
    %dma_start3A_36 = arith.constant 0 : i32
    %dma_start3A_37 = tpu.memref_slice %arg3[%dma_start3A_35, %dma_start3A_36] : memref<1000000x64xf32, #tpu.memory_space<hbm>> -> memref<1000000x64xf32, #tpu.memory_space<hbm>>
    tpu.enqueue_indirect_dma source(%dma_start3A_37 : memref<1000000x64xf32, #tpu.memory_space<hbm>>) target(%dma_start3A_31 : memref<128x64xf32, #tpu.memory_space<vmem>>) offsets(%dma_start3A_34 : memref<128xi32, #tpu.memory_space<vmem>>) semaphore(%arg8 : memref<!tpu.dma_semaphore, #tpu.memory_space<semaphore_mem>>)
    %dma_start3A_38 = arith.constant 3 : i32
    %dma_start3A_39 = arith.constant 3 : i32
    %dma_start3A_40 = arith.constant 0 : i32
    %dma_start3A_41 = arith.constant 0 : i32
    %dma_start3A_42 = tpu.memref_slice %arg6[%dma_start3A_39, %dma_start3A_40, %dma_start3A_41] : memref<4x128x64xf32, #tpu.memory_space<vmem>> -> memref<1x128x64xf32, #tpu.memory_space<vmem>>
    %dma_start3A_43 = tpu.memref_squeeze %dma_start3A_42 : memref<1x128x64xf32, #tpu.memory_space<vmem>> -> memref<128x64xf32, #tpu.memory_space<vmem>>
    %dma_start3A_44 = arith.constant 0 : i32
    %dma_start3A_45 = tpu.memref_slice %arg5[%dma_start3A_38, %dma_start3A_44] : memref<200x128xi32, #tpu.memory_space<vmem>> -> memref<1x128xi32, #tpu.memory_space<vmem>>
    %dma_start3A_46 = tpu.memref_squeeze %dma_start3A_45 : memref<1x128xi32, #tpu.memory_space<vmem>> -> memref<128xi32, #tpu.memory_space<vmem>>
    %dma_start3A_47 = arith.constant 0 : i32
    %dma_start3A_48 = arith.constant 0 : i32
    %dma_start3A_49 = tpu.memref_slice %arg3[%dma_start3A_47, %dma_start3A_48] : memref<1000000x64xf32, #tpu.memory_space<hbm>> -> memref<1000000x64xf32, #tpu.memory_space<hbm>>
    tpu.enqueue_indirect_dma source(%dma_start3A_49 : memref<1000000x64xf32, #tpu.memory_space<hbm>>) target(%dma_start3A_43 : memref<128x64xf32, #tpu.memory_space<vmem>>) offsets(%dma_start3A_46 : memref<128xi32, #tpu.memory_space<vmem>>) semaphore(%arg8 : memref<!tpu.dma_semaphore, #tpu.memory_space<semaphore_mem>>)
    %scan3A = arith.constant 0 : i32
    %scan3A_50 = arith.constant 0 : i32
    %scan3A_51 = arith.constant 50 : i32
    %scan3A_52 = arith.addi %scan3A_50, %scan3A_51 : i32
    %scan3A_53 = arith.constant 1 : i32
    scf.for %scan3A_418 = %scan3A_50 to %scan3A_52 step %scan3A_53  : i32 {
      %mul3A_419 = arith.constant 4 : i32
      %mul3A_420 = arith.muli %scan3A_418, %mul3A_419 : i32
      %add3A_421 = arith.constant 0 : i32
      %add3A_422 = arith.addi %mul3A_420, %add3A_421 : i32
      %dma_wait3A_423 = arith.constant 0 : i32
      %dma_wait3A_424 = arith.constant 0 : i32
      %dma_wait3A_425 = arith.constant 0 : i32
      %dma_wait3A_426 = tpu.memref_slice %arg6[%dma_wait3A_423, %dma_wait3A_424, %dma_wait3A_425] : memref<4x128x64xf32, #tpu.memory_space<vmem>> -> memref<1x128x64xf32, #tpu.memory_space<vmem>>
      %dma_wait3A_427 = tpu.memref_squeeze %dma_wait3A_426 : memref<1x128x64xf32, #tpu.memory_space<vmem>> -> memref<128x64xf32, #tpu.memory_space<vmem>>
      %dma_wait3A_428 = arith.constant 0 : i32
      %dma_wait3A_429 = arith.constant 0 : i32
      %dma_wait3A_430 = tpu.memref_slice %arg3[%dma_wait3A_428, %dma_wait3A_429] : memref<1000000x64xf32, #tpu.memory_space<hbm>> -> memref<128x64xf32, #tpu.memory_space<hbm>>
      %dma_wait3A_431 = arith.constant 0 : i32
      %dma_wait3A_432 = arith.constant 0 : i32
      %dma_wait3A_433 = tpu.memref_slice %arg6[%dma_wait3A_423, %dma_wait3A_431, %dma_wait3A_432] : memref<4x128x64xf32, #tpu.memory_space<vmem>> -> memref<1x128x64xf32, #tpu.memory_space<vmem>>
      %dma_wait3A_434 = tpu.memref_squeeze %dma_wait3A_433 : memref<1x128x64xf32, #tpu.memory_space<vmem>> -> memref<128x64xf32, #tpu.memory_space<vmem>>
      %dma_wait3A_435 = arith.constant 0 : i32
      %dma_wait3A_436 = arith.constant 0 : i32
      %dma_wait3A_437 = tpu.memref_slice %arg3[%dma_wait3A_435, %dma_wait3A_436] : memref<1000000x64xf32, #tpu.memory_space<hbm>> -> memref<128x64xf32, #tpu.memory_space<hbm>>
      tpu.wait_dma2 semaphore(%arg8 : memref<!tpu.dma_semaphore, #tpu.memory_space<semaphore_mem>>) src(%dma_wait3A_437 : memref<128x64xf32, #tpu.memory_space<hbm>>) dst(%dma_wait3A_434 : memref<128x64xf32, #tpu.memory_space<vmem>>)
      %ge3A = arith.constant 2 : i32
      %ge3A_438 = arith.cmpi sge, %add3A_422, %ge3A : i32
      %convert_element_type3A = arith.extui %ge3A_438 : i1 to i32
      %cond3A = arith.constant 0 : i32
      %cond3A_439 = arith.cmpi ne, %convert_element_type3A, %cond3A : i32
      scf.if %cond3A_439 {
        %jit3A_1245 = arith.constant 2 : i32
        %eq3A_1246 = arith.constant 0 : i32
        %eq3A_1247 = arith.cmpi eq, %jit3A_1245, %eq3A_1246 : i32
        %jit3A_1248 = arith.constant 1 : i32
        %select_n3A_1249 = arith.select %eq3A_1247, %jit3A_1248, %jit3A_1245 : i32
        %rem3A_1250 = arith.remsi %add3A_422, %select_n3A_1249 : i32
        %ne3A_1251 = arith.constant 0 : i32
        %ne3A_1252 = arith.cmpi ne, %rem3A_1250, %ne3A_1251 : i32
        %lt3A_1253 = arith.constant 0 : i32
        %lt3A_1254 = arith.cmpi slt, %rem3A_1250, %lt3A_1253 : i32
        %lt3A_1255 = arith.constant 0 : i32
        %lt3A_1256 = arith.cmpi slt, %select_n3A_1249, %lt3A_1255 : i32
        %ne3A_1257 = arith.xori %lt3A_1254, %lt3A_1256 : i1
        %and3A_1258 = arith.andi %ne3A_1257, %ne3A_1252 : i1
        %add3A_1259 = arith.addi %rem3A_1250, %select_n3A_1249 : i32
        %select_n3A_1260 = arith.select %and3A_1258, %add3A_1259, %rem3A_1250 : i32
        %dma_wait3A_1261 = arith.constant 0 : i32
        %dma_wait3A_1262 = arith.constant 0 : i32
        %dma_wait3A_1263 = arith.constant 0 : i32
        %dma_wait3A_1264 = arith.constant 0 : i32
        %dma_wait3A_1265 = tpu.memref_slice %arg7[%select_n3A_1260, %dma_wait3A_1263, %dma_wait3A_1264] : memref<2x64x128xf32, #tpu.memory_space<vmem>> -> memref<1x8x128xf32, #tpu.memory_space<vmem>>
        %dma_wait3A_1266 = tpu.memref_squeeze %dma_wait3A_1265 : memref<1x8x128xf32, #tpu.memory_space<vmem>> -> memref<8x128xf32, #tpu.memory_space<vmem>>
        %dma_wait3A_1267 = arith.constant 0 : i32
        %dma_wait3A_1268 = arith.constant 0 : i32
        %dma_wait3A_1269 = tpu.memref_slice %arg4[%dma_wait3A_1261, %dma_wait3A_1262, %add3A, %dma_wait3A_1267, %dma_wait3A_1268] : memref<200x8x32x8x128xf32, #tpu.memory_space<hbm>> -> memref<1x1x1x8x128xf32, #tpu.memory_space<hbm>>
        %dma_wait3A_1270 = tpu.memref_squeeze %dma_wait3A_1269 : memref<1x1x1x8x128xf32, #tpu.memory_space<hbm>> -> memref<8x128xf32, #tpu.memory_space<hbm>>
        %dma_wait3A_1271 = arith.constant 0 : i32
        %dma_wait3A_1272 = arith.constant 0 : i32
        %dma_wait3A_1273 = tpu.memref_slice %arg4[%dma_wait3A_1261, %dma_wait3A_1262, %add3A, %dma_wait3A_1271, %dma_wait3A_1272] : memref<200x8x32x8x128xf32, #tpu.memory_space<hbm>> -> memref<1x1x1x8x128xf32, #tpu.memory_space<hbm>>
        %dma_wait3A_1274 = tpu.memref_squeeze %dma_wait3A_1273 : memref<1x1x1x8x128xf32, #tpu.memory_space<hbm>> -> memref<8x128xf32, #tpu.memory_space<hbm>>
        %dma_wait3A_1275 = arith.constant 0 : i32
        %dma_wait3A_1276 = arith.constant 0 : i32
        %dma_wait3A_1277 = tpu.memref_slice %arg7[%select_n3A_1260, %dma_wait3A_1275, %dma_wait3A_1276] : memref<2x64x128xf32, #tpu.memory_space<vmem>> -> memref<1x8x128xf32, #tpu.memory_space<vmem>>
        %dma_wait3A_1278 = tpu.memref_squeeze %dma_wait3A_1277 : memref<1x8x128xf32, #tpu.memory_space<vmem>> -> memref<8x128xf32, #tpu.memory_space<vmem>>
        tpu.wait_dma2 semaphore(%arg9 : memref<!tpu.dma_semaphore, #tpu.memory_space<semaphore_mem>>) src(%dma_wait3A_1278 : memref<8x128xf32, #tpu.memory_space<vmem>>) dst(%dma_wait3A_1274 : memref<8x128xf32, #tpu.memory_space<hbm>>)
        %dma_wait3A_1279 = arith.constant 0 : i32
        %dma_wait3A_1280 = arith.constant 1 : i32
        %dma_wait3A_1281 = arith.constant 8 : i32
        %dma_wait3A_1282 = arith.constant 0 : i32
        %dma_wait3A_1283 = tpu.memref_slice %arg7[%select_n3A_1260, %dma_wait3A_1281, %dma_wait3A_1282] : memref<2x64x128xf32, #tpu.memory_space<vmem>> -> memref<1x8x128xf32, #tpu.memory_space<vmem>>
        %dma_wait3A_1284 = tpu.memref_squeeze %dma_wait3A_1283 : memref<1x8x128xf32, #tpu.memory_space<vmem>> -> memref<8x128xf32, #tpu.memory_space<vmem>>
        %dma_wait3A_1285 = arith.constant 0 : i32
        %dma_wait3A_1286 = arith.constant 0 : i32
        %dma_wait3A_1287 = tpu.memref_slice %arg4[%dma_wait3A_1279, %dma_wait3A_1280, %add3A, %dma_wait3A_1285, %dma_wait3A_1286] : memref<200x8x32x8x128xf32, #tpu.memory_space<hbm>> -> memref<1x1x1x8x128xf32, #tpu.memory_space<hbm>>
        %dma_wait3A_1288 = tpu.memref_squeeze %dma_wait3A_1287 : memref<1x1x1x8x128xf32, #tpu.memory_space<hbm>> -> memref<8x128xf32, #tpu.memory_space<hbm>>
        %dma_wait3A_1289 = arith.constant 0 : i32
        %dma_wait3A_1290 = arith.constant 0 : i32
        %dma_wait3A_1291 = tpu.memref_slice %arg4[%dma_wait3A_1279, %dma_wait3A_1280, %add3A, %dma_wait3A_1289, %dma_wait3A_1290] : memref<200x8x32x8x128xf32, #tpu.memory_space<hbm>> -> memref<1x1x1x8x128xf32, #tpu.memory_space<hbm>>
        %dma_wait3A_1292 = tpu.memref_squeeze %dma_wait3A_1291 : memref<1x1x1x8x128xf32, #tpu.memory_space<hbm>> -> memref<8x128xf32, #tpu.memory_space<hbm>>
        %dma_wait3A_1293 = arith.constant 8 : i32
        %dma_wait3A_1294 = arith.constant 0 : i32
        %dma_wait3A_1295 = tpu.memref_slice %arg7[%select_n3A_1260, %dma_wait3A_1293, %dma_wait3A_1294] : memref<2x64x128xf32, #tpu.memory_space<vmem>> -> memref<1x8x128xf32, #tpu.memory_space<vmem>>
        %dma_wait3A_1296 = tpu.memref_squeeze %dma_wait3A_1295 : memref<1x8x128xf32, #tpu.memory_space<vmem>> -> memref<8x128xf32, #tpu.memory_space<vmem>>
        tpu.wait_dma2 semaphore(%arg9 : memref<!tpu.dma_semaphore, #tpu.memory_space<semaphore_mem>>) src(%dma_wait3A_1296 : memref<8x128xf32, #tpu.memory_space<vmem>>) dst(%dma_wait3A_1292 : memref<8x128xf32, #tpu.memory_space<hbm>>)
        %dma_wait3A_1297 = arith.constant 0 : i32
        %dma_wait3A_1298 = arith.constant 2 : i32
        %dma_wait3A_1299 = arith.constant 16 : i32
        %dma_wait3A_1300 = arith.constant 0 : i32
        %dma_wait3A_1301 = tpu.memref_slice %arg7[%select_n3A_1260, %dma_wait3A_1299, %dma_wait3A_1300] : memref<2x64x128xf32, #tpu.memory_space<vmem>> -> memref<1x8x128xf32, #tpu.memory_space<vmem>>
        %dma_wait3A_1302 = tpu.memref_squeeze %dma_wait3A_1301 : memref<1x8x128xf32, #tpu.memory_space<vmem>> -> memref<8x128xf32, #tpu.memory_space<vmem>>
        %dma_wait3A_1303 = arith.constant 0 : i32
        %dma_wait3A_1304 = arith.constant 0 : i32
        %dma_wait3A_1305 = tpu.memref_slice %arg4[%dma_wait3A_1297, %dma_wait3A_1298, %add3A, %dma_wait3A_1303, %dma_wait3A_1304] : memref<200x8x32x8x128xf32, #tpu.memory_space<hbm>> -> memref<1x1x1x8x128xf32, #tpu.memory_space<hbm>>
        %dma_wait3A_1306 = tpu.memref_squeeze %dma_wait3A_1305 : memref<1x1x1x8x128xf32, #tpu.memory_space<hbm>> -> memref<8x128xf32, #tpu.memory_space<hbm>>
        %dma_wait3A_1307 = arith.constant 0 : i32
        %dma_wait3A_1308 = arith.constant 0 : i32
        %dma_wait3A_1309 = tpu.memref_slice %arg4[%dma_wait3A_1297, %dma_wait3A_1298, %add3A, %dma_wait3A_1307, %dma_wait3A_1308] : memref<200x8x32x8x128xf32, #tpu.memory_space<hbm>> -> memref<1x1x1x8x128xf32, #tpu.memory_space<hbm>>
        %dma_wait3A_1310 = tpu.memref_squeeze %dma_wait3A_1309 : memref<1x1x1x8x128xf32, #tpu.memory_space<hbm>> -> memref<8x128xf32, #tpu.memory_space<hbm>>
        %dma_wait3A_1311 = arith.constant 16 : i32
        %dma_wait3A_1312 = arith.constant 0 : i32
        %dma_wait3A_1313 = tpu.memref_slice %arg7[%select_n3A_1260, %dma_wait3A_1311, %dma_wait3A_1312] : memref<2x64x128xf32, #tpu.memory_space<vmem>> -> memref<1x8x128xf32, #tpu.memory_space<vmem>>
        %dma_wait3A_1314 = tpu.memref_squeeze %dma_wait3A_1313 : memref<1x8x128xf32, #tpu.memory_space<vmem>> -> memref<8x128xf32, #tpu.memory_space<vmem>>
        tpu.wait_dma2 semaphore(%arg9 : memref<!tpu.dma_semaphore, #tpu.memory_space<semaphore_mem>>) src(%dma_wait3A_1314 : memref<8x128xf32, #tpu.memory_space<vmem>>) dst(%dma_wait3A_1310 : memref<8x128xf32, #tpu.memory_space<hbm>>)
        %dma_wait3A_1315 = arith.constant 0 : i32
        %dma_wait3A_1316 = arith.constant 3 : i32
        %dma_wait3A_1317 = arith.constant 24 : i32
        %dma_wait3A_1318 = arith.constant 0 : i32
        %dma_wait3A_1319 = tpu.memref_slice %arg7[%select_n3A_1260, %dma_wait3A_1317, %dma_wait3A_1318] : memref<2x64x128xf32, #tpu.memory_space<vmem>> -> memref<1x8x128xf32, #tpu.memory_space<vmem>>
        %dma_wait3A_1320 = tpu.memref_squeeze %dma_wait3A_1319 : memref<1x8x128xf32, #tpu.memory_space<vmem>> -> memref<8x128xf32, #tpu.memory_space<vmem>>
        %dma_wait3A_1321 = arith.constant 0 : i32
        %dma_wait3A_1322 = arith.constant 0 : i32
        %dma_wait3A_1323 = tpu.memref_slice %arg4[%dma_wait3A_1315, %dma_wait3A_1316, %add3A, %dma_wait3A_1321, %dma_wait3A_1322] : memref<200x8x32x8x128xf32, #tpu.memory_space<hbm>> -> memref<1x1x1x8x128xf32, #tpu.memory_space<hbm>>
        %dma_wait3A_1324 = tpu.memref_squeeze %dma_wait3A_1323 : memref<1x1x1x8x128xf32, #tpu.memory_space<hbm>> -> memref<8x128xf32, #tpu.memory_space<hbm>>
        %dma_wait3A_1325 = arith.constant 0 : i32
        %dma_wait3A_1326 = arith.constant 0 : i32
        %dma_wait3A_1327 = tpu.memref_slice %arg4[%dma_wait3A_1315, %dma_wait3A_1316, %add3A, %dma_wait3A_1325, %dma_wait3A_1326] : memref<200x8x32x8x128xf32, #tpu.memory_space<hbm>> -> memref<1x1x1x8x128xf32, #tpu.memory_space<hbm>>
        %dma_wait3A_1328 = tpu.memref_squeeze %dma_wait3A_1327 : memref<1x1x1x8x128xf32, #tpu.memory_space<hbm>> -> memref<8x128xf32, #tpu.memory_space<hbm>>
        %dma_wait3A_1329 = arith.constant 24 : i32
        %dma_wait3A_1330 = arith.constant 0 : i32
        %dma_wait3A_1331 = tpu.memref_slice %arg7[%select_n3A_1260, %dma_wait3A_1329, %dma_wait3A_1330] : memref<2x64x128xf32, #tpu.memory_space<vmem>> -> memref<1x8x128xf32, #tpu.memory_space<vmem>>
        %dma_wait3A_1332 = tpu.memref_squeeze %dma_wait3A_1331 : memref<1x8x128xf32, #tpu.memory_space<vmem>> -> memref<8x128xf32, #tpu.memory_space<vmem>>
        tpu.wait_dma2 semaphore(%arg9 : memref<!tpu.dma_semaphore, #tpu.memory_space<semaphore_mem>>) src(%dma_wait3A_1332 : memref<8x128xf32, #tpu.memory_space<vmem>>) dst(%dma_wait3A_1328 : memref<8x128xf32, #tpu.memory_space<hbm>>)
        %dma_wait3A_1333 = arith.constant 0 : i32
        %dma_wait3A_1334 = arith.constant 4 : i32
        %dma_wait3A_1335 = arith.constant 32 : i32
        %dma_wait3A_1336 = arith.constant 0 : i32
        %dma_wait3A_1337 = tpu.memref_slice %arg7[%select_n3A_1260, %dma_wait3A_1335, %dma_wait3A_1336] : memref<2x64x128xf32, #tpu.memory_space<vmem>> -> memref<1x8x128xf32, #tpu.memory_space<vmem>>
        %dma_wait3A_1338 = tpu.memref_squeeze %dma_wait3A_1337 : memref<1x8x128xf32, #tpu.memory_space<vmem>> -> memref<8x128xf32, #tpu.memory_space<vmem>>
        %dma_wait3A_1339 = arith.constant 0 : i32
        %dma_wait3A_1340 = arith.constant 0 : i32
        %dma_wait3A_1341 = tpu.memref_slice %arg4[%dma_wait3A_1333, %dma_wait3A_1334, %add3A, %dma_wait3A_1339, %dma_wait3A_1340] : memref<200x8x32x8x128xf32, #tpu.memory_space<hbm>> -> memref<1x1x1x8x128xf32, #tpu.memory_space<hbm>>
        %dma_wait3A_1342 = tpu.memref_squeeze %dma_wait3A_1341 : memref<1x1x1x8x128xf32, #tpu.memory_space<hbm>> -> memref<8x128xf32, #tpu.memory_space<hbm>>
        %dma_wait3A_1343 = arith.constant 0 : i32
        %dma_wait3A_1344 = arith.constant 0 : i32
        %dma_wait3A_1345 = tpu.memref_slice %arg4[%dma_wait3A_1333, %dma_wait3A_1334, %add3A, %dma_wait3A_1343, %dma_wait3A_1344] : memref<200x8x32x8x128xf32, #tpu.memory_space<hbm>> -> memref<1x1x1x8x128xf32, #tpu.memory_space<hbm>>
        %dma_wait3A_1346 = tpu.memref_squeeze %dma_wait3A_1345 : memref<1x1x1x8x128xf32, #tpu.memory_space<hbm>> -> memref<8x128xf32, #tpu.memory_space<hbm>>
        %dma_wait3A_1347 = arith.constant 32 : i32
        %dma_wait3A_1348 = arith.constant 0 : i32
        %dma_wait3A_1349 = tpu.memref_slice %arg7[%select_n3A_1260, %dma_wait3A_1347, %dma_wait3A_1348] : memref<2x64x128xf32, #tpu.memory_space<vmem>> -> memref<1x8x128xf32, #tpu.memory_space<vmem>>
        %dma_wait3A_1350 = tpu.memref_squeeze %dma_wait3A_1349 : memref<1x8x128xf32, #tpu.memory_space<vmem>> -> memref<8x128xf32, #tpu.memory_space<vmem>>
        tpu.wait_dma2 semaphore(%arg9 : memref<!tpu.dma_semaphore, #tpu.memory_space<semaphore_mem>>) src(%dma_wait3A_1350 : memref<8x128xf32, #tpu.memory_space<vmem>>) dst(%dma_wait3A_1346 : memref<8x128xf32, #tpu.memory_space<hbm>>)
        %dma_wait3A_1351 = arith.constant 0 : i32
        %dma_wait3A_1352 = arith.constant 5 : i32
        %dma_wait3A_1353 = arith.constant 40 : i32
        %dma_wait3A_1354 = arith.constant 0 : i32
        %dma_wait3A_1355 = tpu.memref_slice %arg7[%select_n3A_1260, %dma_wait3A_1353, %dma_wait3A_1354] : memref<2x64x128xf32, #tpu.memory_space<vmem>> -> memref<1x8x128xf32, #tpu.memory_space<vmem>>
        %dma_wait3A_1356 = tpu.memref_squeeze %dma_wait3A_1355 : memref<1x8x128xf32, #tpu.memory_space<vmem>> -> memref<8x128xf32, #tpu.memory_space<vmem>>
        %dma_wait3A_1357 = arith.constant 0 : i32
        %dma_wait3A_1358 = arith.constant 0 : i32
        %dma_wait3A_1359 = tpu.memref_slice %arg4[%dma_wait3A_1351, %dma_wait3A_1352, %add3A, %dma_wait3A_1357, %dma_wait3A_1358] : memref<200x8x32x8x128xf32, #tpu.memory_space<hbm>> -> memref<1x1x1x8x128xf32, #tpu.memory_space<hbm>>
        %dma_wait3A_1360 = tpu.memref_squeeze %dma_wait3A_1359 : memref<1x1x1x8x128xf32, #tpu.memory_space<hbm>> -> memref<8x128xf32, #tpu.memory_space<hbm>>
        %dma_wait3A_1361 = arith.constant 0 : i32
        %dma_wait3A_1362 = arith.constant 0 : i32
        %dma_wait3A_1363 = tpu.memref_slice %arg4[%dma_wait3A_1351, %dma_wait3A_1352, %add3A, %dma_wait3A_1361, %dma_wait3A_1362] : memref<200x8x32x8x128xf32, #tpu.memory_space<hbm>> -> memref<1x1x1x8x128xf32, #tpu.memory_space<hbm>>
        %dma_wait3A_1364 = tpu.memref_squeeze %dma_wait3A_1363 : memref<1x1x1x8x128xf32, #tpu.memory_space<hbm>> -> memref<8x128xf32, #tpu.memory_space<hbm>>
        %dma_wait3A_1365 = arith.constant 40 : i32
        %dma_wait3A_1366 = arith.constant 0 : i32
        %dma_wait3A_1367 = tpu.memref_slice %arg7[%select_n3A_1260, %dma_wait3A_1365, %dma_wait3A_1366] : memref<2x64x128xf32, #tpu.memory_space<vmem>> -> memref<1x8x128xf32, #tpu.memory_space<vmem>>
        %dma_wait3A_1368 = tpu.memref_squeeze %dma_wait3A_1367 : memref<1x8x128xf32, #tpu.memory_space<vmem>> -> memref<8x128xf32, #tpu.memory_space<vmem>>
        tpu.wait_dma2 semaphore(%arg9 : memref<!tpu.dma_semaphore, #tpu.memory_space<semaphore_mem>>) src(%dma_wait3A_1368 : memref<8x128xf32, #tpu.memory_space<vmem>>) dst(%dma_wait3A_1364 : memref<8x128xf32, #tpu.memory_space<hbm>>)
        %dma_wait3A_1369 = arith.constant 0 : i32
        %dma_wait3A_1370 = arith.constant 6 : i32
        %dma_wait3A_1371 = arith.constant 48 : i32
        %dma_wait3A_1372 = arith.constant 0 : i32
        %dma_wait3A_1373 = tpu.memref_slice %arg7[%select_n3A_1260, %dma_wait3A_1371, %dma_wait3A_1372] : memref<2x64x128xf32, #tpu.memory_space<vmem>> -> memref<1x8x128xf32, #tpu.memory_space<vmem>>
        %dma_wait3A_1374 = tpu.memref_squeeze %dma_wait3A_1373 : memref<1x8x128xf32, #tpu.memory_space<vmem>> -> memref<8x128xf32, #tpu.memory_space<vmem>>
        %dma_wait3A_1375 = arith.constant 0 : i32
        %dma_wait3A_1376 = arith.constant 0 : i32
        %dma_wait3A_1377 = tpu.memref_slice %arg4[%dma_wait3A_1369, %dma_wait3A_1370, %add3A, %dma_wait3A_1375, %dma_wait3A_1376] : memref<200x8x32x8x128xf32, #tpu.memory_space<hbm>> -> memref<1x1x1x8x128xf32, #tpu.memory_space<hbm>>
        %dma_wait3A_1378 = tpu.memref_squeeze %dma_wait3A_1377 : memref<1x1x1x8x128xf32, #tpu.memory_space<hbm>> -> memref<8x128xf32, #tpu.memory_space<hbm>>
        %dma_wait3A_1379 = arith.constant 0 : i32
        %dma_wait3A_1380 = arith.constant 0 : i32
        %dma_wait3A_1381 = tpu.memref_slice %arg4[%dma_wait3A_1369, %dma_wait3A_1370, %add3A, %dma_wait3A_1379, %dma_wait3A_1380] : memref<200x8x32x8x128xf32, #tpu.memory_space<hbm>> -> memref<1x1x1x8x128xf32, #tpu.memory_space<hbm>>
        %dma_wait3A_1382 = tpu.memref_squeeze %dma_wait3A_1381 : memref<1x1x1x8x128xf32, #tpu.memory_space<hbm>> -> memref<8x128xf32, #tpu.memory_space<hbm>>
        %dma_wait3A_1383 = arith.constant 48 : i32
        %dma_wait3A_1384 = arith.constant 0 : i32
        %dma_wait3A_1385 = tpu.memref_slice %arg7[%select_n3A_1260, %dma_wait3A_1383, %dma_wait3A_1384] : memref<2x64x128xf32, #tpu.memory_space<vmem>> -> memref<1x8x128xf32, #tpu.memory_space<vmem>>
        %dma_wait3A_1386 = tpu.memref_squeeze %dma_wait3A_1385 : memref<1x8x128xf32, #tpu.memory_space<vmem>> -> memref<8x128xf32, #tpu.memory_space<vmem>>
        tpu.wait_dma2 semaphore(%arg9 : memref<!tpu.dma_semaphore, #tpu.memory_space<semaphore_mem>>) src(%dma_wait3A_1386 : memref<8x128xf32, #tpu.memory_space<vmem>>) dst(%dma_wait3A_1382 : memref<8x128xf32, #tpu.memory_space<hbm>>)
        %dma_wait3A_1387 = arith.constant 0 : i32
        %dma_wait3A_1388 = arith.constant 7 : i32
        %dma_wait3A_1389 = arith.constant 56 : i32
        %dma_wait3A_1390 = arith.constant 0 : i32
        %dma_wait3A_1391 = tpu.memref_slice %arg7[%select_n3A_1260, %dma_wait3A_1389, %dma_wait3A_1390] : memref<2x64x128xf32, #tpu.memory_space<vmem>> -> memref<1x8x128xf32, #tpu.memory_space<vmem>>
        %dma_wait3A_1392 = tpu.memref_squeeze %dma_wait3A_1391 : memref<1x8x128xf32, #tpu.memory_space<vmem>> -> memref<8x128xf32, #tpu.memory_space<vmem>>
        %dma_wait3A_1393 = arith.constant 0 : i32
        %dma_wait3A_1394 = arith.constant 0 : i32
        %dma_wait3A_1395 = tpu.memref_slice %arg4[%dma_wait3A_1387, %dma_wait3A_1388, %add3A, %dma_wait3A_1393, %dma_wait3A_1394] : memref<200x8x32x8x128xf32, #tpu.memory_space<hbm>> -> memref<1x1x1x8x128xf32, #tpu.memory_space<hbm>>
        %dma_wait3A_1396 = tpu.memref_squeeze %dma_wait3A_1395 : memref<1x1x1x8x128xf32, #tpu.memory_space<hbm>> -> memref<8x128xf32, #tpu.memory_space<hbm>>
        %dma_wait3A_1397 = arith.constant 0 : i32
        %dma_wait3A_1398 = arith.constant 0 : i32
        %dma_wait3A_1399 = tpu.memref_slice %arg4[%dma_wait3A_1387, %dma_wait3A_1388, %add3A, %dma_wait3A_1397, %dma_wait3A_1398] : memref<200x8x32x8x128xf32, #tpu.memory_space<hbm>> -> memref<1x1x1x8x128xf32, #tpu.memory_space<hbm>>
        %dma_wait3A_1400 = tpu.memref_squeeze %dma_wait3A_1399 : memref<1x1x1x8x128xf32, #tpu.memory_space<hbm>> -> memref<8x128xf32, #tpu.memory_space<hbm>>
        %dma_wait3A_1401 = arith.constant 56 : i32
        %dma_wait3A_1402 = arith.constant 0 : i32
        %dma_wait3A_1403 = tpu.memref_slice %arg7[%select_n3A_1260, %dma_wait3A_1401, %dma_wait3A_1402] : memref<2x64x128xf32, #tpu.memory_space<vmem>> -> memref<1x8x128xf32, #tpu.memory_space<vmem>>
        %dma_wait3A_1404 = tpu.memref_squeeze %dma_wait3A_1403 : memref<1x8x128xf32, #tpu.memory_space<vmem>> -> memref<8x128xf32, #tpu.memory_space<vmem>>
        tpu.wait_dma2 semaphore(%arg9 : memref<!tpu.dma_semaphore, #tpu.memory_space<semaphore_mem>>) src(%dma_wait3A_1404 : memref<8x128xf32, #tpu.memory_space<vmem>>) dst(%dma_wait3A_1400 : memref<8x128xf32, #tpu.memory_space<hbm>>)
      } else {
      }
      %jit3A = arith.constant 2 : i32
      %eq3A = arith.constant 0 : i32
      %eq3A_440 = arith.cmpi eq, %jit3A, %eq3A : i32
      %jit3A_441 = arith.constant 1 : i32
      %select_n3A = arith.select %eq3A_440, %jit3A_441, %jit3A : i32
      %rem3A = arith.remsi %add3A_422, %select_n3A : i32
      %ne3A = arith.constant 0 : i32
      %ne3A_442 = arith.cmpi ne, %rem3A, %ne3A : i32
      %lt3A = arith.constant 0 : i32
      %lt3A_443 = arith.cmpi slt, %rem3A, %lt3A : i32
      %lt3A_444 = arith.constant 0 : i32
      %lt3A_445 = arith.cmpi slt, %select_n3A, %lt3A_444 : i32
      %ne3A_446 = arith.xori %lt3A_443, %lt3A_445 : i1
      %and3A = arith.andi %ne3A_446, %ne3A_442 : i1
      %add3A_447 = arith.addi %rem3A, %select_n3A : i32
      %select_n3A_448 = arith.select %and3A, %add3A_447, %rem3A : i32
      %parallel_loop3A = arith.constant 0 : i32
      %parallel_loop3A_449 = arith.constant 512 : i32
      %parallel_loop3A_450 = arith.constant 1 : i32
      %parallel_loop3A_451 = arith.constant 0 : i32
      scf.for %parallel_loop3A_1245 = %parallel_loop3A to %parallel_loop3A_449 step %parallel_loop3A_450  : i32 {
        %parallel_loop3A_1246 = arith.constant 6 : i32
        %parallel_loop3A_1247 = arith.shrsi %parallel_loop3A_1245, %parallel_loop3A_1246 : i32
        %parallel_loop3A_1248 = arith.constant 4 : i32
        %parallel_loop3A_1249 = arith.shrsi %parallel_loop3A_1245, %parallel_loop3A_1248 : i32
        %parallel_loop3A_1250 = arith.constant 3 : i32
        %parallel_loop3A_1251 = arith.andi %parallel_loop3A_1249, %parallel_loop3A_1250 : i32
        %parallel_loop3A_1252 = arith.constant 15 : i32
        %parallel_loop3A_1253 = arith.andi %parallel_loop3A_1245, %parallel_loop3A_1252 : i32
        %parallel_loop3A_1254 = arith.constant 4 : i32
        %parallel_loop3A_1255 = arith.shli %parallel_loop3A_1247, %parallel_loop3A_1254 : i32
        %parallel_loop3A_1256 = vector.broadcast %parallel_loop3A_1255 : i32 to vector<16xi32>
        %parallel_loop3A_1257 = arith.addi %iota3A, %parallel_loop3A_1256 : vector<16xi32>
        %parallel_loop3A_1258 = vector.broadcast %parallel_loop3A_1253 : i32 to vector<16xi32>
        %parallel_loop3A_1259 = arith.xori %iota3A, %parallel_loop3A_1258 : vector<16xi32>
        %parallel_loop3A_1260 = arith.constant 4 : i32
        %parallel_loop3A_1261 = arith.shli %parallel_loop3A_1251, %parallel_loop3A_1260 : i32
        %parallel_loop3A_1262 = vector.broadcast %parallel_loop3A_1261 : i32 to vector<16xi32>
        %parallel_loop3A_1263 = arith.addi %parallel_loop3A_1259, %parallel_loop3A_1262 : vector<16xi32>
        %parallel_loop3A_1264 = arith.constant 0 : i32
        %parallel_loop3A_1265 = arith.constant 0 : i32
        %parallel_loop3A_1266 = tpu.memref_slice %arg6[%parallel_loop3A_451, %parallel_loop3A_1264, %parallel_loop3A_1265] : memref<4x128x64xf32, #tpu.memory_space<vmem>> -> memref<1x128x64xf32, #tpu.memory_space<vmem>>
        %parallel_loop3A_1267 = tpu.memref_squeeze %parallel_loop3A_1266 : memref<1x128x64xf32, #tpu.memory_space<vmem>> -> memref<128x64xf32, #tpu.memory_space<vmem>>
        %parallel_loop3A_1268 = tpu.vector_load_idx %parallel_loop3A_1267[%parallel_loop3A_1257, %parallel_loop3A_1263] : memref<128x64xf32, #tpu.memory_space<vmem>>[vector<16xi32>, vector<16xi32>], vector<16xf32>,
        %parallel_loop3A_1269 = arith.constant 0 : i32
        %parallel_loop3A_1270 = arith.constant 0 : i32
        %parallel_loop3A_1271 = tpu.memref_slice %arg7[%select_n3A_448, %parallel_loop3A_1269, %parallel_loop3A_1270] : memref<2x64x128xf32, #tpu.memory_space<vmem>> -> memref<1x64x128xf32, #tpu.memory_space<vmem>>
        %parallel_loop3A_1272 = tpu.memref_squeeze %parallel_loop3A_1271 : memref<1x64x128xf32, #tpu.memory_space<vmem>> -> memref<64x128xf32, #tpu.memory_space<vmem>>
        tpu.vector_store_idx %parallel_loop3A_1272[%parallel_loop3A_1263, %parallel_loop3A_1257], %parallel_loop3A_1268 : memref<64x128xf32, #tpu.memory_space<vmem>>[vector<16xi32>, vector<16xi32>], vector<16xf32>,
      } {sc.loop_unroll_factor = 8 : i64, sc.parallel_access}
      %jit3A_452 = arith.constant 2 : i32
      %eq3A_453 = arith.constant 0 : i32
      %eq3A_454 = arith.cmpi eq, %jit3A_452, %eq3A_453 : i32
      %jit3A_455 = arith.constant 1 : i32
      %select_n3A_456 = arith.select %eq3A_454, %jit3A_455, %jit3A_452 : i32
      %rem3A_457 = arith.remsi %add3A_422, %select_n3A_456 : i32
      %ne3A_458 = arith.constant 0 : i32
      %ne3A_459 = arith.cmpi ne, %rem3A_457, %ne3A_458 : i32
      %lt3A_460 = arith.constant 0 : i32
      %lt3A_461 = arith.cmpi slt, %rem3A_457, %lt3A_460 : i32
      %lt3A_462 = arith.constant 0 : i32
      %lt3A_463 = arith.cmpi slt, %select_n3A_456, %lt3A_462 : i32
      %ne3A_464 = arith.xori %lt3A_461, %lt3A_463 : i1
      %and3A_465 = arith.andi %ne3A_464, %ne3A_459 : i1
      %add3A_466 = arith.addi %rem3A_457, %select_n3A_456 : i32
      %select_n3A_467 = arith.select %and3A_465, %add3A_466, %rem3A_457 : i32
      %dma_start3A_468 = arith.constant 0 : i32
      %dma_start3A_469 = arith.constant 0 : i32
      %dma_start3A_470 = arith.constant 0 : i32
      %dma_start3A_471 = tpu.memref_slice %arg7[%select_n3A_467, %dma_start3A_469, %dma_start3A_470] : memref<2x64x128xf32, #tpu.memory_space<vmem>> -> memref<1x8x128xf32, #tpu.memory_space<vmem>>
      %dma_start3A_472 = tpu.memref_squeeze %dma_start3A_471 : memref<1x8x128xf32, #tpu.memory_space<vmem>> -> memref<8x128xf32, #tpu.memory_space<vmem>>
      %dma_start3A_473 = arith.constant 0 : i32
      %dma_start3A_474 = arith.constant 0 : i32
      %dma_start3A_475 = tpu.memref_slice %arg4[%add3A_422, %dma_start3A_468, %add3A, %dma_start3A_473, %dma_start3A_474] : memref<200x8x32x8x128xf32, #tpu.memory_space<hbm>> -> memref<1x1x1x8x128xf32, #tpu.memory_space<hbm>>
      %dma_start3A_476 = tpu.memref_squeeze %dma_start3A_475 : memref<1x1x1x8x128xf32, #tpu.memory_space<hbm>> -> memref<8x128xf32, #tpu.memory_space<hbm>>
      %dma_start3A_477 = arith.constant 0 : i32
      %dma_start3A_478 = arith.constant 0 : i32
      %dma_start3A_479 = tpu.memref_slice %arg4[%add3A_422, %dma_start3A_468, %add3A, %dma_start3A_477, %dma_start3A_478] : memref<200x8x32x8x128xf32, #tpu.memory_space<hbm>> -> memref<1x1x1x8x128xf32, #tpu.memory_space<hbm>>
      %dma_start3A_480 = tpu.memref_squeeze %dma_start3A_479 : memref<1x1x1x8x128xf32, #tpu.memory_space<hbm>> -> memref<8x128xf32, #tpu.memory_space<hbm>>
      %dma_start3A_481 = arith.constant 0 : i32
      %dma_start3A_482 = arith.constant 0 : i32
      %dma_start3A_483 = tpu.memref_slice %arg7[%select_n3A_467, %dma_start3A_481, %dma_start3A_482] : memref<2x64x128xf32, #tpu.memory_space<vmem>> -> memref<1x8x128xf32, #tpu.memory_space<vmem>>
      %dma_start3A_484 = tpu.memref_squeeze %dma_start3A_483 : memref<1x8x128xf32, #tpu.memory_space<vmem>> -> memref<8x128xf32, #tpu.memory_space<vmem>>
      tpu.enqueue_dma source(%dma_start3A_484 : memref<8x128xf32, #tpu.memory_space<vmem>>) target(%dma_start3A_480 : memref<8x128xf32, #tpu.memory_space<hbm>>) target_semaphore(%arg9 : memref<!tpu.dma_semaphore, #tpu.memory_space<semaphore_mem>>)
      %dma_start3A_485 = arith.constant 1 : i32
      %dma_start3A_486 = arith.constant 8 : i32
      %dma_start3A_487 = arith.constant 0 : i32
      %dma_start3A_488 = tpu.memref_slice %arg7[%select_n3A_467, %dma_start3A_486, %dma_start3A_487] : memref<2x64x128xf32, #tpu.memory_space<vmem>> -> memref<1x8x128xf32, #tpu.memory_space<vmem>>
      %dma_start3A_489 = tpu.memref_squeeze %dma_start3A_488 : memref<1x8x128xf32, #tpu.memory_space<vmem>> -> memref<8x128xf32, #tpu.memory_space<vmem>>
      %dma_start3A_490 = arith.constant 0 : i32
      %dma_start3A_491 = arith.constant 0 : i32
      %dma_start3A_492 = tpu.memref_slice %arg4[%add3A_422, %dma_start3A_485, %add3A, %dma_start3A_490, %dma_start3A_491] : memref<200x8x32x8x128xf32, #tpu.memory_space<hbm>> -> memref<1x1x1x8x128xf32, #tpu.memory_space<hbm>>
      %dma_start3A_493 = tpu.memref_squeeze %dma_start3A_492 : memref<1x1x1x8x128xf32, #tpu.memory_space<hbm>> -> memref<8x128xf32, #tpu.memory_space<hbm>>
      %dma_start3A_494 = arith.constant 0 : i32
      %dma_start3A_495 = arith.constant 0 : i32
      %dma_start3A_496 = tpu.memref_slice %arg4[%add3A_422, %dma_start3A_485, %add3A, %dma_start3A_494, %dma_start3A_495] : memref<200x8x32x8x128xf32, #tpu.memory_space<hbm>> -> memref<1x1x1x8x128xf32, #tpu.memory_space<hbm>>
      %dma_start3A_497 = tpu.memref_squeeze %dma_start3A_496 : memref<1x1x1x8x128xf32, #tpu.memory_space<hbm>> -> memref<8x128xf32, #tpu.memory_space<hbm>>
      %dma_start3A_498 = arith.constant 8 : i32
      %dma_start3A_499 = arith.constant 0 : i32
      %dma_start3A_500 = tpu.memref_slice %arg7[%select_n3A_467, %dma_start3A_498, %dma_start3A_499] : memref<2x64x128xf32, #tpu.memory_space<vmem>> -> memref<1x8x128xf32, #tpu.memory_space<vmem>>
      %dma_start3A_501 = tpu.memref_squeeze %dma_start3A_500 : memref<1x8x128xf32, #tpu.memory_space<vmem>> -> memref<8x128xf32, #tpu.memory_space<vmem>>
      tpu.enqueue_dma source(%dma_start3A_501 : memref<8x128xf32, #tpu.memory_space<vmem>>) target(%dma_start3A_497 : memref<8x128xf32, #tpu.memory_space<hbm>>) target_semaphore(%arg9 : memref<!tpu.dma_semaphore, #tpu.memory_space<semaphore_mem>>)
      %dma_start3A_502 = arith.constant 2 : i32
      %dma_start3A_503 = arith.constant 16 : i32
      %dma_start3A_504 = arith.constant 0 : i32
      %dma_start3A_505 = tpu.memref_slice %arg7[%select_n3A_467, %dma_start3A_503, %dma_start3A_504] : memref<2x64x128xf32, #tpu.memory_space<vmem>> -> memref<1x8x128xf32, #tpu.memory_space<vmem>>
      %dma_start3A_506 = tpu.memref_squeeze %dma_start3A_505 : memref<1x8x128xf32, #tpu.memory_space<vmem>> -> memref<8x128xf32, #tpu.memory_space<vmem>>
      %dma_start3A_507 = arith.constant 0 : i32
      %dma_start3A_508 = arith.constant 0 : i32
      %dma_start3A_509 = tpu.memref_slice %arg4[%add3A_422, %dma_start3A_502, %add3A, %dma_start3A_507, %dma_start3A_508] : memref<200x8x32x8x128xf32, #tpu.memory_space<hbm>> -> memref<1x1x1x8x128xf32, #tpu.memory_space<hbm>>
      %dma_start3A_510 = tpu.memref_squeeze %dma_start3A_509 : memref<1x1x1x8x128xf32, #tpu.memory_space<hbm>> -> memref<8x128xf32, #tpu.memory_space<hbm>>
      %dma_start3A_511 = arith.constant 0 : i32
      %dma_start3A_512 = arith.constant 0 : i32
      %dma_start3A_513 = tpu.memref_slice %arg4[%add3A_422, %dma_start3A_502, %add3A, %dma_start3A_511, %dma_start3A_512] : memref<200x8x32x8x128xf32, #tpu.memory_space<hbm>> -> memref<1x1x1x8x128xf32, #tpu.memory_space<hbm>>
      %dma_start3A_514 = tpu.memref_squeeze %dma_start3A_513 : memref<1x1x1x8x128xf32, #tpu.memory_space<hbm>> -> memref<8x128xf32, #tpu.memory_space<hbm>>
      %dma_start3A_515 = arith.constant 16 : i32
      %dma_start3A_516 = arith.constant 0 : i32
      %dma_start3A_517 = tpu.memref_slice %arg7[%select_n3A_467, %dma_start3A_515, %dma_start3A_516] : memref<2x64x128xf32, #tpu.memory_space<vmem>> -> memref<1x8x128xf32, #tpu.memory_space<vmem>>
      %dma_start3A_518 = tpu.memref_squeeze %dma_start3A_517 : memref<1x8x128xf32, #tpu.memory_space<vmem>> -> memref<8x128xf32, #tpu.memory_space<vmem>>
      tpu.enqueue_dma source(%dma_start3A_518 : memref<8x128xf32, #tpu.memory_space<vmem>>) target(%dma_start3A_514 : memref<8x128xf32, #tpu.memory_space<hbm>>) target_semaphore(%arg9 : memref<!tpu.dma_semaphore, #tpu.memory_space<semaphore_mem>>)
      %dma_start3A_519 = arith.constant 3 : i32
      %dma_start3A_520 = arith.constant 24 : i32
      %dma_start3A_521 = arith.constant 0 : i32
      %dma_start3A_522 = tpu.memref_slice %arg7[%select_n3A_467, %dma_start3A_520, %dma_start3A_521] : memref<2x64x128xf32, #tpu.memory_space<vmem>> -> memref<1x8x128xf32, #tpu.memory_space<vmem>>
      %dma_start3A_523 = tpu.memref_squeeze %dma_start3A_522 : memref<1x8x128xf32, #tpu.memory_space<vmem>> -> memref<8x128xf32, #tpu.memory_space<vmem>>
      %dma_start3A_524 = arith.constant 0 : i32
      %dma_start3A_525 = arith.constant 0 : i32
      %dma_start3A_526 = tpu.memref_slice %arg4[%add3A_422, %dma_start3A_519, %add3A, %dma_start3A_524, %dma_start3A_525] : memref<200x8x32x8x128xf32, #tpu.memory_space<hbm>> -> memref<1x1x1x8x128xf32, #tpu.memory_space<hbm>>
      %dma_start3A_527 = tpu.memref_squeeze %dma_start3A_526 : memref<1x1x1x8x128xf32, #tpu.memory_space<hbm>> -> memref<8x128xf32, #tpu.memory_space<hbm>>
      %dma_start3A_528 = arith.constant 0 : i32
      %dma_start3A_529 = arith.constant 0 : i32
      %dma_start3A_530 = tpu.memref_slice %arg4[%add3A_422, %dma_start3A_519, %add3A, %dma_start3A_528, %dma_start3A_529] : memref<200x8x32x8x128xf32, #tpu.memory_space<hbm>> -> memref<1x1x1x8x128xf32, #tpu.memory_space<hbm>>
      %dma_start3A_531 = tpu.memref_squeeze %dma_start3A_530 : memref<1x1x1x8x128xf32, #tpu.memory_space<hbm>> -> memref<8x128xf32, #tpu.memory_space<hbm>>
      %dma_start3A_532 = arith.constant 24 : i32
      %dma_start3A_533 = arith.constant 0 : i32
      %dma_start3A_534 = tpu.memref_slice %arg7[%select_n3A_467, %dma_start3A_532, %dma_start3A_533] : memref<2x64x128xf32, #tpu.memory_space<vmem>> -> memref<1x8x128xf32, #tpu.memory_space<vmem>>
      %dma_start3A_535 = tpu.memref_squeeze %dma_start3A_534 : memref<1x8x128xf32, #tpu.memory_space<vmem>> -> memref<8x128xf32, #tpu.memory_space<vmem>>
      tpu.enqueue_dma source(%dma_start3A_535 : memref<8x128xf32, #tpu.memory_space<vmem>>) target(%dma_start3A_531 : memref<8x128xf32, #tpu.memory_space<hbm>>) target_semaphore(%arg9 : memref<!tpu.dma_semaphore, #tpu.memory_space<semaphore_mem>>)
      %dma_start3A_536 = arith.constant 4 : i32
      %dma_start3A_537 = arith.constant 32 : i32
      %dma_start3A_538 = arith.constant 0 : i32
      %dma_start3A_539 = tpu.memref_slice %arg7[%select_n3A_467, %dma_start3A_537, %dma_start3A_538] : memref<2x64x128xf32, #tpu.memory_space<vmem>> -> memref<1x8x128xf32, #tpu.memory_space<vmem>>
      %dma_start3A_540 = tpu.memref_squeeze %dma_start3A_539 : memref<1x8x128xf32, #tpu.memory_space<vmem>> -> memref<8x128xf32, #tpu.memory_space<vmem>>
      %dma_start3A_541 = arith.constant 0 : i32
      %dma_start3A_542 = arith.constant 0 : i32
      %dma_start3A_543 = tpu.memref_slice %arg4[%add3A_422, %dma_start3A_536, %add3A, %dma_start3A_541, %dma_start3A_542] : memref<200x8x32x8x128xf32, #tpu.memory_space<hbm>> -> memref<1x1x1x8x128xf32, #tpu.memory_space<hbm>>
      %dma_start3A_544 = tpu.memref_squeeze %dma_start3A_543 : memref<1x1x1x8x128xf32, #tpu.memory_space<hbm>> -> memref<8x128xf32, #tpu.memory_space<hbm>>
      %dma_start3A_545 = arith.constant 0 : i32
      %dma_start3A_546 = arith.constant 0 : i32
      %dma_start3A_547 = tpu.memref_slice %arg4[%add3A_422, %dma_start3A_536, %add3A, %dma_start3A_545, %dma_start3A_546] : memref<200x8x32x8x128xf32, #tpu.memory_space<hbm>> -> memref<1x1x1x8x128xf32, #tpu.memory_space<hbm>>
      %dma_start3A_548 = tpu.memref_squeeze %dma_start3A_547 : memref<1x1x1x8x128xf32, #tpu.memory_space<hbm>> -> memref<8x128xf32, #tpu.memory_space<hbm>>
      %dma_start3A_549 = arith.constant 32 : i32
      %dma_start3A_550 = arith.constant 0 : i32
      %dma_start3A_551 = tpu.memref_slice %arg7[%select_n3A_467, %dma_start3A_549, %dma_start3A_550] : memref<2x64x128xf32, #tpu.memory_space<vmem>> -> memref<1x8x128xf32, #tpu.memory_space<vmem>>
      %dma_start3A_552 = tpu.memref_squeeze %dma_start3A_551 : memref<1x8x128xf32, #tpu.memory_space<vmem>> -> memref<8x128xf32, #tpu.memory_space<vmem>>
      tpu.enqueue_dma source(%dma_start3A_552 : memref<8x128xf32, #tpu.memory_space<vmem>>) target(%dma_start3A_548 : memref<8x128xf32, #tpu.memory_space<hbm>>) target_semaphore(%arg9 : memref<!tpu.dma_semaphore, #tpu.memory_space<semaphore_mem>>)
      %dma_start3A_553 = arith.constant 5 : i32
      %dma_start3A_554 = arith.constant 40 : i32
      %dma_start3A_555 = arith.constant 0 : i32
      %dma_start3A_556 = tpu.memref_slice %arg7[%select_n3A_467, %dma_start3A_554, %dma_start3A_555] : memref<2x64x128xf32, #tpu.memory_space<vmem>> -> memref<1x8x128xf32, #tpu.memory_space<vmem>>
      %dma_start3A_557 = tpu.memref_squeeze %dma_start3A_556 : memref<1x8x128xf32, #tpu.memory_space<vmem>> -> memref<8x128xf32, #tpu.memory_space<vmem>>
      %dma_start3A_558 = arith.constant 0 : i32
      %dma_start3A_559 = arith.constant 0 : i32
      %dma_start3A_560 = tpu.memref_slice %arg4[%add3A_422, %dma_start3A_553, %add3A, %dma_start3A_558, %dma_start3A_559] : memref<200x8x32x8x128xf32, #tpu.memory_space<hbm>> -> memref<1x1x1x8x128xf32, #tpu.memory_space<hbm>>
      %dma_start3A_561 = tpu.memref_squeeze %dma_start3A_560 : memref<1x1x1x8x128xf32, #tpu.memory_space<hbm>> -> memref<8x128xf32, #tpu.memory_space<hbm>>
      %dma_start3A_562 = arith.constant 0 : i32
      %dma_start3A_563 = arith.constant 0 : i32
      %dma_start3A_564 = tpu.memref_slice %arg4[%add3A_422, %dma_start3A_553, %add3A, %dma_start3A_562, %dma_start3A_563] : memref<200x8x32x8x128xf32, #tpu.memory_space<hbm>> -> memref<1x1x1x8x128xf32, #tpu.memory_space<hbm>>
      %dma_start3A_565 = tpu.memref_squeeze %dma_start3A_564 : memref<1x1x1x8x128xf32, #tpu.memory_space<hbm>> -> memref<8x128xf32, #tpu.memory_space<hbm>>
      %dma_start3A_566 = arith.constant 40 : i32
      %dma_start3A_567 = arith.constant 0 : i32
      %dma_start3A_568 = tpu.memref_slice %arg7[%select_n3A_467, %dma_start3A_566, %dma_start3A_567] : memref<2x64x128xf32, #tpu.memory_space<vmem>> -> memref<1x8x128xf32, #tpu.memory_space<vmem>>
      %dma_start3A_569 = tpu.memref_squeeze %dma_start3A_568 : memref<1x8x128xf32, #tpu.memory_space<vmem>> -> memref<8x128xf32, #tpu.memory_space<vmem>>
      tpu.enqueue_dma source(%dma_start3A_569 : memref<8x128xf32, #tpu.memory_space<vmem>>) target(%dma_start3A_565 : memref<8x128xf32, #tpu.memory_space<hbm>>) target_semaphore(%arg9 : memref<!tpu.dma_semaphore, #tpu.memory_space<semaphore_mem>>)
      %dma_start3A_570 = arith.constant 6 : i32
      %dma_start3A_571 = arith.constant 48 : i32
      %dma_start3A_572 = arith.constant 0 : i32
      %dma_start3A_573 = tpu.memref_slice %arg7[%select_n3A_467, %dma_start3A_571, %dma_start3A_572] : memref<2x64x128xf32, #tpu.memory_space<vmem>> -> memref<1x8x128xf32, #tpu.memory_space<vmem>>
      %dma_start3A_574 = tpu.memref_squeeze %dma_start3A_573 : memref<1x8x128xf32, #tpu.memory_space<vmem>> -> memref<8x128xf32, #tpu.memory_space<vmem>>
      %dma_start3A_575 = arith.constant 0 : i32
      %dma_start3A_576 = arith.constant 0 : i32
      %dma_start3A_577 = tpu.memref_slice %arg4[%add3A_422, %dma_start3A_570, %add3A, %dma_start3A_575, %dma_start3A_576] : memref<200x8x32x8x128xf32, #tpu.memory_space<hbm>> -> memref<1x1x1x8x128xf32, #tpu.memory_space<hbm>>
      %dma_start3A_578 = tpu.memref_squeeze %dma_start3A_577 : memref<1x1x1x8x128xf32, #tpu.memory_space<hbm>> -> memref<8x128xf32, #tpu.memory_space<hbm>>
      %dma_start3A_579 = arith.constant 0 : i32
      %dma_start3A_580 = arith.constant 0 : i32
      %dma_start3A_581 = tpu.memref_slice %arg4[%add3A_422, %dma_start3A_570, %add3A, %dma_start3A_579, %dma_start3A_580] : memref<200x8x32x8x128xf32, #tpu.memory_space<hbm>> -> memref<1x1x1x8x128xf32, #tpu.memory_space<hbm>>
      %dma_start3A_582 = tpu.memref_squeeze %dma_start3A_581 : memref<1x1x1x8x128xf32, #tpu.memory_space<hbm>> -> memref<8x128xf32, #tpu.memory_space<hbm>>
      %dma_start3A_583 = arith.constant 48 : i32
      %dma_start3A_584 = arith.constant 0 : i32
      %dma_start3A_585 = tpu.memref_slice %arg7[%select_n3A_467, %dma_start3A_583, %dma_start3A_584] : memref<2x64x128xf32, #tpu.memory_space<vmem>> -> memref<1x8x128xf32, #tpu.memory_space<vmem>>
      %dma_start3A_586 = tpu.memref_squeeze %dma_start3A_585 : memref<1x8x128xf32, #tpu.memory_space<vmem>> -> memref<8x128xf32, #tpu.memory_space<vmem>>
      tpu.enqueue_dma source(%dma_start3A_586 : memref<8x128xf32, #tpu.memory_space<vmem>>) target(%dma_start3A_582 : memref<8x128xf32, #tpu.memory_space<hbm>>) target_semaphore(%arg9 : memref<!tpu.dma_semaphore, #tpu.memory_space<semaphore_mem>>)
      %dma_start3A_587 = arith.constant 7 : i32
      %dma_start3A_588 = arith.constant 56 : i32
      %dma_start3A_589 = arith.constant 0 : i32
      %dma_start3A_590 = tpu.memref_slice %arg7[%select_n3A_467, %dma_start3A_588, %dma_start3A_589] : memref<2x64x128xf32, #tpu.memory_space<vmem>> -> memref<1x8x128xf32, #tpu.memory_space<vmem>>
      %dma_start3A_591 = tpu.memref_squeeze %dma_start3A_590 : memref<1x8x128xf32, #tpu.memory_space<vmem>> -> memref<8x128xf32, #tpu.memory_space<vmem>>
      %dma_start3A_592 = arith.constant 0 : i32
      %dma_start3A_593 = arith.constant 0 : i32
      %dma_start3A_594 = tpu.memref_slice %arg4[%add3A_422, %dma_start3A_587, %add3A, %dma_start3A_592, %dma_start3A_593] : memref<200x8x32x8x128xf32, #tpu.memory_space<hbm>> -> memref<1x1x1x8x128xf32, #tpu.memory_space<hbm>>
      %dma_start3A_595 = tpu.memref_squeeze %dma_start3A_594 : memref<1x1x1x8x128xf32, #tpu.memory_space<hbm>> -> memref<8x128xf32, #tpu.memory_space<hbm>>
      %dma_start3A_596 = arith.constant 0 : i32
      %dma_start3A_597 = arith.constant 0 : i32
      %dma_start3A_598 = tpu.memref_slice %arg4[%add3A_422, %dma_start3A_587, %add3A, %dma_start3A_596, %dma_start3A_597] : memref<200x8x32x8x128xf32, #tpu.memory_space<hbm>> -> memref<1x1x1x8x128xf32, #tpu.memory_space<hbm>>
      %dma_start3A_599 = tpu.memref_squeeze %dma_start3A_598 : memref<1x1x1x8x128xf32, #tpu.memory_space<hbm>> -> memref<8x128xf32, #tpu.memory_space<hbm>>
      %dma_start3A_600 = arith.constant 56 : i32
      %dma_start3A_601 = arith.constant 0 : i32
      %dma_start3A_602 = tpu.memref_slice %arg7[%select_n3A_467, %dma_start3A_600, %dma_start3A_601] : memref<2x64x128xf32, #tpu.memory_space<vmem>> -> memref<1x8x128xf32, #tpu.memory_space<vmem>>
      %dma_start3A_603 = tpu.memref_squeeze %dma_start3A_602 : memref<1x8x128xf32, #tpu.memory_space<vmem>> -> memref<8x128xf32, #tpu.memory_space<vmem>>
      tpu.enqueue_dma source(%dma_start3A_603 : memref<8x128xf32, #tpu.memory_space<vmem>>) target(%dma_start3A_599 : memref<8x128xf32, #tpu.memory_space<hbm>>) target_semaphore(%arg9 : memref<!tpu.dma_semaphore, #tpu.memory_space<semaphore_mem>>)
      %add3A_604 = arith.constant 4 : i32
      %add3A_605 = arith.addi %add3A_422, %add3A_604 : i32
      %min3A = arith.constant 199 : i32
      %min3A_606 = arith.minsi %add3A_605, %min3A : i32
      %dma_start3A_607 = arith.constant 0 : i32
      %dma_start3A_608 = arith.constant 0 : i32
      %dma_start3A_609 = arith.constant 0 : i32
      %dma_start3A_610 = tpu.memref_slice %arg6[%dma_start3A_607, %dma_start3A_608, %dma_start3A_609] : memref<4x128x64xf32, #tpu.memory_space<vmem>> -> memref<1x128x64xf32, #tpu.memory_space<vmem>>
      %dma_start3A_611 = tpu.memref_squeeze %dma_start3A_610 : memref<1x128x64xf32, #tpu.memory_space<vmem>> -> memref<128x64xf32, #tpu.memory_space<vmem>>
      %dma_start3A_612 = arith.constant 0 : i32
      %dma_start3A_613 = tpu.memref_slice %arg5[%min3A_606, %dma_start3A_612] : memref<200x128xi32, #tpu.memory_space<vmem>> -> memref<1x128xi32, #tpu.memory_space<vmem>>
      %dma_start3A_614 = tpu.memref_squeeze %dma_start3A_613 : memref<1x128xi32, #tpu.memory_space<vmem>> -> memref<128xi32, #tpu.memory_space<vmem>>
      %dma_start3A_615 = arith.constant 0 : i32
      %dma_start3A_616 = arith.constant 0 : i32
      %dma_start3A_617 = tpu.memref_slice %arg3[%dma_start3A_615, %dma_start3A_616] : memref<1000000x64xf32, #tpu.memory_space<hbm>> -> memref<1000000x64xf32, #tpu.memory_space<hbm>>
      tpu.enqueue_indirect_dma source(%dma_start3A_617 : memref<1000000x64xf32, #tpu.memory_space<hbm>>) target(%dma_start3A_611 : memref<128x64xf32, #tpu.memory_space<vmem>>) offsets(%dma_start3A_614 : memref<128xi32, #tpu.memory_space<vmem>>) semaphore(%arg8 : memref<!tpu.dma_semaphore, #tpu.memory_space<semaphore_mem>>)
      %add3A_618 = arith.constant 1 : i32
      %add3A_619 = arith.addi %mul3A_420, %add3A_618 : i32
      %dma_wait3A_620 = arith.constant 1 : i32
      %dma_wait3A_621 = arith.constant 0 : i32
      %dma_wait3A_622 = arith.constant 0 : i32
      %dma_wait3A_623 = tpu.memref_slice %arg6[%dma_wait3A_620, %dma_wait3A_621, %dma_wait3A_622] : memref<4x128x64xf32, #tpu.memory_space<vmem>> -> memref<1x128x64xf32, #tpu.memory_space<vmem>>
      %dma_wait3A_624 = tpu.memref_squeeze %dma_wait3A_623 : memref<1x128x64xf32, #tpu.memory_space<vmem>> -> memref<128x64xf32, #tpu.memory_space<vmem>>
      %dma_wait3A_625 = arith.constant 0 : i32
      %dma_wait3A_626 = arith.constant 0 : i32
      %dma_wait3A_627 = tpu.memref_slice %arg3[%dma_wait3A_625, %dma_wait3A_626] : memref<1000000x64xf32, #tpu.memory_space<hbm>> -> memref<128x64xf32, #tpu.memory_space<hbm>>
      %dma_wait3A_628 = arith.constant 0 : i32
      %dma_wait3A_629 = arith.constant 0 : i32
      %dma_wait3A_630 = tpu.memref_slice %arg6[%dma_wait3A_620, %dma_wait3A_628, %dma_wait3A_629] : memref<4x128x64xf32, #tpu.memory_space<vmem>> -> memref<1x128x64xf32, #tpu.memory_space<vmem>>
      %dma_wait3A_631 = tpu.memref_squeeze %dma_wait3A_630 : memref<1x128x64xf32, #tpu.memory_space<vmem>> -> memref<128x64xf32, #tpu.memory_space<vmem>>
      %dma_wait3A_632 = arith.constant 0 : i32
      %dma_wait3A_633 = arith.constant 0 : i32
      %dma_wait3A_634 = tpu.memref_slice %arg3[%dma_wait3A_632, %dma_wait3A_633] : memref<1000000x64xf32, #tpu.memory_space<hbm>> -> memref<128x64xf32, #tpu.memory_space<hbm>>
      tpu.wait_dma2 semaphore(%arg8 : memref<!tpu.dma_semaphore, #tpu.memory_space<semaphore_mem>>) src(%dma_wait3A_634 : memref<128x64xf32, #tpu.memory_space<hbm>>) dst(%dma_wait3A_631 : memref<128x64xf32, #tpu.memory_space<vmem>>)
      %ge3A_635 = arith.constant 2 : i32
      %ge3A_636 = arith.cmpi sge, %add3A_619, %ge3A_635 : i32
      %convert_element_type3A_637 = arith.extui %ge3A_636 : i1 to i32
      %cond3A_638 = arith.constant 0 : i32
      %cond3A_639 = arith.cmpi ne, %convert_element_type3A_637, %cond3A_638 : i32
      scf.if %cond3A_639 {
        %jit3A_1245 = arith.constant 2 : i32
        %eq3A_1246 = arith.constant 0 : i32
        %eq3A_1247 = arith.cmpi eq, %jit3A_1245, %eq3A_1246 : i32
        %jit3A_1248 = arith.constant 1 : i32
        %select_n3A_1249 = arith.select %eq3A_1247, %jit3A_1248, %jit3A_1245 : i32
        %rem3A_1250 = arith.remsi %add3A_619, %select_n3A_1249 : i32
        %ne3A_1251 = arith.constant 0 : i32
        %ne3A_1252 = arith.cmpi ne, %rem3A_1250, %ne3A_1251 : i32
        %lt3A_1253 = arith.constant 0 : i32
        %lt3A_1254 = arith.cmpi slt, %rem3A_1250, %lt3A_1253 : i32
        %lt3A_1255 = arith.constant 0 : i32
        %lt3A_1256 = arith.cmpi slt, %select_n3A_1249, %lt3A_1255 : i32
        %ne3A_1257 = arith.xori %lt3A_1254, %lt3A_1256 : i1
        %and3A_1258 = arith.andi %ne3A_1257, %ne3A_1252 : i1
        %add3A_1259 = arith.addi %rem3A_1250, %select_n3A_1249 : i32
        %select_n3A_1260 = arith.select %and3A_1258, %add3A_1259, %rem3A_1250 : i32
        %dma_wait3A_1261 = arith.constant 0 : i32
        %dma_wait3A_1262 = arith.constant 0 : i32
        %dma_wait3A_1263 = arith.constant 0 : i32
        %dma_wait3A_1264 = arith.constant 0 : i32
        %dma_wait3A_1265 = tpu.memref_slice %arg7[%select_n3A_1260, %dma_wait3A_1263, %dma_wait3A_1264] : memref<2x64x128xf32, #tpu.memory_space<vmem>> -> memref<1x8x128xf32, #tpu.memory_space<vmem>>
        %dma_wait3A_1266 = tpu.memref_squeeze %dma_wait3A_1265 : memref<1x8x128xf32, #tpu.memory_space<vmem>> -> memref<8x128xf32, #tpu.memory_space<vmem>>
        %dma_wait3A_1267 = arith.constant 0 : i32
        %dma_wait3A_1268 = arith.constant 0 : i32
        %dma_wait3A_1269 = tpu.memref_slice %arg4[%dma_wait3A_1261, %dma_wait3A_1262, %add3A, %dma_wait3A_1267, %dma_wait3A_1268] : memref<200x8x32x8x128xf32, #tpu.memory_space<hbm>> -> memref<1x1x1x8x128xf32, #tpu.memory_space<hbm>>
        %dma_wait3A_1270 = tpu.memref_squeeze %dma_wait3A_1269 : memref<1x1x1x8x128xf32, #tpu.memory_space<hbm>> -> memref<8x128xf32, #tpu.memory_space<hbm>>
        %dma_wait3A_1271 = arith.constant 0 : i32
        %dma_wait3A_1272 = arith.constant 0 : i32
        %dma_wait3A_1273 = tpu.memref_slice %arg4[%dma_wait3A_1261, %dma_wait3A_1262, %add3A, %dma_wait3A_1271, %dma_wait3A_1272] : memref<200x8x32x8x128xf32, #tpu.memory_space<hbm>> -> memref<1x1x1x8x128xf32, #tpu.memory_space<hbm>>
        %dma_wait3A_1274 = tpu.memref_squeeze %dma_wait3A_1273 : memref<1x1x1x8x128xf32, #tpu.memory_space<hbm>> -> memref<8x128xf32, #tpu.memory_space<hbm>>
        %dma_wait3A_1275 = arith.constant 0 : i32
        %dma_wait3A_1276 = arith.constant 0 : i32
        %dma_wait3A_1277 = tpu.memref_slice %arg7[%select_n3A_1260, %dma_wait3A_1275, %dma_wait3A_1276] : memref<2x64x128xf32, #tpu.memory_space<vmem>> -> memref<1x8x128xf32, #tpu.memory_space<vmem>>
        %dma_wait3A_1278 = tpu.memref_squeeze %dma_wait3A_1277 : memref<1x8x128xf32, #tpu.memory_space<vmem>> -> memref<8x128xf32, #tpu.memory_space<vmem>>
        tpu.wait_dma2 semaphore(%arg9 : memref<!tpu.dma_semaphore, #tpu.memory_space<semaphore_mem>>) src(%dma_wait3A_1278 : memref<8x128xf32, #tpu.memory_space<vmem>>) dst(%dma_wait3A_1274 : memref<8x128xf32, #tpu.memory_space<hbm>>)
        %dma_wait3A_1279 = arith.constant 0 : i32
        %dma_wait3A_1280 = arith.constant 1 : i32
        %dma_wait3A_1281 = arith.constant 8 : i32
        %dma_wait3A_1282 = arith.constant 0 : i32
        %dma_wait3A_1283 = tpu.memref_slice %arg7[%select_n3A_1260, %dma_wait3A_1281, %dma_wait3A_1282] : memref<2x64x128xf32, #tpu.memory_space<vmem>> -> memref<1x8x128xf32, #tpu.memory_space<vmem>>
        %dma_wait3A_1284 = tpu.memref_squeeze %dma_wait3A_1283 : memref<1x8x128xf32, #tpu.memory_space<vmem>> -> memref<8x128xf32, #tpu.memory_space<vmem>>
        %dma_wait3A_1285 = arith.constant 0 : i32
        %dma_wait3A_1286 = arith.constant 0 : i32
        %dma_wait3A_1287 = tpu.memref_slice %arg4[%dma_wait3A_1279, %dma_wait3A_1280, %add3A, %dma_wait3A_1285, %dma_wait3A_1286] : memref<200x8x32x8x128xf32, #tpu.memory_space<hbm>> -> memref<1x1x1x8x128xf32, #tpu.memory_space<hbm>>
        %dma_wait3A_1288 = tpu.memref_squeeze %dma_wait3A_1287 : memref<1x1x1x8x128xf32, #tpu.memory_space<hbm>> -> memref<8x128xf32, #tpu.memory_space<hbm>>
        %dma_wait3A_1289 = arith.constant 0 : i32
        %dma_wait3A_1290 = arith.constant 0 : i32
        %dma_wait3A_1291 = tpu.memref_slice %arg4[%dma_wait3A_1279, %dma_wait3A_1280, %add3A, %dma_wait3A_1289, %dma_wait3A_1290] : memref<200x8x32x8x128xf32, #tpu.memory_space<hbm>> -> memref<1x1x1x8x128xf32, #tpu.memory_space<hbm>>
        %dma_wait3A_1292 = tpu.memref_squeeze %dma_wait3A_1291 : memref<1x1x1x8x128xf32, #tpu.memory_space<hbm>> -> memref<8x128xf32, #tpu.memory_space<hbm>>
        %dma_wait3A_1293 = arith.constant 8 : i32
        %dma_wait3A_1294 = arith.constant 0 : i32
        %dma_wait3A_1295 = tpu.memref_slice %arg7[%select_n3A_1260, %dma_wait3A_1293, %dma_wait3A_1294] : memref<2x64x128xf32, #tpu.memory_space<vmem>> -> memref<1x8x128xf32, #tpu.memory_space<vmem>>
        %dma_wait3A_1296 = tpu.memref_squeeze %dma_wait3A_1295 : memref<1x8x128xf32, #tpu.memory_space<vmem>> -> memref<8x128xf32, #tpu.memory_space<vmem>>
        tpu.wait_dma2 semaphore(%arg9 : memref<!tpu.dma_semaphore, #tpu.memory_space<semaphore_mem>>) src(%dma_wait3A_1296 : memref<8x128xf32, #tpu.memory_space<vmem>>) dst(%dma_wait3A_1292 : memref<8x128xf32, #tpu.memory_space<hbm>>)
        %dma_wait3A_1297 = arith.constant 0 : i32
        %dma_wait3A_1298 = arith.constant 2 : i32
        %dma_wait3A_1299 = arith.constant 16 : i32
        %dma_wait3A_1300 = arith.constant 0 : i32
        %dma_wait3A_1301 = tpu.memref_slice %arg7[%select_n3A_1260, %dma_wait3A_1299, %dma_wait3A_1300] : memref<2x64x128xf32, #tpu.memory_space<vmem>> -> memref<1x8x128xf32, #tpu.memory_space<vmem>>
        %dma_wait3A_1302 = tpu.memref_squeeze %dma_wait3A_1301 : memref<1x8x128xf32, #tpu.memory_space<vmem>> -> memref<8x128xf32, #tpu.memory_space<vmem>>
        %dma_wait3A_1303 = arith.constant 0 : i32
        %dma_wait3A_1304 = arith.constant 0 : i32
        %dma_wait3A_1305 = tpu.memref_slice %arg4[%dma_wait3A_1297, %dma_wait3A_1298, %add3A, %dma_wait3A_1303, %dma_wait3A_1304] : memref<200x8x32x8x128xf32, #tpu.memory_space<hbm>> -> memref<1x1x1x8x128xf32, #tpu.memory_space<hbm>>
        %dma_wait3A_1306 = tpu.memref_squeeze %dma_wait3A_1305 : memref<1x1x1x8x128xf32, #tpu.memory_space<hbm>> -> memref<8x128xf32, #tpu.memory_space<hbm>>
        %dma_wait3A_1307 = arith.constant 0 : i32
        %dma_wait3A_1308 = arith.constant 0 : i32
        %dma_wait3A_1309 = tpu.memref_slice %arg4[%dma_wait3A_1297, %dma_wait3A_1298, %add3A, %dma_wait3A_1307, %dma_wait3A_1308] : memref<200x8x32x8x128xf32, #tpu.memory_space<hbm>> -> memref<1x1x1x8x128xf32, #tpu.memory_space<hbm>>
        %dma_wait3A_1310 = tpu.memref_squeeze %dma_wait3A_1309 : memref<1x1x1x8x128xf32, #tpu.memory_space<hbm>> -> memref<8x128xf32, #tpu.memory_space<hbm>>
        %dma_wait3A_1311 = arith.constant 16 : i32
        %dma_wait3A_1312 = arith.constant 0 : i32
        %dma_wait3A_1313 = tpu.memref_slice %arg7[%select_n3A_1260, %dma_wait3A_1311, %dma_wait3A_1312] : memref<2x64x128xf32, #tpu.memory_space<vmem>> -> memref<1x8x128xf32, #tpu.memory_space<vmem>>
        %dma_wait3A_1314 = tpu.memref_squeeze %dma_wait3A_1313 : memref<1x8x128xf32, #tpu.memory_space<vmem>> -> memref<8x128xf32, #tpu.memory_space<vmem>>
        tpu.wait_dma2 semaphore(%arg9 : memref<!tpu.dma_semaphore, #tpu.memory_space<semaphore_mem>>) src(%dma_wait3A_1314 : memref<8x128xf32, #tpu.memory_space<vmem>>) dst(%dma_wait3A_1310 : memref<8x128xf32, #tpu.memory_space<hbm>>)
        %dma_wait3A_1315 = arith.constant 0 : i32
        %dma_wait3A_1316 = arith.constant 3 : i32
        %dma_wait3A_1317 = arith.constant 24 : i32
        %dma_wait3A_1318 = arith.constant 0 : i32
        %dma_wait3A_1319 = tpu.memref_slice %arg7[%select_n3A_1260, %dma_wait3A_1317, %dma_wait3A_1318] : memref<2x64x128xf32, #tpu.memory_space<vmem>> -> memref<1x8x128xf32, #tpu.memory_space<vmem>>
        %dma_wait3A_1320 = tpu.memref_squeeze %dma_wait3A_1319 : memref<1x8x128xf32, #tpu.memory_space<vmem>> -> memref<8x128xf32, #tpu.memory_space<vmem>>
        %dma_wait3A_1321 = arith.constant 0 : i32
        %dma_wait3A_1322 = arith.constant 0 : i32
        %dma_wait3A_1323 = tpu.memref_slice %arg4[%dma_wait3A_1315, %dma_wait3A_1316, %add3A, %dma_wait3A_1321, %dma_wait3A_1322] : memref<200x8x32x8x128xf32, #tpu.memory_space<hbm>> -> memref<1x1x1x8x128xf32, #tpu.memory_space<hbm>>
        %dma_wait3A_1324 = tpu.memref_squeeze %dma_wait3A_1323 : memref<1x1x1x8x128xf32, #tpu.memory_space<hbm>> -> memref<8x128xf32, #tpu.memory_space<hbm>>
        %dma_wait3A_1325 = arith.constant 0 : i32
        %dma_wait3A_1326 = arith.constant 0 : i32
        %dma_wait3A_1327 = tpu.memref_slice %arg4[%dma_wait3A_1315, %dma_wait3A_1316, %add3A, %dma_wait3A_1325, %dma_wait3A_1326] : memref<200x8x32x8x128xf32, #tpu.memory_space<hbm>> -> memref<1x1x1x8x128xf32, #tpu.memory_space<hbm>>
        %dma_wait3A_1328 = tpu.memref_squeeze %dma_wait3A_1327 : memref<1x1x1x8x128xf32, #tpu.memory_space<hbm>> -> memref<8x128xf32, #tpu.memory_space<hbm>>
        %dma_wait3A_1329 = arith.constant 24 : i32
        %dma_wait3A_1330 = arith.constant 0 : i32
        %dma_wait3A_1331 = tpu.memref_slice %arg7[%select_n3A_1260, %dma_wait3A_1329, %dma_wait3A_1330] : memref<2x64x128xf32, #tpu.memory_space<vmem>> -> memref<1x8x128xf32, #tpu.memory_space<vmem>>
        %dma_wait3A_1332 = tpu.memref_squeeze %dma_wait3A_1331 : memref<1x8x128xf32, #tpu.memory_space<vmem>> -> memref<8x128xf32, #tpu.memory_space<vmem>>
        tpu.wait_dma2 semaphore(%arg9 : memref<!tpu.dma_semaphore, #tpu.memory_space<semaphore_mem>>) src(%dma_wait3A_1332 : memref<8x128xf32, #tpu.memory_space<vmem>>) dst(%dma_wait3A_1328 : memref<8x128xf32, #tpu.memory_space<hbm>>)
        %dma_wait3A_1333 = arith.constant 0 : i32
        %dma_wait3A_1334 = arith.constant 4 : i32
        %dma_wait3A_1335 = arith.constant 32 : i32
        %dma_wait3A_1336 = arith.constant 0 : i32
        %dma_wait3A_1337 = tpu.memref_slice %arg7[%select_n3A_1260, %dma_wait3A_1335, %dma_wait3A_1336] : memref<2x64x128xf32, #tpu.memory_space<vmem>> -> memref<1x8x128xf32, #tpu.memory_space<vmem>>
        %dma_wait3A_1338 = tpu.memref_squeeze %dma_wait3A_1337 : memref<1x8x128xf32, #tpu.memory_space<vmem>> -> memref<8x128xf32, #tpu.memory_space<vmem>>
        %dma_wait3A_1339 = arith.constant 0 : i32
        %dma_wait3A_1340 = arith.constant 0 : i32
        %dma_wait3A_1341 = tpu.memref_slice %arg4[%dma_wait3A_1333, %dma_wait3A_1334, %add3A, %dma_wait3A_1339, %dma_wait3A_1340] : memref<200x8x32x8x128xf32, #tpu.memory_space<hbm>> -> memref<1x1x1x8x128xf32, #tpu.memory_space<hbm>>
        %dma_wait3A_1342 = tpu.memref_squeeze %dma_wait3A_1341 : memref<1x1x1x8x128xf32, #tpu.memory_space<hbm>> -> memref<8x128xf32, #tpu.memory_space<hbm>>
        %dma_wait3A_1343 = arith.constant 0 : i32
        %dma_wait3A_1344 = arith.constant 0 : i32
        %dma_wait3A_1345 = tpu.memref_slice %arg4[%dma_wait3A_1333, %dma_wait3A_1334, %add3A, %dma_wait3A_1343, %dma_wait3A_1344] : memref<200x8x32x8x128xf32, #tpu.memory_space<hbm>> -> memref<1x1x1x8x128xf32, #tpu.memory_space<hbm>>
        %dma_wait3A_1346 = tpu.memref_squeeze %dma_wait3A_1345 : memref<1x1x1x8x128xf32, #tpu.memory_space<hbm>> -> memref<8x128xf32, #tpu.memory_space<hbm>>
        %dma_wait3A_1347 = arith.constant 32 : i32
        %dma_wait3A_1348 = arith.constant 0 : i32
        %dma_wait3A_1349 = tpu.memref_slice %arg7[%select_n3A_1260, %dma_wait3A_1347, %dma_wait3A_1348] : memref<2x64x128xf32, #tpu.memory_space<vmem>> -> memref<1x8x128xf32, #tpu.memory_space<vmem>>
        %dma_wait3A_1350 = tpu.memref_squeeze %dma_wait3A_1349 : memref<1x8x128xf32, #tpu.memory_space<vmem>> -> memref<8x128xf32, #tpu.memory_space<vmem>>
        tpu.wait_dma2 semaphore(%arg9 : memref<!tpu.dma_semaphore, #tpu.memory_space<semaphore_mem>>) src(%dma_wait3A_1350 : memref<8x128xf32, #tpu.memory_space<vmem>>) dst(%dma_wait3A_1346 : memref<8x128xf32, #tpu.memory_space<hbm>>)
        %dma_wait3A_1351 = arith.constant 0 : i32
        %dma_wait3A_1352 = arith.constant 5 : i32
        %dma_wait3A_1353 = arith.constant 40 : i32
        %dma_wait3A_1354 = arith.constant 0 : i32
        %dma_wait3A_1355 = tpu.memref_slice %arg7[%select_n3A_1260, %dma_wait3A_1353, %dma_wait3A_1354] : memref<2x64x128xf32, #tpu.memory_space<vmem>> -> memref<1x8x128xf32, #tpu.memory_space<vmem>>
        %dma_wait3A_1356 = tpu.memref_squeeze %dma_wait3A_1355 : memref<1x8x128xf32, #tpu.memory_space<vmem>> -> memref<8x128xf32, #tpu.memory_space<vmem>>
        %dma_wait3A_1357 = arith.constant 0 : i32
        %dma_wait3A_1358 = arith.constant 0 : i32
        %dma_wait3A_1359 = tpu.memref_slice %arg4[%dma_wait3A_1351, %dma_wait3A_1352, %add3A, %dma_wait3A_1357, %dma_wait3A_1358] : memref<200x8x32x8x128xf32, #tpu.memory_space<hbm>> -> memref<1x1x1x8x128xf32, #tpu.memory_space<hbm>>
        %dma_wait3A_1360 = tpu.memref_squeeze %dma_wait3A_1359 : memref<1x1x1x8x128xf32, #tpu.memory_space<hbm>> -> memref<8x128xf32, #tpu.memory_space<hbm>>
        %dma_wait3A_1361 = arith.constant 0 : i32
        %dma_wait3A_1362 = arith.constant 0 : i32
        %dma_wait3A_1363 = tpu.memref_slice %arg4[%dma_wait3A_1351, %dma_wait3A_1352, %add3A, %dma_wait3A_1361, %dma_wait3A_1362] : memref<200x8x32x8x128xf32, #tpu.memory_space<hbm>> -> memref<1x1x1x8x128xf32, #tpu.memory_space<hbm>>
        %dma_wait3A_1364 = tpu.memref_squeeze %dma_wait3A_1363 : memref<1x1x1x8x128xf32, #tpu.memory_space<hbm>> -> memref<8x128xf32, #tpu.memory_space<hbm>>
        %dma_wait3A_1365 = arith.constant 40 : i32
        %dma_wait3A_1366 = arith.constant 0 : i32
        %dma_wait3A_1367 = tpu.memref_slice %arg7[%select_n3A_1260, %dma_wait3A_1365, %dma_wait3A_1366] : memref<2x64x128xf32, #tpu.memory_space<vmem>> -> memref<1x8x128xf32, #tpu.memory_space<vmem>>
        %dma_wait3A_1368 = tpu.memref_squeeze %dma_wait3A_1367 : memref<1x8x128xf32, #tpu.memory_space<vmem>> -> memref<8x128xf32, #tpu.memory_space<vmem>>
        tpu.wait_dma2 semaphore(%arg9 : memref<!tpu.dma_semaphore, #tpu.memory_space<semaphore_mem>>) src(%dma_wait3A_1368 : memref<8x128xf32, #tpu.memory_space<vmem>>) dst(%dma_wait3A_1364 : memref<8x128xf32, #tpu.memory_space<hbm>>)
        %dma_wait3A_1369 = arith.constant 0 : i32
        %dma_wait3A_1370 = arith.constant 6 : i32
        %dma_wait3A_1371 = arith.constant 48 : i32
        %dma_wait3A_1372 = arith.constant 0 : i32
        %dma_wait3A_1373 = tpu.memref_slice %arg7[%select_n3A_1260, %dma_wait3A_1371, %dma_wait3A_1372] : memref<2x64x128xf32, #tpu.memory_space<vmem>> -> memref<1x8x128xf32, #tpu.memory_space<vmem>>
        %dma_wait3A_1374 = tpu.memref_squeeze %dma_wait3A_1373 : memref<1x8x128xf32, #tpu.memory_space<vmem>> -> memref<8x128xf32, #tpu.memory_space<vmem>>
        %dma_wait3A_1375 = arith.constant 0 : i32
        %dma_wait3A_1376 = arith.constant 0 : i32
        %dma_wait3A_1377 = tpu.memref_slice %arg4[%dma_wait3A_1369, %dma_wait3A_1370, %add3A, %dma_wait3A_1375, %dma_wait3A_1376] : memref<200x8x32x8x128xf32, #tpu.memory_space<hbm>> -> memref<1x1x1x8x128xf32, #tpu.memory_space<hbm>>
        %dma_wait3A_1378 = tpu.memref_squeeze %dma_wait3A_1377 : memref<1x1x1x8x128xf32, #tpu.memory_space<hbm>> -> memref<8x128xf32, #tpu.memory_space<hbm>>
        %dma_wait3A_1379 = arith.constant 0 : i32
        %dma_wait3A_1380 = arith.constant 0 : i32
        %dma_wait3A_1381 = tpu.memref_slice %arg4[%dma_wait3A_1369, %dma_wait3A_1370, %add3A, %dma_wait3A_1379, %dma_wait3A_1380] : memref<200x8x32x8x128xf32, #tpu.memory_space<hbm>> -> memref<1x1x1x8x128xf32, #tpu.memory_space<hbm>>
        %dma_wait3A_1382 = tpu.memref_squeeze %dma_wait3A_1381 : memref<1x1x1x8x128xf32, #tpu.memory_space<hbm>> -> memref<8x128xf32, #tpu.memory_space<hbm>>
        %dma_wait3A_1383 = arith.constant 48 : i32
        %dma_wait3A_1384 = arith.constant 0 : i32
        %dma_wait3A_1385 = tpu.memref_slice %arg7[%select_n3A_1260, %dma_wait3A_1383, %dma_wait3A_1384] : memref<2x64x128xf32, #tpu.memory_space<vmem>> -> memref<1x8x128xf32, #tpu.memory_space<vmem>>
        %dma_wait3A_1386 = tpu.memref_squeeze %dma_wait3A_1385 : memref<1x8x128xf32, #tpu.memory_space<vmem>> -> memref<8x128xf32, #tpu.memory_space<vmem>>
        tpu.wait_dma2 semaphore(%arg9 : memref<!tpu.dma_semaphore, #tpu.memory_space<semaphore_mem>>) src(%dma_wait3A_1386 : memref<8x128xf32, #tpu.memory_space<vmem>>) dst(%dma_wait3A_1382 : memref<8x128xf32, #tpu.memory_space<hbm>>)
        %dma_wait3A_1387 = arith.constant 0 : i32
        %dma_wait3A_1388 = arith.constant 7 : i32
        %dma_wait3A_1389 = arith.constant 56 : i32
        %dma_wait3A_1390 = arith.constant 0 : i32
        %dma_wait3A_1391 = tpu.memref_slice %arg7[%select_n3A_1260, %dma_wait3A_1389, %dma_wait3A_1390] : memref<2x64x128xf32, #tpu.memory_space<vmem>> -> memref<1x8x128xf32, #tpu.memory_space<vmem>>
        %dma_wait3A_1392 = tpu.memref_squeeze %dma_wait3A_1391 : memref<1x8x128xf32, #tpu.memory_space<vmem>> -> memref<8x128xf32, #tpu.memory_space<vmem>>
        %dma_wait3A_1393 = arith.constant 0 : i32
        %dma_wait3A_1394 = arith.constant 0 : i32
        %dma_wait3A_1395 = tpu.memref_slice %arg4[%dma_wait3A_1387, %dma_wait3A_1388, %add3A, %dma_wait3A_1393, %dma_wait3A_1394] : memref<200x8x32x8x128xf32, #tpu.memory_space<hbm>> -> memref<1x1x1x8x128xf32, #tpu.memory_space<hbm>>
        %dma_wait3A_1396 = tpu.memref_squeeze %dma_wait3A_1395 : memref<1x1x1x8x128xf32, #tpu.memory_space<hbm>> -> memref<8x128xf32, #tpu.memory_space<hbm>>
        %dma_wait3A_1397 = arith.constant 0 : i32
        %dma_wait3A_1398 = arith.constant 0 : i32
        %dma_wait3A_1399 = tpu.memref_slice %arg4[%dma_wait3A_1387, %dma_wait3A_1388, %add3A, %dma_wait3A_1397, %dma_wait3A_1398] : memref<200x8x32x8x128xf32, #tpu.memory_space<hbm>> -> memref<1x1x1x8x128xf32, #tpu.memory_space<hbm>>
        %dma_wait3A_1400 = tpu.memref_squeeze %dma_wait3A_1399 : memref<1x1x1x8x128xf32, #tpu.memory_space<hbm>> -> memref<8x128xf32, #tpu.memory_space<hbm>>
        %dma_wait3A_1401 = arith.constant 56 : i32
        %dma_wait3A_1402 = arith.constant 0 : i32
        %dma_wait3A_1403 = tpu.memref_slice %arg7[%select_n3A_1260, %dma_wait3A_1401, %dma_wait3A_1402] : memref<2x64x128xf32, #tpu.memory_space<vmem>> -> memref<1x8x128xf32, #tpu.memory_space<vmem>>
        %dma_wait3A_1404 = tpu.memref_squeeze %dma_wait3A_1403 : memref<1x8x128xf32, #tpu.memory_space<vmem>> -> memref<8x128xf32, #tpu.memory_space<vmem>>
        tpu.wait_dma2 semaphore(%arg9 : memref<!tpu.dma_semaphore, #tpu.memory_space<semaphore_mem>>) src(%dma_wait3A_1404 : memref<8x128xf32, #tpu.memory_space<vmem>>) dst(%dma_wait3A_1400 : memref<8x128xf32, #tpu.memory_space<hbm>>)
      } else {
      }
      %jit3A_640 = arith.constant 2 : i32
      %eq3A_641 = arith.constant 0 : i32
      %eq3A_642 = arith.cmpi eq, %jit3A_640, %eq3A_641 : i32
      %jit3A_643 = arith.constant 1 : i32
      %select_n3A_644 = arith.select %eq3A_642, %jit3A_643, %jit3A_640 : i32
      %rem3A_645 = arith.remsi %add3A_619, %select_n3A_644 : i32
      %ne3A_646 = arith.constant 0 : i32
      %ne3A_647 = arith.cmpi ne, %rem3A_645, %ne3A_646 : i32
      %lt3A_648 = arith.constant 0 : i32
      %lt3A_649 = arith.cmpi slt, %rem3A_645, %lt3A_648 : i32
      %lt3A_650 = arith.constant 0 : i32
      %lt3A_651 = arith.cmpi slt, %select_n3A_644, %lt3A_650 : i32
      %ne3A_652 = arith.xori %lt3A_649, %lt3A_651 : i1
      %and3A_653 = arith.andi %ne3A_652, %ne3A_647 : i1
      %add3A_654 = arith.addi %rem3A_645, %select_n3A_644 : i32
      %select_n3A_655 = arith.select %and3A_653, %add3A_654, %rem3A_645 : i32
      %parallel_loop3A_656 = arith.constant 0 : i32
      %parallel_loop3A_657 = arith.constant 512 : i32
      %parallel_loop3A_658 = arith.constant 1 : i32
      %parallel_loop3A_659 = arith.constant 1 : i32
      scf.for %parallel_loop3A_1245 = %parallel_loop3A_656 to %parallel_loop3A_657 step %parallel_loop3A_658  : i32 {
        %parallel_loop3A_1246 = arith.constant 6 : i32
        %parallel_loop3A_1247 = arith.shrsi %parallel_loop3A_1245, %parallel_loop3A_1246 : i32
        %parallel_loop3A_1248 = arith.constant 4 : i32
        %parallel_loop3A_1249 = arith.shrsi %parallel_loop3A_1245, %parallel_loop3A_1248 : i32
        %parallel_loop3A_1250 = arith.constant 3 : i32
        %parallel_loop3A_1251 = arith.andi %parallel_loop3A_1249, %parallel_loop3A_1250 : i32
        %parallel_loop3A_1252 = arith.constant 15 : i32
        %parallel_loop3A_1253 = arith.andi %parallel_loop3A_1245, %parallel_loop3A_1252 : i32
        %parallel_loop3A_1254 = arith.constant 4 : i32
        %parallel_loop3A_1255 = arith.shli %parallel_loop3A_1247, %parallel_loop3A_1254 : i32
        %parallel_loop3A_1256 = vector.broadcast %parallel_loop3A_1255 : i32 to vector<16xi32>
        %parallel_loop3A_1257 = arith.addi %iota3A, %parallel_loop3A_1256 : vector<16xi32>
        %parallel_loop3A_1258 = vector.broadcast %parallel_loop3A_1253 : i32 to vector<16xi32>
        %parallel_loop3A_1259 = arith.xori %iota3A, %parallel_loop3A_1258 : vector<16xi32>
        %parallel_loop3A_1260 = arith.constant 4 : i32
        %parallel_loop3A_1261 = arith.shli %parallel_loop3A_1251, %parallel_loop3A_1260 : i32
        %parallel_loop3A_1262 = vector.broadcast %parallel_loop3A_1261 : i32 to vector<16xi32>
        %parallel_loop3A_1263 = arith.addi %parallel_loop3A_1259, %parallel_loop3A_1262 : vector<16xi32>
        %parallel_loop3A_1264 = arith.constant 0 : i32
        %parallel_loop3A_1265 = arith.constant 0 : i32
        %parallel_loop3A_1266 = tpu.memref_slice %arg6[%parallel_loop3A_659, %parallel_loop3A_1264, %parallel_loop3A_1265] : memref<4x128x64xf32, #tpu.memory_space<vmem>> -> memref<1x128x64xf32, #tpu.memory_space<vmem>>
        %parallel_loop3A_1267 = tpu.memref_squeeze %parallel_loop3A_1266 : memref<1x128x64xf32, #tpu.memory_space<vmem>> -> memref<128x64xf32, #tpu.memory_space<vmem>>
        %parallel_loop3A_1268 = tpu.vector_load_idx %parallel_loop3A_1267[%parallel_loop3A_1257, %parallel_loop3A_1263] : memref<128x64xf32, #tpu.memory_space<vmem>>[vector<16xi32>, vector<16xi32>], vector<16xf32>,
        %parallel_loop3A_1269 = arith.constant 0 : i32
        %parallel_loop3A_1270 = arith.constant 0 : i32
        %parallel_loop3A_1271 = tpu.memref_slice %arg7[%select_n3A_655, %parallel_loop3A_1269, %parallel_loop3A_1270] : memref<2x64x128xf32, #tpu.memory_space<vmem>> -> memref<1x64x128xf32, #tpu.memory_space<vmem>>
        %parallel_loop3A_1272 = tpu.memref_squeeze %parallel_loop3A_1271 : memref<1x64x128xf32, #tpu.memory_space<vmem>> -> memref<64x128xf32, #tpu.memory_space<vmem>>
        tpu.vector_store_idx %parallel_loop3A_1272[%parallel_loop3A_1263, %parallel_loop3A_1257], %parallel_loop3A_1268 : memref<64x128xf32, #tpu.memory_space<vmem>>[vector<16xi32>, vector<16xi32>], vector<16xf32>,
      } {sc.loop_unroll_factor = 8 : i64, sc.parallel_access}
      %jit3A_660 = arith.constant 2 : i32
      %eq3A_661 = arith.constant 0 : i32
      %eq3A_662 = arith.cmpi eq, %jit3A_660, %eq3A_661 : i32
      %jit3A_663 = arith.constant 1 : i32
      %select_n3A_664 = arith.select %eq3A_662, %jit3A_663, %jit3A_660 : i32
      %rem3A_665 = arith.remsi %add3A_619, %select_n3A_664 : i32
      %ne3A_666 = arith.constant 0 : i32
      %ne3A_667 = arith.cmpi ne, %rem3A_665, %ne3A_666 : i32
      %lt3A_668 = arith.constant 0 : i32
      %lt3A_669 = arith.cmpi slt, %rem3A_665, %lt3A_668 : i32
      %lt3A_670 = arith.constant 0 : i32
      %lt3A_671 = arith.cmpi slt, %select_n3A_664, %lt3A_670 : i32
      %ne3A_672 = arith.xori %lt3A_669, %lt3A_671 : i1
      %and3A_673 = arith.andi %ne3A_672, %ne3A_667 : i1
      %add3A_674 = arith.addi %rem3A_665, %select_n3A_664 : i32
      %select_n3A_675 = arith.select %and3A_673, %add3A_674, %rem3A_665 : i32
      %dma_start3A_676 = arith.constant 0 : i32
      %dma_start3A_677 = arith.constant 0 : i32
      %dma_start3A_678 = arith.constant 0 : i32
      %dma_start3A_679 = tpu.memref_slice %arg7[%select_n3A_675, %dma_start3A_677, %dma_start3A_678] : memref<2x64x128xf32, #tpu.memory_space<vmem>> -> memref<1x8x128xf32, #tpu.memory_space<vmem>>
      %dma_start3A_680 = tpu.memref_squeeze %dma_start3A_679 : memref<1x8x128xf32, #tpu.memory_space<vmem>> -> memref<8x128xf32, #tpu.memory_space<vmem>>
      %dma_start3A_681 = arith.constant 0 : i32
      %dma_start3A_682 = arith.constant 0 : i32
      %dma_start3A_683 = tpu.memref_slice %arg4[%add3A_619, %dma_start3A_676, %add3A, %dma_start3A_681, %dma_start3A_682] : memref<200x8x32x8x128xf32, #tpu.memory_space<hbm>> -> memref<1x1x1x8x128xf32, #tpu.memory_space<hbm>>
      %dma_start3A_684 = tpu.memref_squeeze %dma_start3A_683 : memref<1x1x1x8x128xf32, #tpu.memory_space<hbm>> -> memref<8x128xf32, #tpu.memory_space<hbm>>
      %dma_start3A_685 = arith.constant 0 : i32
      %dma_start3A_686 = arith.constant 0 : i32
      %dma_start3A_687 = tpu.memref_slice %arg4[%add3A_619, %dma_start3A_676, %add3A, %dma_start3A_685, %dma_start3A_686] : memref<200x8x32x8x128xf32, #tpu.memory_space<hbm>> -> memref<1x1x1x8x128xf32, #tpu.memory_space<hbm>>
      %dma_start3A_688 = tpu.memref_squeeze %dma_start3A_687 : memref<1x1x1x8x128xf32, #tpu.memory_space<hbm>> -> memref<8x128xf32, #tpu.memory_space<hbm>>
      %dma_start3A_689 = arith.constant 0 : i32
      %dma_start3A_690 = arith.constant 0 : i32
      %dma_start3A_691 = tpu.memref_slice %arg7[%select_n3A_675, %dma_start3A_689, %dma_start3A_690] : memref<2x64x128xf32, #tpu.memory_space<vmem>> -> memref<1x8x128xf32, #tpu.memory_space<vmem>>
      %dma_start3A_692 = tpu.memref_squeeze %dma_start3A_691 : memref<1x8x128xf32, #tpu.memory_space<vmem>> -> memref<8x128xf32, #tpu.memory_space<vmem>>
      tpu.enqueue_dma source(%dma_start3A_692 : memref<8x128xf32, #tpu.memory_space<vmem>>) target(%dma_start3A_688 : memref<8x128xf32, #tpu.memory_space<hbm>>) target_semaphore(%arg9 : memref<!tpu.dma_semaphore, #tpu.memory_space<semaphore_mem>>)
      %dma_start3A_693 = arith.constant 1 : i32
      %dma_start3A_694 = arith.constant 8 : i32
      %dma_start3A_695 = arith.constant 0 : i32
      %dma_start3A_696 = tpu.memref_slice %arg7[%select_n3A_675, %dma_start3A_694, %dma_start3A_695] : memref<2x64x128xf32, #tpu.memory_space<vmem>> -> memref<1x8x128xf32, #tpu.memory_space<vmem>>
      %dma_start3A_697 = tpu.memref_squeeze %dma_start3A_696 : memref<1x8x128xf32, #tpu.memory_space<vmem>> -> memref<8x128xf32, #tpu.memory_space<vmem>>
      %dma_start3A_698 = arith.constant 0 : i32
      %dma_start3A_699 = arith.constant 0 : i32
      %dma_start3A_700 = tpu.memref_slice %arg4[%add3A_619, %dma_start3A_693, %add3A, %dma_start3A_698, %dma_start3A_699] : memref<200x8x32x8x128xf32, #tpu.memory_space<hbm>> -> memref<1x1x1x8x128xf32, #tpu.memory_space<hbm>>
      %dma_start3A_701 = tpu.memref_squeeze %dma_start3A_700 : memref<1x1x1x8x128xf32, #tpu.memory_space<hbm>> -> memref<8x128xf32, #tpu.memory_space<hbm>>
      %dma_start3A_702 = arith.constant 0 : i32
      %dma_start3A_703 = arith.constant 0 : i32
      %dma_start3A_704 = tpu.memref_slice %arg4[%add3A_619, %dma_start3A_693, %add3A, %dma_start3A_702, %dma_start3A_703] : memref<200x8x32x8x128xf32, #tpu.memory_space<hbm>> -> memref<1x1x1x8x128xf32, #tpu.memory_space<hbm>>
      %dma_start3A_705 = tpu.memref_squeeze %dma_start3A_704 : memref<1x1x1x8x128xf32, #tpu.memory_space<hbm>> -> memref<8x128xf32, #tpu.memory_space<hbm>>
      %dma_start3A_706 = arith.constant 8 : i32
      %dma_start3A_707 = arith.constant 0 : i32
      %dma_start3A_708 = tpu.memref_slice %arg7[%select_n3A_675, %dma_start3A_706, %dma_start3A_707] : memref<2x64x128xf32, #tpu.memory_space<vmem>> -> memref<1x8x128xf32, #tpu.memory_space<vmem>>
      %dma_start3A_709 = tpu.memref_squeeze %dma_start3A_708 : memref<1x8x128xf32, #tpu.memory_space<vmem>> -> memref<8x128xf32, #tpu.memory_space<vmem>>
      tpu.enqueue_dma source(%dma_start3A_709 : memref<8x128xf32, #tpu.memory_space<vmem>>) target(%dma_start3A_705 : memref<8x128xf32, #tpu.memory_space<hbm>>) target_semaphore(%arg9 : memref<!tpu.dma_semaphore, #tpu.memory_space<semaphore_mem>>)
      %dma_start3A_710 = arith.constant 2 : i32
      %dma_start3A_711 = arith.constant 16 : i32
      %dma_start3A_712 = arith.constant 0 : i32
      %dma_start3A_713 = tpu.memref_slice %arg7[%select_n3A_675, %dma_start3A_711, %dma_start3A_712] : memref<2x64x128xf32, #tpu.memory_space<vmem>> -> memref<1x8x128xf32, #tpu.memory_space<vmem>>
      %dma_start3A_714 = tpu.memref_squeeze %dma_start3A_713 : memref<1x8x128xf32, #tpu.memory_space<vmem>> -> memref<8x128xf32, #tpu.memory_space<vmem>>
      %dma_start3A_715 = arith.constant 0 : i32
      %dma_start3A_716 = arith.constant 0 : i32
      %dma_start3A_717 = tpu.memref_slice %arg4[%add3A_619, %dma_start3A_710, %add3A, %dma_start3A_715, %dma_start3A_716] : memref<200x8x32x8x128xf32, #tpu.memory_space<hbm>> -> memref<1x1x1x8x128xf32, #tpu.memory_space<hbm>>
      %dma_start3A_718 = tpu.memref_squeeze %dma_start3A_717 : memref<1x1x1x8x128xf32, #tpu.memory_space<hbm>> -> memref<8x128xf32, #tpu.memory_space<hbm>>
      %dma_start3A_719 = arith.constant 0 : i32
      %dma_start3A_720 = arith.constant 0 : i32
      %dma_start3A_721 = tpu.memref_slice %arg4[%add3A_619, %dma_start3A_710, %add3A, %dma_start3A_719, %dma_start3A_720] : memref<200x8x32x8x128xf32, #tpu.memory_space<hbm>> -> memref<1x1x1x8x128xf32, #tpu.memory_space<hbm>>
      %dma_start3A_722 = tpu.memref_squeeze %dma_start3A_721 : memref<1x1x1x8x128xf32, #tpu.memory_space<hbm>> -> memref<8x128xf32, #tpu.memory_space<hbm>>
      %dma_start3A_723 = arith.constant 16 : i32
      %dma_start3A_724 = arith.constant 0 : i32
      %dma_start3A_725 = tpu.memref_slice %arg7[%select_n3A_675, %dma_start3A_723, %dma_start3A_724] : memref<2x64x128xf32, #tpu.memory_space<vmem>> -> memref<1x8x128xf32, #tpu.memory_space<vmem>>
      %dma_start3A_726 = tpu.memref_squeeze %dma_start3A_725 : memref<1x8x128xf32, #tpu.memory_space<vmem>> -> memref<8x128xf32, #tpu.memory_space<vmem>>
      tpu.enqueue_dma source(%dma_start3A_726 : memref<8x128xf32, #tpu.memory_space<vmem>>) target(%dma_start3A_722 : memref<8x128xf32, #tpu.memory_space<hbm>>) target_semaphore(%arg9 : memref<!tpu.dma_semaphore, #tpu.memory_space<semaphore_mem>>)
      %dma_start3A_727 = arith.constant 3 : i32
      %dma_start3A_728 = arith.constant 24 : i32
      %dma_start3A_729 = arith.constant 0 : i32
      %dma_start3A_730 = tpu.memref_slice %arg7[%select_n3A_675, %dma_start3A_728, %dma_start3A_729] : memref<2x64x128xf32, #tpu.memory_space<vmem>> -> memref<1x8x128xf32, #tpu.memory_space<vmem>>
      %dma_start3A_731 = tpu.memref_squeeze %dma_start3A_730 : memref<1x8x128xf32, #tpu.memory_space<vmem>> -> memref<8x128xf32, #tpu.memory_space<vmem>>
      %dma_start3A_732 = arith.constant 0 : i32
      %dma_start3A_733 = arith.constant 0 : i32
      %dma_start3A_734 = tpu.memref_slice %arg4[%add3A_619, %dma_start3A_727, %add3A, %dma_start3A_732, %dma_start3A_733] : memref<200x8x32x8x128xf32, #tpu.memory_space<hbm>> -> memref<1x1x1x8x128xf32, #tpu.memory_space<hbm>>
      %dma_start3A_735 = tpu.memref_squeeze %dma_start3A_734 : memref<1x1x1x8x128xf32, #tpu.memory_space<hbm>> -> memref<8x128xf32, #tpu.memory_space<hbm>>
      %dma_start3A_736 = arith.constant 0 : i32
      %dma_start3A_737 = arith.constant 0 : i32
      %dma_start3A_738 = tpu.memref_slice %arg4[%add3A_619, %dma_start3A_727, %add3A, %dma_start3A_736, %dma_start3A_737] : memref<200x8x32x8x128xf32, #tpu.memory_space<hbm>> -> memref<1x1x1x8x128xf32, #tpu.memory_space<hbm>>
      %dma_start3A_739 = tpu.memref_squeeze %dma_start3A_738 : memref<1x1x1x8x128xf32, #tpu.memory_space<hbm>> -> memref<8x128xf32, #tpu.memory_space<hbm>>
      %dma_start3A_740 = arith.constant 24 : i32
      %dma_start3A_741 = arith.constant 0 : i32
      %dma_start3A_742 = tpu.memref_slice %arg7[%select_n3A_675, %dma_start3A_740, %dma_start3A_741] : memref<2x64x128xf32, #tpu.memory_space<vmem>> -> memref<1x8x128xf32, #tpu.memory_space<vmem>>
      %dma_start3A_743 = tpu.memref_squeeze %dma_start3A_742 : memref<1x8x128xf32, #tpu.memory_space<vmem>> -> memref<8x128xf32, #tpu.memory_space<vmem>>
      tpu.enqueue_dma source(%dma_start3A_743 : memref<8x128xf32, #tpu.memory_space<vmem>>) target(%dma_start3A_739 : memref<8x128xf32, #tpu.memory_space<hbm>>) target_semaphore(%arg9 : memref<!tpu.dma_semaphore, #tpu.memory_space<semaphore_mem>>)
      %dma_start3A_744 = arith.constant 4 : i32
      %dma_start3A_745 = arith.constant 32 : i32
      %dma_start3A_746 = arith.constant 0 : i32
      %dma_start3A_747 = tpu.memref_slice %arg7[%select_n3A_675, %dma_start3A_745, %dma_start3A_746] : memref<2x64x128xf32, #tpu.memory_space<vmem>> -> memref<1x8x128xf32, #tpu.memory_space<vmem>>
      %dma_start3A_748 = tpu.memref_squeeze %dma_start3A_747 : memref<1x8x128xf32, #tpu.memory_space<vmem>> -> memref<8x128xf32, #tpu.memory_space<vmem>>
      %dma_start3A_749 = arith.constant 0 : i32
      %dma_start3A_750 = arith.constant 0 : i32
      %dma_start3A_751 = tpu.memref_slice %arg4[%add3A_619, %dma_start3A_744, %add3A, %dma_start3A_749, %dma_start3A_750] : memref<200x8x32x8x128xf32, #tpu.memory_space<hbm>> -> memref<1x1x1x8x128xf32, #tpu.memory_space<hbm>>
      %dma_start3A_752 = tpu.memref_squeeze %dma_start3A_751 : memref<1x1x1x8x128xf32, #tpu.memory_space<hbm>> -> memref<8x128xf32, #tpu.memory_space<hbm>>
      %dma_start3A_753 = arith.constant 0 : i32
      %dma_start3A_754 = arith.constant 0 : i32
      %dma_start3A_755 = tpu.memref_slice %arg4[%add3A_619, %dma_start3A_744, %add3A, %dma_start3A_753, %dma_start3A_754] : memref<200x8x32x8x128xf32, #tpu.memory_space<hbm>> -> memref<1x1x1x8x128xf32, #tpu.memory_space<hbm>>
      %dma_start3A_756 = tpu.memref_squeeze %dma_start3A_755 : memref<1x1x1x8x128xf32, #tpu.memory_space<hbm>> -> memref<8x128xf32, #tpu.memory_space<hbm>>
      %dma_start3A_757 = arith.constant 32 : i32
      %dma_start3A_758 = arith.constant 0 : i32
      %dma_start3A_759 = tpu.memref_slice %arg7[%select_n3A_675, %dma_start3A_757, %dma_start3A_758] : memref<2x64x128xf32, #tpu.memory_space<vmem>> -> memref<1x8x128xf32, #tpu.memory_space<vmem>>
      %dma_start3A_760 = tpu.memref_squeeze %dma_start3A_759 : memref<1x8x128xf32, #tpu.memory_space<vmem>> -> memref<8x128xf32, #tpu.memory_space<vmem>>
      tpu.enqueue_dma source(%dma_start3A_760 : memref<8x128xf32, #tpu.memory_space<vmem>>) target(%dma_start3A_756 : memref<8x128xf32, #tpu.memory_space<hbm>>) target_semaphore(%arg9 : memref<!tpu.dma_semaphore, #tpu.memory_space<semaphore_mem>>)
      %dma_start3A_761 = arith.constant 5 : i32
      %dma_start3A_762 = arith.constant 40 : i32
      %dma_start3A_763 = arith.constant 0 : i32
      %dma_start3A_764 = tpu.memref_slice %arg7[%select_n3A_675, %dma_start3A_762, %dma_start3A_763] : memref<2x64x128xf32, #tpu.memory_space<vmem>> -> memref<1x8x128xf32, #tpu.memory_space<vmem>>
      %dma_start3A_765 = tpu.memref_squeeze %dma_start3A_764 : memref<1x8x128xf32, #tpu.memory_space<vmem>> -> memref<8x128xf32, #tpu.memory_space<vmem>>
      %dma_start3A_766 = arith.constant 0 : i32
      %dma_start3A_767 = arith.constant 0 : i32
      %dma_start3A_768 = tpu.memref_slice %arg4[%add3A_619, %dma_start3A_761, %add3A, %dma_start3A_766, %dma_start3A_767] : memref<200x8x32x8x128xf32, #tpu.memory_space<hbm>> -> memref<1x1x1x8x128xf32, #tpu.memory_space<hbm>>
      %dma_start3A_769 = tpu.memref_squeeze %dma_start3A_768 : memref<1x1x1x8x128xf32, #tpu.memory_space<hbm>> -> memref<8x128xf32, #tpu.memory_space<hbm>>
      %dma_start3A_770 = arith.constant 0 : i32
      %dma_start3A_771 = arith.constant 0 : i32
      %dma_start3A_772 = tpu.memref_slice %arg4[%add3A_619, %dma_start3A_761, %add3A, %dma_start3A_770, %dma_start3A_771] : memref<200x8x32x8x128xf32, #tpu.memory_space<hbm>> -> memref<1x1x1x8x128xf32, #tpu.memory_space<hbm>>
      %dma_start3A_773 = tpu.memref_squeeze %dma_start3A_772 : memref<1x1x1x8x128xf32, #tpu.memory_space<hbm>> -> memref<8x128xf32, #tpu.memory_space<hbm>>
      %dma_start3A_774 = arith.constant 40 : i32
      %dma_start3A_775 = arith.constant 0 : i32
      %dma_start3A_776 = tpu.memref_slice %arg7[%select_n3A_675, %dma_start3A_774, %dma_start3A_775] : memref<2x64x128xf32, #tpu.memory_space<vmem>> -> memref<1x8x128xf32, #tpu.memory_space<vmem>>
      %dma_start3A_777 = tpu.memref_squeeze %dma_start3A_776 : memref<1x8x128xf32, #tpu.memory_space<vmem>> -> memref<8x128xf32, #tpu.memory_space<vmem>>
      tpu.enqueue_dma source(%dma_start3A_777 : memref<8x128xf32, #tpu.memory_space<vmem>>) target(%dma_start3A_773 : memref<8x128xf32, #tpu.memory_space<hbm>>) target_semaphore(%arg9 : memref<!tpu.dma_semaphore, #tpu.memory_space<semaphore_mem>>)
      %dma_start3A_778 = arith.constant 6 : i32
      %dma_start3A_779 = arith.constant 48 : i32
      %dma_start3A_780 = arith.constant 0 : i32
      %dma_start3A_781 = tpu.memref_slice %arg7[%select_n3A_675, %dma_start3A_779, %dma_start3A_780] : memref<2x64x128xf32, #tpu.memory_space<vmem>> -> memref<1x8x128xf32, #tpu.memory_space<vmem>>
      %dma_start3A_782 = tpu.memref_squeeze %dma_start3A_781 : memref<1x8x128xf32, #tpu.memory_space<vmem>> -> memref<8x128xf32, #tpu.memory_space<vmem>>
      %dma_start3A_783 = arith.constant 0 : i32
      %dma_start3A_784 = arith.constant 0 : i32
      %dma_start3A_785 = tpu.memref_slice %arg4[%add3A_619, %dma_start3A_778, %add3A, %dma_start3A_783, %dma_start3A_784] : memref<200x8x32x8x128xf32, #tpu.memory_space<hbm>> -> memref<1x1x1x8x128xf32, #tpu.memory_space<hbm>>
      %dma_start3A_786 = tpu.memref_squeeze %dma_start3A_785 : memref<1x1x1x8x128xf32, #tpu.memory_space<hbm>> -> memref<8x128xf32, #tpu.memory_space<hbm>>
      %dma_start3A_787 = arith.constant 0 : i32
      %dma_start3A_788 = arith.constant 0 : i32
      %dma_start3A_789 = tpu.memref_slice %arg4[%add3A_619, %dma_start3A_778, %add3A, %dma_start3A_787, %dma_start3A_788] : memref<200x8x32x8x128xf32, #tpu.memory_space<hbm>> -> memref<1x1x1x8x128xf32, #tpu.memory_space<hbm>>
      %dma_start3A_790 = tpu.memref_squeeze %dma_start3A_789 : memref<1x1x1x8x128xf32, #tpu.memory_space<hbm>> -> memref<8x128xf32, #tpu.memory_space<hbm>>
      %dma_start3A_791 = arith.constant 48 : i32
      %dma_start3A_792 = arith.constant 0 : i32
      %dma_start3A_793 = tpu.memref_slice %arg7[%select_n3A_675, %dma_start3A_791, %dma_start3A_792] : memref<2x64x128xf32, #tpu.memory_space<vmem>> -> memref<1x8x128xf32, #tpu.memory_space<vmem>>
      %dma_start3A_794 = tpu.memref_squeeze %dma_start3A_793 : memref<1x8x128xf32, #tpu.memory_space<vmem>> -> memref<8x128xf32, #tpu.memory_space<vmem>>
      tpu.enqueue_dma source(%dma_start3A_794 : memref<8x128xf32, #tpu.memory_space<vmem>>) target(%dma_start3A_790 : memref<8x128xf32, #tpu.memory_space<hbm>>) target_semaphore(%arg9 : memref<!tpu.dma_semaphore, #tpu.memory_space<semaphore_mem>>)
      %dma_start3A_795 = arith.constant 7 : i32
      %dma_start3A_796 = arith.constant 56 : i32
      %dma_start3A_797 = arith.constant 0 : i32
      %dma_start3A_798 = tpu.memref_slice %arg7[%select_n3A_675, %dma_start3A_796, %dma_start3A_797] : memref<2x64x128xf32, #tpu.memory_space<vmem>> -> memref<1x8x128xf32, #tpu.memory_space<vmem>>
      %dma_start3A_799 = tpu.memref_squeeze %dma_start3A_798 : memref<1x8x128xf32, #tpu.memory_space<vmem>> -> memref<8x128xf32, #tpu.memory_space<vmem>>
      %dma_start3A_800 = arith.constant 0 : i32
      %dma_start3A_801 = arith.constant 0 : i32
      %dma_start3A_802 = tpu.memref_slice %arg4[%add3A_619, %dma_start3A_795, %add3A, %dma_start3A_800, %dma_start3A_801] : memref<200x8x32x8x128xf32, #tpu.memory_space<hbm>> -> memref<1x1x1x8x128xf32, #tpu.memory_space<hbm>>
      %dma_start3A_803 = tpu.memref_squeeze %dma_start3A_802 : memref<1x1x1x8x128xf32, #tpu.memory_space<hbm>> -> memref<8x128xf32, #tpu.memory_space<hbm>>
      %dma_start3A_804 = arith.constant 0 : i32
      %dma_start3A_805 = arith.constant 0 : i32
      %dma_start3A_806 = tpu.memref_slice %arg4[%add3A_619, %dma_start3A_795, %add3A, %dma_start3A_804, %dma_start3A_805] : memref<200x8x32x8x128xf32, #tpu.memory_space<hbm>> -> memref<1x1x1x8x128xf32, #tpu.memory_space<hbm>>
      %dma_start3A_807 = tpu.memref_squeeze %dma_start3A_806 : memref<1x1x1x8x128xf32, #tpu.memory_space<hbm>> -> memref<8x128xf32, #tpu.memory_space<hbm>>
      %dma_start3A_808 = arith.constant 56 : i32
      %dma_start3A_809 = arith.constant 0 : i32
      %dma_start3A_810 = tpu.memref_slice %arg7[%select_n3A_675, %dma_start3A_808, %dma_start3A_809] : memref<2x64x128xf32, #tpu.memory_space<vmem>> -> memref<1x8x128xf32, #tpu.memory_space<vmem>>
      %dma_start3A_811 = tpu.memref_squeeze %dma_start3A_810 : memref<1x8x128xf32, #tpu.memory_space<vmem>> -> memref<8x128xf32, #tpu.memory_space<vmem>>
      tpu.enqueue_dma source(%dma_start3A_811 : memref<8x128xf32, #tpu.memory_space<vmem>>) target(%dma_start3A_807 : memref<8x128xf32, #tpu.memory_space<hbm>>) target_semaphore(%arg9 : memref<!tpu.dma_semaphore, #tpu.memory_space<semaphore_mem>>)
      %add3A_812 = arith.constant 4 : i32
      %add3A_813 = arith.addi %add3A_619, %add3A_812 : i32
      %min3A_814 = arith.constant 199 : i32
      %min3A_815 = arith.minsi %add3A_813, %min3A_814 : i32
      %dma_start3A_816 = arith.constant 1 : i32
      %dma_start3A_817 = arith.constant 0 : i32
      %dma_start3A_818 = arith.constant 0 : i32
      %dma_start3A_819 = tpu.memref_slice %arg6[%dma_start3A_816, %dma_start3A_817, %dma_start3A_818] : memref<4x128x64xf32, #tpu.memory_space<vmem>> -> memref<1x128x64xf32, #tpu.memory_space<vmem>>
      %dma_start3A_820 = tpu.memref_squeeze %dma_start3A_819 : memref<1x128x64xf32, #tpu.memory_space<vmem>> -> memref<128x64xf32, #tpu.memory_space<vmem>>
      %dma_start3A_821 = arith.constant 0 : i32
      %dma_start3A_822 = tpu.memref_slice %arg5[%min3A_815, %dma_start3A_821] : memref<200x128xi32, #tpu.memory_space<vmem>> -> memref<1x128xi32, #tpu.memory_space<vmem>>
      %dma_start3A_823 = tpu.memref_squeeze %dma_start3A_822 : memref<1x128xi32, #tpu.memory_space<vmem>> -> memref<128xi32, #tpu.memory_space<vmem>>
      %dma_start3A_824 = arith.constant 0 : i32
      %dma_start3A_825 = arith.constant 0 : i32
      %dma_start3A_826 = tpu.memref_slice %arg3[%dma_start3A_824, %dma_start3A_825] : memref<1000000x64xf32, #tpu.memory_space<hbm>> -> memref<1000000x64xf32, #tpu.memory_space<hbm>>
      tpu.enqueue_indirect_dma source(%dma_start3A_826 : memref<1000000x64xf32, #tpu.memory_space<hbm>>) target(%dma_start3A_820 : memref<128x64xf32, #tpu.memory_space<vmem>>) offsets(%dma_start3A_823 : memref<128xi32, #tpu.memory_space<vmem>>) semaphore(%arg8 : memref<!tpu.dma_semaphore, #tpu.memory_space<semaphore_mem>>)
      %add3A_827 = arith.constant 2 : i32
      %add3A_828 = arith.addi %mul3A_420, %add3A_827 : i32
      %dma_wait3A_829 = arith.constant 2 : i32
      %dma_wait3A_830 = arith.constant 0 : i32
      %dma_wait3A_831 = arith.constant 0 : i32
      %dma_wait3A_832 = tpu.memref_slice %arg6[%dma_wait3A_829, %dma_wait3A_830, %dma_wait3A_831] : memref<4x128x64xf32, #tpu.memory_space<vmem>> -> memref<1x128x64xf32, #tpu.memory_space<vmem>>
      %dma_wait3A_833 = tpu.memref_squeeze %dma_wait3A_832 : memref<1x128x64xf32, #tpu.memory_space<vmem>> -> memref<128x64xf32, #tpu.memory_space<vmem>>
      %dma_wait3A_834 = arith.constant 0 : i32
      %dma_wait3A_835 = arith.constant 0 : i32
      %dma_wait3A_836 = tpu.memref_slice %arg3[%dma_wait3A_834, %dma_wait3A_835] : memref<1000000x64xf32, #tpu.memory_space<hbm>> -> memref<128x64xf32, #tpu.memory_space<hbm>>
      %dma_wait3A_837 = arith.constant 0 : i32
      %dma_wait3A_838 = arith.constant 0 : i32
      %dma_wait3A_839 = tpu.memref_slice %arg6[%dma_wait3A_829, %dma_wait3A_837, %dma_wait3A_838] : memref<4x128x64xf32, #tpu.memory_space<vmem>> -> memref<1x128x64xf32, #tpu.memory_space<vmem>>
      %dma_wait3A_840 = tpu.memref_squeeze %dma_wait3A_839 : memref<1x128x64xf32, #tpu.memory_space<vmem>> -> memref<128x64xf32, #tpu.memory_space<vmem>>
      %dma_wait3A_841 = arith.constant 0 : i32
      %dma_wait3A_842 = arith.constant 0 : i32
      %dma_wait3A_843 = tpu.memref_slice %arg3[%dma_wait3A_841, %dma_wait3A_842] : memref<1000000x64xf32, #tpu.memory_space<hbm>> -> memref<128x64xf32, #tpu.memory_space<hbm>>
      tpu.wait_dma2 semaphore(%arg8 : memref<!tpu.dma_semaphore, #tpu.memory_space<semaphore_mem>>) src(%dma_wait3A_843 : memref<128x64xf32, #tpu.memory_space<hbm>>) dst(%dma_wait3A_840 : memref<128x64xf32, #tpu.memory_space<vmem>>)
      %ge3A_844 = arith.constant 2 : i32
      %ge3A_845 = arith.cmpi sge, %add3A_828, %ge3A_844 : i32
      %convert_element_type3A_846 = arith.extui %ge3A_845 : i1 to i32
      %cond3A_847 = arith.constant 0 : i32
      %cond3A_848 = arith.cmpi ne, %convert_element_type3A_846, %cond3A_847 : i32
      scf.if %cond3A_848 {
        %jit3A_1245 = arith.constant 2 : i32
        %eq3A_1246 = arith.constant 0 : i32
        %eq3A_1247 = arith.cmpi eq, %jit3A_1245, %eq3A_1246 : i32
        %jit3A_1248 = arith.constant 1 : i32
        %select_n3A_1249 = arith.select %eq3A_1247, %jit3A_1248, %jit3A_1245 : i32
        %rem3A_1250 = arith.remsi %add3A_828, %select_n3A_1249 : i32
        %ne3A_1251 = arith.constant 0 : i32
        %ne3A_1252 = arith.cmpi ne, %rem3A_1250, %ne3A_1251 : i32
        %lt3A_1253 = arith.constant 0 : i32
        %lt3A_1254 = arith.cmpi slt, %rem3A_1250, %lt3A_1253 : i32
        %lt3A_1255 = arith.constant 0 : i32
        %lt3A_1256 = arith.cmpi slt, %select_n3A_1249, %lt3A_1255 : i32
        %ne3A_1257 = arith.xori %lt3A_1254, %lt3A_1256 : i1
        %and3A_1258 = arith.andi %ne3A_1257, %ne3A_1252 : i1
        %add3A_1259 = arith.addi %rem3A_1250, %select_n3A_1249 : i32
        %select_n3A_1260 = arith.select %and3A_1258, %add3A_1259, %rem3A_1250 : i32
        %dma_wait3A_1261 = arith.constant 0 : i32
        %dma_wait3A_1262 = arith.constant 0 : i32
        %dma_wait3A_1263 = arith.constant 0 : i32
        %dma_wait3A_1264 = arith.constant 0 : i32
        %dma_wait3A_1265 = tpu.memref_slice %arg7[%select_n3A_1260, %dma_wait3A_1263, %dma_wait3A_1264] : memref<2x64x128xf32, #tpu.memory_space<vmem>> -> memref<1x8x128xf32, #tpu.memory_space<vmem>>
        %dma_wait3A_1266 = tpu.memref_squeeze %dma_wait3A_1265 : memref<1x8x128xf32, #tpu.memory_space<vmem>> -> memref<8x128xf32, #tpu.memory_space<vmem>>
        %dma_wait3A_1267 = arith.constant 0 : i32
        %dma_wait3A_1268 = arith.constant 0 : i32
        %dma_wait3A_1269 = tpu.memref_slice %arg4[%dma_wait3A_1261, %dma_wait3A_1262, %add3A, %dma_wait3A_1267, %dma_wait3A_1268] : memref<200x8x32x8x128xf32, #tpu.memory_space<hbm>> -> memref<1x1x1x8x128xf32, #tpu.memory_space<hbm>>
        %dma_wait3A_1270 = tpu.memref_squeeze %dma_wait3A_1269 : memref<1x1x1x8x128xf32, #tpu.memory_space<hbm>> -> memref<8x128xf32, #tpu.memory_space<hbm>>
        %dma_wait3A_1271 = arith.constant 0 : i32
        %dma_wait3A_1272 = arith.constant 0 : i32
        %dma_wait3A_1273 = tpu.memref_slice %arg4[%dma_wait3A_1261, %dma_wait3A_1262, %add3A, %dma_wait3A_1271, %dma_wait3A_1272] : memref<200x8x32x8x128xf32, #tpu.memory_space<hbm>> -> memref<1x1x1x8x128xf32, #tpu.memory_space<hbm>>
        %dma_wait3A_1274 = tpu.memref_squeeze %dma_wait3A_1273 : memref<1x1x1x8x128xf32, #tpu.memory_space<hbm>> -> memref<8x128xf32, #tpu.memory_space<hbm>>
        %dma_wait3A_1275 = arith.constant 0 : i32
        %dma_wait3A_1276 = arith.constant 0 : i32
        %dma_wait3A_1277 = tpu.memref_slice %arg7[%select_n3A_1260, %dma_wait3A_1275, %dma_wait3A_1276] : memref<2x64x128xf32, #tpu.memory_space<vmem>> -> memref<1x8x128xf32, #tpu.memory_space<vmem>>
        %dma_wait3A_1278 = tpu.memref_squeeze %dma_wait3A_1277 : memref<1x8x128xf32, #tpu.memory_space<vmem>> -> memref<8x128xf32, #tpu.memory_space<vmem>>
        tpu.wait_dma2 semaphore(%arg9 : memref<!tpu.dma_semaphore, #tpu.memory_space<semaphore_mem>>) src(%dma_wait3A_1278 : memref<8x128xf32, #tpu.memory_space<vmem>>) dst(%dma_wait3A_1274 : memref<8x128xf32, #tpu.memory_space<hbm>>)
        %dma_wait3A_1279 = arith.constant 0 : i32
        %dma_wait3A_1280 = arith.constant 1 : i32
        %dma_wait3A_1281 = arith.constant 8 : i32
        %dma_wait3A_1282 = arith.constant 0 : i32
        %dma_wait3A_1283 = tpu.memref_slice %arg7[%select_n3A_1260, %dma_wait3A_1281, %dma_wait3A_1282] : memref<2x64x128xf32, #tpu.memory_space<vmem>> -> memref<1x8x128xf32, #tpu.memory_space<vmem>>
        %dma_wait3A_1284 = tpu.memref_squeeze %dma_wait3A_1283 : memref<1x8x128xf32, #tpu.memory_space<vmem>> -> memref<8x128xf32, #tpu.memory_space<vmem>>
        %dma_wait3A_1285 = arith.constant 0 : i32
        %dma_wait3A_1286 = arith.constant 0 : i32
        %dma_wait3A_1287 = tpu.memref_slice %arg4[%dma_wait3A_1279, %dma_wait3A_1280, %add3A, %dma_wait3A_1285, %dma_wait3A_1286] : memref<200x8x32x8x128xf32, #tpu.memory_space<hbm>> -> memref<1x1x1x8x128xf32, #tpu.memory_space<hbm>>
        %dma_wait3A_1288 = tpu.memref_squeeze %dma_wait3A_1287 : memref<1x1x1x8x128xf32, #tpu.memory_space<hbm>> -> memref<8x128xf32, #tpu.memory_space<hbm>>
        %dma_wait3A_1289 = arith.constant 0 : i32
        %dma_wait3A_1290 = arith.constant 0 : i32
        %dma_wait3A_1291 = tpu.memref_slice %arg4[%dma_wait3A_1279, %dma_wait3A_1280, %add3A, %dma_wait3A_1289, %dma_wait3A_1290] : memref<200x8x32x8x128xf32, #tpu.memory_space<hbm>> -> memref<1x1x1x8x128xf32, #tpu.memory_space<hbm>>
        %dma_wait3A_1292 = tpu.memref_squeeze %dma_wait3A_1291 : memref<1x1x1x8x128xf32, #tpu.memory_space<hbm>> -> memref<8x128xf32, #tpu.memory_space<hbm>>
        %dma_wait3A_1293 = arith.constant 8 : i32
        %dma_wait3A_1294 = arith.constant 0 : i32
        %dma_wait3A_1295 = tpu.memref_slice %arg7[%select_n3A_1260, %dma_wait3A_1293, %dma_wait3A_1294] : memref<2x64x128xf32, #tpu.memory_space<vmem>> -> memref<1x8x128xf32, #tpu.memory_space<vmem>>
        %dma_wait3A_1296 = tpu.memref_squeeze %dma_wait3A_1295 : memref<1x8x128xf32, #tpu.memory_space<vmem>> -> memref<8x128xf32, #tpu.memory_space<vmem>>
        tpu.wait_dma2 semaphore(%arg9 : memref<!tpu.dma_semaphore, #tpu.memory_space<semaphore_mem>>) src(%dma_wait3A_1296 : memref<8x128xf32, #tpu.memory_space<vmem>>) dst(%dma_wait3A_1292 : memref<8x128xf32, #tpu.memory_space<hbm>>)
        %dma_wait3A_1297 = arith.constant 0 : i32
        %dma_wait3A_1298 = arith.constant 2 : i32
        %dma_wait3A_1299 = arith.constant 16 : i32
        %dma_wait3A_1300 = arith.constant 0 : i32
        %dma_wait3A_1301 = tpu.memref_slice %arg7[%select_n3A_1260, %dma_wait3A_1299, %dma_wait3A_1300] : memref<2x64x128xf32, #tpu.memory_space<vmem>> -> memref<1x8x128xf32, #tpu.memory_space<vmem>>
        %dma_wait3A_1302 = tpu.memref_squeeze %dma_wait3A_1301 : memref<1x8x128xf32, #tpu.memory_space<vmem>> -> memref<8x128xf32, #tpu.memory_space<vmem>>
        %dma_wait3A_1303 = arith.constant 0 : i32
        %dma_wait3A_1304 = arith.constant 0 : i32
        %dma_wait3A_1305 = tpu.memref_slice %arg4[%dma_wait3A_1297, %dma_wait3A_1298, %add3A, %dma_wait3A_1303, %dma_wait3A_1304] : memref<200x8x32x8x128xf32, #tpu.memory_space<hbm>> -> memref<1x1x1x8x128xf32, #tpu.memory_space<hbm>>
        %dma_wait3A_1306 = tpu.memref_squeeze %dma_wait3A_1305 : memref<1x1x1x8x128xf32, #tpu.memory_space<hbm>> -> memref<8x128xf32, #tpu.memory_space<hbm>>
        %dma_wait3A_1307 = arith.constant 0 : i32
        %dma_wait3A_1308 = arith.constant 0 : i32
        %dma_wait3A_1309 = tpu.memref_slice %arg4[%dma_wait3A_1297, %dma_wait3A_1298, %add3A, %dma_wait3A_1307, %dma_wait3A_1308] : memref<200x8x32x8x128xf32, #tpu.memory_space<hbm>> -> memref<1x1x1x8x128xf32, #tpu.memory_space<hbm>>
        %dma_wait3A_1310 = tpu.memref_squeeze %dma_wait3A_1309 : memref<1x1x1x8x128xf32, #tpu.memory_space<hbm>> -> memref<8x128xf32, #tpu.memory_space<hbm>>
        %dma_wait3A_1311 = arith.constant 16 : i32
        %dma_wait3A_1312 = arith.constant 0 : i32
        %dma_wait3A_1313 = tpu.memref_slice %arg7[%select_n3A_1260, %dma_wait3A_1311, %dma_wait3A_1312] : memref<2x64x128xf32, #tpu.memory_space<vmem>> -> memref<1x8x128xf32, #tpu.memory_space<vmem>>
        %dma_wait3A_1314 = tpu.memref_squeeze %dma_wait3A_1313 : memref<1x8x128xf32, #tpu.memory_space<vmem>> -> memref<8x128xf32, #tpu.memory_space<vmem>>
        tpu.wait_dma2 semaphore(%arg9 : memref<!tpu.dma_semaphore, #tpu.memory_space<semaphore_mem>>) src(%dma_wait3A_1314 : memref<8x128xf32, #tpu.memory_space<vmem>>) dst(%dma_wait3A_1310 : memref<8x128xf32, #tpu.memory_space<hbm>>)
        %dma_wait3A_1315 = arith.constant 0 : i32
        %dma_wait3A_1316 = arith.constant 3 : i32
        %dma_wait3A_1317 = arith.constant 24 : i32
        %dma_wait3A_1318 = arith.constant 0 : i32
        %dma_wait3A_1319 = tpu.memref_slice %arg7[%select_n3A_1260, %dma_wait3A_1317, %dma_wait3A_1318] : memref<2x64x128xf32, #tpu.memory_space<vmem>> -> memref<1x8x128xf32, #tpu.memory_space<vmem>>
        %dma_wait3A_1320 = tpu.memref_squeeze %dma_wait3A_1319 : memref<1x8x128xf32, #tpu.memory_space<vmem>> -> memref<8x128xf32, #tpu.memory_space<vmem>>
        %dma_wait3A_1321 = arith.constant 0 : i32
        %dma_wait3A_1322 = arith.constant 0 : i32
        %dma_wait3A_1323 = tpu.memref_slice %arg4[%dma_wait3A_1315, %dma_wait3A_1316, %add3A, %dma_wait3A_1321, %dma_wait3A_1322] : memref<200x8x32x8x128xf32, #tpu.memory_space<hbm>> -> memref<1x1x1x8x128xf32, #tpu.memory_space<hbm>>
        %dma_wait3A_1324 = tpu.memref_squeeze %dma_wait3A_1323 : memref<1x1x1x8x128xf32, #tpu.memory_space<hbm>> -> memref<8x128xf32, #tpu.memory_space<hbm>>
        %dma_wait3A_1325 = arith.constant 0 : i32
        %dma_wait3A_1326 = arith.constant 0 : i32
        %dma_wait3A_1327 = tpu.memref_slice %arg4[%dma_wait3A_1315, %dma_wait3A_1316, %add3A, %dma_wait3A_1325, %dma_wait3A_1326] : memref<200x8x32x8x128xf32, #tpu.memory_space<hbm>> -> memref<1x1x1x8x128xf32, #tpu.memory_space<hbm>>
        %dma_wait3A_1328 = tpu.memref_squeeze %dma_wait3A_1327 : memref<1x1x1x8x128xf32, #tpu.memory_space<hbm>> -> memref<8x128xf32, #tpu.memory_space<hbm>>
        %dma_wait3A_1329 = arith.constant 24 : i32
        %dma_wait3A_1330 = arith.constant 0 : i32
        %dma_wait3A_1331 = tpu.memref_slice %arg7[%select_n3A_1260, %dma_wait3A_1329, %dma_wait3A_1330] : memref<2x64x128xf32, #tpu.memory_space<vmem>> -> memref<1x8x128xf32, #tpu.memory_space<vmem>>
        %dma_wait3A_1332 = tpu.memref_squeeze %dma_wait3A_1331 : memref<1x8x128xf32, #tpu.memory_space<vmem>> -> memref<8x128xf32, #tpu.memory_space<vmem>>
        tpu.wait_dma2 semaphore(%arg9 : memref<!tpu.dma_semaphore, #tpu.memory_space<semaphore_mem>>) src(%dma_wait3A_1332 : memref<8x128xf32, #tpu.memory_space<vmem>>) dst(%dma_wait3A_1328 : memref<8x128xf32, #tpu.memory_space<hbm>>)
        %dma_wait3A_1333 = arith.constant 0 : i32
        %dma_wait3A_1334 = arith.constant 4 : i32
        %dma_wait3A_1335 = arith.constant 32 : i32
        %dma_wait3A_1336 = arith.constant 0 : i32
        %dma_wait3A_1337 = tpu.memref_slice %arg7[%select_n3A_1260, %dma_wait3A_1335, %dma_wait3A_1336] : memref<2x64x128xf32, #tpu.memory_space<vmem>> -> memref<1x8x128xf32, #tpu.memory_space<vmem>>
        %dma_wait3A_1338 = tpu.memref_squeeze %dma_wait3A_1337 : memref<1x8x128xf32, #tpu.memory_space<vmem>> -> memref<8x128xf32, #tpu.memory_space<vmem>>
        %dma_wait3A_1339 = arith.constant 0 : i32
        %dma_wait3A_1340 = arith.constant 0 : i32
        %dma_wait3A_1341 = tpu.memref_slice %arg4[%dma_wait3A_1333, %dma_wait3A_1334, %add3A, %dma_wait3A_1339, %dma_wait3A_1340] : memref<200x8x32x8x128xf32, #tpu.memory_space<hbm>> -> memref<1x1x1x8x128xf32, #tpu.memory_space<hbm>>
        %dma_wait3A_1342 = tpu.memref_squeeze %dma_wait3A_1341 : memref<1x1x1x8x128xf32, #tpu.memory_space<hbm>> -> memref<8x128xf32, #tpu.memory_space<hbm>>
        %dma_wait3A_1343 = arith.constant 0 : i32
        %dma_wait3A_1344 = arith.constant 0 : i32
        %dma_wait3A_1345 = tpu.memref_slice %arg4[%dma_wait3A_1333, %dma_wait3A_1334, %add3A, %dma_wait3A_1343, %dma_wait3A_1344] : memref<200x8x32x8x128xf32, #tpu.memory_space<hbm>> -> memref<1x1x1x8x128xf32, #tpu.memory_space<hbm>>
        %dma_wait3A_1346 = tpu.memref_squeeze %dma_wait3A_1345 : memref<1x1x1x8x128xf32, #tpu.memory_space<hbm>> -> memref<8x128xf32, #tpu.memory_space<hbm>>
        %dma_wait3A_1347 = arith.constant 32 : i32
        %dma_wait3A_1348 = arith.constant 0 : i32
        %dma_wait3A_1349 = tpu.memref_slice %arg7[%select_n3A_1260, %dma_wait3A_1347, %dma_wait3A_1348] : memref<2x64x128xf32, #tpu.memory_space<vmem>> -> memref<1x8x128xf32, #tpu.memory_space<vmem>>
        %dma_wait3A_1350 = tpu.memref_squeeze %dma_wait3A_1349 : memref<1x8x128xf32, #tpu.memory_space<vmem>> -> memref<8x128xf32, #tpu.memory_space<vmem>>
        tpu.wait_dma2 semaphore(%arg9 : memref<!tpu.dma_semaphore, #tpu.memory_space<semaphore_mem>>) src(%dma_wait3A_1350 : memref<8x128xf32, #tpu.memory_space<vmem>>) dst(%dma_wait3A_1346 : memref<8x128xf32, #tpu.memory_space<hbm>>)
        %dma_wait3A_1351 = arith.constant 0 : i32
        %dma_wait3A_1352 = arith.constant 5 : i32
        %dma_wait3A_1353 = arith.constant 40 : i32
        %dma_wait3A_1354 = arith.constant 0 : i32
        %dma_wait3A_1355 = tpu.memref_slice %arg7[%select_n3A_1260, %dma_wait3A_1353, %dma_wait3A_1354] : memref<2x64x128xf32, #tpu.memory_space<vmem>> -> memref<1x8x128xf32, #tpu.memory_space<vmem>>
        %dma_wait3A_1356 = tpu.memref_squeeze %dma_wait3A_1355 : memref<1x8x128xf32, #tpu.memory_space<vmem>> -> memref<8x128xf32, #tpu.memory_space<vmem>>
        %dma_wait3A_1357 = arith.constant 0 : i32
        %dma_wait3A_1358 = arith.constant 0 : i32
        %dma_wait3A_1359 = tpu.memref_slice %arg4[%dma_wait3A_1351, %dma_wait3A_1352, %add3A, %dma_wait3A_1357, %dma_wait3A_1358] : memref<200x8x32x8x128xf32, #tpu.memory_space<hbm>> -> memref<1x1x1x8x128xf32, #tpu.memory_space<hbm>>
        %dma_wait3A_1360 = tpu.memref_squeeze %dma_wait3A_1359 : memref<1x1x1x8x128xf32, #tpu.memory_space<hbm>> -> memref<8x128xf32, #tpu.memory_space<hbm>>
        %dma_wait3A_1361 = arith.constant 0 : i32
        %dma_wait3A_1362 = arith.constant 0 : i32
        %dma_wait3A_1363 = tpu.memref_slice %arg4[%dma_wait3A_1351, %dma_wait3A_1352, %add3A, %dma_wait3A_1361, %dma_wait3A_1362] : memref<200x8x32x8x128xf32, #tpu.memory_space<hbm>> -> memref<1x1x1x8x128xf32, #tpu.memory_space<hbm>>
        %dma_wait3A_1364 = tpu.memref_squeeze %dma_wait3A_1363 : memref<1x1x1x8x128xf32, #tpu.memory_space<hbm>> -> memref<8x128xf32, #tpu.memory_space<hbm>>
        %dma_wait3A_1365 = arith.constant 40 : i32
        %dma_wait3A_1366 = arith.constant 0 : i32
        %dma_wait3A_1367 = tpu.memref_slice %arg7[%select_n3A_1260, %dma_wait3A_1365, %dma_wait3A_1366] : memref<2x64x128xf32, #tpu.memory_space<vmem>> -> memref<1x8x128xf32, #tpu.memory_space<vmem>>
        %dma_wait3A_1368 = tpu.memref_squeeze %dma_wait3A_1367 : memref<1x8x128xf32, #tpu.memory_space<vmem>> -> memref<8x128xf32, #tpu.memory_space<vmem>>
        tpu.wait_dma2 semaphore(%arg9 : memref<!tpu.dma_semaphore, #tpu.memory_space<semaphore_mem>>) src(%dma_wait3A_1368 : memref<8x128xf32, #tpu.memory_space<vmem>>) dst(%dma_wait3A_1364 : memref<8x128xf32, #tpu.memory_space<hbm>>)
        %dma_wait3A_1369 = arith.constant 0 : i32
        %dma_wait3A_1370 = arith.constant 6 : i32
        %dma_wait3A_1371 = arith.constant 48 : i32
        %dma_wait3A_1372 = arith.constant 0 : i32
        %dma_wait3A_1373 = tpu.memref_slice %arg7[%select_n3A_1260, %dma_wait3A_1371, %dma_wait3A_1372] : memref<2x64x128xf32, #tpu.memory_space<vmem>> -> memref<1x8x128xf32, #tpu.memory_space<vmem>>
        %dma_wait3A_1374 = tpu.memref_squeeze %dma_wait3A_1373 : memref<1x8x128xf32, #tpu.memory_space<vmem>> -> memref<8x128xf32, #tpu.memory_space<vmem>>
        %dma_wait3A_1375 = arith.constant 0 : i32
        %dma_wait3A_1376 = arith.constant 0 : i32
        %dma_wait3A_1377 = tpu.memref_slice %arg4[%dma_wait3A_1369, %dma_wait3A_1370, %add3A, %dma_wait3A_1375, %dma_wait3A_1376] : memref<200x8x32x8x128xf32, #tpu.memory_space<hbm>> -> memref<1x1x1x8x128xf32, #tpu.memory_space<hbm>>
        %dma_wait3A_1378 = tpu.memref_squeeze %dma_wait3A_1377 : memref<1x1x1x8x128xf32, #tpu.memory_space<hbm>> -> memref<8x128xf32, #tpu.memory_space<hbm>>
        %dma_wait3A_1379 = arith.constant 0 : i32
        %dma_wait3A_1380 = arith.constant 0 : i32
        %dma_wait3A_1381 = tpu.memref_slice %arg4[%dma_wait3A_1369, %dma_wait3A_1370, %add3A, %dma_wait3A_1379, %dma_wait3A_1380] : memref<200x8x32x8x128xf32, #tpu.memory_space<hbm>> -> memref<1x1x1x8x128xf32, #tpu.memory_space<hbm>>
        %dma_wait3A_1382 = tpu.memref_squeeze %dma_wait3A_1381 : memref<1x1x1x8x128xf32, #tpu.memory_space<hbm>> -> memref<8x128xf32, #tpu.memory_space<hbm>>
        %dma_wait3A_1383 = arith.constant 48 : i32
        %dma_wait3A_1384 = arith.constant 0 : i32
        %dma_wait3A_1385 = tpu.memref_slice %arg7[%select_n3A_1260, %dma_wait3A_1383, %dma_wait3A_1384] : memref<2x64x128xf32, #tpu.memory_space<vmem>> -> memref<1x8x128xf32, #tpu.memory_space<vmem>>
        %dma_wait3A_1386 = tpu.memref_squeeze %dma_wait3A_1385 : memref<1x8x128xf32, #tpu.memory_space<vmem>> -> memref<8x128xf32, #tpu.memory_space<vmem>>
        tpu.wait_dma2 semaphore(%arg9 : memref<!tpu.dma_semaphore, #tpu.memory_space<semaphore_mem>>) src(%dma_wait3A_1386 : memref<8x128xf32, #tpu.memory_space<vmem>>) dst(%dma_wait3A_1382 : memref<8x128xf32, #tpu.memory_space<hbm>>)
        %dma_wait3A_1387 = arith.constant 0 : i32
        %dma_wait3A_1388 = arith.constant 7 : i32
        %dma_wait3A_1389 = arith.constant 56 : i32
        %dma_wait3A_1390 = arith.constant 0 : i32
        %dma_wait3A_1391 = tpu.memref_slice %arg7[%select_n3A_1260, %dma_wait3A_1389, %dma_wait3A_1390] : memref<2x64x128xf32, #tpu.memory_space<vmem>> -> memref<1x8x128xf32, #tpu.memory_space<vmem>>
        %dma_wait3A_1392 = tpu.memref_squeeze %dma_wait3A_1391 : memref<1x8x128xf32, #tpu.memory_space<vmem>> -> memref<8x128xf32, #tpu.memory_space<vmem>>
        %dma_wait3A_1393 = arith.constant 0 : i32
        %dma_wait3A_1394 = arith.constant 0 : i32
        %dma_wait3A_1395 = tpu.memref_slice %arg4[%dma_wait3A_1387, %dma_wait3A_1388, %add3A, %dma_wait3A_1393, %dma_wait3A_1394] : memref<200x8x32x8x128xf32, #tpu.memory_space<hbm>> -> memref<1x1x1x8x128xf32, #tpu.memory_space<hbm>>
        %dma_wait3A_1396 = tpu.memref_squeeze %dma_wait3A_1395 : memref<1x1x1x8x128xf32, #tpu.memory_space<hbm>> -> memref<8x128xf32, #tpu.memory_space<hbm>>
        %dma_wait3A_1397 = arith.constant 0 : i32
        %dma_wait3A_1398 = arith.constant 0 : i32
        %dma_wait3A_1399 = tpu.memref_slice %arg4[%dma_wait3A_1387, %dma_wait3A_1388, %add3A, %dma_wait3A_1397, %dma_wait3A_1398] : memref<200x8x32x8x128xf32, #tpu.memory_space<hbm>> -> memref<1x1x1x8x128xf32, #tpu.memory_space<hbm>>
        %dma_wait3A_1400 = tpu.memref_squeeze %dma_wait3A_1399 : memref<1x1x1x8x128xf32, #tpu.memory_space<hbm>> -> memref<8x128xf32, #tpu.memory_space<hbm>>
        %dma_wait3A_1401 = arith.constant 56 : i32
        %dma_wait3A_1402 = arith.constant 0 : i32
        %dma_wait3A_1403 = tpu.memref_slice %arg7[%select_n3A_1260, %dma_wait3A_1401, %dma_wait3A_1402] : memref<2x64x128xf32, #tpu.memory_space<vmem>> -> memref<1x8x128xf32, #tpu.memory_space<vmem>>
        %dma_wait3A_1404 = tpu.memref_squeeze %dma_wait3A_1403 : memref<1x8x128xf32, #tpu.memory_space<vmem>> -> memref<8x128xf32, #tpu.memory_space<vmem>>
        tpu.wait_dma2 semaphore(%arg9 : memref<!tpu.dma_semaphore, #tpu.memory_space<semaphore_mem>>) src(%dma_wait3A_1404 : memref<8x128xf32, #tpu.memory_space<vmem>>) dst(%dma_wait3A_1400 : memref<8x128xf32, #tpu.memory_space<hbm>>)
      } else {
      }
      %jit3A_849 = arith.constant 2 : i32
      %eq3A_850 = arith.constant 0 : i32
      %eq3A_851 = arith.cmpi eq, %jit3A_849, %eq3A_850 : i32
      %jit3A_852 = arith.constant 1 : i32
      %select_n3A_853 = arith.select %eq3A_851, %jit3A_852, %jit3A_849 : i32
      %rem3A_854 = arith.remsi %add3A_828, %select_n3A_853 : i32
      %ne3A_855 = arith.constant 0 : i32
      %ne3A_856 = arith.cmpi ne, %rem3A_854, %ne3A_855 : i32
      %lt3A_857 = arith.constant 0 : i32
      %lt3A_858 = arith.cmpi slt, %rem3A_854, %lt3A_857 : i32
      %lt3A_859 = arith.constant 0 : i32
      %lt3A_860 = arith.cmpi slt, %select_n3A_853, %lt3A_859 : i32
      %ne3A_861 = arith.xori %lt3A_858, %lt3A_860 : i1
      %and3A_862 = arith.andi %ne3A_861, %ne3A_856 : i1
      %add3A_863 = arith.addi %rem3A_854, %select_n3A_853 : i32
      %select_n3A_864 = arith.select %and3A_862, %add3A_863, %rem3A_854 : i32
      %parallel_loop3A_865 = arith.constant 0 : i32
      %parallel_loop3A_866 = arith.constant 512 : i32
      %parallel_loop3A_867 = arith.constant 1 : i32
      %parallel_loop3A_868 = arith.constant 2 : i32
      scf.for %parallel_loop3A_1245 = %parallel_loop3A_865 to %parallel_loop3A_866 step %parallel_loop3A_867  : i32 {
        %parallel_loop3A_1246 = arith.constant 6 : i32
        %parallel_loop3A_1247 = arith.shrsi %parallel_loop3A_1245, %parallel_loop3A_1246 : i32
        %parallel_loop3A_1248 = arith.constant 4 : i32
        %parallel_loop3A_1249 = arith.shrsi %parallel_loop3A_1245, %parallel_loop3A_1248 : i32
        %parallel_loop3A_1250 = arith.constant 3 : i32
        %parallel_loop3A_1251 = arith.andi %parallel_loop3A_1249, %parallel_loop3A_1250 : i32
        %parallel_loop3A_1252 = arith.constant 15 : i32
        %parallel_loop3A_1253 = arith.andi %parallel_loop3A_1245, %parallel_loop3A_1252 : i32
        %parallel_loop3A_1254 = arith.constant 4 : i32
        %parallel_loop3A_1255 = arith.shli %parallel_loop3A_1247, %parallel_loop3A_1254 : i32
        %parallel_loop3A_1256 = vector.broadcast %parallel_loop3A_1255 : i32 to vector<16xi32>
        %parallel_loop3A_1257 = arith.addi %iota3A, %parallel_loop3A_1256 : vector<16xi32>
        %parallel_loop3A_1258 = vector.broadcast %parallel_loop3A_1253 : i32 to vector<16xi32>
        %parallel_loop3A_1259 = arith.xori %iota3A, %parallel_loop3A_1258 : vector<16xi32>
        %parallel_loop3A_1260 = arith.constant 4 : i32
        %parallel_loop3A_1261 = arith.shli %parallel_loop3A_1251, %parallel_loop3A_1260 : i32
        %parallel_loop3A_1262 = vector.broadcast %parallel_loop3A_1261 : i32 to vector<16xi32>
        %parallel_loop3A_1263 = arith.addi %parallel_loop3A_1259, %parallel_loop3A_1262 : vector<16xi32>
        %parallel_loop3A_1264 = arith.constant 0 : i32
        %parallel_loop3A_1265 = arith.constant 0 : i32
        %parallel_loop3A_1266 = tpu.memref_slice %arg6[%parallel_loop3A_868, %parallel_loop3A_1264, %parallel_loop3A_1265] : memref<4x128x64xf32, #tpu.memory_space<vmem>> -> memref<1x128x64xf32, #tpu.memory_space<vmem>>
        %parallel_loop3A_1267 = tpu.memref_squeeze %parallel_loop3A_1266 : memref<1x128x64xf32, #tpu.memory_space<vmem>> -> memref<128x64xf32, #tpu.memory_space<vmem>>
        %parallel_loop3A_1268 = tpu.vector_load_idx %parallel_loop3A_1267[%parallel_loop3A_1257, %parallel_loop3A_1263] : memref<128x64xf32, #tpu.memory_space<vmem>>[vector<16xi32>, vector<16xi32>], vector<16xf32>,
        %parallel_loop3A_1269 = arith.constant 0 : i32
        %parallel_loop3A_1270 = arith.constant 0 : i32
        %parallel_loop3A_1271 = tpu.memref_slice %arg7[%select_n3A_864, %parallel_loop3A_1269, %parallel_loop3A_1270] : memref<2x64x128xf32, #tpu.memory_space<vmem>> -> memref<1x64x128xf32, #tpu.memory_space<vmem>>
        %parallel_loop3A_1272 = tpu.memref_squeeze %parallel_loop3A_1271 : memref<1x64x128xf32, #tpu.memory_space<vmem>> -> memref<64x128xf32, #tpu.memory_space<vmem>>
        tpu.vector_store_idx %parallel_loop3A_1272[%parallel_loop3A_1263, %parallel_loop3A_1257], %parallel_loop3A_1268 : memref<64x128xf32, #tpu.memory_space<vmem>>[vector<16xi32>, vector<16xi32>], vector<16xf32>,
      } {sc.loop_unroll_factor = 8 : i64, sc.parallel_access}
      %jit3A_869 = arith.constant 2 : i32
      %eq3A_870 = arith.constant 0 : i32
      %eq3A_871 = arith.cmpi eq, %jit3A_869, %eq3A_870 : i32
      %jit3A_872 = arith.constant 1 : i32
      %select_n3A_873 = arith.select %eq3A_871, %jit3A_872, %jit3A_869 : i32
      %rem3A_874 = arith.remsi %add3A_828, %select_n3A_873 : i32
      %ne3A_875 = arith.constant 0 : i32
      %ne3A_876 = arith.cmpi ne, %rem3A_874, %ne3A_875 : i32
      %lt3A_877 = arith.constant 0 : i32
      %lt3A_878 = arith.cmpi slt, %rem3A_874, %lt3A_877 : i32
      %lt3A_879 = arith.constant 0 : i32
      %lt3A_880 = arith.cmpi slt, %select_n3A_873, %lt3A_879 : i32
      %ne3A_881 = arith.xori %lt3A_878, %lt3A_880 : i1
      %and3A_882 = arith.andi %ne3A_881, %ne3A_876 : i1
      %add3A_883 = arith.addi %rem3A_874, %select_n3A_873 : i32
      %select_n3A_884 = arith.select %and3A_882, %add3A_883, %rem3A_874 : i32
      %dma_start3A_885 = arith.constant 0 : i32
      %dma_start3A_886 = arith.constant 0 : i32
      %dma_start3A_887 = arith.constant 0 : i32
      %dma_start3A_888 = tpu.memref_slice %arg7[%select_n3A_884, %dma_start3A_886, %dma_start3A_887] : memref<2x64x128xf32, #tpu.memory_space<vmem>> -> memref<1x8x128xf32, #tpu.memory_space<vmem>>
      %dma_start3A_889 = tpu.memref_squeeze %dma_start3A_888 : memref<1x8x128xf32, #tpu.memory_space<vmem>> -> memref<8x128xf32, #tpu.memory_space<vmem>>
      %dma_start3A_890 = arith.constant 0 : i32
      %dma_start3A_891 = arith.constant 0 : i32
      %dma_start3A_892 = tpu.memref_slice %arg4[%add3A_828, %dma_start3A_885, %add3A, %dma_start3A_890, %dma_start3A_891] : memref<200x8x32x8x128xf32, #tpu.memory_space<hbm>> -> memref<1x1x1x8x128xf32, #tpu.memory_space<hbm>>
      %dma_start3A_893 = tpu.memref_squeeze %dma_start3A_892 : memref<1x1x1x8x128xf32, #tpu.memory_space<hbm>> -> memref<8x128xf32, #tpu.memory_space<hbm>>
      %dma_start3A_894 = arith.constant 0 : i32
      %dma_start3A_895 = arith.constant 0 : i32
      %dma_start3A_896 = tpu.memref_slice %arg4[%add3A_828, %dma_start3A_885, %add3A, %dma_start3A_894, %dma_start3A_895] : memref<200x8x32x8x128xf32, #tpu.memory_space<hbm>> -> memref<1x1x1x8x128xf32, #tpu.memory_space<hbm>>
      %dma_start3A_897 = tpu.memref_squeeze %dma_start3A_896 : memref<1x1x1x8x128xf32, #tpu.memory_space<hbm>> -> memref<8x128xf32, #tpu.memory_space<hbm>>
      %dma_start3A_898 = arith.constant 0 : i32
      %dma_start3A_899 = arith.constant 0 : i32
      %dma_start3A_900 = tpu.memref_slice %arg7[%select_n3A_884, %dma_start3A_898, %dma_start3A_899] : memref<2x64x128xf32, #tpu.memory_space<vmem>> -> memref<1x8x128xf32, #tpu.memory_space<vmem>>
      %dma_start3A_901 = tpu.memref_squeeze %dma_start3A_900 : memref<1x8x128xf32, #tpu.memory_space<vmem>> -> memref<8x128xf32, #tpu.memory_space<vmem>>
      tpu.enqueue_dma source(%dma_start3A_901 : memref<8x128xf32, #tpu.memory_space<vmem>>) target(%dma_start3A_897 : memref<8x128xf32, #tpu.memory_space<hbm>>) target_semaphore(%arg9 : memref<!tpu.dma_semaphore, #tpu.memory_space<semaphore_mem>>)
      %dma_start3A_902 = arith.constant 1 : i32
      %dma_start3A_903 = arith.constant 8 : i32
      %dma_start3A_904 = arith.constant 0 : i32
      %dma_start3A_905 = tpu.memref_slice %arg7[%select_n3A_884, %dma_start3A_903, %dma_start3A_904] : memref<2x64x128xf32, #tpu.memory_space<vmem>> -> memref<1x8x128xf32, #tpu.memory_space<vmem>>
      %dma_start3A_906 = tpu.memref_squeeze %dma_start3A_905 : memref<1x8x128xf32, #tpu.memory_space<vmem>> -> memref<8x128xf32, #tpu.memory_space<vmem>>
      %dma_start3A_907 = arith.constant 0 : i32
      %dma_start3A_908 = arith.constant 0 : i32
      %dma_start3A_909 = tpu.memref_slice %arg4[%add3A_828, %dma_start3A_902, %add3A, %dma_start3A_907, %dma_start3A_908] : memref<200x8x32x8x128xf32, #tpu.memory_space<hbm>> -> memref<1x1x1x8x128xf32, #tpu.memory_space<hbm>>
      %dma_start3A_910 = tpu.memref_squeeze %dma_start3A_909 : memref<1x1x1x8x128xf32, #tpu.memory_space<hbm>> -> memref<8x128xf32, #tpu.memory_space<hbm>>
      %dma_start3A_911 = arith.constant 0 : i32
      %dma_start3A_912 = arith.constant 0 : i32
      %dma_start3A_913 = tpu.memref_slice %arg4[%add3A_828, %dma_start3A_902, %add3A, %dma_start3A_911, %dma_start3A_912] : memref<200x8x32x8x128xf32, #tpu.memory_space<hbm>> -> memref<1x1x1x8x128xf32, #tpu.memory_space<hbm>>
      %dma_start3A_914 = tpu.memref_squeeze %dma_start3A_913 : memref<1x1x1x8x128xf32, #tpu.memory_space<hbm>> -> memref<8x128xf32, #tpu.memory_space<hbm>>
      %dma_start3A_915 = arith.constant 8 : i32
      %dma_start3A_916 = arith.constant 0 : i32
      %dma_start3A_917 = tpu.memref_slice %arg7[%select_n3A_884, %dma_start3A_915, %dma_start3A_916] : memref<2x64x128xf32, #tpu.memory_space<vmem>> -> memref<1x8x128xf32, #tpu.memory_space<vmem>>
      %dma_start3A_918 = tpu.memref_squeeze %dma_start3A_917 : memref<1x8x128xf32, #tpu.memory_space<vmem>> -> memref<8x128xf32, #tpu.memory_space<vmem>>
      tpu.enqueue_dma source(%dma_start3A_918 : memref<8x128xf32, #tpu.memory_space<vmem>>) target(%dma_start3A_914 : memref<8x128xf32, #tpu.memory_space<hbm>>) target_semaphore(%arg9 : memref<!tpu.dma_semaphore, #tpu.memory_space<semaphore_mem>>)
      %dma_start3A_919 = arith.constant 2 : i32
      %dma_start3A_920 = arith.constant 16 : i32
      %dma_start3A_921 = arith.constant 0 : i32
      %dma_start3A_922 = tpu.memref_slice %arg7[%select_n3A_884, %dma_start3A_920, %dma_start3A_921] : memref<2x64x128xf32, #tpu.memory_space<vmem>> -> memref<1x8x128xf32, #tpu.memory_space<vmem>>
      %dma_start3A_923 = tpu.memref_squeeze %dma_start3A_922 : memref<1x8x128xf32, #tpu.memory_space<vmem>> -> memref<8x128xf32, #tpu.memory_space<vmem>>
      %dma_start3A_924 = arith.constant 0 : i32
      %dma_start3A_925 = arith.constant 0 : i32
      %dma_start3A_926 = tpu.memref_slice %arg4[%add3A_828, %dma_start3A_919, %add3A, %dma_start3A_924, %dma_start3A_925] : memref<200x8x32x8x128xf32, #tpu.memory_space<hbm>> -> memref<1x1x1x8x128xf32, #tpu.memory_space<hbm>>
      %dma_start3A_927 = tpu.memref_squeeze %dma_start3A_926 : memref<1x1x1x8x128xf32, #tpu.memory_space<hbm>> -> memref<8x128xf32, #tpu.memory_space<hbm>>
      %dma_start3A_928 = arith.constant 0 : i32
      %dma_start3A_929 = arith.constant 0 : i32
      %dma_start3A_930 = tpu.memref_slice %arg4[%add3A_828, %dma_start3A_919, %add3A, %dma_start3A_928, %dma_start3A_929] : memref<200x8x32x8x128xf32, #tpu.memory_space<hbm>> -> memref<1x1x1x8x128xf32, #tpu.memory_space<hbm>>
      %dma_start3A_931 = tpu.memref_squeeze %dma_start3A_930 : memref<1x1x1x8x128xf32, #tpu.memory_space<hbm>> -> memref<8x128xf32, #tpu.memory_space<hbm>>
      %dma_start3A_932 = arith.constant 16 : i32
      %dma_start3A_933 = arith.constant 0 : i32
      %dma_start3A_934 = tpu.memref_slice %arg7[%select_n3A_884, %dma_start3A_932, %dma_start3A_933] : memref<2x64x128xf32, #tpu.memory_space<vmem>> -> memref<1x8x128xf32, #tpu.memory_space<vmem>>
      %dma_start3A_935 = tpu.memref_squeeze %dma_start3A_934 : memref<1x8x128xf32, #tpu.memory_space<vmem>> -> memref<8x128xf32, #tpu.memory_space<vmem>>
      tpu.enqueue_dma source(%dma_start3A_935 : memref<8x128xf32, #tpu.memory_space<vmem>>) target(%dma_start3A_931 : memref<8x128xf32, #tpu.memory_space<hbm>>) target_semaphore(%arg9 : memref<!tpu.dma_semaphore, #tpu.memory_space<semaphore_mem>>)
      %dma_start3A_936 = arith.constant 3 : i32
      %dma_start3A_937 = arith.constant 24 : i32
      %dma_start3A_938 = arith.constant 0 : i32
      %dma_start3A_939 = tpu.memref_slice %arg7[%select_n3A_884, %dma_start3A_937, %dma_start3A_938] : memref<2x64x128xf32, #tpu.memory_space<vmem>> -> memref<1x8x128xf32, #tpu.memory_space<vmem>>
      %dma_start3A_940 = tpu.memref_squeeze %dma_start3A_939 : memref<1x8x128xf32, #tpu.memory_space<vmem>> -> memref<8x128xf32, #tpu.memory_space<vmem>>
      %dma_start3A_941 = arith.constant 0 : i32
      %dma_start3A_942 = arith.constant 0 : i32
      %dma_start3A_943 = tpu.memref_slice %arg4[%add3A_828, %dma_start3A_936, %add3A, %dma_start3A_941, %dma_start3A_942] : memref<200x8x32x8x128xf32, #tpu.memory_space<hbm>> -> memref<1x1x1x8x128xf32, #tpu.memory_space<hbm>>
      %dma_start3A_944 = tpu.memref_squeeze %dma_start3A_943 : memref<1x1x1x8x128xf32, #tpu.memory_space<hbm>> -> memref<8x128xf32, #tpu.memory_space<hbm>>
      %dma_start3A_945 = arith.constant 0 : i32
      %dma_start3A_946 = arith.constant 0 : i32
      %dma_start3A_947 = tpu.memref_slice %arg4[%add3A_828, %dma_start3A_936, %add3A, %dma_start3A_945, %dma_start3A_946] : memref<200x8x32x8x128xf32, #tpu.memory_space<hbm>> -> memref<1x1x1x8x128xf32, #tpu.memory_space<hbm>>
      %dma_start3A_948 = tpu.memref_squeeze %dma_start3A_947 : memref<1x1x1x8x128xf32, #tpu.memory_space<hbm>> -> memref<8x128xf32, #tpu.memory_space<hbm>>
      %dma_start3A_949 = arith.constant 24 : i32
      %dma_start3A_950 = arith.constant 0 : i32
      %dma_start3A_951 = tpu.memref_slice %arg7[%select_n3A_884, %dma_start3A_949, %dma_start3A_950] : memref<2x64x128xf32, #tpu.memory_space<vmem>> -> memref<1x8x128xf32, #tpu.memory_space<vmem>>
      %dma_start3A_952 = tpu.memref_squeeze %dma_start3A_951 : memref<1x8x128xf32, #tpu.memory_space<vmem>> -> memref<8x128xf32, #tpu.memory_space<vmem>>
      tpu.enqueue_dma source(%dma_start3A_952 : memref<8x128xf32, #tpu.memory_space<vmem>>) target(%dma_start3A_948 : memref<8x128xf32, #tpu.memory_space<hbm>>) target_semaphore(%arg9 : memref<!tpu.dma_semaphore, #tpu.memory_space<semaphore_mem>>)
      %dma_start3A_953 = arith.constant 4 : i32
      %dma_start3A_954 = arith.constant 32 : i32
      %dma_start3A_955 = arith.constant 0 : i32
      %dma_start3A_956 = tpu.memref_slice %arg7[%select_n3A_884, %dma_start3A_954, %dma_start3A_955] : memref<2x64x128xf32, #tpu.memory_space<vmem>> -> memref<1x8x128xf32, #tpu.memory_space<vmem>>
      %dma_start3A_957 = tpu.memref_squeeze %dma_start3A_956 : memref<1x8x128xf32, #tpu.memory_space<vmem>> -> memref<8x128xf32, #tpu.memory_space<vmem>>
      %dma_start3A_958 = arith.constant 0 : i32
      %dma_start3A_959 = arith.constant 0 : i32
      %dma_start3A_960 = tpu.memref_slice %arg4[%add3A_828, %dma_start3A_953, %add3A, %dma_start3A_958, %dma_start3A_959] : memref<200x8x32x8x128xf32, #tpu.memory_space<hbm>> -> memref<1x1x1x8x128xf32, #tpu.memory_space<hbm>>
      %dma_start3A_961 = tpu.memref_squeeze %dma_start3A_960 : memref<1x1x1x8x128xf32, #tpu.memory_space<hbm>> -> memref<8x128xf32, #tpu.memory_space<hbm>>
      %dma_start3A_962 = arith.constant 0 : i32
      %dma_start3A_963 = arith.constant 0 : i32
      %dma_start3A_964 = tpu.memref_slice %arg4[%add3A_828, %dma_start3A_953, %add3A, %dma_start3A_962, %dma_start3A_963] : memref<200x8x32x8x128xf32, #tpu.memory_space<hbm>> -> memref<1x1x1x8x128xf32, #tpu.memory_space<hbm>>
      %dma_start3A_965 = tpu.memref_squeeze %dma_start3A_964 : memref<1x1x1x8x128xf32, #tpu.memory_space<hbm>> -> memref<8x128xf32, #tpu.memory_space<hbm>>
      %dma_start3A_966 = arith.constant 32 : i32
      %dma_start3A_967 = arith.constant 0 : i32
      %dma_start3A_968 = tpu.memref_slice %arg7[%select_n3A_884, %dma_start3A_966, %dma_start3A_967] : memref<2x64x128xf32, #tpu.memory_space<vmem>> -> memref<1x8x128xf32, #tpu.memory_space<vmem>>
      %dma_start3A_969 = tpu.memref_squeeze %dma_start3A_968 : memref<1x8x128xf32, #tpu.memory_space<vmem>> -> memref<8x128xf32, #tpu.memory_space<vmem>>
      tpu.enqueue_dma source(%dma_start3A_969 : memref<8x128xf32, #tpu.memory_space<vmem>>) target(%dma_start3A_965 : memref<8x128xf32, #tpu.memory_space<hbm>>) target_semaphore(%arg9 : memref<!tpu.dma_semaphore, #tpu.memory_space<semaphore_mem>>)
      %dma_start3A_970 = arith.constant 5 : i32
      %dma_start3A_971 = arith.constant 40 : i32
      %dma_start3A_972 = arith.constant 0 : i32
      %dma_start3A_973 = tpu.memref_slice %arg7[%select_n3A_884, %dma_start3A_971, %dma_start3A_972] : memref<2x64x128xf32, #tpu.memory_space<vmem>> -> memref<1x8x128xf32, #tpu.memory_space<vmem>>
      %dma_start3A_974 = tpu.memref_squeeze %dma_start3A_973 : memref<1x8x128xf32, #tpu.memory_space<vmem>> -> memref<8x128xf32, #tpu.memory_space<vmem>>
      %dma_start3A_975 = arith.constant 0 : i32
      %dma_start3A_976 = arith.constant 0 : i32
      %dma_start3A_977 = tpu.memref_slice %arg4[%add3A_828, %dma_start3A_970, %add3A, %dma_start3A_975, %dma_start3A_976] : memref<200x8x32x8x128xf32, #tpu.memory_space<hbm>> -> memref<1x1x1x8x128xf32, #tpu.memory_space<hbm>>
      %dma_start3A_978 = tpu.memref_squeeze %dma_start3A_977 : memref<1x1x1x8x128xf32, #tpu.memory_space<hbm>> -> memref<8x128xf32, #tpu.memory_space<hbm>>
      %dma_start3A_979 = arith.constant 0 : i32
      %dma_start3A_980 = arith.constant 0 : i32
      %dma_start3A_981 = tpu.memref_slice %arg4[%add3A_828, %dma_start3A_970, %add3A, %dma_start3A_979, %dma_start3A_980] : memref<200x8x32x8x128xf32, #tpu.memory_space<hbm>> -> memref<1x1x1x8x128xf32, #tpu.memory_space<hbm>>
      %dma_start3A_982 = tpu.memref_squeeze %dma_start3A_981 : memref<1x1x1x8x128xf32, #tpu.memory_space<hbm>> -> memref<8x128xf32, #tpu.memory_space<hbm>>
      %dma_start3A_983 = arith.constant 40 : i32
      %dma_start3A_984 = arith.constant 0 : i32
      %dma_start3A_985 = tpu.memref_slice %arg7[%select_n3A_884, %dma_start3A_983, %dma_start3A_984] : memref<2x64x128xf32, #tpu.memory_space<vmem>> -> memref<1x8x128xf32, #tpu.memory_space<vmem>>
      %dma_start3A_986 = tpu.memref_squeeze %dma_start3A_985 : memref<1x8x128xf32, #tpu.memory_space<vmem>> -> memref<8x128xf32, #tpu.memory_space<vmem>>
      tpu.enqueue_dma source(%dma_start3A_986 : memref<8x128xf32, #tpu.memory_space<vmem>>) target(%dma_start3A_982 : memref<8x128xf32, #tpu.memory_space<hbm>>) target_semaphore(%arg9 : memref<!tpu.dma_semaphore, #tpu.memory_space<semaphore_mem>>)
      %dma_start3A_987 = arith.constant 6 : i32
      %dma_start3A_988 = arith.constant 48 : i32
      %dma_start3A_989 = arith.constant 0 : i32
      %dma_start3A_990 = tpu.memref_slice %arg7[%select_n3A_884, %dma_start3A_988, %dma_start3A_989] : memref<2x64x128xf32, #tpu.memory_space<vmem>> -> memref<1x8x128xf32, #tpu.memory_space<vmem>>
      %dma_start3A_991 = tpu.memref_squeeze %dma_start3A_990 : memref<1x8x128xf32, #tpu.memory_space<vmem>> -> memref<8x128xf32, #tpu.memory_space<vmem>>
      %dma_start3A_992 = arith.constant 0 : i32
      %dma_start3A_993 = arith.constant 0 : i32
      %dma_start3A_994 = tpu.memref_slice %arg4[%add3A_828, %dma_start3A_987, %add3A, %dma_start3A_992, %dma_start3A_993] : memref<200x8x32x8x128xf32, #tpu.memory_space<hbm>> -> memref<1x1x1x8x128xf32, #tpu.memory_space<hbm>>
      %dma_start3A_995 = tpu.memref_squeeze %dma_start3A_994 : memref<1x1x1x8x128xf32, #tpu.memory_space<hbm>> -> memref<8x128xf32, #tpu.memory_space<hbm>>
      %dma_start3A_996 = arith.constant 0 : i32
      %dma_start3A_997 = arith.constant 0 : i32
      %dma_start3A_998 = tpu.memref_slice %arg4[%add3A_828, %dma_start3A_987, %add3A, %dma_start3A_996, %dma_start3A_997] : memref<200x8x32x8x128xf32, #tpu.memory_space<hbm>> -> memref<1x1x1x8x128xf32, #tpu.memory_space<hbm>>
      %dma_start3A_999 = tpu.memref_squeeze %dma_start3A_998 : memref<1x1x1x8x128xf32, #tpu.memory_space<hbm>> -> memref<8x128xf32, #tpu.memory_space<hbm>>
      %dma_start3A_1000 = arith.constant 48 : i32
      %dma_start3A_1001 = arith.constant 0 : i32
      %dma_start3A_1002 = tpu.memref_slice %arg7[%select_n3A_884, %dma_start3A_1000, %dma_start3A_1001] : memref<2x64x128xf32, #tpu.memory_space<vmem>> -> memref<1x8x128xf32, #tpu.memory_space<vmem>>
      %dma_start3A_1003 = tpu.memref_squeeze %dma_start3A_1002 : memref<1x8x128xf32, #tpu.memory_space<vmem>> -> memref<8x128xf32, #tpu.memory_space<vmem>>
      tpu.enqueue_dma source(%dma_start3A_1003 : memref<8x128xf32, #tpu.memory_space<vmem>>) target(%dma_start3A_999 : memref<8x128xf32, #tpu.memory_space<hbm>>) target_semaphore(%arg9 : memref<!tpu.dma_semaphore, #tpu.memory_space<semaphore_mem>>)
      %dma_start3A_1004 = arith.constant 7 : i32
      %dma_start3A_1005 = arith.constant 56 : i32
      %dma_start3A_1006 = arith.constant 0 : i32
      %dma_start3A_1007 = tpu.memref_slice %arg7[%select_n3A_884, %dma_start3A_1005, %dma_start3A_1006] : memref<2x64x128xf32, #tpu.memory_space<vmem>> -> memref<1x8x128xf32, #tpu.memory_space<vmem>>
      %dma_start3A_1008 = tpu.memref_squeeze %dma_start3A_1007 : memref<1x8x128xf32, #tpu.memory_space<vmem>> -> memref<8x128xf32, #tpu.memory_space<vmem>>
      %dma_start3A_1009 = arith.constant 0 : i32
      %dma_start3A_1010 = arith.constant 0 : i32
      %dma_start3A_1011 = tpu.memref_slice %arg4[%add3A_828, %dma_start3A_1004, %add3A, %dma_start3A_1009, %dma_start3A_1010] : memref<200x8x32x8x128xf32, #tpu.memory_space<hbm>> -> memref<1x1x1x8x128xf32, #tpu.memory_space<hbm>>
      %dma_start3A_1012 = tpu.memref_squeeze %dma_start3A_1011 : memref<1x1x1x8x128xf32, #tpu.memory_space<hbm>> -> memref<8x128xf32, #tpu.memory_space<hbm>>
      %dma_start3A_1013 = arith.constant 0 : i32
      %dma_start3A_1014 = arith.constant 0 : i32
      %dma_start3A_1015 = tpu.memref_slice %arg4[%add3A_828, %dma_start3A_1004, %add3A, %dma_start3A_1013, %dma_start3A_1014] : memref<200x8x32x8x128xf32, #tpu.memory_space<hbm>> -> memref<1x1x1x8x128xf32, #tpu.memory_space<hbm>>
      %dma_start3A_1016 = tpu.memref_squeeze %dma_start3A_1015 : memref<1x1x1x8x128xf32, #tpu.memory_space<hbm>> -> memref<8x128xf32, #tpu.memory_space<hbm>>
      %dma_start3A_1017 = arith.constant 56 : i32
      %dma_start3A_1018 = arith.constant 0 : i32
      %dma_start3A_1019 = tpu.memref_slice %arg7[%select_n3A_884, %dma_start3A_1017, %dma_start3A_1018] : memref<2x64x128xf32, #tpu.memory_space<vmem>> -> memref<1x8x128xf32, #tpu.memory_space<vmem>>
      %dma_start3A_1020 = tpu.memref_squeeze %dma_start3A_1019 : memref<1x8x128xf32, #tpu.memory_space<vmem>> -> memref<8x128xf32, #tpu.memory_space<vmem>>
      tpu.enqueue_dma source(%dma_start3A_1020 : memref<8x128xf32, #tpu.memory_space<vmem>>) target(%dma_start3A_1016 : memref<8x128xf32, #tpu.memory_space<hbm>>) target_semaphore(%arg9 : memref<!tpu.dma_semaphore, #tpu.memory_space<semaphore_mem>>)
      %add3A_1021 = arith.constant 4 : i32
      %add3A_1022 = arith.addi %add3A_828, %add3A_1021 : i32
      %min3A_1023 = arith.constant 199 : i32
      %min3A_1024 = arith.minsi %add3A_1022, %min3A_1023 : i32
      %dma_start3A_1025 = arith.constant 2 : i32
      %dma_start3A_1026 = arith.constant 0 : i32
      %dma_start3A_1027 = arith.constant 0 : i32
      %dma_start3A_1028 = tpu.memref_slice %arg6[%dma_start3A_1025, %dma_start3A_1026, %dma_start3A_1027] : memref<4x128x64xf32, #tpu.memory_space<vmem>> -> memref<1x128x64xf32, #tpu.memory_space<vmem>>
      %dma_start3A_1029 = tpu.memref_squeeze %dma_start3A_1028 : memref<1x128x64xf32, #tpu.memory_space<vmem>> -> memref<128x64xf32, #tpu.memory_space<vmem>>
      %dma_start3A_1030 = arith.constant 0 : i32
      %dma_start3A_1031 = tpu.memref_slice %arg5[%min3A_1024, %dma_start3A_1030] : memref<200x128xi32, #tpu.memory_space<vmem>> -> memref<1x128xi32, #tpu.memory_space<vmem>>
      %dma_start3A_1032 = tpu.memref_squeeze %dma_start3A_1031 : memref<1x128xi32, #tpu.memory_space<vmem>> -> memref<128xi32, #tpu.memory_space<vmem>>
      %dma_start3A_1033 = arith.constant 0 : i32
      %dma_start3A_1034 = arith.constant 0 : i32
      %dma_start3A_1035 = tpu.memref_slice %arg3[%dma_start3A_1033, %dma_start3A_1034] : memref<1000000x64xf32, #tpu.memory_space<hbm>> -> memref<1000000x64xf32, #tpu.memory_space<hbm>>
      tpu.enqueue_indirect_dma source(%dma_start3A_1035 : memref<1000000x64xf32, #tpu.memory_space<hbm>>) target(%dma_start3A_1029 : memref<128x64xf32, #tpu.memory_space<vmem>>) offsets(%dma_start3A_1032 : memref<128xi32, #tpu.memory_space<vmem>>) semaphore(%arg8 : memref<!tpu.dma_semaphore, #tpu.memory_space<semaphore_mem>>)
      %add3A_1036 = arith.constant 3 : i32
      %add3A_1037 = arith.addi %mul3A_420, %add3A_1036 : i32
      %dma_wait3A_1038 = arith.constant 3 : i32
      %dma_wait3A_1039 = arith.constant 0 : i32
      %dma_wait3A_1040 = arith.constant 0 : i32
      %dma_wait3A_1041 = tpu.memref_slice %arg6[%dma_wait3A_1038, %dma_wait3A_1039, %dma_wait3A_1040] : memref<4x128x64xf32, #tpu.memory_space<vmem>> -> memref<1x128x64xf32, #tpu.memory_space<vmem>>
      %dma_wait3A_1042 = tpu.memref_squeeze %dma_wait3A_1041 : memref<1x128x64xf32, #tpu.memory_space<vmem>> -> memref<128x64xf32, #tpu.memory_space<vmem>>
      %dma_wait3A_1043 = arith.constant 0 : i32
      %dma_wait3A_1044 = arith.constant 0 : i32
      %dma_wait3A_1045 = tpu.memref_slice %arg3[%dma_wait3A_1043, %dma_wait3A_1044] : memref<1000000x64xf32, #tpu.memory_space<hbm>> -> memref<128x64xf32, #tpu.memory_space<hbm>>
      %dma_wait3A_1046 = arith.constant 0 : i32
      %dma_wait3A_1047 = arith.constant 0 : i32
      %dma_wait3A_1048 = tpu.memref_slice %arg6[%dma_wait3A_1038, %dma_wait3A_1046, %dma_wait3A_1047] : memref<4x128x64xf32, #tpu.memory_space<vmem>> -> memref<1x128x64xf32, #tpu.memory_space<vmem>>
      %dma_wait3A_1049 = tpu.memref_squeeze %dma_wait3A_1048 : memref<1x128x64xf32, #tpu.memory_space<vmem>> -> memref<128x64xf32, #tpu.memory_space<vmem>>
      %dma_wait3A_1050 = arith.constant 0 : i32
      %dma_wait3A_1051 = arith.constant 0 : i32
      %dma_wait3A_1052 = tpu.memref_slice %arg3[%dma_wait3A_1050, %dma_wait3A_1051] : memref<1000000x64xf32, #tpu.memory_space<hbm>> -> memref<128x64xf32, #tpu.memory_space<hbm>>
      tpu.wait_dma2 semaphore(%arg8 : memref<!tpu.dma_semaphore, #tpu.memory_space<semaphore_mem>>) src(%dma_wait3A_1052 : memref<128x64xf32, #tpu.memory_space<hbm>>) dst(%dma_wait3A_1049 : memref<128x64xf32, #tpu.memory_space<vmem>>)
      %ge3A_1053 = arith.constant 2 : i32
      %ge3A_1054 = arith.cmpi sge, %add3A_1037, %ge3A_1053 : i32
      %convert_element_type3A_1055 = arith.extui %ge3A_1054 : i1 to i32
      %cond3A_1056 = arith.constant 0 : i32
      %cond3A_1057 = arith.cmpi ne, %convert_element_type3A_1055, %cond3A_1056 : i32
      scf.if %cond3A_1057 {
        %jit3A_1245 = arith.constant 2 : i32
        %eq3A_1246 = arith.constant 0 : i32
        %eq3A_1247 = arith.cmpi eq, %jit3A_1245, %eq3A_1246 : i32
        %jit3A_1248 = arith.constant 1 : i32
        %select_n3A_1249 = arith.select %eq3A_1247, %jit3A_1248, %jit3A_1245 : i32
        %rem3A_1250 = arith.remsi %add3A_1037, %select_n3A_1249 : i32
        %ne3A_1251 = arith.constant 0 : i32
        %ne3A_1252 = arith.cmpi ne, %rem3A_1250, %ne3A_1251 : i32
        %lt3A_1253 = arith.constant 0 : i32
        %lt3A_1254 = arith.cmpi slt, %rem3A_1250, %lt3A_1253 : i32
        %lt3A_1255 = arith.constant 0 : i32
        %lt3A_1256 = arith.cmpi slt, %select_n3A_1249, %lt3A_1255 : i32
        %ne3A_1257 = arith.xori %lt3A_1254, %lt3A_1256 : i1
        %and3A_1258 = arith.andi %ne3A_1257, %ne3A_1252 : i1
        %add3A_1259 = arith.addi %rem3A_1250, %select_n3A_1249 : i32
        %select_n3A_1260 = arith.select %and3A_1258, %add3A_1259, %rem3A_1250 : i32
        %dma_wait3A_1261 = arith.constant 0 : i32
        %dma_wait3A_1262 = arith.constant 0 : i32
        %dma_wait3A_1263 = arith.constant 0 : i32
        %dma_wait3A_1264 = arith.constant 0 : i32
        %dma_wait3A_1265 = tpu.memref_slice %arg7[%select_n3A_1260, %dma_wait3A_1263, %dma_wait3A_1264] : memref<2x64x128xf32, #tpu.memory_space<vmem>> -> memref<1x8x128xf32, #tpu.memory_space<vmem>>
        %dma_wait3A_1266 = tpu.memref_squeeze %dma_wait3A_1265 : memref<1x8x128xf32, #tpu.memory_space<vmem>> -> memref<8x128xf32, #tpu.memory_space<vmem>>
        %dma_wait3A_1267 = arith.constant 0 : i32
        %dma_wait3A_1268 = arith.constant 0 : i32
        %dma_wait3A_1269 = tpu.memref_slice %arg4[%dma_wait3A_1261, %dma_wait3A_1262, %add3A, %dma_wait3A_1267, %dma_wait3A_1268] : memref<200x8x32x8x128xf32, #tpu.memory_space<hbm>> -> memref<1x1x1x8x128xf32, #tpu.memory_space<hbm>>
        %dma_wait3A_1270 = tpu.memref_squeeze %dma_wait3A_1269 : memref<1x1x1x8x128xf32, #tpu.memory_space<hbm>> -> memref<8x128xf32, #tpu.memory_space<hbm>>
        %dma_wait3A_1271 = arith.constant 0 : i32
        %dma_wait3A_1272 = arith.constant 0 : i32
        %dma_wait3A_1273 = tpu.memref_slice %arg4[%dma_wait3A_1261, %dma_wait3A_1262, %add3A, %dma_wait3A_1271, %dma_wait3A_1272] : memref<200x8x32x8x128xf32, #tpu.memory_space<hbm>> -> memref<1x1x1x8x128xf32, #tpu.memory_space<hbm>>
        %dma_wait3A_1274 = tpu.memref_squeeze %dma_wait3A_1273 : memref<1x1x1x8x128xf32, #tpu.memory_space<hbm>> -> memref<8x128xf32, #tpu.memory_space<hbm>>
        %dma_wait3A_1275 = arith.constant 0 : i32
        %dma_wait3A_1276 = arith.constant 0 : i32
        %dma_wait3A_1277 = tpu.memref_slice %arg7[%select_n3A_1260, %dma_wait3A_1275, %dma_wait3A_1276] : memref<2x64x128xf32, #tpu.memory_space<vmem>> -> memref<1x8x128xf32, #tpu.memory_space<vmem>>
        %dma_wait3A_1278 = tpu.memref_squeeze %dma_wait3A_1277 : memref<1x8x128xf32, #tpu.memory_space<vmem>> -> memref<8x128xf32, #tpu.memory_space<vmem>>
        tpu.wait_dma2 semaphore(%arg9 : memref<!tpu.dma_semaphore, #tpu.memory_space<semaphore_mem>>) src(%dma_wait3A_1278 : memref<8x128xf32, #tpu.memory_space<vmem>>) dst(%dma_wait3A_1274 : memref<8x128xf32, #tpu.memory_space<hbm>>)
        %dma_wait3A_1279 = arith.constant 0 : i32
        %dma_wait3A_1280 = arith.constant 1 : i32
        %dma_wait3A_1281 = arith.constant 8 : i32
        %dma_wait3A_1282 = arith.constant 0 : i32
        %dma_wait3A_1283 = tpu.memref_slice %arg7[%select_n3A_1260, %dma_wait3A_1281, %dma_wait3A_1282] : memref<2x64x128xf32, #tpu.memory_space<vmem>> -> memref<1x8x128xf32, #tpu.memory_space<vmem>>
        %dma_wait3A_1284 = tpu.memref_squeeze %dma_wait3A_1283 : memref<1x8x128xf32, #tpu.memory_space<vmem>> -> memref<8x128xf32, #tpu.memory_space<vmem>>
        %dma_wait3A_1285 = arith.constant 0 : i32
        %dma_wait3A_1286 = arith.constant 0 : i32
        %dma_wait3A_1287 = tpu.memref_slice %arg4[%dma_wait3A_1279, %dma_wait3A_1280, %add3A, %dma_wait3A_1285, %dma_wait3A_1286] : memref<200x8x32x8x128xf32, #tpu.memory_space<hbm>> -> memref<1x1x1x8x128xf32, #tpu.memory_space<hbm>>
        %dma_wait3A_1288 = tpu.memref_squeeze %dma_wait3A_1287 : memref<1x1x1x8x128xf32, #tpu.memory_space<hbm>> -> memref<8x128xf32, #tpu.memory_space<hbm>>
        %dma_wait3A_1289 = arith.constant 0 : i32
        %dma_wait3A_1290 = arith.constant 0 : i32
        %dma_wait3A_1291 = tpu.memref_slice %arg4[%dma_wait3A_1279, %dma_wait3A_1280, %add3A, %dma_wait3A_1289, %dma_wait3A_1290] : memref<200x8x32x8x128xf32, #tpu.memory_space<hbm>> -> memref<1x1x1x8x128xf32, #tpu.memory_space<hbm>>
        %dma_wait3A_1292 = tpu.memref_squeeze %dma_wait3A_1291 : memref<1x1x1x8x128xf32, #tpu.memory_space<hbm>> -> memref<8x128xf32, #tpu.memory_space<hbm>>
        %dma_wait3A_1293 = arith.constant 8 : i32
        %dma_wait3A_1294 = arith.constant 0 : i32
        %dma_wait3A_1295 = tpu.memref_slice %arg7[%select_n3A_1260, %dma_wait3A_1293, %dma_wait3A_1294] : memref<2x64x128xf32, #tpu.memory_space<vmem>> -> memref<1x8x128xf32, #tpu.memory_space<vmem>>
        %dma_wait3A_1296 = tpu.memref_squeeze %dma_wait3A_1295 : memref<1x8x128xf32, #tpu.memory_space<vmem>> -> memref<8x128xf32, #tpu.memory_space<vmem>>
        tpu.wait_dma2 semaphore(%arg9 : memref<!tpu.dma_semaphore, #tpu.memory_space<semaphore_mem>>) src(%dma_wait3A_1296 : memref<8x128xf32, #tpu.memory_space<vmem>>) dst(%dma_wait3A_1292 : memref<8x128xf32, #tpu.memory_space<hbm>>)
        %dma_wait3A_1297 = arith.constant 0 : i32
        %dma_wait3A_1298 = arith.constant 2 : i32
        %dma_wait3A_1299 = arith.constant 16 : i32
        %dma_wait3A_1300 = arith.constant 0 : i32
        %dma_wait3A_1301 = tpu.memref_slice %arg7[%select_n3A_1260, %dma_wait3A_1299, %dma_wait3A_1300] : memref<2x64x128xf32, #tpu.memory_space<vmem>> -> memref<1x8x128xf32, #tpu.memory_space<vmem>>
        %dma_wait3A_1302 = tpu.memref_squeeze %dma_wait3A_1301 : memref<1x8x128xf32, #tpu.memory_space<vmem>> -> memref<8x128xf32, #tpu.memory_space<vmem>>
        %dma_wait3A_1303 = arith.constant 0 : i32
        %dma_wait3A_1304 = arith.constant 0 : i32
        %dma_wait3A_1305 = tpu.memref_slice %arg4[%dma_wait3A_1297, %dma_wait3A_1298, %add3A, %dma_wait3A_1303, %dma_wait3A_1304] : memref<200x8x32x8x128xf32, #tpu.memory_space<hbm>> -> memref<1x1x1x8x128xf32, #tpu.memory_space<hbm>>
        %dma_wait3A_1306 = tpu.memref_squeeze %dma_wait3A_1305 : memref<1x1x1x8x128xf32, #tpu.memory_space<hbm>> -> memref<8x128xf32, #tpu.memory_space<hbm>>
        %dma_wait3A_1307 = arith.constant 0 : i32
        %dma_wait3A_1308 = arith.constant 0 : i32
        %dma_wait3A_1309 = tpu.memref_slice %arg4[%dma_wait3A_1297, %dma_wait3A_1298, %add3A, %dma_wait3A_1307, %dma_wait3A_1308] : memref<200x8x32x8x128xf32, #tpu.memory_space<hbm>> -> memref<1x1x1x8x128xf32, #tpu.memory_space<hbm>>
        %dma_wait3A_1310 = tpu.memref_squeeze %dma_wait3A_1309 : memref<1x1x1x8x128xf32, #tpu.memory_space<hbm>> -> memref<8x128xf32, #tpu.memory_space<hbm>>
        %dma_wait3A_1311 = arith.constant 16 : i32
        %dma_wait3A_1312 = arith.constant 0 : i32
        %dma_wait3A_1313 = tpu.memref_slice %arg7[%select_n3A_1260, %dma_wait3A_1311, %dma_wait3A_1312] : memref<2x64x128xf32, #tpu.memory_space<vmem>> -> memref<1x8x128xf32, #tpu.memory_space<vmem>>
        %dma_wait3A_1314 = tpu.memref_squeeze %dma_wait3A_1313 : memref<1x8x128xf32, #tpu.memory_space<vmem>> -> memref<8x128xf32, #tpu.memory_space<vmem>>
        tpu.wait_dma2 semaphore(%arg9 : memref<!tpu.dma_semaphore, #tpu.memory_space<semaphore_mem>>) src(%dma_wait3A_1314 : memref<8x128xf32, #tpu.memory_space<vmem>>) dst(%dma_wait3A_1310 : memref<8x128xf32, #tpu.memory_space<hbm>>)
        %dma_wait3A_1315 = arith.constant 0 : i32
        %dma_wait3A_1316 = arith.constant 3 : i32
        %dma_wait3A_1317 = arith.constant 24 : i32
        %dma_wait3A_1318 = arith.constant 0 : i32
        %dma_wait3A_1319 = tpu.memref_slice %arg7[%select_n3A_1260, %dma_wait3A_1317, %dma_wait3A_1318] : memref<2x64x128xf32, #tpu.memory_space<vmem>> -> memref<1x8x128xf32, #tpu.memory_space<vmem>>
        %dma_wait3A_1320 = tpu.memref_squeeze %dma_wait3A_1319 : memref<1x8x128xf32, #tpu.memory_space<vmem>> -> memref<8x128xf32, #tpu.memory_space<vmem>>
        %dma_wait3A_1321 = arith.constant 0 : i32
        %dma_wait3A_1322 = arith.constant 0 : i32
        %dma_wait3A_1323 = tpu.memref_slice %arg4[%dma_wait3A_1315, %dma_wait3A_1316, %add3A, %dma_wait3A_1321, %dma_wait3A_1322] : memref<200x8x32x8x128xf32, #tpu.memory_space<hbm>> -> memref<1x1x1x8x128xf32, #tpu.memory_space<hbm>>
        %dma_wait3A_1324 = tpu.memref_squeeze %dma_wait3A_1323 : memref<1x1x1x8x128xf32, #tpu.memory_space<hbm>> -> memref<8x128xf32, #tpu.memory_space<hbm>>
        %dma_wait3A_1325 = arith.constant 0 : i32
        %dma_wait3A_1326 = arith.constant 0 : i32
        %dma_wait3A_1327 = tpu.memref_slice %arg4[%dma_wait3A_1315, %dma_wait3A_1316, %add3A, %dma_wait3A_1325, %dma_wait3A_1326] : memref<200x8x32x8x128xf32, #tpu.memory_space<hbm>> -> memref<1x1x1x8x128xf32, #tpu.memory_space<hbm>>
        %dma_wait3A_1328 = tpu.memref_squeeze %dma_wait3A_1327 : memref<1x1x1x8x128xf32, #tpu.memory_space<hbm>> -> memref<8x128xf32, #tpu.memory_space<hbm>>
        %dma_wait3A_1329 = arith.constant 24 : i32
        %dma_wait3A_1330 = arith.constant 0 : i32
        %dma_wait3A_1331 = tpu.memref_slice %arg7[%select_n3A_1260, %dma_wait3A_1329, %dma_wait3A_1330] : memref<2x64x128xf32, #tpu.memory_space<vmem>> -> memref<1x8x128xf32, #tpu.memory_space<vmem>>
        %dma_wait3A_1332 = tpu.memref_squeeze %dma_wait3A_1331 : memref<1x8x128xf32, #tpu.memory_space<vmem>> -> memref<8x128xf32, #tpu.memory_space<vmem>>
        tpu.wait_dma2 semaphore(%arg9 : memref<!tpu.dma_semaphore, #tpu.memory_space<semaphore_mem>>) src(%dma_wait3A_1332 : memref<8x128xf32, #tpu.memory_space<vmem>>) dst(%dma_wait3A_1328 : memref<8x128xf32, #tpu.memory_space<hbm>>)
        %dma_wait3A_1333 = arith.constant 0 : i32
        %dma_wait3A_1334 = arith.constant 4 : i32
        %dma_wait3A_1335 = arith.constant 32 : i32
        %dma_wait3A_1336 = arith.constant 0 : i32
        %dma_wait3A_1337 = tpu.memref_slice %arg7[%select_n3A_1260, %dma_wait3A_1335, %dma_wait3A_1336] : memref<2x64x128xf32, #tpu.memory_space<vmem>> -> memref<1x8x128xf32, #tpu.memory_space<vmem>>
        %dma_wait3A_1338 = tpu.memref_squeeze %dma_wait3A_1337 : memref<1x8x128xf32, #tpu.memory_space<vmem>> -> memref<8x128xf32, #tpu.memory_space<vmem>>
        %dma_wait3A_1339 = arith.constant 0 : i32
        %dma_wait3A_1340 = arith.constant 0 : i32
        %dma_wait3A_1341 = tpu.memref_slice %arg4[%dma_wait3A_1333, %dma_wait3A_1334, %add3A, %dma_wait3A_1339, %dma_wait3A_1340] : memref<200x8x32x8x128xf32, #tpu.memory_space<hbm>> -> memref<1x1x1x8x128xf32, #tpu.memory_space<hbm>>
        %dma_wait3A_1342 = tpu.memref_squeeze %dma_wait3A_1341 : memref<1x1x1x8x128xf32, #tpu.memory_space<hbm>> -> memref<8x128xf32, #tpu.memory_space<hbm>>
        %dma_wait3A_1343 = arith.constant 0 : i32
        %dma_wait3A_1344 = arith.constant 0 : i32
        %dma_wait3A_1345 = tpu.memref_slice %arg4[%dma_wait3A_1333, %dma_wait3A_1334, %add3A, %dma_wait3A_1343, %dma_wait3A_1344] : memref<200x8x32x8x128xf32, #tpu.memory_space<hbm>> -> memref<1x1x1x8x128xf32, #tpu.memory_space<hbm>>
        %dma_wait3A_1346 = tpu.memref_squeeze %dma_wait3A_1345 : memref<1x1x1x8x128xf32, #tpu.memory_space<hbm>> -> memref<8x128xf32, #tpu.memory_space<hbm>>
        %dma_wait3A_1347 = arith.constant 32 : i32
        %dma_wait3A_1348 = arith.constant 0 : i32
        %dma_wait3A_1349 = tpu.memref_slice %arg7[%select_n3A_1260, %dma_wait3A_1347, %dma_wait3A_1348] : memref<2x64x128xf32, #tpu.memory_space<vmem>> -> memref<1x8x128xf32, #tpu.memory_space<vmem>>
        %dma_wait3A_1350 = tpu.memref_squeeze %dma_wait3A_1349 : memref<1x8x128xf32, #tpu.memory_space<vmem>> -> memref<8x128xf32, #tpu.memory_space<vmem>>
        tpu.wait_dma2 semaphore(%arg9 : memref<!tpu.dma_semaphore, #tpu.memory_space<semaphore_mem>>) src(%dma_wait3A_1350 : memref<8x128xf32, #tpu.memory_space<vmem>>) dst(%dma_wait3A_1346 : memref<8x128xf32, #tpu.memory_space<hbm>>)
        %dma_wait3A_1351 = arith.constant 0 : i32
        %dma_wait3A_1352 = arith.constant 5 : i32
        %dma_wait3A_1353 = arith.constant 40 : i32
        %dma_wait3A_1354 = arith.constant 0 : i32
        %dma_wait3A_1355 = tpu.memref_slice %arg7[%select_n3A_1260, %dma_wait3A_1353, %dma_wait3A_1354] : memref<2x64x128xf32, #tpu.memory_space<vmem>> -> memref<1x8x128xf32, #tpu.memory_space<vmem>>
        %dma_wait3A_1356 = tpu.memref_squeeze %dma_wait3A_1355 : memref<1x8x128xf32, #tpu.memory_space<vmem>> -> memref<8x128xf32, #tpu.memory_space<vmem>>
        %dma_wait3A_1357 = arith.constant 0 : i32
        %dma_wait3A_1358 = arith.constant 0 : i32
        %dma_wait3A_1359 = tpu.memref_slice %arg4[%dma_wait3A_1351, %dma_wait3A_1352, %add3A, %dma_wait3A_1357, %dma_wait3A_1358] : memref<200x8x32x8x128xf32, #tpu.memory_space<hbm>> -> memref<1x1x1x8x128xf32, #tpu.memory_space<hbm>>
        %dma_wait3A_1360 = tpu.memref_squeeze %dma_wait3A_1359 : memref<1x1x1x8x128xf32, #tpu.memory_space<hbm>> -> memref<8x128xf32, #tpu.memory_space<hbm>>
        %dma_wait3A_1361 = arith.constant 0 : i32
        %dma_wait3A_1362 = arith.constant 0 : i32
        %dma_wait3A_1363 = tpu.memref_slice %arg4[%dma_wait3A_1351, %dma_wait3A_1352, %add3A, %dma_wait3A_1361, %dma_wait3A_1362] : memref<200x8x32x8x128xf32, #tpu.memory_space<hbm>> -> memref<1x1x1x8x128xf32, #tpu.memory_space<hbm>>
        %dma_wait3A_1364 = tpu.memref_squeeze %dma_wait3A_1363 : memref<1x1x1x8x128xf32, #tpu.memory_space<hbm>> -> memref<8x128xf32, #tpu.memory_space<hbm>>
        %dma_wait3A_1365 = arith.constant 40 : i32
        %dma_wait3A_1366 = arith.constant 0 : i32
        %dma_wait3A_1367 = tpu.memref_slice %arg7[%select_n3A_1260, %dma_wait3A_1365, %dma_wait3A_1366] : memref<2x64x128xf32, #tpu.memory_space<vmem>> -> memref<1x8x128xf32, #tpu.memory_space<vmem>>
        %dma_wait3A_1368 = tpu.memref_squeeze %dma_wait3A_1367 : memref<1x8x128xf32, #tpu.memory_space<vmem>> -> memref<8x128xf32, #tpu.memory_space<vmem>>
        tpu.wait_dma2 semaphore(%arg9 : memref<!tpu.dma_semaphore, #tpu.memory_space<semaphore_mem>>) src(%dma_wait3A_1368 : memref<8x128xf32, #tpu.memory_space<vmem>>) dst(%dma_wait3A_1364 : memref<8x128xf32, #tpu.memory_space<hbm>>)
        %dma_wait3A_1369 = arith.constant 0 : i32
        %dma_wait3A_1370 = arith.constant 6 : i32
        %dma_wait3A_1371 = arith.constant 48 : i32
        %dma_wait3A_1372 = arith.constant 0 : i32
        %dma_wait3A_1373 = tpu.memref_slice %arg7[%select_n3A_1260, %dma_wait3A_1371, %dma_wait3A_1372] : memref<2x64x128xf32, #tpu.memory_space<vmem>> -> memref<1x8x128xf32, #tpu.memory_space<vmem>>
        %dma_wait3A_1374 = tpu.memref_squeeze %dma_wait3A_1373 : memref<1x8x128xf32, #tpu.memory_space<vmem>> -> memref<8x128xf32, #tpu.memory_space<vmem>>
        %dma_wait3A_1375 = arith.constant 0 : i32
        %dma_wait3A_1376 = arith.constant 0 : i32
        %dma_wait3A_1377 = tpu.memref_slice %arg4[%dma_wait3A_1369, %dma_wait3A_1370, %add3A, %dma_wait3A_1375, %dma_wait3A_1376] : memref<200x8x32x8x128xf32, #tpu.memory_space<hbm>> -> memref<1x1x1x8x128xf32, #tpu.memory_space<hbm>>
        %dma_wait3A_1378 = tpu.memref_squeeze %dma_wait3A_1377 : memref<1x1x1x8x128xf32, #tpu.memory_space<hbm>> -> memref<8x128xf32, #tpu.memory_space<hbm>>
        %dma_wait3A_1379 = arith.constant 0 : i32
        %dma_wait3A_1380 = arith.constant 0 : i32
        %dma_wait3A_1381 = tpu.memref_slice %arg4[%dma_wait3A_1369, %dma_wait3A_1370, %add3A, %dma_wait3A_1379, %dma_wait3A_1380] : memref<200x8x32x8x128xf32, #tpu.memory_space<hbm>> -> memref<1x1x1x8x128xf32, #tpu.memory_space<hbm>>
        %dma_wait3A_1382 = tpu.memref_squeeze %dma_wait3A_1381 : memref<1x1x1x8x128xf32, #tpu.memory_space<hbm>> -> memref<8x128xf32, #tpu.memory_space<hbm>>
        %dma_wait3A_1383 = arith.constant 48 : i32
        %dma_wait3A_1384 = arith.constant 0 : i32
        %dma_wait3A_1385 = tpu.memref_slice %arg7[%select_n3A_1260, %dma_wait3A_1383, %dma_wait3A_1384] : memref<2x64x128xf32, #tpu.memory_space<vmem>> -> memref<1x8x128xf32, #tpu.memory_space<vmem>>
        %dma_wait3A_1386 = tpu.memref_squeeze %dma_wait3A_1385 : memref<1x8x128xf32, #tpu.memory_space<vmem>> -> memref<8x128xf32, #tpu.memory_space<vmem>>
        tpu.wait_dma2 semaphore(%arg9 : memref<!tpu.dma_semaphore, #tpu.memory_space<semaphore_mem>>) src(%dma_wait3A_1386 : memref<8x128xf32, #tpu.memory_space<vmem>>) dst(%dma_wait3A_1382 : memref<8x128xf32, #tpu.memory_space<hbm>>)
        %dma_wait3A_1387 = arith.constant 0 : i32
        %dma_wait3A_1388 = arith.constant 7 : i32
        %dma_wait3A_1389 = arith.constant 56 : i32
        %dma_wait3A_1390 = arith.constant 0 : i32
        %dma_wait3A_1391 = tpu.memref_slice %arg7[%select_n3A_1260, %dma_wait3A_1389, %dma_wait3A_1390] : memref<2x64x128xf32, #tpu.memory_space<vmem>> -> memref<1x8x128xf32, #tpu.memory_space<vmem>>
        %dma_wait3A_1392 = tpu.memref_squeeze %dma_wait3A_1391 : memref<1x8x128xf32, #tpu.memory_space<vmem>> -> memref<8x128xf32, #tpu.memory_space<vmem>>
        %dma_wait3A_1393 = arith.constant 0 : i32
        %dma_wait3A_1394 = arith.constant 0 : i32
        %dma_wait3A_1395 = tpu.memref_slice %arg4[%dma_wait3A_1387, %dma_wait3A_1388, %add3A, %dma_wait3A_1393, %dma_wait3A_1394] : memref<200x8x32x8x128xf32, #tpu.memory_space<hbm>> -> memref<1x1x1x8x128xf32, #tpu.memory_space<hbm>>
        %dma_wait3A_1396 = tpu.memref_squeeze %dma_wait3A_1395 : memref<1x1x1x8x128xf32, #tpu.memory_space<hbm>> -> memref<8x128xf32, #tpu.memory_space<hbm>>
        %dma_wait3A_1397 = arith.constant 0 : i32
        %dma_wait3A_1398 = arith.constant 0 : i32
        %dma_wait3A_1399 = tpu.memref_slice %arg4[%dma_wait3A_1387, %dma_wait3A_1388, %add3A, %dma_wait3A_1397, %dma_wait3A_1398] : memref<200x8x32x8x128xf32, #tpu.memory_space<hbm>> -> memref<1x1x1x8x128xf32, #tpu.memory_space<hbm>>
        %dma_wait3A_1400 = tpu.memref_squeeze %dma_wait3A_1399 : memref<1x1x1x8x128xf32, #tpu.memory_space<hbm>> -> memref<8x128xf32, #tpu.memory_space<hbm>>
        %dma_wait3A_1401 = arith.constant 56 : i32
        %dma_wait3A_1402 = arith.constant 0 : i32
        %dma_wait3A_1403 = tpu.memref_slice %arg7[%select_n3A_1260, %dma_wait3A_1401, %dma_wait3A_1402] : memref<2x64x128xf32, #tpu.memory_space<vmem>> -> memref<1x8x128xf32, #tpu.memory_space<vmem>>
        %dma_wait3A_1404 = tpu.memref_squeeze %dma_wait3A_1403 : memref<1x8x128xf32, #tpu.memory_space<vmem>> -> memref<8x128xf32, #tpu.memory_space<vmem>>
        tpu.wait_dma2 semaphore(%arg9 : memref<!tpu.dma_semaphore, #tpu.memory_space<semaphore_mem>>) src(%dma_wait3A_1404 : memref<8x128xf32, #tpu.memory_space<vmem>>) dst(%dma_wait3A_1400 : memref<8x128xf32, #tpu.memory_space<hbm>>)
      } else {
      }
      %jit3A_1058 = arith.constant 2 : i32
      %eq3A_1059 = arith.constant 0 : i32
      %eq3A_1060 = arith.cmpi eq, %jit3A_1058, %eq3A_1059 : i32
      %jit3A_1061 = arith.constant 1 : i32
      %select_n3A_1062 = arith.select %eq3A_1060, %jit3A_1061, %jit3A_1058 : i32
      %rem3A_1063 = arith.remsi %add3A_1037, %select_n3A_1062 : i32
      %ne3A_1064 = arith.constant 0 : i32
      %ne3A_1065 = arith.cmpi ne, %rem3A_1063, %ne3A_1064 : i32
      %lt3A_1066 = arith.constant 0 : i32
      %lt3A_1067 = arith.cmpi slt, %rem3A_1063, %lt3A_1066 : i32
      %lt3A_1068 = arith.constant 0 : i32
      %lt3A_1069 = arith.cmpi slt, %select_n3A_1062, %lt3A_1068 : i32
      %ne3A_1070 = arith.xori %lt3A_1067, %lt3A_1069 : i1
      %and3A_1071 = arith.andi %ne3A_1070, %ne3A_1065 : i1
      %add3A_1072 = arith.addi %rem3A_1063, %select_n3A_1062 : i32
      %select_n3A_1073 = arith.select %and3A_1071, %add3A_1072, %rem3A_1063 : i32
      %parallel_loop3A_1074 = arith.constant 0 : i32
      %parallel_loop3A_1075 = arith.constant 512 : i32
      %parallel_loop3A_1076 = arith.constant 1 : i32
      %parallel_loop3A_1077 = arith.constant 3 : i32
      scf.for %parallel_loop3A_1245 = %parallel_loop3A_1074 to %parallel_loop3A_1075 step %parallel_loop3A_1076  : i32 {
        %parallel_loop3A_1246 = arith.constant 6 : i32
        %parallel_loop3A_1247 = arith.shrsi %parallel_loop3A_1245, %parallel_loop3A_1246 : i32
        %parallel_loop3A_1248 = arith.constant 4 : i32
        %parallel_loop3A_1249 = arith.shrsi %parallel_loop3A_1245, %parallel_loop3A_1248 : i32
        %parallel_loop3A_1250 = arith.constant 3 : i32
        %parallel_loop3A_1251 = arith.andi %parallel_loop3A_1249, %parallel_loop3A_1250 : i32
        %parallel_loop3A_1252 = arith.constant 15 : i32
        %parallel_loop3A_1253 = arith.andi %parallel_loop3A_1245, %parallel_loop3A_1252 : i32
        %parallel_loop3A_1254 = arith.constant 4 : i32
        %parallel_loop3A_1255 = arith.shli %parallel_loop3A_1247, %parallel_loop3A_1254 : i32
        %parallel_loop3A_1256 = vector.broadcast %parallel_loop3A_1255 : i32 to vector<16xi32>
        %parallel_loop3A_1257 = arith.addi %iota3A, %parallel_loop3A_1256 : vector<16xi32>
        %parallel_loop3A_1258 = vector.broadcast %parallel_loop3A_1253 : i32 to vector<16xi32>
        %parallel_loop3A_1259 = arith.xori %iota3A, %parallel_loop3A_1258 : vector<16xi32>
        %parallel_loop3A_1260 = arith.constant 4 : i32
        %parallel_loop3A_1261 = arith.shli %parallel_loop3A_1251, %parallel_loop3A_1260 : i32
        %parallel_loop3A_1262 = vector.broadcast %parallel_loop3A_1261 : i32 to vector<16xi32>
        %parallel_loop3A_1263 = arith.addi %parallel_loop3A_1259, %parallel_loop3A_1262 : vector<16xi32>
        %parallel_loop3A_1264 = arith.constant 0 : i32
        %parallel_loop3A_1265 = arith.constant 0 : i32
        %parallel_loop3A_1266 = tpu.memref_slice %arg6[%parallel_loop3A_1077, %parallel_loop3A_1264, %parallel_loop3A_1265] : memref<4x128x64xf32, #tpu.memory_space<vmem>> -> memref<1x128x64xf32, #tpu.memory_space<vmem>>
        %parallel_loop3A_1267 = tpu.memref_squeeze %parallel_loop3A_1266 : memref<1x128x64xf32, #tpu.memory_space<vmem>> -> memref<128x64xf32, #tpu.memory_space<vmem>>
        %parallel_loop3A_1268 = tpu.vector_load_idx %parallel_loop3A_1267[%parallel_loop3A_1257, %parallel_loop3A_1263] : memref<128x64xf32, #tpu.memory_space<vmem>>[vector<16xi32>, vector<16xi32>], vector<16xf32>,
        %parallel_loop3A_1269 = arith.constant 0 : i32
        %parallel_loop3A_1270 = arith.constant 0 : i32
        %parallel_loop3A_1271 = tpu.memref_slice %arg7[%select_n3A_1073, %parallel_loop3A_1269, %parallel_loop3A_1270] : memref<2x64x128xf32, #tpu.memory_space<vmem>> -> memref<1x64x128xf32, #tpu.memory_space<vmem>>
        %parallel_loop3A_1272 = tpu.memref_squeeze %parallel_loop3A_1271 : memref<1x64x128xf32, #tpu.memory_space<vmem>> -> memref<64x128xf32, #tpu.memory_space<vmem>>
        tpu.vector_store_idx %parallel_loop3A_1272[%parallel_loop3A_1263, %parallel_loop3A_1257], %parallel_loop3A_1268 : memref<64x128xf32, #tpu.memory_space<vmem>>[vector<16xi32>, vector<16xi32>], vector<16xf32>,
      } {sc.loop_unroll_factor = 8 : i64, sc.parallel_access}
      %jit3A_1078 = arith.constant 2 : i32
      %eq3A_1079 = arith.constant 0 : i32
      %eq3A_1080 = arith.cmpi eq, %jit3A_1078, %eq3A_1079 : i32
      %jit3A_1081 = arith.constant 1 : i32
      %select_n3A_1082 = arith.select %eq3A_1080, %jit3A_1081, %jit3A_1078 : i32
      %rem3A_1083 = arith.remsi %add3A_1037, %select_n3A_1082 : i32
      %ne3A_1084 = arith.constant 0 : i32
      %ne3A_1085 = arith.cmpi ne, %rem3A_1083, %ne3A_1084 : i32
      %lt3A_1086 = arith.constant 0 : i32
      %lt3A_1087 = arith.cmpi slt, %rem3A_1083, %lt3A_1086 : i32
      %lt3A_1088 = arith.constant 0 : i32
      %lt3A_1089 = arith.cmpi slt, %select_n3A_1082, %lt3A_1088 : i32
      %ne3A_1090 = arith.xori %lt3A_1087, %lt3A_1089 : i1
      %and3A_1091 = arith.andi %ne3A_1090, %ne3A_1085 : i1
      %add3A_1092 = arith.addi %rem3A_1083, %select_n3A_1082 : i32
      %select_n3A_1093 = arith.select %and3A_1091, %add3A_1092, %rem3A_1083 : i32
      %dma_start3A_1094 = arith.constant 0 : i32
      %dma_start3A_1095 = arith.constant 0 : i32
      %dma_start3A_1096 = arith.constant 0 : i32
      %dma_start3A_1097 = tpu.memref_slice %arg7[%select_n3A_1093, %dma_start3A_1095, %dma_start3A_1096] : memref<2x64x128xf32, #tpu.memory_space<vmem>> -> memref<1x8x128xf32, #tpu.memory_space<vmem>>
      %dma_start3A_1098 = tpu.memref_squeeze %dma_start3A_1097 : memref<1x8x128xf32, #tpu.memory_space<vmem>> -> memref<8x128xf32, #tpu.memory_space<vmem>>
      %dma_start3A_1099 = arith.constant 0 : i32
      %dma_start3A_1100 = arith.constant 0 : i32
      %dma_start3A_1101 = tpu.memref_slice %arg4[%add3A_1037, %dma_start3A_1094, %add3A, %dma_start3A_1099, %dma_start3A_1100] : memref<200x8x32x8x128xf32, #tpu.memory_space<hbm>> -> memref<1x1x1x8x128xf32, #tpu.memory_space<hbm>>
      %dma_start3A_1102 = tpu.memref_squeeze %dma_start3A_1101 : memref<1x1x1x8x128xf32, #tpu.memory_space<hbm>> -> memref<8x128xf32, #tpu.memory_space<hbm>>
      %dma_start3A_1103 = arith.constant 0 : i32
      %dma_start3A_1104 = arith.constant 0 : i32
      %dma_start3A_1105 = tpu.memref_slice %arg4[%add3A_1037, %dma_start3A_1094, %add3A, %dma_start3A_1103, %dma_start3A_1104] : memref<200x8x32x8x128xf32, #tpu.memory_space<hbm>> -> memref<1x1x1x8x128xf32, #tpu.memory_space<hbm>>
      %dma_start3A_1106 = tpu.memref_squeeze %dma_start3A_1105 : memref<1x1x1x8x128xf32, #tpu.memory_space<hbm>> -> memref<8x128xf32, #tpu.memory_space<hbm>>
      %dma_start3A_1107 = arith.constant 0 : i32
      %dma_start3A_1108 = arith.constant 0 : i32
      %dma_start3A_1109 = tpu.memref_slice %arg7[%select_n3A_1093, %dma_start3A_1107, %dma_start3A_1108] : memref<2x64x128xf32, #tpu.memory_space<vmem>> -> memref<1x8x128xf32, #tpu.memory_space<vmem>>
      %dma_start3A_1110 = tpu.memref_squeeze %dma_start3A_1109 : memref<1x8x128xf32, #tpu.memory_space<vmem>> -> memref<8x128xf32, #tpu.memory_space<vmem>>
      tpu.enqueue_dma source(%dma_start3A_1110 : memref<8x128xf32, #tpu.memory_space<vmem>>) target(%dma_start3A_1106 : memref<8x128xf32, #tpu.memory_space<hbm>>) target_semaphore(%arg9 : memref<!tpu.dma_semaphore, #tpu.memory_space<semaphore_mem>>)
      %dma_start3A_1111 = arith.constant 1 : i32
      %dma_start3A_1112 = arith.constant 8 : i32
      %dma_start3A_1113 = arith.constant 0 : i32
      %dma_start3A_1114 = tpu.memref_slice %arg7[%select_n3A_1093, %dma_start3A_1112, %dma_start3A_1113] : memref<2x64x128xf32, #tpu.memory_space<vmem>> -> memref<1x8x128xf32, #tpu.memory_space<vmem>>
      %dma_start3A_1115 = tpu.memref_squeeze %dma_start3A_1114 : memref<1x8x128xf32, #tpu.memory_space<vmem>> -> memref<8x128xf32, #tpu.memory_space<vmem>>
      %dma_start3A_1116 = arith.constant 0 : i32
      %dma_start3A_1117 = arith.constant 0 : i32
      %dma_start3A_1118 = tpu.memref_slice %arg4[%add3A_1037, %dma_start3A_1111, %add3A, %dma_start3A_1116, %dma_start3A_1117] : memref<200x8x32x8x128xf32, #tpu.memory_space<hbm>> -> memref<1x1x1x8x128xf32, #tpu.memory_space<hbm>>
      %dma_start3A_1119 = tpu.memref_squeeze %dma_start3A_1118 : memref<1x1x1x8x128xf32, #tpu.memory_space<hbm>> -> memref<8x128xf32, #tpu.memory_space<hbm>>
      %dma_start3A_1120 = arith.constant 0 : i32
      %dma_start3A_1121 = arith.constant 0 : i32
      %dma_start3A_1122 = tpu.memref_slice %arg4[%add3A_1037, %dma_start3A_1111, %add3A, %dma_start3A_1120, %dma_start3A_1121] : memref<200x8x32x8x128xf32, #tpu.memory_space<hbm>> -> memref<1x1x1x8x128xf32, #tpu.memory_space<hbm>>
      %dma_start3A_1123 = tpu.memref_squeeze %dma_start3A_1122 : memref<1x1x1x8x128xf32, #tpu.memory_space<hbm>> -> memref<8x128xf32, #tpu.memory_space<hbm>>
      %dma_start3A_1124 = arith.constant 8 : i32
      %dma_start3A_1125 = arith.constant 0 : i32
      %dma_start3A_1126 = tpu.memref_slice %arg7[%select_n3A_1093, %dma_start3A_1124, %dma_start3A_1125] : memref<2x64x128xf32, #tpu.memory_space<vmem>> -> memref<1x8x128xf32, #tpu.memory_space<vmem>>
      %dma_start3A_1127 = tpu.memref_squeeze %dma_start3A_1126 : memref<1x8x128xf32, #tpu.memory_space<vmem>> -> memref<8x128xf32, #tpu.memory_space<vmem>>
      tpu.enqueue_dma source(%dma_start3A_1127 : memref<8x128xf32, #tpu.memory_space<vmem>>) target(%dma_start3A_1123 : memref<8x128xf32, #tpu.memory_space<hbm>>) target_semaphore(%arg9 : memref<!tpu.dma_semaphore, #tpu.memory_space<semaphore_mem>>)
      %dma_start3A_1128 = arith.constant 2 : i32
      %dma_start3A_1129 = arith.constant 16 : i32
      %dma_start3A_1130 = arith.constant 0 : i32
      %dma_start3A_1131 = tpu.memref_slice %arg7[%select_n3A_1093, %dma_start3A_1129, %dma_start3A_1130] : memref<2x64x128xf32, #tpu.memory_space<vmem>> -> memref<1x8x128xf32, #tpu.memory_space<vmem>>
      %dma_start3A_1132 = tpu.memref_squeeze %dma_start3A_1131 : memref<1x8x128xf32, #tpu.memory_space<vmem>> -> memref<8x128xf32, #tpu.memory_space<vmem>>
      %dma_start3A_1133 = arith.constant 0 : i32
      %dma_start3A_1134 = arith.constant 0 : i32
      %dma_start3A_1135 = tpu.memref_slice %arg4[%add3A_1037, %dma_start3A_1128, %add3A, %dma_start3A_1133, %dma_start3A_1134] : memref<200x8x32x8x128xf32, #tpu.memory_space<hbm>> -> memref<1x1x1x8x128xf32, #tpu.memory_space<hbm>>
      %dma_start3A_1136 = tpu.memref_squeeze %dma_start3A_1135 : memref<1x1x1x8x128xf32, #tpu.memory_space<hbm>> -> memref<8x128xf32, #tpu.memory_space<hbm>>
      %dma_start3A_1137 = arith.constant 0 : i32
      %dma_start3A_1138 = arith.constant 0 : i32
      %dma_start3A_1139 = tpu.memref_slice %arg4[%add3A_1037, %dma_start3A_1128, %add3A, %dma_start3A_1137, %dma_start3A_1138] : memref<200x8x32x8x128xf32, #tpu.memory_space<hbm>> -> memref<1x1x1x8x128xf32, #tpu.memory_space<hbm>>
      %dma_start3A_1140 = tpu.memref_squeeze %dma_start3A_1139 : memref<1x1x1x8x128xf32, #tpu.memory_space<hbm>> -> memref<8x128xf32, #tpu.memory_space<hbm>>
      %dma_start3A_1141 = arith.constant 16 : i32
      %dma_start3A_1142 = arith.constant 0 : i32
      %dma_start3A_1143 = tpu.memref_slice %arg7[%select_n3A_1093, %dma_start3A_1141, %dma_start3A_1142] : memref<2x64x128xf32, #tpu.memory_space<vmem>> -> memref<1x8x128xf32, #tpu.memory_space<vmem>>
      %dma_start3A_1144 = tpu.memref_squeeze %dma_start3A_1143 : memref<1x8x128xf32, #tpu.memory_space<vmem>> -> memref<8x128xf32, #tpu.memory_space<vmem>>
      tpu.enqueue_dma source(%dma_start3A_1144 : memref<8x128xf32, #tpu.memory_space<vmem>>) target(%dma_start3A_1140 : memref<8x128xf32, #tpu.memory_space<hbm>>) target_semaphore(%arg9 : memref<!tpu.dma_semaphore, #tpu.memory_space<semaphore_mem>>)
      %dma_start3A_1145 = arith.constant 3 : i32
      %dma_start3A_1146 = arith.constant 24 : i32
      %dma_start3A_1147 = arith.constant 0 : i32
      %dma_start3A_1148 = tpu.memref_slice %arg7[%select_n3A_1093, %dma_start3A_1146, %dma_start3A_1147] : memref<2x64x128xf32, #tpu.memory_space<vmem>> -> memref<1x8x128xf32, #tpu.memory_space<vmem>>
      %dma_start3A_1149 = tpu.memref_squeeze %dma_start3A_1148 : memref<1x8x128xf32, #tpu.memory_space<vmem>> -> memref<8x128xf32, #tpu.memory_space<vmem>>
      %dma_start3A_1150 = arith.constant 0 : i32
      %dma_start3A_1151 = arith.constant 0 : i32
      %dma_start3A_1152 = tpu.memref_slice %arg4[%add3A_1037, %dma_start3A_1145, %add3A, %dma_start3A_1150, %dma_start3A_1151] : memref<200x8x32x8x128xf32, #tpu.memory_space<hbm>> -> memref<1x1x1x8x128xf32, #tpu.memory_space<hbm>>
      %dma_start3A_1153 = tpu.memref_squeeze %dma_start3A_1152 : memref<1x1x1x8x128xf32, #tpu.memory_space<hbm>> -> memref<8x128xf32, #tpu.memory_space<hbm>>
      %dma_start3A_1154 = arith.constant 0 : i32
      %dma_start3A_1155 = arith.constant 0 : i32
      %dma_start3A_1156 = tpu.memref_slice %arg4[%add3A_1037, %dma_start3A_1145, %add3A, %dma_start3A_1154, %dma_start3A_1155] : memref<200x8x32x8x128xf32, #tpu.memory_space<hbm>> -> memref<1x1x1x8x128xf32, #tpu.memory_space<hbm>>
      %dma_start3A_1157 = tpu.memref_squeeze %dma_start3A_1156 : memref<1x1x1x8x128xf32, #tpu.memory_space<hbm>> -> memref<8x128xf32, #tpu.memory_space<hbm>>
      %dma_start3A_1158 = arith.constant 24 : i32
      %dma_start3A_1159 = arith.constant 0 : i32
      %dma_start3A_1160 = tpu.memref_slice %arg7[%select_n3A_1093, %dma_start3A_1158, %dma_start3A_1159] : memref<2x64x128xf32, #tpu.memory_space<vmem>> -> memref<1x8x128xf32, #tpu.memory_space<vmem>>
      %dma_start3A_1161 = tpu.memref_squeeze %dma_start3A_1160 : memref<1x8x128xf32, #tpu.memory_space<vmem>> -> memref<8x128xf32, #tpu.memory_space<vmem>>
      tpu.enqueue_dma source(%dma_start3A_1161 : memref<8x128xf32, #tpu.memory_space<vmem>>) target(%dma_start3A_1157 : memref<8x128xf32, #tpu.memory_space<hbm>>) target_semaphore(%arg9 : memref<!tpu.dma_semaphore, #tpu.memory_space<semaphore_mem>>)
      %dma_start3A_1162 = arith.constant 4 : i32
      %dma_start3A_1163 = arith.constant 32 : i32
      %dma_start3A_1164 = arith.constant 0 : i32
      %dma_start3A_1165 = tpu.memref_slice %arg7[%select_n3A_1093, %dma_start3A_1163, %dma_start3A_1164] : memref<2x64x128xf32, #tpu.memory_space<vmem>> -> memref<1x8x128xf32, #tpu.memory_space<vmem>>
      %dma_start3A_1166 = tpu.memref_squeeze %dma_start3A_1165 : memref<1x8x128xf32, #tpu.memory_space<vmem>> -> memref<8x128xf32, #tpu.memory_space<vmem>>
      %dma_start3A_1167 = arith.constant 0 : i32
      %dma_start3A_1168 = arith.constant 0 : i32
      %dma_start3A_1169 = tpu.memref_slice %arg4[%add3A_1037, %dma_start3A_1162, %add3A, %dma_start3A_1167, %dma_start3A_1168] : memref<200x8x32x8x128xf32, #tpu.memory_space<hbm>> -> memref<1x1x1x8x128xf32, #tpu.memory_space<hbm>>
      %dma_start3A_1170 = tpu.memref_squeeze %dma_start3A_1169 : memref<1x1x1x8x128xf32, #tpu.memory_space<hbm>> -> memref<8x128xf32, #tpu.memory_space<hbm>>
      %dma_start3A_1171 = arith.constant 0 : i32
      %dma_start3A_1172 = arith.constant 0 : i32
      %dma_start3A_1173 = tpu.memref_slice %arg4[%add3A_1037, %dma_start3A_1162, %add3A, %dma_start3A_1171, %dma_start3A_1172] : memref<200x8x32x8x128xf32, #tpu.memory_space<hbm>> -> memref<1x1x1x8x128xf32, #tpu.memory_space<hbm>>
      %dma_start3A_1174 = tpu.memref_squeeze %dma_start3A_1173 : memref<1x1x1x8x128xf32, #tpu.memory_space<hbm>> -> memref<8x128xf32, #tpu.memory_space<hbm>>
      %dma_start3A_1175 = arith.constant 32 : i32
      %dma_start3A_1176 = arith.constant 0 : i32
      %dma_start3A_1177 = tpu.memref_slice %arg7[%select_n3A_1093, %dma_start3A_1175, %dma_start3A_1176] : memref<2x64x128xf32, #tpu.memory_space<vmem>> -> memref<1x8x128xf32, #tpu.memory_space<vmem>>
      %dma_start3A_1178 = tpu.memref_squeeze %dma_start3A_1177 : memref<1x8x128xf32, #tpu.memory_space<vmem>> -> memref<8x128xf32, #tpu.memory_space<vmem>>
      tpu.enqueue_dma source(%dma_start3A_1178 : memref<8x128xf32, #tpu.memory_space<vmem>>) target(%dma_start3A_1174 : memref<8x128xf32, #tpu.memory_space<hbm>>) target_semaphore(%arg9 : memref<!tpu.dma_semaphore, #tpu.memory_space<semaphore_mem>>)
      %dma_start3A_1179 = arith.constant 5 : i32
      %dma_start3A_1180 = arith.constant 40 : i32
      %dma_start3A_1181 = arith.constant 0 : i32
      %dma_start3A_1182 = tpu.memref_slice %arg7[%select_n3A_1093, %dma_start3A_1180, %dma_start3A_1181] : memref<2x64x128xf32, #tpu.memory_space<vmem>> -> memref<1x8x128xf32, #tpu.memory_space<vmem>>
      %dma_start3A_1183 = tpu.memref_squeeze %dma_start3A_1182 : memref<1x8x128xf32, #tpu.memory_space<vmem>> -> memref<8x128xf32, #tpu.memory_space<vmem>>
      %dma_start3A_1184 = arith.constant 0 : i32
      %dma_start3A_1185 = arith.constant 0 : i32
      %dma_start3A_1186 = tpu.memref_slice %arg4[%add3A_1037, %dma_start3A_1179, %add3A, %dma_start3A_1184, %dma_start3A_1185] : memref<200x8x32x8x128xf32, #tpu.memory_space<hbm>> -> memref<1x1x1x8x128xf32, #tpu.memory_space<hbm>>
      %dma_start3A_1187 = tpu.memref_squeeze %dma_start3A_1186 : memref<1x1x1x8x128xf32, #tpu.memory_space<hbm>> -> memref<8x128xf32, #tpu.memory_space<hbm>>
      %dma_start3A_1188 = arith.constant 0 : i32
      %dma_start3A_1189 = arith.constant 0 : i32
      %dma_start3A_1190 = tpu.memref_slice %arg4[%add3A_1037, %dma_start3A_1179, %add3A, %dma_start3A_1188, %dma_start3A_1189] : memref<200x8x32x8x128xf32, #tpu.memory_space<hbm>> -> memref<1x1x1x8x128xf32, #tpu.memory_space<hbm>>
      %dma_start3A_1191 = tpu.memref_squeeze %dma_start3A_1190 : memref<1x1x1x8x128xf32, #tpu.memory_space<hbm>> -> memref<8x128xf32, #tpu.memory_space<hbm>>
      %dma_start3A_1192 = arith.constant 40 : i32
      %dma_start3A_1193 = arith.constant 0 : i32
      %dma_start3A_1194 = tpu.memref_slice %arg7[%select_n3A_1093, %dma_start3A_1192, %dma_start3A_1193] : memref<2x64x128xf32, #tpu.memory_space<vmem>> -> memref<1x8x128xf32, #tpu.memory_space<vmem>>
      %dma_start3A_1195 = tpu.memref_squeeze %dma_start3A_1194 : memref<1x8x128xf32, #tpu.memory_space<vmem>> -> memref<8x128xf32, #tpu.memory_space<vmem>>
      tpu.enqueue_dma source(%dma_start3A_1195 : memref<8x128xf32, #tpu.memory_space<vmem>>) target(%dma_start3A_1191 : memref<8x128xf32, #tpu.memory_space<hbm>>) target_semaphore(%arg9 : memref<!tpu.dma_semaphore, #tpu.memory_space<semaphore_mem>>)
      %dma_start3A_1196 = arith.constant 6 : i32
      %dma_start3A_1197 = arith.constant 48 : i32
      %dma_start3A_1198 = arith.constant 0 : i32
      %dma_start3A_1199 = tpu.memref_slice %arg7[%select_n3A_1093, %dma_start3A_1197, %dma_start3A_1198] : memref<2x64x128xf32, #tpu.memory_space<vmem>> -> memref<1x8x128xf32, #tpu.memory_space<vmem>>
      %dma_start3A_1200 = tpu.memref_squeeze %dma_start3A_1199 : memref<1x8x128xf32, #tpu.memory_space<vmem>> -> memref<8x128xf32, #tpu.memory_space<vmem>>
      %dma_start3A_1201 = arith.constant 0 : i32
      %dma_start3A_1202 = arith.constant 0 : i32
      %dma_start3A_1203 = tpu.memref_slice %arg4[%add3A_1037, %dma_start3A_1196, %add3A, %dma_start3A_1201, %dma_start3A_1202] : memref<200x8x32x8x128xf32, #tpu.memory_space<hbm>> -> memref<1x1x1x8x128xf32, #tpu.memory_space<hbm>>
      %dma_start3A_1204 = tpu.memref_squeeze %dma_start3A_1203 : memref<1x1x1x8x128xf32, #tpu.memory_space<hbm>> -> memref<8x128xf32, #tpu.memory_space<hbm>>
      %dma_start3A_1205 = arith.constant 0 : i32
      %dma_start3A_1206 = arith.constant 0 : i32
      %dma_start3A_1207 = tpu.memref_slice %arg4[%add3A_1037, %dma_start3A_1196, %add3A, %dma_start3A_1205, %dma_start3A_1206] : memref<200x8x32x8x128xf32, #tpu.memory_space<hbm>> -> memref<1x1x1x8x128xf32, #tpu.memory_space<hbm>>
      %dma_start3A_1208 = tpu.memref_squeeze %dma_start3A_1207 : memref<1x1x1x8x128xf32, #tpu.memory_space<hbm>> -> memref<8x128xf32, #tpu.memory_space<hbm>>
      %dma_start3A_1209 = arith.constant 48 : i32
      %dma_start3A_1210 = arith.constant 0 : i32
      %dma_start3A_1211 = tpu.memref_slice %arg7[%select_n3A_1093, %dma_start3A_1209, %dma_start3A_1210] : memref<2x64x128xf32, #tpu.memory_space<vmem>> -> memref<1x8x128xf32, #tpu.memory_space<vmem>>
      %dma_start3A_1212 = tpu.memref_squeeze %dma_start3A_1211 : memref<1x8x128xf32, #tpu.memory_space<vmem>> -> memref<8x128xf32, #tpu.memory_space<vmem>>
      tpu.enqueue_dma source(%dma_start3A_1212 : memref<8x128xf32, #tpu.memory_space<vmem>>) target(%dma_start3A_1208 : memref<8x128xf32, #tpu.memory_space<hbm>>) target_semaphore(%arg9 : memref<!tpu.dma_semaphore, #tpu.memory_space<semaphore_mem>>)
      %dma_start3A_1213 = arith.constant 7 : i32
      %dma_start3A_1214 = arith.constant 56 : i32
      %dma_start3A_1215 = arith.constant 0 : i32
      %dma_start3A_1216 = tpu.memref_slice %arg7[%select_n3A_1093, %dma_start3A_1214, %dma_start3A_1215] : memref<2x64x128xf32, #tpu.memory_space<vmem>> -> memref<1x8x128xf32, #tpu.memory_space<vmem>>
      %dma_start3A_1217 = tpu.memref_squeeze %dma_start3A_1216 : memref<1x8x128xf32, #tpu.memory_space<vmem>> -> memref<8x128xf32, #tpu.memory_space<vmem>>
      %dma_start3A_1218 = arith.constant 0 : i32
      %dma_start3A_1219 = arith.constant 0 : i32
      %dma_start3A_1220 = tpu.memref_slice %arg4[%add3A_1037, %dma_start3A_1213, %add3A, %dma_start3A_1218, %dma_start3A_1219] : memref<200x8x32x8x128xf32, #tpu.memory_space<hbm>> -> memref<1x1x1x8x128xf32, #tpu.memory_space<hbm>>
      %dma_start3A_1221 = tpu.memref_squeeze %dma_start3A_1220 : memref<1x1x1x8x128xf32, #tpu.memory_space<hbm>> -> memref<8x128xf32, #tpu.memory_space<hbm>>
      %dma_start3A_1222 = arith.constant 0 : i32
      %dma_start3A_1223 = arith.constant 0 : i32
      %dma_start3A_1224 = tpu.memref_slice %arg4[%add3A_1037, %dma_start3A_1213, %add3A, %dma_start3A_1222, %dma_start3A_1223] : memref<200x8x32x8x128xf32, #tpu.memory_space<hbm>> -> memref<1x1x1x8x128xf32, #tpu.memory_space<hbm>>
      %dma_start3A_1225 = tpu.memref_squeeze %dma_start3A_1224 : memref<1x1x1x8x128xf32, #tpu.memory_space<hbm>> -> memref<8x128xf32, #tpu.memory_space<hbm>>
      %dma_start3A_1226 = arith.constant 56 : i32
      %dma_start3A_1227 = arith.constant 0 : i32
      %dma_start3A_1228 = tpu.memref_slice %arg7[%select_n3A_1093, %dma_start3A_1226, %dma_start3A_1227] : memref<2x64x128xf32, #tpu.memory_space<vmem>> -> memref<1x8x128xf32, #tpu.memory_space<vmem>>
      %dma_start3A_1229 = tpu.memref_squeeze %dma_start3A_1228 : memref<1x8x128xf32, #tpu.memory_space<vmem>> -> memref<8x128xf32, #tpu.memory_space<vmem>>
      tpu.enqueue_dma source(%dma_start3A_1229 : memref<8x128xf32, #tpu.memory_space<vmem>>) target(%dma_start3A_1225 : memref<8x128xf32, #tpu.memory_space<hbm>>) target_semaphore(%arg9 : memref<!tpu.dma_semaphore, #tpu.memory_space<semaphore_mem>>)
      %add3A_1230 = arith.constant 4 : i32
      %add3A_1231 = arith.addi %add3A_1037, %add3A_1230 : i32
      %min3A_1232 = arith.constant 199 : i32
      %min3A_1233 = arith.minsi %add3A_1231, %min3A_1232 : i32
      %dma_start3A_1234 = arith.constant 3 : i32
      %dma_start3A_1235 = arith.constant 0 : i32
      %dma_start3A_1236 = arith.constant 0 : i32
      %dma_start3A_1237 = tpu.memref_slice %arg6[%dma_start3A_1234, %dma_start3A_1235, %dma_start3A_1236] : memref<4x128x64xf32, #tpu.memory_space<vmem>> -> memref<1x128x64xf32, #tpu.memory_space<vmem>>
      %dma_start3A_1238 = tpu.memref_squeeze %dma_start3A_1237 : memref<1x128x64xf32, #tpu.memory_space<vmem>> -> memref<128x64xf32, #tpu.memory_space<vmem>>
      %dma_start3A_1239 = arith.constant 0 : i32
      %dma_start3A_1240 = tpu.memref_slice %arg5[%min3A_1233, %dma_start3A_1239] : memref<200x128xi32, #tpu.memory_space<vmem>> -> memref<1x128xi32, #tpu.memory_space<vmem>>
      %dma_start3A_1241 = tpu.memref_squeeze %dma_start3A_1240 : memref<1x128xi32, #tpu.memory_space<vmem>> -> memref<128xi32, #tpu.memory_space<vmem>>
      %dma_start3A_1242 = arith.constant 0 : i32
      %dma_start3A_1243 = arith.constant 0 : i32
      %dma_start3A_1244 = tpu.memref_slice %arg3[%dma_start3A_1242, %dma_start3A_1243] : memref<1000000x64xf32, #tpu.memory_space<hbm>> -> memref<1000000x64xf32, #tpu.memory_space<hbm>>
      tpu.enqueue_indirect_dma source(%dma_start3A_1244 : memref<1000000x64xf32, #tpu.memory_space<hbm>>) target(%dma_start3A_1238 : memref<128x64xf32, #tpu.memory_space<vmem>>) offsets(%dma_start3A_1241 : memref<128xi32, #tpu.memory_space<vmem>>) semaphore(%arg8 : memref<!tpu.dma_semaphore, #tpu.memory_space<semaphore_mem>>)
    }
    %scan3A_54 = arith.constant 50 : i32
    %dma_wait3A = arith.constant 0 : i32
    %dma_wait3A_55 = arith.constant 0 : i32
    %dma_wait3A_56 = arith.constant 0 : i32
    %dma_wait3A_57 = arith.constant 0 : i32
    %dma_wait3A_58 = arith.constant 0 : i32
    %dma_wait3A_59 = tpu.memref_slice %arg7[%dma_wait3A, %dma_wait3A_57, %dma_wait3A_58] : memref<2x64x128xf32, #tpu.memory_space<vmem>> -> memref<1x8x128xf32, #tpu.memory_space<vmem>>
    %dma_wait3A_60 = tpu.memref_squeeze %dma_wait3A_59 : memref<1x8x128xf32, #tpu.memory_space<vmem>> -> memref<8x128xf32, #tpu.memory_space<vmem>>
    %dma_wait3A_61 = arith.constant 0 : i32
    %dma_wait3A_62 = arith.constant 0 : i32
    %dma_wait3A_63 = tpu.memref_slice %arg4[%dma_wait3A_55, %dma_wait3A_56, %add3A, %dma_wait3A_61, %dma_wait3A_62] : memref<200x8x32x8x128xf32, #tpu.memory_space<hbm>> -> memref<1x1x1x8x128xf32, #tpu.memory_space<hbm>>
    %dma_wait3A_64 = tpu.memref_squeeze %dma_wait3A_63 : memref<1x1x1x8x128xf32, #tpu.memory_space<hbm>> -> memref<8x128xf32, #tpu.memory_space<hbm>>
    %dma_wait3A_65 = arith.constant 0 : i32
    %dma_wait3A_66 = arith.constant 0 : i32
    %dma_wait3A_67 = tpu.memref_slice %arg4[%dma_wait3A_55, %dma_wait3A_56, %add3A, %dma_wait3A_65, %dma_wait3A_66] : memref<200x8x32x8x128xf32, #tpu.memory_space<hbm>> -> memref<1x1x1x8x128xf32, #tpu.memory_space<hbm>>
    %dma_wait3A_68 = tpu.memref_squeeze %dma_wait3A_67 : memref<1x1x1x8x128xf32, #tpu.memory_space<hbm>> -> memref<8x128xf32, #tpu.memory_space<hbm>>
    %dma_wait3A_69 = arith.constant 0 : i32
    %dma_wait3A_70 = arith.constant 0 : i32
    %dma_wait3A_71 = tpu.memref_slice %arg7[%dma_wait3A, %dma_wait3A_69, %dma_wait3A_70] : memref<2x64x128xf32, #tpu.memory_space<vmem>> -> memref<1x8x128xf32, #tpu.memory_space<vmem>>
    %dma_wait3A_72 = tpu.memref_squeeze %dma_wait3A_71 : memref<1x8x128xf32, #tpu.memory_space<vmem>> -> memref<8x128xf32, #tpu.memory_space<vmem>>
    tpu.wait_dma2 semaphore(%arg9 : memref<!tpu.dma_semaphore, #tpu.memory_space<semaphore_mem>>) src(%dma_wait3A_72 : memref<8x128xf32, #tpu.memory_space<vmem>>) dst(%dma_wait3A_68 : memref<8x128xf32, #tpu.memory_space<hbm>>)
    %dma_wait3A_73 = arith.constant 0 : i32
    %dma_wait3A_74 = arith.constant 0 : i32
    %dma_wait3A_75 = arith.constant 1 : i32
    %dma_wait3A_76 = arith.constant 8 : i32
    %dma_wait3A_77 = arith.constant 0 : i32
    %dma_wait3A_78 = tpu.memref_slice %arg7[%dma_wait3A_73, %dma_wait3A_76, %dma_wait3A_77] : memref<2x64x128xf32, #tpu.memory_space<vmem>> -> memref<1x8x128xf32, #tpu.memory_space<vmem>>
    %dma_wait3A_79 = tpu.memref_squeeze %dma_wait3A_78 : memref<1x8x128xf32, #tpu.memory_space<vmem>> -> memref<8x128xf32, #tpu.memory_space<vmem>>
    %dma_wait3A_80 = arith.constant 0 : i32
    %dma_wait3A_81 = arith.constant 0 : i32
    %dma_wait3A_82 = tpu.memref_slice %arg4[%dma_wait3A_74, %dma_wait3A_75, %add3A, %dma_wait3A_80, %dma_wait3A_81] : memref<200x8x32x8x128xf32, #tpu.memory_space<hbm>> -> memref<1x1x1x8x128xf32, #tpu.memory_space<hbm>>
    %dma_wait3A_83 = tpu.memref_squeeze %dma_wait3A_82 : memref<1x1x1x8x128xf32, #tpu.memory_space<hbm>> -> memref<8x128xf32, #tpu.memory_space<hbm>>
    %dma_wait3A_84 = arith.constant 0 : i32
    %dma_wait3A_85 = arith.constant 0 : i32
    %dma_wait3A_86 = tpu.memref_slice %arg4[%dma_wait3A_74, %dma_wait3A_75, %add3A, %dma_wait3A_84, %dma_wait3A_85] : memref<200x8x32x8x128xf32, #tpu.memory_space<hbm>> -> memref<1x1x1x8x128xf32, #tpu.memory_space<hbm>>
    %dma_wait3A_87 = tpu.memref_squeeze %dma_wait3A_86 : memref<1x1x1x8x128xf32, #tpu.memory_space<hbm>> -> memref<8x128xf32, #tpu.memory_space<hbm>>
    %dma_wait3A_88 = arith.constant 8 : i32
    %dma_wait3A_89 = arith.constant 0 : i32
    %dma_wait3A_90 = tpu.memref_slice %arg7[%dma_wait3A_73, %dma_wait3A_88, %dma_wait3A_89] : memref<2x64x128xf32, #tpu.memory_space<vmem>> -> memref<1x8x128xf32, #tpu.memory_space<vmem>>
    %dma_wait3A_91 = tpu.memref_squeeze %dma_wait3A_90 : memref<1x8x128xf32, #tpu.memory_space<vmem>> -> memref<8x128xf32, #tpu.memory_space<vmem>>
    tpu.wait_dma2 semaphore(%arg9 : memref<!tpu.dma_semaphore, #tpu.memory_space<semaphore_mem>>) src(%dma_wait3A_91 : memref<8x128xf32, #tpu.memory_space<vmem>>) dst(%dma_wait3A_87 : memref<8x128xf32, #tpu.memory_space<hbm>>)
    %dma_wait3A_92 = arith.constant 0 : i32
    %dma_wait3A_93 = arith.constant 0 : i32
    %dma_wait3A_94 = arith.constant 2 : i32
    %dma_wait3A_95 = arith.constant 16 : i32
    %dma_wait3A_96 = arith.constant 0 : i32
    %dma_wait3A_97 = tpu.memref_slice %arg7[%dma_wait3A_92, %dma_wait3A_95, %dma_wait3A_96] : memref<2x64x128xf32, #tpu.memory_space<vmem>> -> memref<1x8x128xf32, #tpu.memory_space<vmem>>
    %dma_wait3A_98 = tpu.memref_squeeze %dma_wait3A_97 : memref<1x8x128xf32, #tpu.memory_space<vmem>> -> memref<8x128xf32, #tpu.memory_space<vmem>>
    %dma_wait3A_99 = arith.constant 0 : i32
    %dma_wait3A_100 = arith.constant 0 : i32
    %dma_wait3A_101 = tpu.memref_slice %arg4[%dma_wait3A_93, %dma_wait3A_94, %add3A, %dma_wait3A_99, %dma_wait3A_100] : memref<200x8x32x8x128xf32, #tpu.memory_space<hbm>> -> memref<1x1x1x8x128xf32, #tpu.memory_space<hbm>>
    %dma_wait3A_102 = tpu.memref_squeeze %dma_wait3A_101 : memref<1x1x1x8x128xf32, #tpu.memory_space<hbm>> -> memref<8x128xf32, #tpu.memory_space<hbm>>
    %dma_wait3A_103 = arith.constant 0 : i32
    %dma_wait3A_104 = arith.constant 0 : i32
    %dma_wait3A_105 = tpu.memref_slice %arg4[%dma_wait3A_93, %dma_wait3A_94, %add3A, %dma_wait3A_103, %dma_wait3A_104] : memref<200x8x32x8x128xf32, #tpu.memory_space<hbm>> -> memref<1x1x1x8x128xf32, #tpu.memory_space<hbm>>
    %dma_wait3A_106 = tpu.memref_squeeze %dma_wait3A_105 : memref<1x1x1x8x128xf32, #tpu.memory_space<hbm>> -> memref<8x128xf32, #tpu.memory_space<hbm>>
    %dma_wait3A_107 = arith.constant 16 : i32
    %dma_wait3A_108 = arith.constant 0 : i32
    %dma_wait3A_109 = tpu.memref_slice %arg7[%dma_wait3A_92, %dma_wait3A_107, %dma_wait3A_108] : memref<2x64x128xf32, #tpu.memory_space<vmem>> -> memref<1x8x128xf32, #tpu.memory_space<vmem>>
    %dma_wait3A_110 = tpu.memref_squeeze %dma_wait3A_109 : memref<1x8x128xf32, #tpu.memory_space<vmem>> -> memref<8x128xf32, #tpu.memory_space<vmem>>
    tpu.wait_dma2 semaphore(%arg9 : memref<!tpu.dma_semaphore, #tpu.memory_space<semaphore_mem>>) src(%dma_wait3A_110 : memref<8x128xf32, #tpu.memory_space<vmem>>) dst(%dma_wait3A_106 : memref<8x128xf32, #tpu.memory_space<hbm>>)
    %dma_wait3A_111 = arith.constant 0 : i32
    %dma_wait3A_112 = arith.constant 0 : i32
    %dma_wait3A_113 = arith.constant 3 : i32
    %dma_wait3A_114 = arith.constant 24 : i32
    %dma_wait3A_115 = arith.constant 0 : i32
    %dma_wait3A_116 = tpu.memref_slice %arg7[%dma_wait3A_111, %dma_wait3A_114, %dma_wait3A_115] : memref<2x64x128xf32, #tpu.memory_space<vmem>> -> memref<1x8x128xf32, #tpu.memory_space<vmem>>
    %dma_wait3A_117 = tpu.memref_squeeze %dma_wait3A_116 : memref<1x8x128xf32, #tpu.memory_space<vmem>> -> memref<8x128xf32, #tpu.memory_space<vmem>>
    %dma_wait3A_118 = arith.constant 0 : i32
    %dma_wait3A_119 = arith.constant 0 : i32
    %dma_wait3A_120 = tpu.memref_slice %arg4[%dma_wait3A_112, %dma_wait3A_113, %add3A, %dma_wait3A_118, %dma_wait3A_119] : memref<200x8x32x8x128xf32, #tpu.memory_space<hbm>> -> memref<1x1x1x8x128xf32, #tpu.memory_space<hbm>>
    %dma_wait3A_121 = tpu.memref_squeeze %dma_wait3A_120 : memref<1x1x1x8x128xf32, #tpu.memory_space<hbm>> -> memref<8x128xf32, #tpu.memory_space<hbm>>
    %dma_wait3A_122 = arith.constant 0 : i32
    %dma_wait3A_123 = arith.constant 0 : i32
    %dma_wait3A_124 = tpu.memref_slice %arg4[%dma_wait3A_112, %dma_wait3A_113, %add3A, %dma_wait3A_122, %dma_wait3A_123] : memref<200x8x32x8x128xf32, #tpu.memory_space<hbm>> -> memref<1x1x1x8x128xf32, #tpu.memory_space<hbm>>
    %dma_wait3A_125 = tpu.memref_squeeze %dma_wait3A_124 : memref<1x1x1x8x128xf32, #tpu.memory_space<hbm>> -> memref<8x128xf32, #tpu.memory_space<hbm>>
    %dma_wait3A_126 = arith.constant 24 : i32
    %dma_wait3A_127 = arith.constant 0 : i32
    %dma_wait3A_128 = tpu.memref_slice %arg7[%dma_wait3A_111, %dma_wait3A_126, %dma_wait3A_127] : memref<2x64x128xf32, #tpu.memory_space<vmem>> -> memref<1x8x128xf32, #tpu.memory_space<vmem>>
    %dma_wait3A_129 = tpu.memref_squeeze %dma_wait3A_128 : memref<1x8x128xf32, #tpu.memory_space<vmem>> -> memref<8x128xf32, #tpu.memory_space<vmem>>
    tpu.wait_dma2 semaphore(%arg9 : memref<!tpu.dma_semaphore, #tpu.memory_space<semaphore_mem>>) src(%dma_wait3A_129 : memref<8x128xf32, #tpu.memory_space<vmem>>) dst(%dma_wait3A_125 : memref<8x128xf32, #tpu.memory_space<hbm>>)
    %dma_wait3A_130 = arith.constant 0 : i32
    %dma_wait3A_131 = arith.constant 0 : i32
    %dma_wait3A_132 = arith.constant 4 : i32
    %dma_wait3A_133 = arith.constant 32 : i32
    %dma_wait3A_134 = arith.constant 0 : i32
    %dma_wait3A_135 = tpu.memref_slice %arg7[%dma_wait3A_130, %dma_wait3A_133, %dma_wait3A_134] : memref<2x64x128xf32, #tpu.memory_space<vmem>> -> memref<1x8x128xf32, #tpu.memory_space<vmem>>
    %dma_wait3A_136 = tpu.memref_squeeze %dma_wait3A_135 : memref<1x8x128xf32, #tpu.memory_space<vmem>> -> memref<8x128xf32, #tpu.memory_space<vmem>>
    %dma_wait3A_137 = arith.constant 0 : i32
    %dma_wait3A_138 = arith.constant 0 : i32
    %dma_wait3A_139 = tpu.memref_slice %arg4[%dma_wait3A_131, %dma_wait3A_132, %add3A, %dma_wait3A_137, %dma_wait3A_138] : memref<200x8x32x8x128xf32, #tpu.memory_space<hbm>> -> memref<1x1x1x8x128xf32, #tpu.memory_space<hbm>>
    %dma_wait3A_140 = tpu.memref_squeeze %dma_wait3A_139 : memref<1x1x1x8x128xf32, #tpu.memory_space<hbm>> -> memref<8x128xf32, #tpu.memory_space<hbm>>
    %dma_wait3A_141 = arith.constant 0 : i32
    %dma_wait3A_142 = arith.constant 0 : i32
    %dma_wait3A_143 = tpu.memref_slice %arg4[%dma_wait3A_131, %dma_wait3A_132, %add3A, %dma_wait3A_141, %dma_wait3A_142] : memref<200x8x32x8x128xf32, #tpu.memory_space<hbm>> -> memref<1x1x1x8x128xf32, #tpu.memory_space<hbm>>
    %dma_wait3A_144 = tpu.memref_squeeze %dma_wait3A_143 : memref<1x1x1x8x128xf32, #tpu.memory_space<hbm>> -> memref<8x128xf32, #tpu.memory_space<hbm>>
    %dma_wait3A_145 = arith.constant 32 : i32
    %dma_wait3A_146 = arith.constant 0 : i32
    %dma_wait3A_147 = tpu.memref_slice %arg7[%dma_wait3A_130, %dma_wait3A_145, %dma_wait3A_146] : memref<2x64x128xf32, #tpu.memory_space<vmem>> -> memref<1x8x128xf32, #tpu.memory_space<vmem>>
    %dma_wait3A_148 = tpu.memref_squeeze %dma_wait3A_147 : memref<1x8x128xf32, #tpu.memory_space<vmem>> -> memref<8x128xf32, #tpu.memory_space<vmem>>
    tpu.wait_dma2 semaphore(%arg9 : memref<!tpu.dma_semaphore, #tpu.memory_space<semaphore_mem>>) src(%dma_wait3A_148 : memref<8x128xf32, #tpu.memory_space<vmem>>) dst(%dma_wait3A_144 : memref<8x128xf32, #tpu.memory_space<hbm>>)
    %dma_wait3A_149 = arith.constant 0 : i32
    %dma_wait3A_150 = arith.constant 0 : i32
    %dma_wait3A_151 = arith.constant 5 : i32
    %dma_wait3A_152 = arith.constant 40 : i32
    %dma_wait3A_153 = arith.constant 0 : i32
    %dma_wait3A_154 = tpu.memref_slice %arg7[%dma_wait3A_149, %dma_wait3A_152, %dma_wait3A_153] : memref<2x64x128xf32, #tpu.memory_space<vmem>> -> memref<1x8x128xf32, #tpu.memory_space<vmem>>
    %dma_wait3A_155 = tpu.memref_squeeze %dma_wait3A_154 : memref<1x8x128xf32, #tpu.memory_space<vmem>> -> memref<8x128xf32, #tpu.memory_space<vmem>>
    %dma_wait3A_156 = arith.constant 0 : i32
    %dma_wait3A_157 = arith.constant 0 : i32
    %dma_wait3A_158 = tpu.memref_slice %arg4[%dma_wait3A_150, %dma_wait3A_151, %add3A, %dma_wait3A_156, %dma_wait3A_157] : memref<200x8x32x8x128xf32, #tpu.memory_space<hbm>> -> memref<1x1x1x8x128xf32, #tpu.memory_space<hbm>>
    %dma_wait3A_159 = tpu.memref_squeeze %dma_wait3A_158 : memref<1x1x1x8x128xf32, #tpu.memory_space<hbm>> -> memref<8x128xf32, #tpu.memory_space<hbm>>
    %dma_wait3A_160 = arith.constant 0 : i32
    %dma_wait3A_161 = arith.constant 0 : i32
    %dma_wait3A_162 = tpu.memref_slice %arg4[%dma_wait3A_150, %dma_wait3A_151, %add3A, %dma_wait3A_160, %dma_wait3A_161] : memref<200x8x32x8x128xf32, #tpu.memory_space<hbm>> -> memref<1x1x1x8x128xf32, #tpu.memory_space<hbm>>
    %dma_wait3A_163 = tpu.memref_squeeze %dma_wait3A_162 : memref<1x1x1x8x128xf32, #tpu.memory_space<hbm>> -> memref<8x128xf32, #tpu.memory_space<hbm>>
    %dma_wait3A_164 = arith.constant 40 : i32
    %dma_wait3A_165 = arith.constant 0 : i32
    %dma_wait3A_166 = tpu.memref_slice %arg7[%dma_wait3A_149, %dma_wait3A_164, %dma_wait3A_165] : memref<2x64x128xf32, #tpu.memory_space<vmem>> -> memref<1x8x128xf32, #tpu.memory_space<vmem>>
    %dma_wait3A_167 = tpu.memref_squeeze %dma_wait3A_166 : memref<1x8x128xf32, #tpu.memory_space<vmem>> -> memref<8x128xf32, #tpu.memory_space<vmem>>
    tpu.wait_dma2 semaphore(%arg9 : memref<!tpu.dma_semaphore, #tpu.memory_space<semaphore_mem>>) src(%dma_wait3A_167 : memref<8x128xf32, #tpu.memory_space<vmem>>) dst(%dma_wait3A_163 : memref<8x128xf32, #tpu.memory_space<hbm>>)
    %dma_wait3A_168 = arith.constant 0 : i32
    %dma_wait3A_169 = arith.constant 0 : i32
    %dma_wait3A_170 = arith.constant 6 : i32
    %dma_wait3A_171 = arith.constant 48 : i32
    %dma_wait3A_172 = arith.constant 0 : i32
    %dma_wait3A_173 = tpu.memref_slice %arg7[%dma_wait3A_168, %dma_wait3A_171, %dma_wait3A_172] : memref<2x64x128xf32, #tpu.memory_space<vmem>> -> memref<1x8x128xf32, #tpu.memory_space<vmem>>
    %dma_wait3A_174 = tpu.memref_squeeze %dma_wait3A_173 : memref<1x8x128xf32, #tpu.memory_space<vmem>> -> memref<8x128xf32, #tpu.memory_space<vmem>>
    %dma_wait3A_175 = arith.constant 0 : i32
    %dma_wait3A_176 = arith.constant 0 : i32
    %dma_wait3A_177 = tpu.memref_slice %arg4[%dma_wait3A_169, %dma_wait3A_170, %add3A, %dma_wait3A_175, %dma_wait3A_176] : memref<200x8x32x8x128xf32, #tpu.memory_space<hbm>> -> memref<1x1x1x8x128xf32, #tpu.memory_space<hbm>>
    %dma_wait3A_178 = tpu.memref_squeeze %dma_wait3A_177 : memref<1x1x1x8x128xf32, #tpu.memory_space<hbm>> -> memref<8x128xf32, #tpu.memory_space<hbm>>
    %dma_wait3A_179 = arith.constant 0 : i32
    %dma_wait3A_180 = arith.constant 0 : i32
    %dma_wait3A_181 = tpu.memref_slice %arg4[%dma_wait3A_169, %dma_wait3A_170, %add3A, %dma_wait3A_179, %dma_wait3A_180] : memref<200x8x32x8x128xf32, #tpu.memory_space<hbm>> -> memref<1x1x1x8x128xf32, #tpu.memory_space<hbm>>
    %dma_wait3A_182 = tpu.memref_squeeze %dma_wait3A_181 : memref<1x1x1x8x128xf32, #tpu.memory_space<hbm>> -> memref<8x128xf32, #tpu.memory_space<hbm>>
    %dma_wait3A_183 = arith.constant 48 : i32
    %dma_wait3A_184 = arith.constant 0 : i32
    %dma_wait3A_185 = tpu.memref_slice %arg7[%dma_wait3A_168, %dma_wait3A_183, %dma_wait3A_184] : memref<2x64x128xf32, #tpu.memory_space<vmem>> -> memref<1x8x128xf32, #tpu.memory_space<vmem>>
    %dma_wait3A_186 = tpu.memref_squeeze %dma_wait3A_185 : memref<1x8x128xf32, #tpu.memory_space<vmem>> -> memref<8x128xf32, #tpu.memory_space<vmem>>
    tpu.wait_dma2 semaphore(%arg9 : memref<!tpu.dma_semaphore, #tpu.memory_space<semaphore_mem>>) src(%dma_wait3A_186 : memref<8x128xf32, #tpu.memory_space<vmem>>) dst(%dma_wait3A_182 : memref<8x128xf32, #tpu.memory_space<hbm>>)
    %dma_wait3A_187 = arith.constant 0 : i32
    %dma_wait3A_188 = arith.constant 0 : i32
    %dma_wait3A_189 = arith.constant 7 : i32
    %dma_wait3A_190 = arith.constant 56 : i32
    %dma_wait3A_191 = arith.constant 0 : i32
    %dma_wait3A_192 = tpu.memref_slice %arg7[%dma_wait3A_187, %dma_wait3A_190, %dma_wait3A_191] : memref<2x64x128xf32, #tpu.memory_space<vmem>> -> memref<1x8x128xf32, #tpu.memory_space<vmem>>
    %dma_wait3A_193 = tpu.memref_squeeze %dma_wait3A_192 : memref<1x8x128xf32, #tpu.memory_space<vmem>> -> memref<8x128xf32, #tpu.memory_space<vmem>>
    %dma_wait3A_194 = arith.constant 0 : i32
    %dma_wait3A_195 = arith.constant 0 : i32
    %dma_wait3A_196 = tpu.memref_slice %arg4[%dma_wait3A_188, %dma_wait3A_189, %add3A, %dma_wait3A_194, %dma_wait3A_195] : memref<200x8x32x8x128xf32, #tpu.memory_space<hbm>> -> memref<1x1x1x8x128xf32, #tpu.memory_space<hbm>>
    %dma_wait3A_197 = tpu.memref_squeeze %dma_wait3A_196 : memref<1x1x1x8x128xf32, #tpu.memory_space<hbm>> -> memref<8x128xf32, #tpu.memory_space<hbm>>
    %dma_wait3A_198 = arith.constant 0 : i32
    %dma_wait3A_199 = arith.constant 0 : i32
    %dma_wait3A_200 = tpu.memref_slice %arg4[%dma_wait3A_188, %dma_wait3A_189, %add3A, %dma_wait3A_198, %dma_wait3A_199] : memref<200x8x32x8x128xf32, #tpu.memory_space<hbm>> -> memref<1x1x1x8x128xf32, #tpu.memory_space<hbm>>
    %dma_wait3A_201 = tpu.memref_squeeze %dma_wait3A_200 : memref<1x1x1x8x128xf32, #tpu.memory_space<hbm>> -> memref<8x128xf32, #tpu.memory_space<hbm>>
    %dma_wait3A_202 = arith.constant 56 : i32
    %dma_wait3A_203 = arith.constant 0 : i32
    %dma_wait3A_204 = tpu.memref_slice %arg7[%dma_wait3A_187, %dma_wait3A_202, %dma_wait3A_203] : memref<2x64x128xf32, #tpu.memory_space<vmem>> -> memref<1x8x128xf32, #tpu.memory_space<vmem>>
    %dma_wait3A_205 = tpu.memref_squeeze %dma_wait3A_204 : memref<1x8x128xf32, #tpu.memory_space<vmem>> -> memref<8x128xf32, #tpu.memory_space<vmem>>
    tpu.wait_dma2 semaphore(%arg9 : memref<!tpu.dma_semaphore, #tpu.memory_space<semaphore_mem>>) src(%dma_wait3A_205 : memref<8x128xf32, #tpu.memory_space<vmem>>) dst(%dma_wait3A_201 : memref<8x128xf32, #tpu.memory_space<hbm>>)
    %dma_wait3A_206 = arith.constant 1 : i32
    %dma_wait3A_207 = arith.constant 0 : i32
    %dma_wait3A_208 = arith.constant 0 : i32
    %dma_wait3A_209 = arith.constant 0 : i32
    %dma_wait3A_210 = arith.constant 0 : i32
    %dma_wait3A_211 = tpu.memref_slice %arg7[%dma_wait3A_206, %dma_wait3A_209, %dma_wait3A_210] : memref<2x64x128xf32, #tpu.memory_space<vmem>> -> memref<1x8x128xf32, #tpu.memory_space<vmem>>
    %dma_wait3A_212 = tpu.memref_squeeze %dma_wait3A_211 : memref<1x8x128xf32, #tpu.memory_space<vmem>> -> memref<8x128xf32, #tpu.memory_space<vmem>>
    %dma_wait3A_213 = arith.constant 0 : i32
    %dma_wait3A_214 = arith.constant 0 : i32
    %dma_wait3A_215 = tpu.memref_slice %arg4[%dma_wait3A_207, %dma_wait3A_208, %add3A, %dma_wait3A_213, %dma_wait3A_214] : memref<200x8x32x8x128xf32, #tpu.memory_space<hbm>> -> memref<1x1x1x8x128xf32, #tpu.memory_space<hbm>>
    %dma_wait3A_216 = tpu.memref_squeeze %dma_wait3A_215 : memref<1x1x1x8x128xf32, #tpu.memory_space<hbm>> -> memref<8x128xf32, #tpu.memory_space<hbm>>
    %dma_wait3A_217 = arith.constant 0 : i32
    %dma_wait3A_218 = arith.constant 0 : i32
    %dma_wait3A_219 = tpu.memref_slice %arg4[%dma_wait3A_207, %dma_wait3A_208, %add3A, %dma_wait3A_217, %dma_wait3A_218] : memref<200x8x32x8x128xf32, #tpu.memory_space<hbm>> -> memref<1x1x1x8x128xf32, #tpu.memory_space<hbm>>
    %dma_wait3A_220 = tpu.memref_squeeze %dma_wait3A_219 : memref<1x1x1x8x128xf32, #tpu.memory_space<hbm>> -> memref<8x128xf32, #tpu.memory_space<hbm>>
    %dma_wait3A_221 = arith.constant 0 : i32
    %dma_wait3A_222 = arith.constant 0 : i32
    %dma_wait3A_223 = tpu.memref_slice %arg7[%dma_wait3A_206, %dma_wait3A_221, %dma_wait3A_222] : memref<2x64x128xf32, #tpu.memory_space<vmem>> -> memref<1x8x128xf32, #tpu.memory_space<vmem>>
    %dma_wait3A_224 = tpu.memref_squeeze %dma_wait3A_223 : memref<1x8x128xf32, #tpu.memory_space<vmem>> -> memref<8x128xf32, #tpu.memory_space<vmem>>
    tpu.wait_dma2 semaphore(%arg9 : memref<!tpu.dma_semaphore, #tpu.memory_space<semaphore_mem>>) src(%dma_wait3A_224 : memref<8x128xf32, #tpu.memory_space<vmem>>) dst(%dma_wait3A_220 : memref<8x128xf32, #tpu.memory_space<hbm>>)
    %dma_wait3A_225 = arith.constant 1 : i32
    %dma_wait3A_226 = arith.constant 0 : i32
    %dma_wait3A_227 = arith.constant 1 : i32
    %dma_wait3A_228 = arith.constant 8 : i32
    %dma_wait3A_229 = arith.constant 0 : i32
    %dma_wait3A_230 = tpu.memref_slice %arg7[%dma_wait3A_225, %dma_wait3A_228, %dma_wait3A_229] : memref<2x64x128xf32, #tpu.memory_space<vmem>> -> memref<1x8x128xf32, #tpu.memory_space<vmem>>
    %dma_wait3A_231 = tpu.memref_squeeze %dma_wait3A_230 : memref<1x8x128xf32, #tpu.memory_space<vmem>> -> memref<8x128xf32, #tpu.memory_space<vmem>>
    %dma_wait3A_232 = arith.constant 0 : i32
    %dma_wait3A_233 = arith.constant 0 : i32
    %dma_wait3A_234 = tpu.memref_slice %arg4[%dma_wait3A_226, %dma_wait3A_227, %add3A, %dma_wait3A_232, %dma_wait3A_233] : memref<200x8x32x8x128xf32, #tpu.memory_space<hbm>> -> memref<1x1x1x8x128xf32, #tpu.memory_space<hbm>>
    %dma_wait3A_235 = tpu.memref_squeeze %dma_wait3A_234 : memref<1x1x1x8x128xf32, #tpu.memory_space<hbm>> -> memref<8x128xf32, #tpu.memory_space<hbm>>
    %dma_wait3A_236 = arith.constant 0 : i32
    %dma_wait3A_237 = arith.constant 0 : i32
    %dma_wait3A_238 = tpu.memref_slice %arg4[%dma_wait3A_226, %dma_wait3A_227, %add3A, %dma_wait3A_236, %dma_wait3A_237] : memref<200x8x32x8x128xf32, #tpu.memory_space<hbm>> -> memref<1x1x1x8x128xf32, #tpu.memory_space<hbm>>
    %dma_wait3A_239 = tpu.memref_squeeze %dma_wait3A_238 : memref<1x1x1x8x128xf32, #tpu.memory_space<hbm>> -> memref<8x128xf32, #tpu.memory_space<hbm>>
    %dma_wait3A_240 = arith.constant 8 : i32
    %dma_wait3A_241 = arith.constant 0 : i32
    %dma_wait3A_242 = tpu.memref_slice %arg7[%dma_wait3A_225, %dma_wait3A_240, %dma_wait3A_241] : memref<2x64x128xf32, #tpu.memory_space<vmem>> -> memref<1x8x128xf32, #tpu.memory_space<vmem>>
    %dma_wait3A_243 = tpu.memref_squeeze %dma_wait3A_242 : memref<1x8x128xf32, #tpu.memory_space<vmem>> -> memref<8x128xf32, #tpu.memory_space<vmem>>
    tpu.wait_dma2 semaphore(%arg9 : memref<!tpu.dma_semaphore, #tpu.memory_space<semaphore_mem>>) src(%dma_wait3A_243 : memref<8x128xf32, #tpu.memory_space<vmem>>) dst(%dma_wait3A_239 : memref<8x128xf32, #tpu.memory_space<hbm>>)
    %dma_wait3A_244 = arith.constant 1 : i32
    %dma_wait3A_245 = arith.constant 0 : i32
    %dma_wait3A_246 = arith.constant 2 : i32
    %dma_wait3A_247 = arith.constant 16 : i32
    %dma_wait3A_248 = arith.constant 0 : i32
    %dma_wait3A_249 = tpu.memref_slice %arg7[%dma_wait3A_244, %dma_wait3A_247, %dma_wait3A_248] : memref<2x64x128xf32, #tpu.memory_space<vmem>> -> memref<1x8x128xf32, #tpu.memory_space<vmem>>
    %dma_wait3A_250 = tpu.memref_squeeze %dma_wait3A_249 : memref<1x8x128xf32, #tpu.memory_space<vmem>> -> memref<8x128xf32, #tpu.memory_space<vmem>>
    %dma_wait3A_251 = arith.constant 0 : i32
    %dma_wait3A_252 = arith.constant 0 : i32
    %dma_wait3A_253 = tpu.memref_slice %arg4[%dma_wait3A_245, %dma_wait3A_246, %add3A, %dma_wait3A_251, %dma_wait3A_252] : memref<200x8x32x8x128xf32, #tpu.memory_space<hbm>> -> memref<1x1x1x8x128xf32, #tpu.memory_space<hbm>>
    %dma_wait3A_254 = tpu.memref_squeeze %dma_wait3A_253 : memref<1x1x1x8x128xf32, #tpu.memory_space<hbm>> -> memref<8x128xf32, #tpu.memory_space<hbm>>
    %dma_wait3A_255 = arith.constant 0 : i32
    %dma_wait3A_256 = arith.constant 0 : i32
    %dma_wait3A_257 = tpu.memref_slice %arg4[%dma_wait3A_245, %dma_wait3A_246, %add3A, %dma_wait3A_255, %dma_wait3A_256] : memref<200x8x32x8x128xf32, #tpu.memory_space<hbm>> -> memref<1x1x1x8x128xf32, #tpu.memory_space<hbm>>
    %dma_wait3A_258 = tpu.memref_squeeze %dma_wait3A_257 : memref<1x1x1x8x128xf32, #tpu.memory_space<hbm>> -> memref<8x128xf32, #tpu.memory_space<hbm>>
    %dma_wait3A_259 = arith.constant 16 : i32
    %dma_wait3A_260 = arith.constant 0 : i32
    %dma_wait3A_261 = tpu.memref_slice %arg7[%dma_wait3A_244, %dma_wait3A_259, %dma_wait3A_260] : memref<2x64x128xf32, #tpu.memory_space<vmem>> -> memref<1x8x128xf32, #tpu.memory_space<vmem>>
    %dma_wait3A_262 = tpu.memref_squeeze %dma_wait3A_261 : memref<1x8x128xf32, #tpu.memory_space<vmem>> -> memref<8x128xf32, #tpu.memory_space<vmem>>
    tpu.wait_dma2 semaphore(%arg9 : memref<!tpu.dma_semaphore, #tpu.memory_space<semaphore_mem>>) src(%dma_wait3A_262 : memref<8x128xf32, #tpu.memory_space<vmem>>) dst(%dma_wait3A_258 : memref<8x128xf32, #tpu.memory_space<hbm>>)
    %dma_wait3A_263 = arith.constant 1 : i32
    %dma_wait3A_264 = arith.constant 0 : i32
    %dma_wait3A_265 = arith.constant 3 : i32
    %dma_wait3A_266 = arith.constant 24 : i32
    %dma_wait3A_267 = arith.constant 0 : i32
    %dma_wait3A_268 = tpu.memref_slice %arg7[%dma_wait3A_263, %dma_wait3A_266, %dma_wait3A_267] : memref<2x64x128xf32, #tpu.memory_space<vmem>> -> memref<1x8x128xf32, #tpu.memory_space<vmem>>
    %dma_wait3A_269 = tpu.memref_squeeze %dma_wait3A_268 : memref<1x8x128xf32, #tpu.memory_space<vmem>> -> memref<8x128xf32, #tpu.memory_space<vmem>>
    %dma_wait3A_270 = arith.constant 0 : i32
    %dma_wait3A_271 = arith.constant 0 : i32
    %dma_wait3A_272 = tpu.memref_slice %arg4[%dma_wait3A_264, %dma_wait3A_265, %add3A, %dma_wait3A_270, %dma_wait3A_271] : memref<200x8x32x8x128xf32, #tpu.memory_space<hbm>> -> memref<1x1x1x8x128xf32, #tpu.memory_space<hbm>>
    %dma_wait3A_273 = tpu.memref_squeeze %dma_wait3A_272 : memref<1x1x1x8x128xf32, #tpu.memory_space<hbm>> -> memref<8x128xf32, #tpu.memory_space<hbm>>
    %dma_wait3A_274 = arith.constant 0 : i32
    %dma_wait3A_275 = arith.constant 0 : i32
    %dma_wait3A_276 = tpu.memref_slice %arg4[%dma_wait3A_264, %dma_wait3A_265, %add3A, %dma_wait3A_274, %dma_wait3A_275] : memref<200x8x32x8x128xf32, #tpu.memory_space<hbm>> -> memref<1x1x1x8x128xf32, #tpu.memory_space<hbm>>
    %dma_wait3A_277 = tpu.memref_squeeze %dma_wait3A_276 : memref<1x1x1x8x128xf32, #tpu.memory_space<hbm>> -> memref<8x128xf32, #tpu.memory_space<hbm>>
    %dma_wait3A_278 = arith.constant 24 : i32
    %dma_wait3A_279 = arith.constant 0 : i32
    %dma_wait3A_280 = tpu.memref_slice %arg7[%dma_wait3A_263, %dma_wait3A_278, %dma_wait3A_279] : memref<2x64x128xf32, #tpu.memory_space<vmem>> -> memref<1x8x128xf32, #tpu.memory_space<vmem>>
    %dma_wait3A_281 = tpu.memref_squeeze %dma_wait3A_280 : memref<1x8x128xf32, #tpu.memory_space<vmem>> -> memref<8x128xf32, #tpu.memory_space<vmem>>
    tpu.wait_dma2 semaphore(%arg9 : memref<!tpu.dma_semaphore, #tpu.memory_space<semaphore_mem>>) src(%dma_wait3A_281 : memref<8x128xf32, #tpu.memory_space<vmem>>) dst(%dma_wait3A_277 : memref<8x128xf32, #tpu.memory_space<hbm>>)
    %dma_wait3A_282 = arith.constant 1 : i32
    %dma_wait3A_283 = arith.constant 0 : i32
    %dma_wait3A_284 = arith.constant 4 : i32
    %dma_wait3A_285 = arith.constant 32 : i32
    %dma_wait3A_286 = arith.constant 0 : i32
    %dma_wait3A_287 = tpu.memref_slice %arg7[%dma_wait3A_282, %dma_wait3A_285, %dma_wait3A_286] : memref<2x64x128xf32, #tpu.memory_space<vmem>> -> memref<1x8x128xf32, #tpu.memory_space<vmem>>
    %dma_wait3A_288 = tpu.memref_squeeze %dma_wait3A_287 : memref<1x8x128xf32, #tpu.memory_space<vmem>> -> memref<8x128xf32, #tpu.memory_space<vmem>>
    %dma_wait3A_289 = arith.constant 0 : i32
    %dma_wait3A_290 = arith.constant 0 : i32
    %dma_wait3A_291 = tpu.memref_slice %arg4[%dma_wait3A_283, %dma_wait3A_284, %add3A, %dma_wait3A_289, %dma_wait3A_290] : memref<200x8x32x8x128xf32, #tpu.memory_space<hbm>> -> memref<1x1x1x8x128xf32, #tpu.memory_space<hbm>>
    %dma_wait3A_292 = tpu.memref_squeeze %dma_wait3A_291 : memref<1x1x1x8x128xf32, #tpu.memory_space<hbm>> -> memref<8x128xf32, #tpu.memory_space<hbm>>
    %dma_wait3A_293 = arith.constant 0 : i32
    %dma_wait3A_294 = arith.constant 0 : i32
    %dma_wait3A_295 = tpu.memref_slice %arg4[%dma_wait3A_283, %dma_wait3A_284, %add3A, %dma_wait3A_293, %dma_wait3A_294] : memref<200x8x32x8x128xf32, #tpu.memory_space<hbm>> -> memref<1x1x1x8x128xf32, #tpu.memory_space<hbm>>
    %dma_wait3A_296 = tpu.memref_squeeze %dma_wait3A_295 : memref<1x1x1x8x128xf32, #tpu.memory_space<hbm>> -> memref<8x128xf32, #tpu.memory_space<hbm>>
    %dma_wait3A_297 = arith.constant 32 : i32
    %dma_wait3A_298 = arith.constant 0 : i32
    %dma_wait3A_299 = tpu.memref_slice %arg7[%dma_wait3A_282, %dma_wait3A_297, %dma_wait3A_298] : memref<2x64x128xf32, #tpu.memory_space<vmem>> -> memref<1x8x128xf32, #tpu.memory_space<vmem>>
    %dma_wait3A_300 = tpu.memref_squeeze %dma_wait3A_299 : memref<1x8x128xf32, #tpu.memory_space<vmem>> -> memref<8x128xf32, #tpu.memory_space<vmem>>
    tpu.wait_dma2 semaphore(%arg9 : memref<!tpu.dma_semaphore, #tpu.memory_space<semaphore_mem>>) src(%dma_wait3A_300 : memref<8x128xf32, #tpu.memory_space<vmem>>) dst(%dma_wait3A_296 : memref<8x128xf32, #tpu.memory_space<hbm>>)
    %dma_wait3A_301 = arith.constant 1 : i32
    %dma_wait3A_302 = arith.constant 0 : i32
    %dma_wait3A_303 = arith.constant 5 : i32
    %dma_wait3A_304 = arith.constant 40 : i32
    %dma_wait3A_305 = arith.constant 0 : i32
    %dma_wait3A_306 = tpu.memref_slice %arg7[%dma_wait3A_301, %dma_wait3A_304, %dma_wait3A_305] : memref<2x64x128xf32, #tpu.memory_space<vmem>> -> memref<1x8x128xf32, #tpu.memory_space<vmem>>
    %dma_wait3A_307 = tpu.memref_squeeze %dma_wait3A_306 : memref<1x8x128xf32, #tpu.memory_space<vmem>> -> memref<8x128xf32, #tpu.memory_space<vmem>>
    %dma_wait3A_308 = arith.constant 0 : i32
    %dma_wait3A_309 = arith.constant 0 : i32
    %dma_wait3A_310 = tpu.memref_slice %arg4[%dma_wait3A_302, %dma_wait3A_303, %add3A, %dma_wait3A_308, %dma_wait3A_309] : memref<200x8x32x8x128xf32, #tpu.memory_space<hbm>> -> memref<1x1x1x8x128xf32, #tpu.memory_space<hbm>>
    %dma_wait3A_311 = tpu.memref_squeeze %dma_wait3A_310 : memref<1x1x1x8x128xf32, #tpu.memory_space<hbm>> -> memref<8x128xf32, #tpu.memory_space<hbm>>
    %dma_wait3A_312 = arith.constant 0 : i32
    %dma_wait3A_313 = arith.constant 0 : i32
    %dma_wait3A_314 = tpu.memref_slice %arg4[%dma_wait3A_302, %dma_wait3A_303, %add3A, %dma_wait3A_312, %dma_wait3A_313] : memref<200x8x32x8x128xf32, #tpu.memory_space<hbm>> -> memref<1x1x1x8x128xf32, #tpu.memory_space<hbm>>
    %dma_wait3A_315 = tpu.memref_squeeze %dma_wait3A_314 : memref<1x1x1x8x128xf32, #tpu.memory_space<hbm>> -> memref<8x128xf32, #tpu.memory_space<hbm>>
    %dma_wait3A_316 = arith.constant 40 : i32
    %dma_wait3A_317 = arith.constant 0 : i32
    %dma_wait3A_318 = tpu.memref_slice %arg7[%dma_wait3A_301, %dma_wait3A_316, %dma_wait3A_317] : memref<2x64x128xf32, #tpu.memory_space<vmem>> -> memref<1x8x128xf32, #tpu.memory_space<vmem>>
    %dma_wait3A_319 = tpu.memref_squeeze %dma_wait3A_318 : memref<1x8x128xf32, #tpu.memory_space<vmem>> -> memref<8x128xf32, #tpu.memory_space<vmem>>
    tpu.wait_dma2 semaphore(%arg9 : memref<!tpu.dma_semaphore, #tpu.memory_space<semaphore_mem>>) src(%dma_wait3A_319 : memref<8x128xf32, #tpu.memory_space<vmem>>) dst(%dma_wait3A_315 : memref<8x128xf32, #tpu.memory_space<hbm>>)
    %dma_wait3A_320 = arith.constant 1 : i32
    %dma_wait3A_321 = arith.constant 0 : i32
    %dma_wait3A_322 = arith.constant 6 : i32
    %dma_wait3A_323 = arith.constant 48 : i32
    %dma_wait3A_324 = arith.constant 0 : i32
    %dma_wait3A_325 = tpu.memref_slice %arg7[%dma_wait3A_320, %dma_wait3A_323, %dma_wait3A_324] : memref<2x64x128xf32, #tpu.memory_space<vmem>> -> memref<1x8x128xf32, #tpu.memory_space<vmem>>
    %dma_wait3A_326 = tpu.memref_squeeze %dma_wait3A_325 : memref<1x8x128xf32, #tpu.memory_space<vmem>> -> memref<8x128xf32, #tpu.memory_space<vmem>>
    %dma_wait3A_327 = arith.constant 0 : i32
    %dma_wait3A_328 = arith.constant 0 : i32
    %dma_wait3A_329 = tpu.memref_slice %arg4[%dma_wait3A_321, %dma_wait3A_322, %add3A, %dma_wait3A_327, %dma_wait3A_328] : memref<200x8x32x8x128xf32, #tpu.memory_space<hbm>> -> memref<1x1x1x8x128xf32, #tpu.memory_space<hbm>>
    %dma_wait3A_330 = tpu.memref_squeeze %dma_wait3A_329 : memref<1x1x1x8x128xf32, #tpu.memory_space<hbm>> -> memref<8x128xf32, #tpu.memory_space<hbm>>
    %dma_wait3A_331 = arith.constant 0 : i32
    %dma_wait3A_332 = arith.constant 0 : i32
    %dma_wait3A_333 = tpu.memref_slice %arg4[%dma_wait3A_321, %dma_wait3A_322, %add3A, %dma_wait3A_331, %dma_wait3A_332] : memref<200x8x32x8x128xf32, #tpu.memory_space<hbm>> -> memref<1x1x1x8x128xf32, #tpu.memory_space<hbm>>
    %dma_wait3A_334 = tpu.memref_squeeze %dma_wait3A_333 : memref<1x1x1x8x128xf32, #tpu.memory_space<hbm>> -> memref<8x128xf32, #tpu.memory_space<hbm>>
    %dma_wait3A_335 = arith.constant 48 : i32
    %dma_wait3A_336 = arith.constant 0 : i32
    %dma_wait3A_337 = tpu.memref_slice %arg7[%dma_wait3A_320, %dma_wait3A_335, %dma_wait3A_336] : memref<2x64x128xf32, #tpu.memory_space<vmem>> -> memref<1x8x128xf32, #tpu.memory_space<vmem>>
    %dma_wait3A_338 = tpu.memref_squeeze %dma_wait3A_337 : memref<1x8x128xf32, #tpu.memory_space<vmem>> -> memref<8x128xf32, #tpu.memory_space<vmem>>
    tpu.wait_dma2 semaphore(%arg9 : memref<!tpu.dma_semaphore, #tpu.memory_space<semaphore_mem>>) src(%dma_wait3A_338 : memref<8x128xf32, #tpu.memory_space<vmem>>) dst(%dma_wait3A_334 : memref<8x128xf32, #tpu.memory_space<hbm>>)
    %dma_wait3A_339 = arith.constant 1 : i32
    %dma_wait3A_340 = arith.constant 0 : i32
    %dma_wait3A_341 = arith.constant 7 : i32
    %dma_wait3A_342 = arith.constant 56 : i32
    %dma_wait3A_343 = arith.constant 0 : i32
    %dma_wait3A_344 = tpu.memref_slice %arg7[%dma_wait3A_339, %dma_wait3A_342, %dma_wait3A_343] : memref<2x64x128xf32, #tpu.memory_space<vmem>> -> memref<1x8x128xf32, #tpu.memory_space<vmem>>
    %dma_wait3A_345 = tpu.memref_squeeze %dma_wait3A_344 : memref<1x8x128xf32, #tpu.memory_space<vmem>> -> memref<8x128xf32, #tpu.memory_space<vmem>>
    %dma_wait3A_346 = arith.constant 0 : i32
    %dma_wait3A_347 = arith.constant 0 : i32
    %dma_wait3A_348 = tpu.memref_slice %arg4[%dma_wait3A_340, %dma_wait3A_341, %add3A, %dma_wait3A_346, %dma_wait3A_347] : memref<200x8x32x8x128xf32, #tpu.memory_space<hbm>> -> memref<1x1x1x8x128xf32, #tpu.memory_space<hbm>>
    %dma_wait3A_349 = tpu.memref_squeeze %dma_wait3A_348 : memref<1x1x1x8x128xf32, #tpu.memory_space<hbm>> -> memref<8x128xf32, #tpu.memory_space<hbm>>
    %dma_wait3A_350 = arith.constant 0 : i32
    %dma_wait3A_351 = arith.constant 0 : i32
    %dma_wait3A_352 = tpu.memref_slice %arg4[%dma_wait3A_340, %dma_wait3A_341, %add3A, %dma_wait3A_350, %dma_wait3A_351] : memref<200x8x32x8x128xf32, #tpu.memory_space<hbm>> -> memref<1x1x1x8x128xf32, #tpu.memory_space<hbm>>
    %dma_wait3A_353 = tpu.memref_squeeze %dma_wait3A_352 : memref<1x1x1x8x128xf32, #tpu.memory_space<hbm>> -> memref<8x128xf32, #tpu.memory_space<hbm>>
    %dma_wait3A_354 = arith.constant 56 : i32
    %dma_wait3A_355 = arith.constant 0 : i32
    %dma_wait3A_356 = tpu.memref_slice %arg7[%dma_wait3A_339, %dma_wait3A_354, %dma_wait3A_355] : memref<2x64x128xf32, #tpu.memory_space<vmem>> -> memref<1x8x128xf32, #tpu.memory_space<vmem>>
    %dma_wait3A_357 = tpu.memref_squeeze %dma_wait3A_356 : memref<1x8x128xf32, #tpu.memory_space<vmem>> -> memref<8x128xf32, #tpu.memory_space<vmem>>
    tpu.wait_dma2 semaphore(%arg9 : memref<!tpu.dma_semaphore, #tpu.memory_space<semaphore_mem>>) src(%dma_wait3A_357 : memref<8x128xf32, #tpu.memory_space<vmem>>) dst(%dma_wait3A_353 : memref<8x128xf32, #tpu.memory_space<hbm>>)
    %dma_wait3A_358 = arith.constant 0 : i32
    %dma_wait3A_359 = arith.constant 0 : i32
    %dma_wait3A_360 = arith.constant 0 : i32
    %dma_wait3A_361 = tpu.memref_slice %arg6[%dma_wait3A_358, %dma_wait3A_359, %dma_wait3A_360] : memref<4x128x64xf32, #tpu.memory_space<vmem>> -> memref<1x128x64xf32, #tpu.memory_space<vmem>>
    %dma_wait3A_362 = tpu.memref_squeeze %dma_wait3A_361 : memref<1x128x64xf32, #tpu.memory_space<vmem>> -> memref<128x64xf32, #tpu.memory_space<vmem>>
    %dma_wait3A_363 = arith.constant 0 : i32
    %dma_wait3A_364 = arith.constant 0 : i32
    %dma_wait3A_365 = tpu.memref_slice %arg3[%dma_wait3A_363, %dma_wait3A_364] : memref<1000000x64xf32, #tpu.memory_space<hbm>> -> memref<128x64xf32, #tpu.memory_space<hbm>>
    %dma_wait3A_366 = arith.constant 0 : i32
    %dma_wait3A_367 = arith.constant 0 : i32
    %dma_wait3A_368 = tpu.memref_slice %arg6[%dma_wait3A_358, %dma_wait3A_366, %dma_wait3A_367] : memref<4x128x64xf32, #tpu.memory_space<vmem>> -> memref<1x128x64xf32, #tpu.memory_space<vmem>>
    %dma_wait3A_369 = tpu.memref_squeeze %dma_wait3A_368 : memref<1x128x64xf32, #tpu.memory_space<vmem>> -> memref<128x64xf32, #tpu.memory_space<vmem>>
    %dma_wait3A_370 = arith.constant 0 : i32
    %dma_wait3A_371 = arith.constant 0 : i32
    %dma_wait3A_372 = tpu.memref_slice %arg3[%dma_wait3A_370, %dma_wait3A_371] : memref<1000000x64xf32, #tpu.memory_space<hbm>> -> memref<128x64xf32, #tpu.memory_space<hbm>>
    tpu.wait_dma2 semaphore(%arg8 : memref<!tpu.dma_semaphore, #tpu.memory_space<semaphore_mem>>) src(%dma_wait3A_372 : memref<128x64xf32, #tpu.memory_space<hbm>>) dst(%dma_wait3A_369 : memref<128x64xf32, #tpu.memory_space<vmem>>)
    %dma_wait3A_373 = arith.constant 0 : i32
    %dma_wait3A_374 = arith.constant 0 : i32
    %dma_wait3A_375 = arith.constant 0 : i32
    %dma_wait3A_376 = tpu.memref_slice %arg6[%dma_wait3A_373, %dma_wait3A_374, %dma_wait3A_375] : memref<4x128x64xf32, #tpu.memory_space<vmem>> -> memref<1x128x64xf32, #tpu.memory_space<vmem>>
    %dma_wait3A_377 = tpu.memref_squeeze %dma_wait3A_376 : memref<1x128x64xf32, #tpu.memory_space<vmem>> -> memref<128x64xf32, #tpu.memory_space<vmem>>
    %dma_wait3A_378 = arith.constant 0 : i32
    %dma_wait3A_379 = arith.constant 0 : i32
    %dma_wait3A_380 = tpu.memref_slice %arg3[%dma_wait3A_378, %dma_wait3A_379] : memref<1000000x64xf32, #tpu.memory_space<hbm>> -> memref<128x64xf32, #tpu.memory_space<hbm>>
    %dma_wait3A_381 = arith.constant 0 : i32
    %dma_wait3A_382 = arith.constant 0 : i32
    %dma_wait3A_383 = tpu.memref_slice %arg6[%dma_wait3A_373, %dma_wait3A_381, %dma_wait3A_382] : memref<4x128x64xf32, #tpu.memory_space<vmem>> -> memref<1x128x64xf32, #tpu.memory_space<vmem>>
    %dma_wait3A_384 = tpu.memref_squeeze %dma_wait3A_383 : memref<1x128x64xf32, #tpu.memory_space<vmem>> -> memref<128x64xf32, #tpu.memory_space<vmem>>
    %dma_wait3A_385 = arith.constant 0 : i32
    %dma_wait3A_386 = arith.constant 0 : i32
    %dma_wait3A_387 = tpu.memref_slice %arg3[%dma_wait3A_385, %dma_wait3A_386] : memref<1000000x64xf32, #tpu.memory_space<hbm>> -> memref<128x64xf32, #tpu.memory_space<hbm>>
    tpu.wait_dma2 semaphore(%arg8 : memref<!tpu.dma_semaphore, #tpu.memory_space<semaphore_mem>>) src(%dma_wait3A_387 : memref<128x64xf32, #tpu.memory_space<hbm>>) dst(%dma_wait3A_384 : memref<128x64xf32, #tpu.memory_space<vmem>>)
    %dma_wait3A_388 = arith.constant 0 : i32
    %dma_wait3A_389 = arith.constant 0 : i32
    %dma_wait3A_390 = arith.constant 0 : i32
    %dma_wait3A_391 = tpu.memref_slice %arg6[%dma_wait3A_388, %dma_wait3A_389, %dma_wait3A_390] : memref<4x128x64xf32, #tpu.memory_space<vmem>> -> memref<1x128x64xf32, #tpu.memory_space<vmem>>
    %dma_wait3A_392 = tpu.memref_squeeze %dma_wait3A_391 : memref<1x128x64xf32, #tpu.memory_space<vmem>> -> memref<128x64xf32, #tpu.memory_space<vmem>>
    %dma_wait3A_393 = arith.constant 0 : i32
    %dma_wait3A_394 = arith.constant 0 : i32
    %dma_wait3A_395 = tpu.memref_slice %arg3[%dma_wait3A_393, %dma_wait3A_394] : memref<1000000x64xf32, #tpu.memory_space<hbm>> -> memref<128x64xf32, #tpu.memory_space<hbm>>
    %dma_wait3A_396 = arith.constant 0 : i32
    %dma_wait3A_397 = arith.constant 0 : i32
    %dma_wait3A_398 = tpu.memref_slice %arg6[%dma_wait3A_388, %dma_wait3A_396, %dma_wait3A_397] : memref<4x128x64xf32, #tpu.memory_space<vmem>> -> memref<1x128x64xf32, #tpu.memory_space<vmem>>
    %dma_wait3A_399 = tpu.memref_squeeze %dma_wait3A_398 : memref<1x128x64xf32, #tpu.memory_space<vmem>> -> memref<128x64xf32, #tpu.memory_space<vmem>>
    %dma_wait3A_400 = arith.constant 0 : i32
    %dma_wait3A_401 = arith.constant 0 : i32
    %dma_wait3A_402 = tpu.memref_slice %arg3[%dma_wait3A_400, %dma_wait3A_401] : memref<1000000x64xf32, #tpu.memory_space<hbm>> -> memref<128x64xf32, #tpu.memory_space<hbm>>
    tpu.wait_dma2 semaphore(%arg8 : memref<!tpu.dma_semaphore, #tpu.memory_space<semaphore_mem>>) src(%dma_wait3A_402 : memref<128x64xf32, #tpu.memory_space<hbm>>) dst(%dma_wait3A_399 : memref<128x64xf32, #tpu.memory_space<vmem>>)
    %dma_wait3A_403 = arith.constant 0 : i32
    %dma_wait3A_404 = arith.constant 0 : i32
    %dma_wait3A_405 = arith.constant 0 : i32
    %dma_wait3A_406 = tpu.memref_slice %arg6[%dma_wait3A_403, %dma_wait3A_404, %dma_wait3A_405] : memref<4x128x64xf32, #tpu.memory_space<vmem>> -> memref<1x128x64xf32, #tpu.memory_space<vmem>>
    %dma_wait3A_407 = tpu.memref_squeeze %dma_wait3A_406 : memref<1x128x64xf32, #tpu.memory_space<vmem>> -> memref<128x64xf32, #tpu.memory_space<vmem>>
    %dma_wait3A_408 = arith.constant 0 : i32
    %dma_wait3A_409 = arith.constant 0 : i32
    %dma_wait3A_410 = tpu.memref_slice %arg3[%dma_wait3A_408, %dma_wait3A_409] : memref<1000000x64xf32, #tpu.memory_space<hbm>> -> memref<128x64xf32, #tpu.memory_space<hbm>>
    %dma_wait3A_411 = arith.constant 0 : i32
    %dma_wait3A_412 = arith.constant 0 : i32
    %dma_wait3A_413 = tpu.memref_slice %arg6[%dma_wait3A_403, %dma_wait3A_411, %dma_wait3A_412] : memref<4x128x64xf32, #tpu.memory_space<vmem>> -> memref<1x128x64xf32, #tpu.memory_space<vmem>>
    %dma_wait3A_414 = tpu.memref_squeeze %dma_wait3A_413 : memref<1x128x64xf32, #tpu.memory_space<vmem>> -> memref<128x64xf32, #tpu.memory_space<vmem>>
    %dma_wait3A_415 = arith.constant 0 : i32
    %dma_wait3A_416 = arith.constant 0 : i32
    %dma_wait3A_417 = tpu.memref_slice %arg3[%dma_wait3A_415, %dma_wait3A_416] : memref<1000000x64xf32, #tpu.memory_space<hbm>> -> memref<128x64xf32, #tpu.memory_space<hbm>>
    tpu.wait_dma2 semaphore(%arg8 : memref<!tpu.dma_semaphore, #tpu.memory_space<semaphore_mem>>) src(%dma_wait3A_417 : memref<128x64xf32, #tpu.memory_space<hbm>>) dst(%dma_wait3A_414 : memref<128x64xf32, #tpu.memory_space<vmem>>)
    return
  }
}

</mosaic_0001>

<sc_bundles>
// kernel: kernel.4.cloned.1.call-start
scs
__scs_entry_jumppad:
0x0: {  	(pc) =	sbr.rel $0x88, $3  }
0x1: {  	(tag) =	ssettag $0x0;
	lr =	simm.s32 $0x1  }
0x2: {  	[smem:$0x3F9F] =	sst lr;
	_ =	strace $0xD0000000  }
0x3: {  	_ = 	snop  }
0x4: {  	_ = 	snop  }
0x5: {  	_ = 	snop  }
0x6: {  	_ = 	snop  }
0x7: {  	_ = 	snop  }
__scs_overlays_trampoline_lowered:
0x8: {  	[smem:$0x3FAE] =	sst s0  }
0x9: {  	[smem:$0x3FAF] =	sst s1  }
0xa: {  	[smem:$0x3FB0] =	sst s2  }
0xb: {  	[smem:$0x3FB1] =	sst s3  }
0xc: {  	[smem:$0x3FB2] =	sst s4  }
0xd: {  	[smem:$0x3FB3] =	sst s5  }
0xe: {  	[smem:$0x3FB4] =	sst s6  }
0xf: {  	[smem:$0x3FB5] =	sst s7  }
0x10: {  	[smem:$0x3FB6] =	sst s8  }
0x11: {  	[smem:$0x3FB7] =	sst s9;
	s0 =	simm.s32 @!p0 $0x0  }
0x12: {  	s1 =	sld [smem:$0x3F9D];
	s0 =	simm.s32 @p0 $0x1  }
0x13: {  	[smem:$0x3FB8] =	sst s0;
	s0 =	simm.s32 @!p1 $0x0  }
0x14: {  	s2 =	sld [smem:$0x3F9C];
	s0 =	simm.s32 @p1 $0x1  }
0x15: {  	[smem:$0x3FB9] =	sst s0;
	s0 =	simm.s32 @!p2 $0x0  }
0x16: {  	s3 =	sld [smem:$0x3FDB];
	s0 =	simm.s32 @p2 $0x1  }
0x17: {  	s4 =	simm.s32 $0x1BF5;
	[smem:$0x3FBB] =	sst s0  }
0x18: {  	s0 =	sld [smem:$0x3F9E];
	_ =	swait.ge [sflag:s4], $0x0  }
0x19: {  	s7 =	sld [smem:$0x3F9F]  }
0x1a: {  	s8 =	sadd.s32 $0xFFFFE003, lr  }
0x1b: {  	s9 =	sadd.s32 $0xFFFFFEF7, lr;
	s5 =	simm.s32 $0xFFFFFFFF;
	p2 =	slt.u32 s8, $0xFFFFF086  }
0x1c: {  	p1 =	slt.u32 s9, $0xF7A;
	s5 =	simm.s32 @!p2 $0x0  }
0x1d: {  	s5 =	simm.s32 @p1 $0x1;
	p0 =	seq.s32 s7, s2  }
0x1e: {  	s7 =	smul.u32 @!p0 $0xF7A, s2;
	p2 =	seq.s32 @!p0 s5, $0x0  }
0x1f: {  	s9 =	smul.u32 $0xF7A, s1;
	s8 =	simm.s32 @!p0 $0x1BF5;
	p2 =	por !p2, p0  }
0x20: {  	[sflag:s8] =	ssyncset.s32 @!p0 $0xFFFFF086;
	s6 =	sadd.s32 @!p0 s3, s7;
	s7 =	simm.s32 @!p0 $0x108  }
0x21: {  	s3 =	sadd.s32 s3, s9;
	s6 =	sadd.s32 @!p0 $0x88, s6;
	s7 =	simm.s32 @p2 $0x1082  }
0x22: {  	[simem:s7], [sflag:s8] =	dma.local @!p0 [hbm:s6], $0xF7A  }
0x23: {  	s9 =	sor.u32 $0xD0000000, s2;
	s6 =	simm.s32 $0x108;
	_ =	swait.ge @!p0 [sflag:s8], $0x0  }
0x24: {  	s3 =	sadd.s32 $0x88, s3;
	s6 =	simm.s32 @!p1 $0x1082;
	[sflag:s4] =	ssyncset.s32 $0xFFFFF086  }
0x25: {  	[simem:s6], [sflag:s4] =	dma.local [hbm:s3], $0xF7A  }
0x26: {  	[smem:$0x3F9F] =	sst s1;
	(tag) =	ssettag s2;
	_ =	strace s9  }
0x27: {  	s1 =	sld [smem:$0x3FAF]  }
0x28: {  	s2 =	sld [smem:$0x3FB0]  }
0x29: {  	s4 =	sld [smem:$0x3FB2]  }
0x2a: {  	p0 =	seq.s32 s5, $0x0;
	s5 =	sld [smem:$0x3FB3]  }
0x2b: {  	s6 =	sld [smem:$0x3FB4]  }
0x2c: {  	s7 =	sld [smem:$0x3FB5]  }
0x2d: {  	s3 =	simm.s32 $0x108;
	s8 =	sld [smem:$0x3FB6]  }
0x2e: {  	s3 =	simm.s32 @!p0 $0x1082;
	s9 =	sld [smem:$0x3FB7]  }
0x2f: {  	lr =	sadd.s32 s0, s3;
	s0 =	sld [smem:$0x3FAE]  }
0x30: {  	s3 =	sld [smem:$0x3FB1]  }
0x31: {  	[smem:$0x3FBA] =	sst s10  }
0x32: {  	s10 =	sld [smem:$0x3FB8];
	_ =	sdelay $0x3  }
0x33: {  	p0 =	seq.s32 s10, $0x1;
	s10 =	sld [smem:$0x3FBA];
	_ =	sdelay $0x3  }
0x34: {  	[smem:$0x3FBA] =	sst s10  }
0x35: {  	s10 =	sld [smem:$0x3FB9];
	_ =	sdelay $0x3  }
0x36: {  	p1 =	seq.s32 s10, $0x1;
	s10 =	sld [smem:$0x3FBA];
	_ =	sdelay $0x3  }
0x37: {  	[smem:$0x3FBA] =	sst s10  }
0x38: {  	s10 =	sld [smem:$0x3FBB]  }
0x39: {  	_ = 	snop;
	(pc) =	sbr.ind lr, $3  }
0x3a: {  	_ = 	snop  }
0x3b: {  	_ = 	snop  }
0x3c: {  	p2 =	seq.s32 s10, $0x1;
	s10 =	sld [smem:$0x3FBA]  }
0x3d: {  	_ =	shalt  }
0x3e: {  	_ =	shalt  }
0x3f: {  	_ =	shalt  }
0x40: {  	_ =	shalt  }
0x41: {  	_ =	shalt  }
0x42: {  	_ =	shalt  }
0x43: {  	_ =	shalt  }
0x44: {  	_ =	shalt  }
0x45: {  	_ =	shalt  }
0x46: {  	_ =	shalt  }
0x47: {  	_ =	shalt  }
0x48: {  	_ =	shalt  }
0x49: {  	_ =	shalt  }
0x4a: {  	_ =	shalt  }
0x4b: {  	_ =	shalt  }
0x4c: {  	_ =	shalt  }
0x4d: {  	_ =	shalt  }
0x4e: {  	_ =	shalt  }
0x4f: {  	_ =	shalt  }
0x50: {  	_ =	shalt  }
0x51: {  	_ =	shalt  }
0x52: {  	_ =	shalt  }
0x53: {  	_ =	shalt  }
0x54: {  	_ =	shalt  }
0x55: {  	_ =	shalt  }
0x56: {  	_ =	shalt  }
0x57: {  	_ =	shalt  }
0x58: {  	_ =	shalt  }
0x59: {  	_ =	shalt  }
0x5a: {  	_ =	shalt  }
0x5b: {  	_ =	shalt  }
0x5c: {  	_ =	shalt  }
0x5d: {  	_ =	shalt  }
0x5e: {  	_ =	shalt  }
0x5f: {  	_ =	shalt  }
0x60: {  	_ =	shalt  }
0x61: {  	_ =	shalt  }
0x62: {  	_ =	shalt  }
0x63: {  	_ =	shalt  }
0x64: {  	_ =	shalt  }
0x65: {  	_ =	shalt  }
0x66: {  	_ =	shalt  }
0x67: {  	_ =	shalt  }
0x68: {  	_ =	shalt  }
0x69: {  	_ =	shalt  }
0x6a: {  	_ =	shalt  }
0x6b: {  	_ =	shalt  }
0x6c: {  	_ =	shalt  }
0x6d: {  	_ =	shalt  }
0x6e: {  	_ =	shalt  }
0x6f: {  	_ =	shalt  }
0x70: {  	_ =	shalt  }
0x71: {  	_ =	shalt  }
0x72: {  	_ =	shalt  }
0x73: {  	_ =	shalt  }
0x74: {  	_ =	shalt  }
0x75: {  	_ =	shalt  }
0x76: {  	_ =	shalt  }
0x77: {  	_ =	shalt  }
0x78: {  	_ =	shalt  }
0x79: {  	_ =	shalt  }
0x7a: {  	_ =	shalt  }
0x7b: {  	_ =	shalt  }
0x7c: {  	_ =	shalt  }
0x7d: {  	_ =	shalt  }
0x7e: {  	_ =	shalt  }
0x7f: {  	_ =	shalt  }
0x80: {  	_ =	shalt  }
0x81: {  	_ =	shalt  }
0x82: {  	_ =	shalt  }
0x83: {  	_ =	shalt  }
0x84: {  	_ =	shalt  }
0x85: {  	_ =	shalt  }
0x86: {  	_ =	shalt  }
0x87: {  	_ =	shalt  }
.Lfunc_end0:
.L_simem_size_0:
called_computation_lowered:
.L_overlay_start_0:
0x88: {  	s2 =	sld [smem:$0x3FD9]  }
0x89: {  	s3 =	sld [smem:$0x3FFE];
	_ =	sdelay $0x1  }
0x8a: {  	s1 =	srdreg.scid  }
0x8b: {  	s0 =	sand.u32 $0x1, s1  }
0x8c: {  	s17 =	sshll.u32 s0, $0xA;
	s2 =	sadd.s32 s3, s2  }
0x8d: {  	s2 =	sadd.s32 s2, s17  }
0x8e: {  	[smem:$0x3FC6] =	sst s2  }
0x8f: {  	_ = 	snop  }
0x90: {  	s2 =	sld [smem:$0x3FC8]  }
0x91: {  	s18 =	sld [smem:$0x3FD0];
	(tm) =	ssettm $0x1  }
0x92: {  	s4 =	sld [smem:$0x3FFB];
	_ =	sdelay $0x3  }
0x93: {  	_ =	strace s4  }
0x94: {  	s4 =	sld [smem:$0x3FFC];
	_ =	sdelay $0x3  }
0x95: {  	_ =	strace s4  }
0x96: {  	s4 =	sld [smem:$0x3FFD];
	_ =	sdelay $0x3  }
0x97: {  	_ =	strace s4  }
0x98: {  	_ =	strace $0x8FFFFFFF  }
0x99: {  	s19 =	sld [smem:$0x3FDB];
	_ =	sdelay $0x1  }
0x9a: {  	s5 =	simm.s32 $_scs_section_size  }
0x9b: {  	s6 =	simm.s32 $_size__tile_overlayer_lowered;
	s7 =	simm.s32 $_tile_overlayer_lowered  }
0x9c: {  	s22 =	simm.s32 $0x1BFF;
	s21 =	sshll.u32 s7, $0x1;
	s4 =	sadd.s32 s5, s19  }
0x9d: {  	s8 =	simm.s32 $0x0;
	s20 =	sshll.u32 s6, $0x1;
	s6 =	sadd.s32 s21, s4  }
0x9e: {  	[timem:s8], [sflag:s22] =	dma.local [hbm:s6], s20  }
0x9f: {  	_ =	swait.ge [sflag:s22], s20  }
0xa0: {  	s5 =	ssub.s32 $0x0, s20;
	[sflag:s22] =	ssyncset.done $0x0  }
0xa1: {  	[sflag:s22] =	ssyncadd.s32 s5;
	_ =	sdelay $0x1  }
0xa2: {  	s23 =	simm.s32 $0x1B8B  }
0xa3: {  	_ =	swait.ge [sflag:s23], $0x1  }
0xa4: {  	[sflag:s23] =	ssyncset.done $0x0  }
0xa5: {  	s25 =	simm.s32 $0x1B8E;
	s24 =	sld [smem:$0x3FFE];
	[sflag:s23] =	ssyncadd.s32 $0xFFFFFFFF  }
0xa6: {  	s26 =	simm.s32 $execute0_lowered;
	[smem:$0x3FD2] =	sst s25  }
0xa7: {  	s6 =	sshll.u32 s26, $0x1;
	_ =	strace $0x80000046;
	[dreg:$0x1] =	wrdreg $0xFFFFFFFF  }
0xa8: {  	s28 =	simm.s32 $_size_execute0_lowered;
	s4 =	sadd.s32 s4, s6;
	[dreg:$0x0] =	wrdreg $0x0  }
0xa9: {  	s6 =	sshll.u32 s28, $0x1;
	[dreg:$0x2] =	wrdreg s4  }
0xaa: {  	[dreg:$0x3] =	wrdreg s6  }
0xab: {  	[dreg:$0x4] =	wrdreg $0xC0  }
0xac: {  	_ =	task [dreg:s8], $0x5FFFF  }
0xad: {  	[dreg:$0x1] =	wrdreg $0xFFFFFFFF  }
0xae: {  	[dreg:$0x0] =	wrdreg $0x60  }
0xaf: {  	[dreg:$0x2] =	wrdreg s2  }
0xb0: {  	[dreg:$0x3] =	wrdreg s18  }
0xb1: {  	[dreg:$0x4] =	wrdreg s24  }
0xb2: {  	[dreg:$0x5] =	wrdreg $0x9  }
0xb3: {  	_ =	task.clear_ibuf [dreg:s8], $0x6FFFF;
	_ =	strace $0x90000046  }
0xb4: {  	s29 =	simm.s32 $0x9;
	_ =	strace $0x80000048  }
0xb5: {  	_ =	swait.ge [sflag:s29], $0x1  }
0xb6: {  	[sflag:s29] =	ssyncadd.s32 $0xFFFFFFFF  }
0xb7: {  	_ =	strace $0x90000048  }
0xb8: {  	_ =	sfence  }
0xb9: {  	s30 =	sld [smem:$0x0];
	_ =	sdelay $0x2  }
0xba: {  	s31 =	sshll.u32 s1, $0xD;
	s1 =	sshrl.u32 s1, $0x2  }
0xbb: {  	s3 =	sand.u32 $0x4000, s31;
	s1 =	sadd.s32 s1, s30  }
0xbc: {  	s0 =	sor.u32 s3, s0;
	s1 =	sshll.u32 s1, $0x11  }
0xbd: {  	s0 =	sor.u32 s1, s0  }
0xbe: {  	s0 =	sadd.s32 $0x8F2B, s0  }
0xbf: {  	[sflag:s0] =	ssyncadd.remote.s32 $0x1  }
0xc0: {  	_ =	sfence.sel $0xFFFF  }
0xc1: {  	[dreg:$0x0] =	wrdreg $0xFFFFFFFF;
	(pc) =	sbr.abs _section_cstart, $3  }
0xc2: {  	[dreg:$0x1] =	wrdreg $0xFFFFFFFF  }
0xc3: {  	_ =	task.clear_ibuf [dreg:s8], $0x2FFFF;
	_ =	strace $0x9FFFFFFF  }
0xc4: {  	(tm) =	ssettm $0x7FFFFFFF  }
0xc5: {  	_ =	shalt  }
tec
execute0_lowered:
.L_overlay_start_1:
0x0: {  	(tag) =	ssettag $0x1  }
0x1: {  	s1 =	rddreg [dreg:$0x0]  }
0x2: {  	s2 =	rddreg [dreg:$0x1]  }
0x3: {  	s8 =	rddreg [dreg:$0x2]  }
0x4: {  	s4 =	srdreg.scid;
	s0 =	rddreg [dreg:$0x3];
	s3 =	simm.s32 $0x0  }
0x5: {  	s13 =	simm.s32 $0x2;
	s14 =	simm.s32 $0x0;
	s7 =	sand.u32 $0x1, s4  }
0x6: {  	[smem:$0x7FF] =	sst s3;
	s5 =	sadd.s32 $0xA00, s8;
	s4 =	stileid.u32  }
0x7: {  	s8 =	sadd.s32 $0x7A1A00, s8;
	s6 =	ssub.s32 $0x2, s7;
	_ =	strace $0x80000047  }
.Ltmp0:
0x8: {  	s31 =	sshll.u32 s4, $0x1;
	p0 =	slt.u32 s4, $0x2;
	(pc) =	sbr.rel .LBB2_1-.Ltmp0, $4  }
0x9: {  	s9 =	sshrl.u32 s6, $0x1;
	s12 =	sor.u32 s7, s31;
	s7 =	simm.s32 $0xF8  }
0xa: {  	v0 =	vlaneseq.u32;
	s11 =	ssub.s32 s6, s9;
	s6 =	simm.s32 $0xF5;
	s7 =	simm.s32 @!p0 $0xF7  }
0xb: {  	v1 =	vand.u32 $0x1, v0;
	s9 =	sshll.u32 s12, $0xA;
	s10 =	sshll.u32 s12, $0xD;
	s6 =	simm.s32 @!p0 $0xF4  }
0xc: {  	v1 =	vmul.u32 $0x40, v1;
	s11 =	smax.u32 s11, $0x1;
	p0 =	sne.s32 s12, $0x1F;
	s12 =	simm.s32 $0x1  }
.LBB2_7:
0xd: {  	_ =	swait.ge [sflag:s13], $0x2000  }
0xe: {  	[sflag:s13] =	ssyncset.done $0x0  }
0xf: {  	s14 =	sadd.s32 $0x1, s14;
	[sflag:s13] =	ssyncadd.s32 $0xFFFFE000  }
0x10: {  	p1 =	sne.s32 s14, s11;
	_ =	swait.ge [sflag:s13], $0x2000  }
.Ltmp1:
0x11: {  	[sflag:s13] =	ssyncset.done $0x0;
	(pc) =	sbr.rel @!p1 .LBB2_8-.Ltmp1, $4  }
0x12: {  	[sflag:s13] =	ssyncadd.s32 $0xFFFFE000  }
0x13: {  	_ =	swait.ge [sflag:s13], $0x2000  }
0x14: {  	[sflag:s13] =	ssyncset.done $0x0  }
0x15: {  	[sflag:s13] =	ssyncadd.s32 $0xFFFFE000  }
.LBB2_1:
0x16: {  	s15 =	simm.s32 @!p0 $0x0;
	s16 =	simm.s32 @!p0 $0x8000;
	s17 =	simm.s32 @!p0 $0x3  }
0x17: {  	[tilespmem:s16], [sflag:$0x3] =	stream.linear.gather @!p0 [hbm4b:s2+s15], $0x1000, $0x38;
	[tilespmem:$0xE000] =	vst v63  }
0x18: {  	_ =	swait.ge @!p0 [sflag:s17], $0x1000  }
0x19: {  	[sflag:s17] =	ssyncset.done @!p0 $0x0  }
.Ltmp2:
0x1a: {  	[sflag:s17] =	ssyncadd.s32 @!p0 $0xFFFFF000;
	(pc) =	sbr.rel .LBB2_2-.Ltmp2, $4  }
0x1b: {  	[hbm4b:s8+s15] =	stream.linear.scatter @!p0 [tilespmem:s16], [sflag:$0x3], $0x1000, $0x38;
	[tilespmem:$0xE000] =	vst v63  }
0x1c: {  	_ =	swait.ge @!p0 [sflag:s17], $0x1000  }
0x1d: {  	[sflag:s17] =	ssyncset.done @!p0 $0x0  }
0x1e: {  	s15 =	simm.s32 $0x0;
	[sflag:s17] =	ssyncadd.s32 @!p0 $0xFFFFF000  }
.LBB2_6:
0x1f: {  	s15 =	sadd.s32 $0x1, s15  }
0x20: {  	p1 =	sne.s32 s15, s7  }
.Ltmp3:
0x21: {  	_ = 	snop;
	(pc) =	sbr.rel @!p1 .LBB2_7-.Ltmp3, $1  }
0x22: {  	_ =	sdelay $0x3  }
.LBB2_2:
0x23: {  	p1 =	sge.u32 s15, s6  }
0x24: {  	s16 =	sshll.u32 @!p1 s15, $0xF  }
0x25: {  	s16 =	sor.u32 @!p1 s9, s16  }
0x26: {  	s17 =	sshll.u32 @!p1 s15, $0xD;
	s18 =	simm.s32 @!p1 $0x400;
	s16 =	sshrl.u32 @!p1 s16, $0x3  }
0x27: {  	s19 =	simm.s32 @!p1 $0x7A1400;
	s17 =	sand.u32 @!p1 $0x6000, s17;
	s16 =	sadd.s32 @!p1 s1, s16  }
0x28: {  	[tilespmem:s17], [sflag:$0x1] =	stream.strided.gather @!p1 [hbm4b:s16+s18], $0x2000, s19, s18, $0x38;
	[tilespmem:$0xE000] =	vst v63  }
0x29: {  	p1 =	slt.u32 s15, $0x3  }
.Ltmp4:
0x2a: {  	_ = 	snop;
	(pc) =	sbr.rel @p1 .LBB2_6-.Ltmp4, $1  }
0x2b: {  	_ =	sdelay $0x3  }
0x2c: {  	s16 =	simm.s32 $0x0  }
0x2d: {  	s21 =	simm.s32 $0x0;
	s17 =	sand.u32 $0x8, s16  }
0x2e: {  	s29 =	sand.u32 $0x70, s21;
	v2 =	vxor.u32 s17, v0;
	s18 =	sor.u32 $0x1, s17;
	s19 =	sor.u32 $0x2, s17  }
0x2f: {  	s20 =	sor.u32 $0x7, s17;
	s28 =	sor.u32 $0x3, s17;
	s30 =	sor.u32 $0x4, s17;
	v7 =	vor.u32 s29, v0;
	v3 =	vxor.u32 s18, v0;
	v4 =	vxor.u32 s19, v0  }
0x30: {  	s16 =	sand.u32 $0x30, s16;
	s31 =	sor.u32 $0x5, s17;
	s17 =	sor.u32 $0x6, s17;
	v5 =	vxor.u32 s20, v0;
	v6 =	vxor.u32 s28, v0;
	v8 =	vxor.u32 s30, v0  }
0x31: {  	v10 =	vxor.u32 s31, v0;
	v11 =	vxor.u32 s17, v0;
	v2 =	vor.u32 s16, v2  }
0x32: {  	v19 =	vshll.u32 v7, $0x6;
	v3 =	vor.u32 s16, v3;
	v5 =	vor.u32 s16, v5  }
0x33: {  	v4 =	vor.u32 s16, v4;
	v6 =	vor.u32 s16, v6;
	v8 =	vor.u32 s16, v8  }
0x34: {  	v10 =	vor.u32 s16, v10;
	v11 =	vor.u32 s16, v11;
	v18 =	vshll.u32 v2, $0x7  }
0x35: {  	v19 =	vand.u32 $0x1F80, v19;
	v9 =	vshll.u32 v5, $0x7;
	v12 =	vshll.u32 v3, $0x7  }
0x36: {  	v13 =	vshll.u32 v4, $0x7;
	v14 =	vshll.u32 v6, $0x7;
	v15 =	vshll.u32 v8, $0x7  }
0x37: {  	v16 =	vshll.u32 v10, $0x7;
	v17 =	vshll.u32 v11, $0x7;
	v21 =	vor.u32 v7, v18  }
0x38: {  	_ =	swait.ge [sflag:s12], $0x2000;
	s17 =	simm.s32 $0x8;
	s19 =	simm.s32 $0x2;
	v9 =	vor.u32 v7, v9;
	v12 =	vor.u32 v7, v12;
	v13 =	vor.u32 v7, v13  }
0x39: {  	p1 =	slt.u32 s15, $0x6;
	s31 =	sand.u32 $0x8, s17;
	s29 =	sand.u32 $0x70, s19;
	v20 =	vor.u32 v7, v14;
	v14 =	vor.u32 v1, v19;
	v15 =	vor.u32 v7, v15  }
0x3a: {  	[sflag:s12] =	ssyncset.done $0x0;
	s30 =	sor.u32 $0x4, s31;
	s25 =	sor.u32 $0x5, s31;
	v16 =	vor.u32 v7, v16;
	v17 =	vor.u32 v7, v17;
	v19 =	vor.u32 s29, v0  }
0x3b: {  	s21 =	simm.s32 @!p1 $0x2;
	[sflag:s12] =	ssyncadd.s32 $0xFFFFE000;
	v18 =	vxor.u32 s30, v0;
	v25 =	vxor.u32 s25, v0;
	v22 =	vor.u32 v5, v14  }
0x3c: {  	_ =	swait.ge @!p1 [sflag:s21], $0x2000;
	s16 =	sadd.s32 $0xFFFFFFFD, s15;
	v2 =	vor.u32 v2, v14;
	v24 =	vor.u32 v3, v14;
	v7 =	vor.u32 v4, v14  }
0x3d: {  	s24 =	sand.u32 $0x30, s17;
	[sflag:s21] =	ssyncset.done @!p1 $0x0;
	s23 =	sor.u32 $0x7, s31;
	v6 =	vor.u32 v6, v14;
	v5 =	vor.u32 v8, v14;
	v3 =	vor.u32 v10, v14  }
0x3e: {  	s20 =	sshll.u32 s16, $0xD;
	s26 =	sor.u32 $0x1, s31;
	s22 =	sor.u32 $0x2, s31;
	v8 =	vxor.u32 s31, v0;
	v4 =	vor.u32 v11, v14;
	v14 =	vxor.u32 s23, v0  }
0x3f: {  	[sflag:s21] =	ssyncadd.s32 @!p1 $0xFFFFE000;
	s18 =	sand.u32 $0x6000, s20;
	v10 =	vxor.u32 s26, v0;
	v11 =	vxor.u32 s22, v0;
	v27 =	vor.u32 s24, v14  }
0x40: {  	s28 =	sor.u32 $0x3, s31;
	v34 =	vshll.u32 v19, $0x6;
	v23 =	vor.u32 s24, v10;
	v14 =	vshll.u32 v27, $0x7;
	v28 =	vld.idx.msk [tilespmem:v9+s18+$0x0], $0xffff  }
0x41: {  	v10 =	vxor.u32 s28, v0;
	v30 =	vor.u32 s24, v11;
	v26 =	vor.u32 v19, v14;
	v11 =	vld.idx.msk [tilespmem:v12+s18+$0x0], $0xffff  }
0x42: {  	s20 =	sor.u32 $0x6, s31;
	v8 =	vor.u32 s24, v8;
	v14 =	vor.u32 s24, v10;
	v10 =	vshll.u32 v23, $0x7;
	v29 =	vld.idx.msk [tilespmem:v13+s18+$0x0], $0xffff  }
0x43: {  	s31 =	smulhi.u32 $0xAAAAAAAB, s16;
	v9 =	vxor.u32 s20, v0;
	v12 =	vor.u32 s24, v18;
	v13 =	vor.u32 s24, v25;
	v31 =	vld.idx.msk [tilespmem:v20+s18+$0x0], $0xffff  }
0x44: {  	v18 =	vshll.u32 v30, $0x7;
	v20 =	vshll.u32 v14, $0x7;
	v35 =	vld.idx.msk [tilespmem:v16+s18+$0x0], $0xffff;
	v16 =	vshll.u32 v8, $0x7  }
0x45: {  	s20 =	sshrl.u32 s31, $0x1;
	v32 =	vld.idx.msk [tilespmem:v15+s18+$0x0], $0xffff;
	v36 =	vor.u32 v19, v10;
	v10 =	vand.u32 $0x1F80, v34;
	v9 =	vor.u32 s24, v9  }
0x46: {  	v25 =	vshll.u32 v12, $0x7;
	v15 =	vshll.u32 v13, $0x7;
	s20 =	smul.u32 $0x3, s20;
	v37 =	vor.u32 v19, v18;
	v62 =	vld.idx.msk [tilespmem:v26+s18+$0x0], $0xffff  }
0x47: {  	v18 =	vor.u32 v1, v10;
	v26 =	vor.u32 v19, v20;
	v20 =	vor.u32 v19, v15;
	v15 =	vld.idx.msk [tilespmem:v17+s18+$0x0], $0xffff  }
0x48: {  	v16 =	vor.u32 v19, v16;
	v33 =	vshll.u32 v9, $0x7;
	v25 =	vor.u32 v19, v25;
	s20 =	ssub.s32 s16, s20;
	v17 =	vld.idx.msk [tilespmem:v21+s18+$0x0], $0xffff  }
0x49: {  	v27 =	vor.u32 v27, v18;
	v10 =	vor.u32 v8, v18;
	s20 =	sshll.u32 s20, $0xD;
	v28 =	vmul.f32 $8.000000000e+00, v28  }
0x4a: {  	v19 =	vor.u32 v19, v33;
	s20 =	sor.u32 $0x8000, s20;
	v63 =	vmul.f32 $8.000000000e+00, v11;
	v29 =	vmul.f32 $8.000000000e+00, v29  }
0x4b: {  	v21 =	vor.u32 v23, v18;
	v8 =	vld.idx.msk [tilespmem:v36+s18+$0x0], $0xffff;
	v23 =	vmul.f32 $8.000000000e+00, v32;
	[tilespmem:v22+s20+$0x0] =	vst.idx.msk $0xffff, v28;
	v28 =	vmul.f32 $8.000000000e+00, v31  }
0x4c: {  	v11 =	vld.idx.msk [tilespmem:v37+s18+$0x0], $0xffff;
	v22 =	vor.u32 v30, v18;
	[tilespmem:v24+s20+$0x0] =	vst.idx.msk $0xffff, v63;
	v24 =	vmul.f32 $8.000000000e+00, v35;
	v30 =	vmul.f32 $8.000000000e+00, v62  }
.LBB2_4:
0x4d: {  	s17 =	sadd.s32 $0x8, s17;
	v31 =	vld.idx.msk [tilespmem:v26+s18+$0x0], $0xffff;
	v14 =	vor.u32 v14, v18;
	v26 =	vmul.f32 $8.000000000e+00, v17;
	[tilespmem:v7+s20+$0x0] =	vst.idx.msk $0xffff, v29;
	v29 =	vmul.f32 $8.000000000e+00, v15  }
0x4e: {  	v12 =	vor.u32 v12, v18;
	v13 =	vor.u32 v13, v18;
	s21 =	sand.u32 $0x8, s17;
	p1 =	slt.u32 s17, $0x1F8;
	v32 =	vld.idx.msk [tilespmem:v25+s18+$0x0], $0xffff;
	[tilespmem:v27+s20+$0x0] =	vst.idx.msk $0xffff, v30  }
0x4f: {  	v9 =	vor.u32 v9, v18;
	v25 =	vxor.u32 s21, v0;
	s22 =	sor.u32 $0x1, s21;
	s23 =	sor.u32 $0x2, s21;
	s24 =	sor.u32 $0x7, s21;
	v33 =	vld.idx.msk [tilespmem:v20+s18+$0x0], $0xffff;
	[tilespmem:v6+s20+$0x0] =	vst.idx.msk $0xffff, v28;
	v6 =	vmov v14  }
0x50: {  	s19 =	sadd.s32 $0x2, s19;
	v34 =	vmovc v21;
	v7 =	vmovc v22;
	s25 =	sand.u32 $0x30, s17;
	v14 =	vxor.u32 s22, v0;
	v18 =	vxor.u32 s23, v0;
	s22 =	sor.u32 $0x3, s21;
	v17 =	vxor.u32 s24, v0;
	v15 =	vld.idx.msk [tilespmem:v19+s18+$0x0], $0xffff  }
0x51: {  	s23 =	sand.u32 $0x70, s19;
	s24 =	sor.u32 $0x5, s21;
	v21 =	vor.u32 s25, v14;
	v14 =	vxor.u32 s22, v0;
	s22 =	sor.u32 $0x4, s21;
	v22 =	vor.u32 s25, v17;
	v17 =	vld.idx.msk [tilespmem:v16+s18+$0x0], $0xffff;
	[tilespmem:v5+s20+$0x0] =	vst.idx.msk $0xffff, v23;
	v5 =	vmovc v12  }
0x52: {  	v19 =	vor.u32 s23, v0;
	s21 =	sor.u32 $0x6, s21;
	v12 =	vxor.u32 s22, v0;
	v16 =	vshll.u32 v22, $0x7;
	[tilespmem:v3+s20+$0x0] =	vst.idx.msk $0xffff, v24;
	v3 =	vmovc v13  }
0x53: {  	v13 =	vxor.u32 s24, v0;
	v20 =	vxor.u32 s21, v0;
	v16 =	vor.u32 v19, v16;
	[tilespmem:v4+s20+$0x0] =	vst.idx.msk $0xffff, v29;
	v4 =	vmovc v9  }
0x54: {  	v24 =	vor.u32 s25, v18;
	v14 =	vor.u32 s25, v14;
	v12 =	vor.u32 s25, v12;
	[tilespmem:v2+s20+$0x0] =	vst.idx.msk $0xffff, v26;
	v2 =	vmovc v10  }
0x55: {  	v13 =	vor.u32 s25, v13;
	v9 =	vor.u32 s25, v20;
	v10 =	vor.u32 s25, v25  }
0x56: {  	v18 =	vshll.u32 v21, $0x7;
	v20 =	vshll.u32 v24, $0x7;
	v23 =	vshll.u32 v14, $0x7  }
0x57: {  	v25 =	vshll.u32 v12, $0x7;
	v27 =	vshll.u32 v13, $0x7;
	v28 =	vshll.u32 v9, $0x7  }
0x58: {  	v30 =	vor.u32 v19, v18;
	v26 =	vshll.u32 v19, $0x6;
	v29 =	vshll.u32 v10, $0x7;
	v35 =	vld.idx.msk [tilespmem:v16+s18+$0x0], $0xffff  }
0x59: {  	v36 =	vor.u32 v19, v20;
	v16 =	vand.u32 $0x1F80, v26;
	v26 =	vor.u32 v19, v23  }
.Ltmp5:
0x5a: {  	v25 =	vor.u32 v19, v25;
	v20 =	vor.u32 v19, v27;
	v18 =	vor.u32 v1, v16;
	(pc) =	sbr.rel @p1 .LBB2_4-.Ltmp5, $4  }
0x5b: {  	v16 =	vor.u32 v19, v29;
	v19 =	vor.u32 v19, v28;
	v27 =	vor.u32 v22, v18  }
0x5c: {  	v37 =	vmul.f32 $8.000000000e+00, v8;
	v29 =	vmul.f32 $8.000000000e+00, v11;
	v10 =	vor.u32 v10, v18  }
0x5d: {  	v23 =	vmul.f32 $8.000000000e+00, v32;
	v28 =	vmul.f32 $8.000000000e+00, v31;
	v21 =	vor.u32 v21, v18;
	v8 =	vld.idx.msk [tilespmem:v30+s18+$0x0], $0xffff  }
0x5e: {  	v22 =	vor.u32 v24, v18;
	v24 =	vmul.f32 $8.000000000e+00, v33;
	v30 =	vmul.f32 $8.000000000e+00, v35;
	v11 =	vld.idx.msk [tilespmem:v36+s18+$0x0], $0xffff;
	[tilespmem:v34+s20+$0x0] =	vst.idx.msk $0xffff, v37  }
0x5f: {  	_ =	sdelay $0x3  }
0x60: {  	[tilespmem:v7+s20+$0x0] =	vst.idx.msk $0xffff, v29  }
0x61: {  	[tilespmem:v6+s20+$0x0] =	vst.idx.msk $0xffff, v28  }
0x62: {  	v52 =	vld.idx.msk [tilespmem:v26+s18+$0x0], $0xffff;
	[tilespmem:v5+s20+$0x0] =	vst.idx.msk $0xffff, v23  }
0x63: {  	v53 =	vmul.f32 $8.000000000e+00, v15;
	v54 =	vld.idx.msk [tilespmem:v25+s18+$0x0], $0xffff;
	[tilespmem:v27+s20+$0x0] =	vst.idx.msk $0xffff, v30  }
0x64: {  	v55 =	vor.u32 v14, v18;
	v56 =	vmul.f32 $8.000000000e+00, v17;
	v58 =	vld.idx.msk [tilespmem:v19+s18+$0x0], $0xffff;
	[tilespmem:v3+s20+$0x0] =	vst.idx.msk $0xffff, v24  }
0x65: {  	v57 =	vld.idx.msk [tilespmem:v20+s18+$0x0], $0xffff;
	v3 =	vor.u32 v12, v18;
	[tilespmem:v4+s20+$0x0] =	vst.idx.msk $0xffff, v53;
	v59 =	vmul.f32 $8.000000000e+00, v8  }
0x66: {  	v61 =	vld.idx.msk [tilespmem:v16+s18+$0x0], $0xffff;
	v9 =	vor.u32 v9, v18;
	[tilespmem:v2+s20+$0x0] =	vst.idx.msk $0xffff, v56;
	v2 =	vmul.f32 $8.000000000e+00, v11  }
0x67: {  	v60 =	vor.u32 v13, v18;
	v7 =	vmul.f32 $8.000000000e+00, v52;
	[tilespmem:v21+s20+$0x0] =	vst.idx.msk $0xffff, v59  }
0x68: {  	v62 =	vmul.f32 $8.000000000e+00, v54;
	[tilespmem:v22+s20+$0x0] =	vst.idx.msk $0xffff, v2  }
0x69: {  	v63 =	vmul.f32 $8.000000000e+00, v58;
	[tilespmem:v55+s20+$0x0] =	vst.idx.msk $0xffff, v7  }
.Ltmp6:
0x6a: {  	s16 =	sshll.u32 s16, $0x12;
	v2 =	vmul.f32 $8.000000000e+00, v57;
	[tilespmem:v3+s20+$0x0] =	vst.idx.msk $0xffff, v62;
	(pc) =	sbr.rel .LBB2_6-.Ltmp6, $4  }
0x6b: {  	s16 =	sor.u32 s10, s16;
	v3 =	vmul.f32 $8.000000000e+00, v61;
	[tilespmem:v9+s20+$0x0] =	vst.idx.msk $0xffff, v63  }
0x6c: {  	s16 =	sshrl.u32 s16, $0x3;
	[tilespmem:v60+s20+$0x0] =	vst.idx.msk $0xffff, v2  }
0x6d: {  	s16 =	sadd.s32 s5, s16;
	[tilespmem:v10+s20+$0x0] =	vst.idx.msk $0xffff, v3  }
0x6e: {  	[hbm4b:s16+s3] =	stream.linear.scatter [tilespmem:s20], [sflag:$0x2], $0x2000, $0x38;
	[tilespmem:$0xE000] =	vst v63  }
.LBB2_8:
0x6f: {  	_ =	sfence.sel $0x180000  }
0x70: {  	[bflag:$0x0] =	sbarrier.arrive $0xFFFF  }
0x71: {  	p0 =	sne.s32 s4, $0x0;
	_ =	strace $0x90000047  }
0x72: {  	s0 =	sadd.s32 @!p0 $0x100000, s0;
	[bflag:$0x2] =	sbarrier.arrive $0xFFFF  }
0x73: {  	[sflag:s0] =	ssyncadd.tile.s32 @!p0 $0x1;
	_ =	shalt  }
.Lfunc_end2:
_tile_overlayer_lowered:
.L_overlay_start_2:
0x74: {  	(tag) =	ssettag $0x2  }
0x75: {  	s0 =	rddreg [dreg:$0x0];
	s2 =	stileid.u32  }
0x76: {  	s1 =	rddreg [dreg:$0x1];
	p0 =	sne.s32 s2, $0x0  }
0x77: {  	s3 =	rddreg [dreg:$0x2];
	[bflag:$0x3] =	sbarrier.arrive $0xFFFF;
	s2 =	simm.s32 @!p0 $0x1C03  }
0x78: {  	[timem:s3], [sflag:s2] =	dma.local @!p0 [hbm:s0], s1  }
0x79: {  	s0 =	simm.s32 @!p0 $0x3  }
0x7a: {  	_ =	swait.ge @!p0 [sflag:s0], s1  }
0x7b: {  	s1 =	ssub.s32 @!p0 $0x0, s1;
	[sflag:s0] =	ssyncset.done @!p0 $0x0  }
0x7c: {  	[sflag:s0] =	ssyncadd.s32 @!p0 s1  }
0x7d: {  	[bflag:$0x3] =	sbarrier.arrive $0xFFFF  }
0x7e: {  	_ =	shalt  }

// kernel: kernel.7.cloned.1.call-start
scs
__scs_entry_jumppad:
0x0: {  	(pc) =	sbr.rel $0x88, $3  }
0x1: {  	(tag) =	ssettag $0x0;
	lr =	simm.s32 $0x1  }
0x2: {  	[smem:$0x3F9F] =	sst lr;
	_ =	strace $0xD0000000  }
0x3: {  	_ = 	snop  }
0x4: {  	_ = 	snop  }
0x5: {  	_ = 	snop  }
0x6: {  	_ = 	snop  }
0x7: {  	_ = 	snop  }
__scs_overlays_trampoline_lowered:
0x8: {  	[smem:$0x3FAE] =	sst s0  }
0x9: {  	[smem:$0x3FAF] =	sst s1  }
0xa: {  	[smem:$0x3FB0] =	sst s2  }
0xb: {  	[smem:$0x3FB1] =	sst s3  }
0xc: {  	[smem:$0x3FB2] =	sst s4  }
0xd: {  	[smem:$0x3FB3] =	sst s5  }
0xe: {  	[smem:$0x3FB4] =	sst s6  }
0xf: {  	[smem:$0x3FB5] =	sst s7  }
0x10: {  	[smem:$0x3FB6] =	sst s8  }
0x11: {  	[smem:$0x3FB7] =	sst s9;
	s0 =	simm.s32 @!p0 $0x0  }
0x12: {  	s1 =	sld [smem:$0x3F9D];
	s0 =	simm.s32 @p0 $0x1  }
0x13: {  	[smem:$0x3FB8] =	sst s0;
	s0 =	simm.s32 @!p1 $0x0  }
0x14: {  	s2 =	sld [smem:$0x3F9C];
	s0 =	simm.s32 @p1 $0x1  }
0x15: {  	[smem:$0x3FB9] =	sst s0;
	s0 =	simm.s32 @!p2 $0x0  }
0x16: {  	s3 =	sld [smem:$0x3FDB];
	s0 =	simm.s32 @p2 $0x1  }
0x17: {  	s4 =	simm.s32 $0x1BF5;
	[smem:$0x3FBB] =	sst s0  }
0x18: {  	s0 =	sld [smem:$0x3F9E];
	_ =	swait.ge [sflag:s4], $0x0  }
0x19: {  	s7 =	sld [smem:$0x3F9F]  }
0x1a: {  	s8 =	sadd.s32 $0xFFFFE003, lr  }
0x1b: {  	s9 =	sadd.s32 $0xFFFFFEF7, lr;
	s5 =	simm.s32 $0xFFFFFFFF;
	p2 =	slt.u32 s8, $0xFFFFF086  }
0x1c: {  	p1 =	slt.u32 s9, $0xF7A;
	s5 =	simm.s32 @!p2 $0x0  }
0x1d: {  	s5 =	simm.s32 @p1 $0x1;
	p0 =	seq.s32 s7, s2  }
0x1e: {  	s7 =	smul.u32 @!p0 $0xF7A, s2;
	p2 =	seq.s32 @!p0 s5, $0x0  }
0x1f: {  	s9 =	smul.u32 $0xF7A, s1;
	s8 =	simm.s32 @!p0 $0x1BF5;
	p2 =	por !p2, p0  }
0x20: {  	[sflag:s8] =	ssyncset.s32 @!p0 $0xFFFFF086;
	s6 =	sadd.s32 @!p0 s3, s7;
	s7 =	simm.s32 @!p0 $0x108  }
0x21: {  	s3 =	sadd.s32 s3, s9;
	s6 =	sadd.s32 @!p0 $0x88, s6;
	s7 =	simm.s32 @p2 $0x1082  }
0x22: {  	[simem:s7], [sflag:s8] =	dma.local @!p0 [hbm:s6], $0xF7A  }
0x23: {  	s9 =	sor.u32 $0xD0000000, s2;
	s6 =	simm.s32 $0x108;
	_ =	swait.ge @!p0 [sflag:s8], $0x0  }
0x24: {  	s3 =	sadd.s32 $0x88, s3;
	s6 =	simm.s32 @!p1 $0x1082;
	[sflag:s4] =	ssyncset.s32 $0xFFFFF086  }
0x25: {  	[simem:s6], [sflag:s4] =	dma.local [hbm:s3], $0xF7A  }
0x26: {  	[smem:$0x3F9F] =	sst s1;
	(tag) =	ssettag s2;
	_ =	strace s9  }
0x27: {  	s1 =	sld [smem:$0x3FAF]  }
0x28: {  	s2 =	sld [smem:$0x3FB0]  }
0x29: {  	s4 =	sld [smem:$0x3FB2]  }
0x2a: {  	p0 =	seq.s32 s5, $0x0;
	s5 =	sld [smem:$0x3FB3]  }
0x2b: {  	s6 =	sld [smem:$0x3FB4]  }
0x2c: {  	s7 =	sld [smem:$0x3FB5]  }
0x2d: {  	s3 =	simm.s32 $0x108;
	s8 =	sld [smem:$0x3FB6]  }
0x2e: {  	s3 =	simm.s32 @!p0 $0x1082;
	s9 =	sld [smem:$0x3FB7]  }
0x2f: {  	lr =	sadd.s32 s0, s3;
	s0 =	sld [smem:$0x3FAE]  }
0x30: {  	s3 =	sld [smem:$0x3FB1]  }
0x31: {  	[smem:$0x3FBA] =	sst s10  }
0x32: {  	s10 =	sld [smem:$0x3FB8];
	_ =	sdelay $0x3  }
0x33: {  	p0 =	seq.s32 s10, $0x1;
	s10 =	sld [smem:$0x3FBA];
	_ =	sdelay $0x3  }
0x34: {  	[smem:$0x3FBA] =	sst s10  }
0x35: {  	s10 =	sld [smem:$0x3FB9];
	_ =	sdelay $0x3  }
0x36: {  	p1 =	seq.s32 s10, $0x1;
	s10 =	sld [smem:$0x3FBA];
	_ =	sdelay $0x3  }
0x37: {  	[smem:$0x3FBA] =	sst s10  }
0x38: {  	s10 =	sld [smem:$0x3FBB]  }
0x39: {  	_ = 	snop;
	(pc) =	sbr.ind lr, $3  }
0x3a: {  	_ = 	snop  }
0x3b: {  	_ = 	snop  }
0x3c: {  	p2 =	seq.s32 s10, $0x1;
	s10 =	sld [smem:$0x3FBA]  }
0x3d: {  	_ =	shalt  }
0x3e: {  	_ =	shalt  }
0x3f: {  	_ =	shalt  }
0x40: {  	_ =	shalt  }
0x41: {  	_ =	shalt  }
0x42: {  	_ =	shalt  }
0x43: {  	_ =	shalt  }
0x44: {  	_ =	shalt  }
0x45: {  	_ =	shalt  }
0x46: {  	_ =	shalt  }
0x47: {  	_ =	shalt  }
0x48: {  	_ =	shalt  }
0x49: {  	_ =	shalt  }
0x4a: {  	_ =	shalt  }
0x4b: {  	_ =	shalt  }
0x4c: {  	_ =	shalt  }
0x4d: {  	_ =	shalt  }
0x4e: {  	_ =	shalt  }
0x4f: {  	_ =	shalt  }
0x50: {  	_ =	shalt  }
0x51: {  	_ =	shalt  }
0x52: {  	_ =	shalt  }
0x53: {  	_ =	shalt  }
0x54: {  	_ =	shalt  }
0x55: {  	_ =	shalt  }
0x56: {  	_ =	shalt  }
0x57: {  	_ =	shalt  }
0x58: {  	_ =	shalt  }
0x59: {  	_ =	shalt  }
0x5a: {  	_ =	shalt  }
0x5b: {  	_ =	shalt  }
0x5c: {  	_ =	shalt  }
0x5d: {  	_ =	shalt  }
0x5e: {  	_ =	shalt  }
0x5f: {  	_ =	shalt  }
0x60: {  	_ =	shalt  }
0x61: {  	_ =	shalt  }
0x62: {  	_ =	shalt  }
0x63: {  	_ =	shalt  }
0x64: {  	_ =	shalt  }
0x65: {  	_ =	shalt  }
0x66: {  	_ =	shalt  }
0x67: {  	_ =	shalt  }
0x68: {  	_ =	shalt  }
0x69: {  	_ =	shalt  }
0x6a: {  	_ =	shalt  }
0x6b: {  	_ =	shalt  }
0x6c: {  	_ =	shalt  }
0x6d: {  	_ =	shalt  }
0x6e: {  	_ =	shalt  }
0x6f: {  	_ =	shalt  }
0x70: {  	_ =	shalt  }
0x71: {  	_ =	shalt  }
0x72: {  	_ =	shalt  }
0x73: {  	_ =	shalt  }
0x74: {  	_ =	shalt  }
0x75: {  	_ =	shalt  }
0x76: {  	_ =	shalt  }
0x77: {  	_ =	shalt  }
0x78: {  	_ =	shalt  }
0x79: {  	_ =	shalt  }
0x7a: {  	_ =	shalt  }
0x7b: {  	_ =	shalt  }
0x7c: {  	_ =	shalt  }
0x7d: {  	_ =	shalt  }
0x7e: {  	_ =	shalt  }
0x7f: {  	_ =	shalt  }
0x80: {  	_ =	shalt  }
0x81: {  	_ =	shalt  }
0x82: {  	_ =	shalt  }
0x83: {  	_ =	shalt  }
0x84: {  	_ =	shalt  }
0x85: {  	_ =	shalt  }
0x86: {  	_ =	shalt  }
0x87: {  	_ =	shalt  }
.Lfunc_end0:
.L_simem_size_0:
called_computation.1_lowered:
.L_overlay_start_0:
0x88: {  	s2 =	sld [smem:$0x3FD9]  }
0x89: {  	s3 =	sld [smem:$0x3FFE];
	_ =	sdelay $0x1  }
0x8a: {  	s1 =	srdreg.scid  }
0x8b: {  	s0 =	sand.u32 $0x1, s1  }
0x8c: {  	s17 =	sshll.u32 s0, $0xA;
	s2 =	sadd.s32 s3, s2  }
0x8d: {  	s2 =	sadd.s32 s2, s17  }
0x8e: {  	[smem:$0x3FC6] =	sst s2  }
0x8f: {  	_ = 	snop  }
0x90: {  	s2 =	sld [smem:$0x3FD0];
	(tm) =	ssettm $0x1  }
0x91: {  	s18 =	sld [smem:$0x3FFB];
	_ =	sdelay $0x3  }
0x92: {  	_ =	strace s18  }
0x93: {  	s3 =	sld [smem:$0x3FFC];
	_ =	sdelay $0x3  }
0x94: {  	_ =	strace s3  }
0x95: {  	s3 =	sld [smem:$0x3FFD];
	_ =	sdelay $0x3  }
0x96: {  	_ =	strace s3  }
0x97: {  	_ =	strace $0x8FFFFFFF  }
0x98: {  	s19 =	sld [smem:$0x3FDB];
	_ =	sdelay $0x1  }
0x99: {  	s4 =	simm.s32 $_scs_section_size  }
0x9a: {  	s5 =	simm.s32 $_size__tile_overlayer_lowered;
	s6 =	simm.s32 $_tile_overlayer_lowered  }
0x9b: {  	s22 =	simm.s32 $0x1BFF;
	s21 =	sshll.u32 s6, $0x1;
	s3 =	sadd.s32 s4, s19  }
0x9c: {  	s7 =	simm.s32 $0x0;
	s20 =	sshll.u32 s5, $0x1;
	s5 =	sadd.s32 s21, s3  }
0x9d: {  	[timem:s7], [sflag:s22] =	dma.local [hbm:s5], s20  }
0x9e: {  	_ =	swait.ge [sflag:s22], s20  }
0x9f: {  	s4 =	ssub.s32 $0x0, s20;
	[sflag:s22] =	ssyncset.done $0x0  }
0xa0: {  	[sflag:s22] =	ssyncadd.s32 s4;
	_ =	sdelay $0x1  }
0xa1: {  	s23 =	simm.s32 $0x1B8B  }
0xa2: {  	_ =	swait.ge [sflag:s23], $0x1  }
0xa3: {  	[sflag:s23] =	ssyncset.done $0x0  }
0xa4: {  	s25 =	simm.s32 $0x1B8E;
	s24 =	sld [smem:$0x3FFE];
	[sflag:s23] =	ssyncadd.s32 $0xFFFFFFFF  }
0xa5: {  	s26 =	simm.s32 $execute0_lowered;
	[smem:$0x3FD2] =	sst s25  }
0xa6: {  	s5 =	sshll.u32 s26, $0x1;
	_ =	strace $0x80000049;
	[dreg:$0x1] =	wrdreg $0xFFFFFFFF  }
0xa7: {  	s28 =	simm.s32 $_size_execute0_lowered;
	s3 =	sadd.s32 s3, s5;
	[dreg:$0x0] =	wrdreg $0x0  }
0xa8: {  	s5 =	sshll.u32 s28, $0x1;
	[dreg:$0x2] =	wrdreg s3  }
0xa9: {  	[dreg:$0x3] =	wrdreg s5  }
0xaa: {  	[dreg:$0x4] =	wrdreg $0xC0  }
0xab: {  	_ =	task [dreg:s7], $0x5FFFF  }
0xac: {  	[dreg:$0x1] =	wrdreg $0xFFFFFFFF  }
0xad: {  	[dreg:$0x0] =	wrdreg $0x60  }
0xae: {  	[dreg:$0x2] =	wrdreg s24  }
0xaf: {  	[dreg:$0x3] =	wrdreg s2  }
0xb0: {  	[dreg:$0x4] =	wrdreg $0x9  }
0xb1: {  	_ =	task.clear_ibuf [dreg:s7], $0x5FFFF;
	_ =	strace $0x90000049  }
0xb2: {  	s29 =	simm.s32 $0x9;
	_ =	strace $0x8000004B  }
0xb3: {  	_ =	swait.ge [sflag:s29], $0x1  }
0xb4: {  	[sflag:s29] =	ssyncadd.s32 $0xFFFFFFFF  }
0xb5: {  	_ =	strace $0x9000004B  }
0xb6: {  	_ =	sfence  }
0xb7: {  	s30 =	sld [smem:$0x0];
	_ =	sdelay $0x2  }
0xb8: {  	s31 =	sshll.u32 s1, $0xD;
	s1 =	sshrl.u32 s1, $0x2  }
0xb9: {  	s3 =	sand.u32 $0x4000, s31;
	s1 =	sadd.s32 s1, s30  }
0xba: {  	s0 =	sor.u32 s3, s0;
	s1 =	sshll.u32 s1, $0x11  }
0xbb: {  	s0 =	sor.u32 s1, s0  }
0xbc: {  	s0 =	sadd.s32 $0x8F2B, s0  }
0xbd: {  	[sflag:s0] =	ssyncadd.remote.s32 $0x1  }
0xbe: {  	_ =	sfence.sel $0xFFFF  }
0xbf: {  	[dreg:$0x0] =	wrdreg $0xFFFFFFFF;
	(pc) =	sbr.abs _section_cstart, $3  }
0xc0: {  	[dreg:$0x1] =	wrdreg $0xFFFFFFFF  }
0xc1: {  	_ =	task.clear_ibuf [dreg:s7], $0x2FFFF;
	_ =	strace $0x9FFFFFFF  }
0xc2: {  	(tm) =	ssettm $0x7FFFFFFF  }
0xc3: {  	_ =	shalt  }
tec
execute0_lowered:
.L_overlay_start_1:
0x0: {  	(tag) =	ssettag $0x1  }
0x1: {  	s0 =	rddreg [dreg:$0x0]  }
0x2: {  	s6 =	rddreg [dreg:$0x1];
	s3 =	simm.s32 $0x0  }
0x3: {  	[smem:$0x7FF] =	sst s3;
	s18 =	sadd.s32 $0x1000, s6  }
0x4: {  	s19 =	sadd.s32 $0x2000, s6;
	_ =	strace $0x8000004A;
	[dreg:$0x5] =	wrdreg s18  }
0x5: {  	s20 =	sadd.s32 $0x3000, s6;
	[dreg:$0x6] =	wrdreg s19  }
0x6: {  	s21 =	sadd.s32 $0x4000, s6;
	[dreg:$0x7] =	wrdreg s20  }
0x7: {  	s22 =	sadd.s32 $0x5000, s6;
	[dreg:$0x8] =	wrdreg s21  }
0x8: {  	s23 =	sadd.s32 $0x6000, s6;
	[dreg:$0x9] =	wrdreg s22  }
0x9: {  	s24 =	sadd.s32 $0x7000, s6;
	[dreg:$0xa] =	wrdreg s23  }
0xa: {  	s25 =	sadd.s32 $0x8000, s6;
	[dreg:$0xb] =	wrdreg s24  }
0xb: {  	s26 =	sadd.s32 $0x9000, s6;
	[dreg:$0xc] =	wrdreg s25  }
0xc: {  	s1 =	srdreg.scid;
	s7 =	sadd.s32 $0xC000, s6;
	[dreg:$0xd] =	wrdreg s26  }
0xd: {  	s2 =	stileid.u32;
	s8 =	sadd.s32 $0xD000, s6;
	[dreg:$0x10] =	wrdreg s7  }
0xe: {  	s28 =	simm.s32 $0x11000;
	s9 =	sadd.s32 $0xE000, s6;
	[dreg:$0x11] =	wrdreg s8  }
0xf: {  	s29 =	simm.s32 $0x11400;
	s10 =	sadd.s32 $0xF000, s6;
	[dreg:$0x12] =	wrdreg s9  }
0x10: {  	s30 =	simm.s32 $0x11800;
	s11 =	sadd.s32 $0x10000, s6;
	[dreg:$0x13] =	wrdreg s10  }
0x11: {  	s31 =	simm.s32 $0x11C00;
	s12 =	sadd.s32 $0x11000, s6;
	[dreg:$0x14] =	wrdreg s11  }
0x12: {  	s1 =	sand.u32 $0x1, s1;
	s13 =	sadd.s32 $0x12000, s6;
	[dreg:$0x15] =	wrdreg s12  }
0x13: {  	s2 =	sshll.u32 s2, $0x1;
	s14 =	sadd.s32 $0x13000, s6;
	[dreg:$0x16] =	wrdreg s13  }
0x14: {  	s2 =	sor.u32 s1, s2;
	s1 =	ssub.s32 $0x2, s1;
	[dreg:$0x18] =	wrdreg s14  }
0x15: {  	s18 =	sadd.s32 $0x17000, s6;
	s19 =	sadd.s32 $0x18000, s6;
	s20 =	sadd.s32 $0x19000, s6  }
0x16: {  	s21 =	sadd.s32 $0x1A000, s6;
	s22 =	sadd.s32 $0x1B000, s6;
	[dreg:$0x1c] =	wrdreg s18  }
0x17: {  	s23 =	sadd.s32 $0x1C000, s6;
	s24 =	sadd.s32 $0x1D000, s6;
	[dreg:$0x1d] =	wrdreg s19  }
0x18: {  	s25 =	sadd.s32 $0x1E000, s6;
	s26 =	sadd.s32 $0x1F000, s6;
	[dreg:$0x1e] =	wrdreg s20  }
0x19: {  	s9 =	simm.s32 $0x80;
	s10 =	simm.s32 $0x6400;
	[dreg:$0x1f] =	wrdreg s21  }
0x1a: {  	s11 =	simm.s32 $0x8400;
	s12 =	simm.s32 $0xA400;
	[smem:$0x7F9] =	sst s22  }
0x1b: {  	s13 =	simm.s32 $0xC400;
	s14 =	simm.s32 $0x1;
	[smem:$0x7FA] =	sst s23  }
0x1c: {  	s4 =	sshll.u32 s2, $0x4;
	s15 =	sshrl.u32 s1, $0x1;
	[smem:$0x7FB] =	sst s24  }
0x1d: {  	s17 =	sshll.u32 s2, $0x7;
	s2 =	sadd.s32 $0xA000, s6;
	[smem:$0x7FC] =	sst s25  }
0x1e: {  	[smem:$0x7FD] =	sst s26;
	s21 =	simm.s32 $0xFC00;
	s22 =	simm.s32 $0x10000  }
0x1f: {  	s5 =	sadd.s32 s4, s0;
	s4 =	sadd.s32 $0xA00, s0;
	[dreg:$0x4] =	wrdreg s17  }
0x20: {  	s0 =	ssub.s32 s1, s15;
	[dreg:$0xe] =	wrdreg s2;
	s15 =	sadd.s32 $0x14000, s6  }
0x21: {  	s23 =	simm.s32 $0x10400;
	s17 =	sadd.s32 $0x16000, s6;
	[dreg:$0x19] =	wrdreg s15  }
0x22: {  	s24 =	simm.s32 $0x10800;
	s16 =	sadd.s32 $0x7A1C00, s5;
	[dreg:$0x1b] =	wrdreg s17  }
0x23: {  	s26 =	simm.s32 $0x10C00;
	s5 =	sadd.s32 $0xB000, s6;
	[dreg:$0x3] =	wrdreg s16  }
0x24: {  	s1 =	simm.s32 $0x2;
	s0 =	smax.u32 s0, $0x1;
	[dreg:$0xf] =	wrdreg s5  }
0x25: {  	v0 =	vlaneseq.u32;
	s15 =	simm.s32 $0xE400;
	[dreg:$0x17] =	wrdreg s0;
	s16 =	sadd.s32 $0x15000, s6  }
0x26: {  	v1 =	vand.u32 $0x7, v0;
	s0 =	simm.s32 $0x12000;
	s5 =	simm.s32 $0x0;
	[dreg:$0x1a] =	wrdreg s16  }
.LBB2_1:
0x27: {  	[smem:$0x7F8] =	sst s5  }
0x28: {  	s2 =	rddreg [dreg:$0x3];
	s18 =	simm.s32 $0x1000;
	s19 =	simm.s32 $0x3  }
0x29: {  	[tilespmem:s3], [sflag:$0x3] =	stream.strided.gather [hbm4b:s2+s9], $0x6400, s18, s9, $0x38;
	[tilespmem:$0x12400] =	vst v63  }
0x2a: {  	_ =	swait.ge [sflag:s19], $0x6400  }
0x2b: {  	[sflag:s19] =	ssyncset.done $0x0  }
0x2c: {  	[sflag:s19] =	ssyncadd.s32 $0xFFFF9C00  }
0x2d: {  	[tilespmem:s10], [sflag:$0x1] =	stream.indirect.gather [hbm4b:s4+s9], $0x40, s3, s9, $0xb8;
	[tilespmem:$0x12400] =	vst v63  }
0x2e: {  	_ = 	snop  }
0x2f: {  	[tilespmem:s11], [sflag:$0x1] =	stream.indirect.gather [hbm4b:s4+s9], $0x40, s9, s9, $0xb8;
	[tilespmem:$0x12400] =	vst v63  }
0x30: {  	s20 =	simm.s32 $0x100  }
0x31: {  	[tilespmem:s12], [sflag:$0x1] =	stream.indirect.gather [hbm4b:s4+s9], $0x40, s20, s9, $0xb8;
	[tilespmem:$0x12400] =	vst v63  }
0x32: {  	s25 =	simm.s32 $0x180;
	s5 =	simm.s32 $0x0  }
0x33: {  	[tilespmem:s13], [sflag:$0x1] =	stream.indirect.gather [hbm4b:s4+s9], $0x40, s25, s9, $0xb8;
	[tilespmem:$0x12400] =	vst v63  }
.LBB2_2:
0x34: {  	_ =	swait.ge [sflag:s14], $0x2000  }
0x35: {  	p0 =	seq.s32 s5, $0x0;
	[sflag:s14] =	ssyncset.done $0x0  }
0x36: {  	s7 =	simm.s32 @!p0 $0x2;
	[sflag:s14] =	ssyncadd.s32 $0xFFFFE000  }
0x37: {  	_ =	swait.ge @!p0 [sflag:s7], $0x400  }
0x38: {  	[sflag:s7] =	ssyncset.done @!p0 $0x0  }
0x39: {  	[sflag:s7] =	ssyncadd.s32 @!p0 $0xFFFFFC00  }
0x3a: {  	_ =	swait.ge @!p0 [sflag:s7], $0x400  }
0x3b: {  	[sflag:s7] =	ssyncset.done @!p0 $0x0  }
0x3c: {  	[sflag:s7] =	ssyncadd.s32 @!p0 $0xFFFFFC00  }
0x3d: {  	_ =	swait.ge @!p0 [sflag:s7], $0x400  }
0x3e: {  	[sflag:s7] =	ssyncset.done @!p0 $0x0  }
0x3f: {  	[sflag:s7] =	ssyncadd.s32 @!p0 $0xFFFFFC00  }
0x40: {  	_ =	swait.ge @!p0 [sflag:s7], $0x400  }
0x41: {  	[sflag:s7] =	ssyncset.done @!p0 $0x0  }
0x42: {  	[sflag:s7] =	ssyncadd.s32 @!p0 $0xFFFFFC00  }
0x43: {  	s2 =	simm.s32 $0x0;
	s6 =	simm.s32 $0x0;
	_ =	swait.ge @!p0 [sflag:s7], $0x400  }
0x44: {  	s25 =	sand.u32 $0x8, s2;
	s8 =	sand.u32 $0x30, s2;
	[sflag:s7] =	ssyncset.done @!p0 $0x0  }
0x45: {  	s16 =	sand.u32 $0x70, s6;
	v2 =	vxor.u32 s25, v0;
	s17 =	sor.u32 $0x1, s25;
	[sflag:s7] =	ssyncadd.s32 @!p0 $0xFFFFFC00  }
0x46: {  	v3 =	vor.u32 s16, v0;
	s19 =	sor.u32 $0x2, s25;
	s18 =	sor.u32 $0x4, s25;
	v2 =	vor.u32 s8, v2;
	v4 =	vxor.u32 s17, v0;
	_ =	swait.ge @!p0 [sflag:s7], $0x400  }
0x47: {  	s20 =	sor.u32 $0x5, s25;
	s17 =	sor.u32 $0x3, s25;
	v6 =	vshll.u32 v3, $0x6;
	v7 =	vxor.u32 s19, v0;
	v9 =	vxor.u32 s18, v0;
	[sflag:s7] =	ssyncset.done @!p0 $0x0  }
0x48: {  	s19 =	sor.u32 $0x6, s25;
	v10 =	vxor.u32 s20, v0;
	v5 =	vand.u32 $0x38, v2;
	v8 =	vxor.u32 s17, v0;
	[sflag:s7] =	ssyncadd.s32 @!p0 $0xFFFFFC00  }
0x49: {  	s25 =	sor.u32 $0x7, s25;
	v11 =	vxor.u32 s19, v0;
	v12 =	vor.u32 s8, v4;
	v5 =	vor.u32 v6, v5;
	_ =	swait.ge @!p0 [sflag:s7], $0x400  }
0x4a: {  	v7 =	vor.u32 s8, v7;
	v4 =	vxor.u32 s25, v0;
	v5 =	vor.u32 v1, v5;
	[sflag:s7] =	ssyncset.done @!p0 $0x0  }
0x4b: {  	v14 =	vor.u32 s8, v9;
	v10 =	vor.u32 s8, v10;
	v2 =	vshll.u32 v2, $0x7;
	[sflag:s7] =	ssyncadd.s32 @!p0 $0xFFFFFC00  }
0x4c: {  	v13 =	vor.u32 s8, v8;
	v15 =	vor.u32 v6, v12;
	v16 =	vor.u32 s8, v11;
	_ =	swait.ge @!p0 [sflag:s7], $0x400  }
0x4d: {  	v17 =	vor.u32 s8, v4;
	v4 =	vand.u32 $0x78, v3;
	v3 =	vor.u32 v6, v7;
	[sflag:s7] =	ssyncset.done @!p0 $0x0  }
0x4e: {  	v19 =	vor.u32 v6, v14;
	v2 =	vor.u32 v4, v2;
	v18 =	vor.u32 v6, v13;
	[sflag:s7] =	ssyncadd.s32 @!p0 $0xFFFFFC00  }
0x4f: {  	v9 =	vor.u32 v6, v10;
	v14 =	vshll.u32 v14, $0x7;
	v21 =	vor.u32 v1, v2;
	v20 =	vld.idx.msk [tilespmem:v5+s10+$0x0], $0xffff  }
0x50: {  	v22 =	vshll.u32 v10, $0x7;
	v8 =	vor.u32 v6, v16;
	v23 =	vshll.u32 v16, $0x7  }
0x51: {  	v10 =	vshll.u32 v17, $0x7;
	v14 =	vor.u32 v4, v14;
	v16 =	vor.u32 v4, v22;
	v2 =	vld.idx.msk [tilespmem:v15+s10+$0x0], $0xffff  }
0x52: {  	v5 =	vshll.u32 v12, $0x7;
	v12 =	vshll.u32 v7, $0x7;
	v7 =	vor.u32 v6, v17;
	v3 =	vld.idx.msk [tilespmem:v3+s10+$0x0], $0xffff  }
0x53: {  	v6 =	vshll.u32 v13, $0x7;
	v11 =	vor.u32 v4, v5;
	v15 =	vor.u32 v4, v12;
	v5 =	vld.idx.msk [tilespmem:v18+s10+$0x0], $0xffff  }
0x54: {  	s25 =	sshll.u32 s5, $0x2;
	v13 =	vor.u32 v4, v6;
	v6 =	vld.idx.msk [tilespmem:v19+s10+$0x0], $0xffff;
	v12 =	vor.u32 v4, v23;
	[tilespmem:v21+s15+$0x0] =	vst.idx.msk $0xffff, v20  }
.LBB2_3:
0x55: {  	s2 =	sadd.s32 $0x8, s2;
	v11 =	vor.u32 v1, v11;
	v15 =	vor.u32 v1, v15;
	v9 =	vld.idx.msk [tilespmem:v9+s10+$0x0], $0xffff;
	v4 =	vor.u32 v4, v10  }
0x56: {  	v10 =	vor.u32 v1, v13;
	v13 =	vor.u32 v1, v14;
	v14 =	vor.u32 v1, v16;
	s6 =	sadd.s32 $0x2, s6;
	s7 =	sand.u32 $0x8, s2;
	p1 =	slt.u32 s2, $0x1F8;
	v8 =	vld.idx.msk [tilespmem:v8+s10+$0x0], $0xffff  }
0x57: {  	v12 =	vor.u32 v1, v12;
	s8 =	sand.u32 $0x30, s2;
	s16 =	sand.u32 $0x70, s6;
	v18 =	vor.u32 v1, v4;
	v16 =	vxor.u32 s7, v0;
	s17 =	sor.u32 $0x1, s7;
	v17 =	vld.idx.msk [tilespmem:v7+s10+$0x0], $0xffff  }
0x58: {  	v4 =	vor.u32 s16, v0;
	s16 =	sor.u32 $0x2, s7;
	s18 =	sor.u32 $0x4, s7;
	v7 =	vor.u32 s8, v16;
	v16 =	vxor.u32 s17, v0;
	s17 =	sor.u32 $0x3, s7  }
0x59: {  	s19 =	sor.u32 $0x6, s7;
	v20 =	vshll.u32 v4, $0x6;
	v21 =	vxor.u32 s16, v0;
	s16 =	sor.u32 $0x5, s7;
	s7 =	sor.u32 $0x7, s7;
	v19 =	vand.u32 $0x38, v7  }
0x5a: {  	v23 =	vxor.u32 s18, v0;
	v22 =	vxor.u32 s17, v0;
	v19 =	vor.u32 v20, v19;
	[tilespmem:v11+s15+$0x0] =	vst.idx.msk $0xffff, v2  }
0x5b: {  	v11 =	vxor.u32 s16, v0;
	v2 =	vor.u32 v1, v19;
	v19 =	vxor.u32 s19, v0;
	[tilespmem:v15+s15+$0x0] =	vst.idx.msk $0xffff, v3  }
0x5c: {  	v3 =	vor.u32 s8, v16;
	v15 =	vor.u32 s8, v21;
	v16 =	vxor.u32 s7, v0;
	[tilespmem:v10+s15+$0x0] =	vst.idx.msk $0xffff, v5  }
0x5d: {  	v11 =	vor.u32 s8, v11;
	v5 =	vor.u32 s8, v22;
	v10 =	vor.u32 s8, v23;
	[tilespmem:v13+s15+$0x0] =	vst.idx.msk $0xffff, v6  }
0x5e: {  	v16 =	vor.u32 s8, v16;
	v6 =	vor.u32 v20, v3;
	v13 =	vor.u32 s8, v19;
	[tilespmem:v14+s15+$0x0] =	vst.idx.msk $0xffff, v9  }
0x5f: {  	v4 =	vand.u32 $0x78, v4;
	v7 =	vshll.u32 v7, $0x7;
	v14 =	vor.u32 v20, v15;
	[tilespmem:v12+s15+$0x0] =	vst.idx.msk $0xffff, v8  }
0x60: {  	v19 =	vor.u32 v20, v5;
	v21 =	vor.u32 v20, v10;
	v12 =	vld.idx.msk [tilespmem:v2+s10+$0x0], $0xffff;
	v2 =	vor.u32 v4, v7  }
0x61: {  	v9 =	vor.u32 v20, v11;
	v8 =	vor.u32 v20, v13;
	v22 =	vor.u32 v1, v2  }
.Ltmp0:
0x62: {  	v3 =	vshll.u32 v3, $0x7;
	v15 =	vshll.u32 v15, $0x7;
	v7 =	vor.u32 v20, v16;
	[tilespmem:v18+s15+$0x0] =	vst.idx.msk $0xffff, v17;
	(pc) =	sbr.rel @p1 .LBB2_3-.Ltmp0, $4  }
0x63: {  	v17 =	vshll.u32 v10, $0x7;
	v18 =	vshll.u32 v11, $0x7;
	v2 =	vld.idx.msk [tilespmem:v6+s10+$0x0], $0xffff;
	v6 =	vshll.u32 v5, $0x7  }
0x64: {  	v20 =	vshll.u32 v13, $0x7;
	v11 =	vor.u32 v4, v3;
	v10 =	vshll.u32 v16, $0x7;
	v3 =	vld.idx.msk [tilespmem:v14+s10+$0x0], $0xffff  }
0x65: {  	v15 =	vor.u32 v4, v15;
	v13 =	vor.u32 v4, v6;
	v14 =	vor.u32 v4, v17;
	v5 =	vld.idx.msk [tilespmem:v19+s10+$0x0], $0xffff  }
0x66: {  	v16 =	vor.u32 v4, v18;
	[tilespmem:v22+s15+$0x0] =	vst.idx.msk $0xffff, v12;
	v6 =	vld.idx.msk [tilespmem:v21+s10+$0x0], $0xffff;
	v12 =	vor.u32 v4, v20  }
0x67: {  	v11 =	vor.u32 v1, v11  }
0x68: {  	v15 =	vor.u32 v1, v15  }
0x69: {  	v13 =	vor.u32 v1, v13  }
0x6a: {  	v14 =	vor.u32 v1, v14  }
0x6b: {  	v9 =	vld.idx.msk [tilespmem:v9+s10+$0x0], $0xffff;
	v16 =	vor.u32 v1, v16  }
0x6c: {  	v4 =	vor.u32 v4, v10;
	v8 =	vld.idx.msk [tilespmem:v8+s10+$0x0], $0xffff;
	v10 =	vor.u32 v1, v12;
	[tilespmem:v11+s15+$0x0] =	vst.idx.msk $0xffff, v2  }
0x6d: {  	[tilespmem:v15+s15+$0x0] =	vst.idx.msk $0xffff, v3  }
0x6e: {  	[tilespmem:v13+s15+$0x0] =	vst.idx.msk $0xffff, v5  }
0x6f: {  	v4 =	vor.u32 v1, v4;
	v2 =	vld.idx.msk [tilespmem:v7+s10+$0x0], $0xffff;
	[tilespmem:v14+s15+$0x0] =	vst.idx.msk $0xffff, v6  }
0x70: {  	[tilespmem:v16+s15+$0x0] =	vst.idx.msk $0xffff, v9  }
0x71: {  	[tilespmem:v10+s15+$0x0] =	vst.idx.msk $0xffff, v8  }
0x72: {  	s2 =	sshll.u32 s5, $0x11;
	s6 =	rddreg [dreg:$0x4]  }
0x73: {  	s20 =	rddreg [dreg:$0x1];
	s2 =	sor.u32 s6, s2  }
0x74: {  	s6 =	sadd.s32 s20, s2;
	[tilespmem:v4+s15+$0x0] =	vst.idx.msk $0xffff, v2  }
0x75: {  	[hbm4b:s6+s3] =	stream.linear.scatter [tilespmem:s15], [sflag:$0x2], $0x400, $0x38;
	[tilespmem:$0x12400] =	vst v63  }
0x76: {  	s7 =	rddreg [dreg:$0x5]  }
0x77: {  	s8 =	rddreg [dreg:$0x6];
	s6 =	sadd.s32 s2, s7;
	s7 =	simm.s32 $0xE800  }
0x78: {  	[hbm4b:s6+s3] =	stream.linear.scatter [tilespmem:s7], [sflag:$0x2], $0x400, $0x38;
	[tilespmem:$0x12400] =	vst v63  }
0x79: {  	s16 =	simm.s32 $0xEC00;
	s17 =	rddreg [dreg:$0x7];
	s6 =	sadd.s32 s2, s8  }
0x7a: {  	[hbm4b:s6+s3] =	stream.linear.scatter [tilespmem:s16], [sflag:$0x2], $0x400, $0x38;
	[tilespmem:$0x12400] =	vst v63  }
0x7b: {  	s18 =	simm.s32 $0xF000;
	s19 =	rddreg [dreg:$0x8];
	s6 =	sadd.s32 s2, s17  }
0x7c: {  	[hbm4b:s6+s3] =	stream.linear.scatter [tilespmem:s18], [sflag:$0x2], $0x400, $0x38;
	[tilespmem:$0x12400] =	vst v63  }
0x7d: {  	s20 =	simm.s32 $0xF400;
	s8 =	rddreg [dreg:$0x9];
	s6 =	sadd.s32 s2, s19  }
0x7e: {  	[hbm4b:s6+s3] =	stream.linear.scatter [tilespmem:s20], [sflag:$0x2], $0x400, $0x38;
	[tilespmem:$0x12400] =	vst v63  }
0x7f: {  	s16 =	simm.s32 $0xF800;
	s17 =	rddreg [dreg:$0xa];
	s6 =	sadd.s32 s2, s8  }
0x80: {  	[hbm4b:s6+s3] =	stream.linear.scatter [tilespmem:s16], [sflag:$0x2], $0x400, $0x38;
	[tilespmem:$0x12400] =	vst v63  }
0x81: {  	s18 =	rddreg [dreg:$0xb];
	s6 =	sadd.s32 s2, s17  }
0x82: {  	[hbm4b:s6+s3] =	stream.linear.scatter [tilespmem:s21], [sflag:$0x2], $0x400, $0x38;
	[tilespmem:$0x12400] =	vst v63  }
0x83: {  	s19 =	smin.u32 s25, $0xC3;
	s6 =	sadd.s32 s2, s18  }
0x84: {  	[hbm4b:s6+s3] =	stream.linear.scatter [tilespmem:s22], [sflag:$0x2], $0x400, $0x38;
	[tilespmem:$0x12400] =	vst v63  }
0x85: {  	s6 =	sshll.u32 s19, $0x7  }
0x86: {  	s6 =	sadd.s32 $0x200, s6  }
0x87: {  	[tilespmem:s10], [sflag:$0x1] =	stream.indirect.gather [hbm4b:s4+s9], $0x40, s6, s9, $0xb8;
	[tilespmem:$0x12400] =	vst v63  }
0x88: {  	_ =	swait.ge [sflag:s14], $0x2000  }
0x89: {  	[sflag:s14] =	ssyncset.done $0x0  }
0x8a: {  	s8 =	simm.s32 @!p0 $0x2;
	[sflag:s14] =	ssyncadd.s32 $0xFFFFE000  }
0x8b: {  	_ =	swait.ge @!p0 [sflag:s8], $0x400  }
0x8c: {  	[sflag:s8] =	ssyncset.done @!p0 $0x0  }
0x8d: {  	[sflag:s8] =	ssyncadd.s32 @!p0 $0xFFFFFC00  }
0x8e: {  	_ =	swait.ge @!p0 [sflag:s8], $0x400  }
0x8f: {  	[sflag:s8] =	ssyncset.done @!p0 $0x0  }
0x90: {  	[sflag:s8] =	ssyncadd.s32 @!p0 $0xFFFFFC00  }
0x91: {  	_ =	swait.ge @!p0 [sflag:s8], $0x400  }
0x92: {  	[sflag:s8] =	ssyncset.done @!p0 $0x0  }
0x93: {  	[sflag:s8] =	ssyncadd.s32 @!p0 $0xFFFFFC00  }
0x94: {  	_ =	swait.ge @!p0 [sflag:s8], $0x400  }
0x95: {  	s7 =	simm.s32 $0x0;
	[sflag:s8] =	ssyncset.done @!p0 $0x0  }
0x96: {  	s16 =	sand.u32 $0x8, s7;
	[sflag:s8] =	ssyncadd.s32 @!p0 $0xFFFFFC00  }
0x97: {  	s20 =	sor.u32 $0x2, s16;
	_ =	swait.ge @!p0 [sflag:s8], $0x400  }
0x98: {  	s18 =	sor.u32 $0x1, s16;
	v5 =	vxor.u32 s20, v0;
	s20 =	sor.u32 $0x4, s16;
	[sflag:s8] =	ssyncset.done @!p0 $0x0  }
0x99: {  	v4 =	vxor.u32 s18, v0;
	s18 =	sor.u32 $0x3, s16;
	s6 =	simm.s32 $0x0;
	[sflag:s8] =	ssyncadd.s32 @!p0 $0xFFFFFC00  }
0x9a: {  	v3 =	vxor.u32 s16, v0;
	v7 =	vxor.u32 s20, v0;
	s19 =	sand.u32 $0x30, s7;
	s17 =	sand.u32 $0x70, s6;
	_ =	swait.ge @!p0 [sflag:s8], $0x400  }
0x9b: {  	s20 =	sor.u32 $0x6, s16;
	v6 =	vxor.u32 s18, v0;
	v3 =	vor.u32 s19, v3;
	v2 =	vor.u32 s17, v0;
	[sflag:s8] =	ssyncset.done @!p0 $0x0  }
0x9c: {  	s18 =	sor.u32 $0x5, s16;
	s16 =	sor.u32 $0x7, s16;
	v11 =	vxor.u32 s20, v0;
	v8 =	vand.u32 $0x38, v3;
	v10 =	vshll.u32 v2, $0x6;
	[sflag:s8] =	ssyncadd.s32 @!p0 $0xFFFFFC00  }
0x9d: {  	v9 =	vxor.u32 s18, v0;
	v12 =	vxor.u32 s16, v0;
	v8 =	vor.u32 v10, v8;
	_ =	swait.ge @!p0 [sflag:s8], $0x400  }
0x9e: {  	v13 =	vor.u32 s19, v4;
	v5 =	vor.u32 s19, v5;
	v8 =	vor.u32 v1, v8;
	[sflag:s8] =	ssyncset.done @!p0 $0x0  }
0x9f: {  	v6 =	vor.u32 s19, v6;
	v14 =	vor.u32 s19, v7;
	v11 =	vor.u32 s19, v11;
	[sflag:s8] =	ssyncadd.s32 @!p0 $0xFFFFFC00  }
0xa0: {  	v15 =	vor.u32 s19, v9;
	v16 =	vor.u32 s19, v12;
	v12 =	vor.u32 v10, v13;
	_ =	swait.ge @!p0 [sflag:s8], $0x400  }
0xa1: {  	v4 =	vand.u32 $0x78, v2;
	v2 =	vshll.u32 v3, $0x7;
	v3 =	vor.u32 v10, v5;
	[sflag:s8] =	ssyncset.done @!p0 $0x0  }
0xa2: {  	v21 =	vshll.u32 v15, $0x7;
	v2 =	vor.u32 v4, v2;
	v17 =	vor.u32 v10, v6;
	[sflag:s8] =	ssyncadd.s32 @!p0 $0xFFFFFC00  }
0xa3: {  	v18 =	vor.u32 v10, v14;
	v9 =	vor.u32 v10, v15;
	v20 =	vor.u32 v1, v2;
	v19 =	vld.idx.msk [tilespmem:v8+s11+$0x0], $0xffff  }
0xa4: {  	v13 =	vshll.u32 v13, $0x7;
	v5 =	vshll.u32 v5, $0x7;
	v7 =	vor.u32 v10, v16  }
0xa5: {  	v6 =	vshll.u32 v6, $0x7;
	v14 =	vshll.u32 v14, $0x7;
	v8 =	vor.u32 v10, v11;
	v2 =	vld.idx.msk [tilespmem:v12+s11+$0x0], $0xffff  }
0xa6: {  	v15 =	vor.u32 v4, v5;
	v14 =	vor.u32 v4, v14;
	v12 =	vor.u32 v4, v13;
	v3 =	vld.idx.msk [tilespmem:v3+s11+$0x0], $0xffff  }
0xa7: {  	v11 =	vshll.u32 v11, $0x7;
	v10 =	vshll.u32 v16, $0x7;
	v5 =	vld.idx.msk [tilespmem:v17+s11+$0x0], $0xffff;
	v13 =	vor.u32 v4, v6  }
0xa8: {  	v6 =	vld.idx.msk [tilespmem:v18+s11+$0x0], $0xffff;
	v16 =	vor.u32 v4, v21;
	v11 =	vor.u32 v4, v11;
	[tilespmem:v20+s23+$0x0] =	vst.idx.msk $0xffff, v19  }
.LBB2_5:
0xa9: {  	s7 =	sadd.s32 $0x8, s7;
	v12 =	vor.u32 v1, v12;
	v15 =	vor.u32 v1, v15;
	v9 =	vld.idx.msk [tilespmem:v9+s11+$0x0], $0xffff;
	v4 =	vor.u32 v4, v10  }
0xaa: {  	v10 =	vor.u32 v1, v13;
	v13 =	vor.u32 v1, v14;
	v14 =	vor.u32 v1, v16;
	s6 =	sadd.s32 $0x2, s6;
	s8 =	sand.u32 $0x8, s7;
	p0 =	slt.u32 s7, $0x1F8;
	v8 =	vld.idx.msk [tilespmem:v8+s11+$0x0], $0xffff  }
0xab: {  	v11 =	vor.u32 v1, v11;
	s16 =	sand.u32 $0x30, s7;
	s17 =	sand.u32 $0x70, s6;
	v18 =	vor.u32 v1, v4;
	v16 =	vxor.u32 s8, v0;
	s18 =	sor.u32 $0x1, s8;
	v17 =	vld.idx.msk [tilespmem:v7+s11+$0x0], $0xffff  }
0xac: {  	v4 =	vor.u32 s17, v0;
	s17 =	sor.u32 $0x2, s8;
	s19 =	sor.u32 $0x4, s8;
	v7 =	vor.u32 s16, v16;
	v16 =	vxor.u32 s18, v0;
	s18 =	sor.u32 $0x3, s8  }
0xad: {  	s20 =	sor.u32 $0x6, s8;
	v20 =	vshll.u32 v4, $0x6;
	v21 =	vxor.u32 s17, v0;
	s17 =	sor.u32 $0x5, s8;
	s8 =	sor.u32 $0x7, s8;
	v19 =	vand.u32 $0x38, v7  }
0xae: {  	v23 =	vxor.u32 s19, v0;
	v22 =	vxor.u32 s18, v0;
	v19 =	vor.u32 v20, v19;
	[tilespmem:v12+s23+$0x0] =	vst.idx.msk $0xffff, v2  }
0xaf: {  	v12 =	vxor.u32 s17, v0;
	v2 =	vor.u32 v1, v19;
	v19 =	vxor.u32 s20, v0;
	[tilespmem:v15+s23+$0x0] =	vst.idx.msk $0xffff, v3  }
0xb0: {  	v3 =	vor.u32 s16, v16;
	v15 =	vor.u32 s16, v21;
	v16 =	vxor.u32 s8, v0;
	[tilespmem:v10+s23+$0x0] =	vst.idx.msk $0xffff, v5  }
0xb1: {  	v12 =	vor.u32 s16, v12;
	v5 =	vor.u32 s16, v22;
	v10 =	vor.u32 s16, v23;
	[tilespmem:v13+s23+$0x0] =	vst.idx.msk $0xffff, v6  }
0xb2: {  	v16 =	vor.u32 s16, v16;
	v6 =	vor.u32 v20, v3;
	v13 =	vor.u32 s16, v19;
	[tilespmem:v14+s23+$0x0] =	vst.idx.msk $0xffff, v9  }
0xb3: {  	v4 =	vand.u32 $0x78, v4;
	v7 =	vshll.u32 v7, $0x7;
	v14 =	vor.u32 v20, v15;
	[tilespmem:v11+s23+$0x0] =	vst.idx.msk $0xffff, v8  }
0xb4: {  	v19 =	vor.u32 v20, v5;
	v21 =	vor.u32 v20, v10;
	v11 =	vld.idx.msk [tilespmem:v2+s11+$0x0], $0xffff;
	v2 =	vor.u32 v4, v7  }
0xb5: {  	v9 =	vor.u32 v20, v12;
	v8 =	vor.u32 v20, v13;
	v22 =	vor.u32 v1, v2  }
.Ltmp1:
0xb6: {  	v3 =	vshll.u32 v3, $0x7;
	v15 =	vshll.u32 v15, $0x7;
	v7 =	vor.u32 v20, v16;
	[tilespmem:v18+s23+$0x0] =	vst.idx.msk $0xffff, v17;
	(pc) =	sbr.rel @p0 .LBB2_5-.Ltmp1, $4  }
0xb7: {  	v17 =	vshll.u32 v10, $0x7;
	v18 =	vshll.u32 v12, $0x7;
	v2 =	vld.idx.msk [tilespmem:v6+s11+$0x0], $0xffff;
	v6 =	vshll.u32 v5, $0x7  }
0xb8: {  	v20 =	vshll.u32 v13, $0x7;
	v12 =	vor.u32 v4, v3;
	v10 =	vshll.u32 v16, $0x7;
	v3 =	vld.idx.msk [tilespmem:v14+s11+$0x0], $0xffff  }
0xb9: {  	v15 =	vor.u32 v4, v15;
	v13 =	vor.u32 v4, v6;
	v14 =	vor.u32 v4, v17;
	v5 =	vld.idx.msk [tilespmem:v19+s11+$0x0], $0xffff  }
0xba: {  	v16 =	vor.u32 v4, v18;
	[tilespmem:v22+s23+$0x0] =	vst.idx.msk $0xffff, v11;
	v6 =	vld.idx.msk [tilespmem:v21+s11+$0x0], $0xffff;
	v11 =	vor.u32 v4, v20  }
0xbb: {  	v12 =	vor.u32 v1, v12  }
0xbc: {  	v15 =	vor.u32 v1, v15  }
0xbd: {  	v13 =	vor.u32 v1, v13  }
0xbe: {  	v14 =	vor.u32 v1, v14  }
0xbf: {  	v9 =	vld.idx.msk [tilespmem:v9+s11+$0x0], $0xffff;
	v16 =	vor.u32 v1, v16  }
0xc0: {  	v4 =	vor.u32 v4, v10;
	v8 =	vld.idx.msk [tilespmem:v8+s11+$0x0], $0xffff;
	v10 =	vor.u32 v1, v11;
	[tilespmem:v12+s23+$0x0] =	vst.idx.msk $0xffff, v2  }
0xc1: {  	v4 =	vor.u32 v1, v4;
	v2 =	vld.idx.msk [tilespmem:v7+s11+$0x0], $0xffff;
	[tilespmem:v15+s23+$0x0] =	vst.idx.msk $0xffff, v3  }
0xc2: {  	[tilespmem:v13+s23+$0x0] =	vst.idx.msk $0xffff, v5  }
0xc3: {  	[tilespmem:v14+s23+$0x0] =	vst.idx.msk $0xffff, v6  }
0xc4: {  	[tilespmem:v16+s23+$0x0] =	vst.idx.msk $0xffff, v9  }
0xc5: {  	[tilespmem:v10+s23+$0x0] =	vst.idx.msk $0xffff, v8  }
0xc6: {  	[tilespmem:v4+s23+$0x0] =	vst.idx.msk $0xffff, v2  }
0xc7: {  	s6 =	rddreg [dreg:$0xc]  }
0xc8: {  	s18 =	rddreg [dreg:$0xd];
	s7 =	sadd.s32 s2, s6;
	s6 =	simm.s32 $0x0  }
0xc9: {  	[hbm4b:s7+s6] =	stream.linear.scatter [tilespmem:s23], [sflag:$0x2], $0x400, $0x38;
	[tilespmem:$0x12400] =	vst v63  }
0xca: {  	s19 =	rddreg [dreg:$0xe];
	s7 =	sadd.s32 s2, s18  }
0xcb: {  	[hbm4b:s7+s6] =	stream.linear.scatter [tilespmem:s24], [sflag:$0x2], $0x400, $0x38;
	[tilespmem:$0x12400] =	vst v63  }
0xcc: {  	s20 =	rddreg [dreg:$0xf];
	s7 =	sadd.s32 s2, s19  }
0xcd: {  	[hbm4b:s7+s6] =	stream.linear.scatter [tilespmem:s26], [sflag:$0x2], $0x400, $0x38;
	[tilespmem:$0x12400] =	vst v63  }
0xce: {  	s8 =	rddreg [dreg:$0x10];
	s7 =	sadd.s32 s2, s20  }
0xcf: {  	[hbm4b:s7+s6] =	stream.linear.scatter [tilespmem:s28], [sflag:$0x2], $0x400, $0x38;
	[tilespmem:$0x12400] =	vst v63  }
0xd0: {  	s16 =	rddreg [dreg:$0x11];
	s7 =	sadd.s32 s2, s8  }
0xd1: {  	[hbm4b:s7+s6] =	stream.linear.scatter [tilespmem:s29], [sflag:$0x2], $0x400, $0x38;
	[tilespmem:$0x12400] =	vst v63  }
0xd2: {  	s17 =	rddreg [dreg:$0x12];
	s7 =	sadd.s32 s2, s16  }
0xd3: {  	[hbm4b:s7+s6] =	stream.linear.scatter [tilespmem:s30], [sflag:$0x2], $0x400, $0x38;
	[tilespmem:$0x12400] =	vst v63  }
0xd4: {  	s18 =	rddreg [dreg:$0x13];
	s7 =	sadd.s32 s2, s17  }
0xd5: {  	[hbm4b:s7+s6] =	stream.linear.scatter [tilespmem:s31], [sflag:$0x2], $0x400, $0x38;
	[tilespmem:$0x12400] =	vst v63  }
0xd6: {  	s19 =	smin.u32 s25, $0xC2;
	s7 =	sadd.s32 s2, s18  }
0xd7: {  	[hbm4b:s7+s6] =	stream.linear.scatter [tilespmem:s0], [sflag:$0x2], $0x400, $0x38;
	[tilespmem:$0x12400] =	vst v63  }
0xd8: {  	s7 =	sshll.u32 s19, $0x7  }
0xd9: {  	s7 =	sadd.s32 $0x280, s7  }
0xda: {  	[tilespmem:s11], [sflag:$0x1] =	stream.indirect.gather [hbm4b:s4+s9], $0x40, s7, s9, $0xb8;
	[tilespmem:$0x12400] =	vst v63  }
0xdb: {  	_ =	swait.ge [sflag:s14], $0x2000  }
0xdc: {  	[sflag:s14] =	ssyncset.done $0x0  }
0xdd: {  	[sflag:s14] =	ssyncadd.s32 $0xFFFFE000  }
0xde: {  	_ =	swait.ge [sflag:s1], $0x400  }
0xdf: {  	[sflag:s1] =	ssyncset.done $0x0  }
0xe0: {  	[sflag:s1] =	ssyncadd.s32 $0xFFFFFC00  }
0xe1: {  	_ =	swait.ge [sflag:s1], $0x400  }
0xe2: {  	[sflag:s1] =	ssyncset.done $0x0  }
0xe3: {  	[sflag:s1] =	ssyncadd.s32 $0xFFFFFC00  }
0xe4: {  	_ =	swait.ge [sflag:s1], $0x400  }
0xe5: {  	[sflag:s1] =	ssyncset.done $0x0  }
0xe6: {  	[sflag:s1] =	ssyncadd.s32 $0xFFFFFC00  }
0xe7: {  	_ =	swait.ge [sflag:s1], $0x400  }
0xe8: {  	[sflag:s1] =	ssyncset.done $0x0  }
0xe9: {  	[sflag:s1] =	ssyncadd.s32 $0xFFFFFC00  }
0xea: {  	s7 =	simm.s32 $0x0;
	_ =	swait.ge [sflag:s1], $0x400  }
0xeb: {  	s16 =	sand.u32 $0x70, s6;
	s8 =	sand.u32 $0x8, s7;
	[sflag:s1] =	ssyncset.done $0x0  }
0xec: {  	v2 =	vor.u32 s16, v0;
	s18 =	sand.u32 $0x30, s7;
	s17 =	sor.u32 $0x1, s8;
	[sflag:s1] =	ssyncadd.s32 $0xFFFFFC00  }
0xed: {  	v10 =	vshll.u32 v2, $0x6;
	s20 =	sor.u32 $0x2, s8;
	v3 =	vxor.u32 s8, v0;
	s19 =	sor.u32 $0x3, s8;
	v4 =	vxor.u32 s17, v0;
	_ =	swait.ge [sflag:s1], $0x400  }
0xee: {  	v5 =	vxor.u32 s20, v0;
	s20 =	sor.u32 $0x4, s8;
	v6 =	vxor.u32 s19, v0;
	v3 =	vor.u32 s18, v3;
	s19 =	sor.u32 $0x5, s8;
	[sflag:s1] =	ssyncset.done $0x0  }
0xef: {  	v7 =	vxor.u32 s20, v0;
	v8 =	vand.u32 $0x38, v3;
	v9 =	vxor.u32 s19, v0;
	[sflag:s1] =	ssyncadd.s32 $0xFFFFFC00  }
0xf0: {  	v13 =	vor.u32 s18, v4;
	v5 =	vor.u32 s18, v5;
	v8 =	vor.u32 v10, v8;
	_ =	swait.ge [sflag:s1], $0x400  }
0xf1: {  	s20 =	sor.u32 $0x6, s8;
	s8 =	sor.u32 $0x7, s8;
	v6 =	vor.u32 s18, v6;
	v4 =	vand.u32 $0x78, v2;
	v8 =	vor.u32 v1, v8;
	[sflag:s1] =	ssyncset.done $0x0  }
0xf2: {  	v2 =	vshll.u32 v3, $0x7;
	v11 =	vxor.u32 s20, v0;
	v12 =	vxor.u32 s8, v0;
	[sflag:s1] =	ssyncadd.s32 $0xFFFFFC00  }
0xf3: {  	v14 =	vor.u32 s18, v7;
	v16 =	vor.u32 s18, v12;
	v12 =	vor.u32 v10, v13;
	_ =	swait.ge [sflag:s1], $0x400  }
0xf4: {  	v15 =	vor.u32 s18, v9;
	v3 =	vor.u32 v10, v5;
	v2 =	vor.u32 v4, v2;
	[sflag:s1] =	ssyncset.done $0x0  }
0xf5: {  	v17 =	vor.u32 v10, v6;
	v5 =	vshll.u32 v5, $0x7;
	v6 =	vshll.u32 v6, $0x7;
	[sflag:s1] =	ssyncadd.s32 $0xFFFFFC00  }
0xf6: {  	v11 =	vor.u32 s18, v11;
	v18 =	vor.u32 v10, v14;
	v20 =	vor.u32 v1, v2;
	v19 =	vld.idx.msk [tilespmem:v8+s12+$0x0], $0xffff  }
0xf7: {  	v9 =	vor.u32 v10, v15;
	v13 =	vshll.u32 v13, $0x7;
	v14 =	vshll.u32 v14, $0x7  }
0xf8: {  	v21 =	vshll.u32 v15, $0x7;
	v15 =	vor.u32 v4, v5;
	v8 =	vor.u32 v10, v11;
	v2 =	vld.idx.msk [tilespmem:v12+s12+$0x0], $0xffff  }
0xf9: {  	v7 =	vor.u32 v10, v16;
	v14 =	vor.u32 v4, v14;
	v12 =	vor.u32 v4, v13;
	v3 =	vld.idx.msk [tilespmem:v3+s12+$0x0], $0xffff  }
0xfa: {  	v11 =	vshll.u32 v11, $0x7;
	v10 =	vshll.u32 v16, $0x7;
	v5 =	vld.idx.msk [tilespmem:v17+s12+$0x0], $0xffff;
	v13 =	vor.u32 v4, v6  }
0xfb: {  	v6 =	vld.idx.msk [tilespmem:v18+s12+$0x0], $0xffff;
	v16 =	vor.u32 v4, v21;
	v11 =	vor.u32 v4, v11;
	[tilespmem:v20+s15+$0x0] =	vst.idx.msk $0xffff, v19  }
.LBB2_7:
0xfc: {  	s7 =	sadd.s32 $0x8, s7;
	v12 =	vor.u32 v1, v12;
	v15 =	vor.u32 v1, v15;
	v9 =	vld.idx.msk [tilespmem:v9+s12+$0x0], $0xffff;
	v4 =	vor.u32 v4, v10  }
0xfd: {  	v10 =	vor.u32 v1, v13;
	v13 =	vor.u32 v1, v14;
	v14 =	vor.u32 v1, v16;
	s6 =	sadd.s32 $0x2, s6;
	s8 =	sand.u32 $0x8, s7;
	p0 =	slt.u32 s7, $0x1F8;
	v8 =	vld.idx.msk [tilespmem:v8+s12+$0x0], $0xffff  }
0xfe: {  	v11 =	vor.u32 v1, v11;
	s16 =	sand.u32 $0x30, s7;
	s17 =	sand.u32 $0x70, s6;
	v18 =	vor.u32 v1, v4;
	v16 =	vxor.u32 s8, v0;
	s18 =	sor.u32 $0x1, s8;
	v17 =	vld.idx.msk [tilespmem:v7+s12+$0x0], $0xffff  }
0xff: {  	v4 =	vor.u32 s17, v0;
	s17 =	sor.u32 $0x2, s8;
	s19 =	sor.u32 $0x4, s8;
	v7 =	vor.u32 s16, v16;
	v16 =	vxor.u32 s18, v0;
	s18 =	sor.u32 $0x3, s8  }
0x100: {  	s20 =	sor.u32 $0x6, s8;
	v20 =	vshll.u32 v4, $0x6;
	v21 =	vxor.u32 s17, v0;
	s17 =	sor.u32 $0x5, s8;
	s8 =	sor.u32 $0x7, s8;
	v19 =	vand.u32 $0x38, v7  }
0x101: {  	v23 =	vxor.u32 s19, v0;
	v22 =	vxor.u32 s18, v0;
	v19 =	vor.u32 v20, v19;
	[tilespmem:v12+s15+$0x0] =	vst.idx.msk $0xffff, v2  }
0x102: {  	v12 =	vxor.u32 s17, v0;
	v2 =	vor.u32 v1, v19;
	v19 =	vxor.u32 s20, v0;
	[tilespmem:v15+s15+$0x0] =	vst.idx.msk $0xffff, v3  }
0x103: {  	v3 =	vor.u32 s16, v16;
	v15 =	vor.u32 s16, v21;
	v16 =	vxor.u32 s8, v0;
	[tilespmem:v10+s15+$0x0] =	vst.idx.msk $0xffff, v5  }
0x104: {  	v12 =	vor.u32 s16, v12;
	v5 =	vor.u32 s16, v22;
	v10 =	vor.u32 s16, v23;
	[tilespmem:v13+s15+$0x0] =	vst.idx.msk $0xffff, v6  }
0x105: {  	v16 =	vor.u32 s16, v16;
	v6 =	vor.u32 v20, v3;
	v13 =	vor.u32 s16, v19;
	[tilespmem:v14+s15+$0x0] =	vst.idx.msk $0xffff, v9  }
0x106: {  	v4 =	vand.u32 $0x78, v4;
	v7 =	vshll.u32 v7, $0x7;
	v14 =	vor.u32 v20, v15;
	[tilespmem:v11+s15+$0x0] =	vst.idx.msk $0xffff, v8  }
0x107: {  	v19 =	vor.u32 v20, v5;
	v21 =	vor.u32 v20, v10;
	v11 =	vld.idx.msk [tilespmem:v2+s12+$0x0], $0xffff;
	v2 =	vor.u32 v4, v7  }
0x108: {  	v9 =	vor.u32 v20, v12;
	v8 =	vor.u32 v20, v13;
	v22 =	vor.u32 v1, v2  }
.Ltmp2:
0x109: {  	v3 =	vshll.u32 v3, $0x7;
	v15 =	vshll.u32 v15, $0x7;
	v7 =	vor.u32 v20, v16;
	[tilespmem:v18+s15+$0x0] =	vst.idx.msk $0xffff, v17;
	(pc) =	sbr.rel @p0 .LBB2_7-.Ltmp2, $4  }
0x10a: {  	v17 =	vshll.u32 v10, $0x7;
	v18 =	vshll.u32 v12, $0x7;
	v2 =	vld.idx.msk [tilespmem:v6+s12+$0x0], $0xffff;
	v6 =	vshll.u32 v5, $0x7  }
0x10b: {  	v20 =	vshll.u32 v13, $0x7;
	v12 =	vor.u32 v4, v3;
	v10 =	vshll.u32 v16, $0x7;
	v3 =	vld.idx.msk [tilespmem:v14+s12+$0x0], $0xffff  }
0x10c: {  	v15 =	vor.u32 v4, v15;
	v13 =	vor.u32 v4, v6;
	v14 =	vor.u32 v4, v17;
	v5 =	vld.idx.msk [tilespmem:v19+s12+$0x0], $0xffff  }
0x10d: {  	v16 =	vor.u32 v4, v18;
	[tilespmem:v22+s15+$0x0] =	vst.idx.msk $0xffff, v11;
	v6 =	vld.idx.msk [tilespmem:v21+s12+$0x0], $0xffff;
	v11 =	vor.u32 v4, v20  }
0x10e: {  	v12 =	vor.u32 v1, v12  }
0x10f: {  	v15 =	vor.u32 v1, v15  }
0x110: {  	v13 =	vor.u32 v1, v13  }
0x111: {  	v14 =	vor.u32 v1, v14  }
0x112: {  	v9 =	vld.idx.msk [tilespmem:v9+s12+$0x0], $0xffff;
	v16 =	vor.u32 v1, v16  }
0x113: {  	v4 =	vor.u32 v4, v10;
	v8 =	vld.idx.msk [tilespmem:v8+s12+$0x0], $0xffff;
	v10 =	vor.u32 v1, v11;
	[tilespmem:v12+s15+$0x0] =	vst.idx.msk $0xffff, v2  }
0x114: {  	v4 =	vor.u32 v1, v4;
	v2 =	vld.idx.msk [tilespmem:v7+s12+$0x0], $0xffff;
	[tilespmem:v15+s15+$0x0] =	vst.idx.msk $0xffff, v3  }
0x115: {  	[tilespmem:v13+s15+$0x0] =	vst.idx.msk $0xffff, v5  }
0x116: {  	[tilespmem:v14+s15+$0x0] =	vst.idx.msk $0xffff, v6  }
0x117: {  	[tilespmem:v16+s15+$0x0] =	vst.idx.msk $0xffff, v9  }
0x118: {  	[tilespmem:v10+s15+$0x0] =	vst.idx.msk $0xffff, v8  }
0x119: {  	[tilespmem:v4+s15+$0x0] =	vst.idx.msk $0xffff, v2  }
0x11a: {  	s6 =	rddreg [dreg:$0x14]  }
0x11b: {  	s20 =	rddreg [dreg:$0x15];
	s7 =	sadd.s32 s2, s6;
	s6 =	simm.s32 $0x0  }
0x11c: {  	[hbm4b:s7+s6] =	stream.linear.scatter [tilespmem:s15], [sflag:$0x2], $0x400, $0x38;
	[tilespmem:$0x12400] =	vst v63  }
0x11d: {  	s8 =	simm.s32 $0xE800;
	s7 =	sadd.s32 s2, s20  }
0x11e: {  	[hbm4b:s7+s6] =	stream.linear.scatter [tilespmem:s8], [sflag:$0x2], $0x400, $0x38;
	[tilespmem:$0x12400] =	vst v63  }
0x11f: {  	s8 =	rddreg [dreg:$0x16]  }
0x120: {  	s16 =	simm.s32 $0xEC00;
	s17 =	rddreg [dreg:$0x18];
	s7 =	sadd.s32 s2, s8  }
0x121: {  	[hbm4b:s7+s6] =	stream.linear.scatter [tilespmem:s16], [sflag:$0x2], $0x400, $0x38;
	[tilespmem:$0x12400] =	vst v63  }
0x122: {  	s18 =	simm.s32 $0xF000;
	s19 =	rddreg [dreg:$0x19];
	s7 =	sadd.s32 s2, s17  }
0x123: {  	[hbm4b:s7+s6] =	stream.linear.scatter [tilespmem:s18], [sflag:$0x2], $0x400, $0x38;
	[tilespmem:$0x12400] =	vst v63  }
0x124: {  	s20 =	simm.s32 $0xF400;
	s8 =	rddreg [dreg:$0x1a];
	s7 =	sadd.s32 s2, s19  }
0x125: {  	[hbm4b:s7+s6] =	stream.linear.scatter [tilespmem:s20], [sflag:$0x2], $0x400, $0x38;
	[tilespmem:$0x12400] =	vst v63  }
0x126: {  	s16 =	simm.s32 $0xF800;
	s17 =	rddreg [dreg:$0x1b];
	s7 =	sadd.s32 s2, s8  }
0x127: {  	[hbm4b:s7+s6] =	stream.linear.scatter [tilespmem:s16], [sflag:$0x2], $0x400, $0x38;
	[tilespmem:$0x12400] =	vst v63  }
0x128: {  	s18 =	rddreg [dreg:$0x1c];
	s7 =	sadd.s32 s2, s17  }
0x129: {  	[hbm4b:s7+s6] =	stream.linear.scatter [tilespmem:s21], [sflag:$0x2], $0x400, $0x38;
	[tilespmem:$0x12400] =	vst v63  }
0x12a: {  	s19 =	smin.u32 s25, $0xC1;
	s7 =	sadd.s32 s2, s18  }
0x12b: {  	[hbm4b:s7+s6] =	stream.linear.scatter [tilespmem:s22], [sflag:$0x2], $0x400, $0x38;
	[tilespmem:$0x12400] =	vst v63  }
0x12c: {  	s7 =	sshll.u32 s19, $0x7  }
0x12d: {  	s7 =	sadd.s32 $0x300, s7  }
0x12e: {  	[tilespmem:s12], [sflag:$0x1] =	stream.indirect.gather [hbm4b:s4+s9], $0x40, s7, s9, $0xb8;
	[tilespmem:$0x12400] =	vst v63  }
0x12f: {  	_ =	swait.ge [sflag:s14], $0x2000  }
0x130: {  	[sflag:s14] =	ssyncset.done $0x0  }
0x131: {  	[sflag:s14] =	ssyncadd.s32 $0xFFFFE000  }
0x132: {  	_ =	swait.ge [sflag:s1], $0x400  }
0x133: {  	[sflag:s1] =	ssyncset.done $0x0  }
0x134: {  	[sflag:s1] =	ssyncadd.s32 $0xFFFFFC00  }
0x135: {  	_ =	swait.ge [sflag:s1], $0x400  }
0x136: {  	[sflag:s1] =	ssyncset.done $0x0  }
0x137: {  	[sflag:s1] =	ssyncadd.s32 $0xFFFFFC00  }
0x138: {  	_ =	swait.ge [sflag:s1], $0x400  }
0x139: {  	[sflag:s1] =	ssyncset.done $0x0  }
0x13a: {  	[sflag:s1] =	ssyncadd.s32 $0xFFFFFC00  }
0x13b: {  	_ =	swait.ge [sflag:s1], $0x400  }
0x13c: {  	[sflag:s1] =	ssyncset.done $0x0  }
0x13d: {  	[sflag:s1] =	ssyncadd.s32 $0xFFFFFC00  }
0x13e: {  	s7 =	simm.s32 $0x0;
	_ =	swait.ge [sflag:s1], $0x400  }
0x13f: {  	s16 =	sand.u32 $0x70, s6;
	s8 =	sand.u32 $0x8, s7;
	[sflag:s1] =	ssyncset.done $0x0  }
0x140: {  	v2 =	vor.u32 s16, v0;
	s18 =	sand.u32 $0x30, s7;
	s17 =	sor.u32 $0x1, s8;
	[sflag:s1] =	ssyncadd.s32 $0xFFFFFC00  }
0x141: {  	v10 =	vshll.u32 v2, $0x6;
	s20 =	sor.u32 $0x2, s8;
	v3 =	vxor.u32 s8, v0;
	s19 =	sor.u32 $0x3, s8;
	v4 =	vxor.u32 s17, v0;
	_ =	swait.ge [sflag:s1], $0x400  }
0x142: {  	v5 =	vxor.u32 s20, v0;
	s20 =	sor.u32 $0x4, s8;
	v6 =	vxor.u32 s19, v0;
	v3 =	vor.u32 s18, v3;
	s19 =	sor.u32 $0x5, s8;
	[sflag:s1] =	ssyncset.done $0x0  }
0x143: {  	v7 =	vxor.u32 s20, v0;
	v8 =	vand.u32 $0x38, v3;
	v9 =	vxor.u32 s19, v0;
	[sflag:s1] =	ssyncadd.s32 $0xFFFFFC00  }
0x144: {  	v13 =	vor.u32 s18, v4;
	v5 =	vor.u32 s18, v5;
	v8 =	vor.u32 v10, v8;
	_ =	swait.ge [sflag:s1], $0x400  }
0x145: {  	s20 =	sor.u32 $0x6, s8;
	s8 =	sor.u32 $0x7, s8;
	v6 =	vor.u32 s18, v6;
	v4 =	vand.u32 $0x78, v2;
	v8 =	vor.u32 v1, v8;
	[sflag:s1] =	ssyncset.done $0x0  }
0x146: {  	v2 =	vshll.u32 v3, $0x7;
	v11 =	vxor.u32 s20, v0;
	v12 =	vxor.u32 s8, v0;
	[sflag:s1] =	ssyncadd.s32 $0xFFFFFC00  }
0x147: {  	v14 =	vor.u32 s18, v7;
	v16 =	vor.u32 s18, v12;
	v12 =	vor.u32 v10, v13;
	_ =	swait.ge [sflag:s1], $0x400  }
0x148: {  	v15 =	vor.u32 s18, v9;
	v3 =	vor.u32 v10, v5;
	v2 =	vor.u32 v4, v2;
	[sflag:s1] =	ssyncset.done $0x0  }
0x149: {  	v17 =	vor.u32 v10, v6;
	v5 =	vshll.u32 v5, $0x7;
	v6 =	vshll.u32 v6, $0x7;
	[sflag:s1] =	ssyncadd.s32 $0xFFFFFC00  }
0x14a: {  	v11 =	vor.u32 s18, v11;
	v18 =	vor.u32 v10, v14;
	v20 =	vor.u32 v1, v2;
	v19 =	vld.idx.msk [tilespmem:v8+s13+$0x0], $0xffff  }
0x14b: {  	v9 =	vor.u32 v10, v15;
	v13 =	vshll.u32 v13, $0x7;
	v14 =	vshll.u32 v14, $0x7  }
0x14c: {  	v21 =	vshll.u32 v15, $0x7;
	v15 =	vor.u32 v4, v5;
	v8 =	vor.u32 v10, v11;
	v2 =	vld.idx.msk [tilespmem:v12+s13+$0x0], $0xffff  }
0x14d: {  	v7 =	vor.u32 v10, v16;
	v14 =	vor.u32 v4, v14;
	v12 =	vor.u32 v4, v13;
	v3 =	vld.idx.msk [tilespmem:v3+s13+$0x0], $0xffff  }
0x14e: {  	v11 =	vshll.u32 v11, $0x7;
	v10 =	vshll.u32 v16, $0x7;
	v5 =	vld.idx.msk [tilespmem:v17+s13+$0x0], $0xffff;
	v13 =	vor.u32 v4, v6  }
0x14f: {  	v6 =	vld.idx.msk [tilespmem:v18+s13+$0x0], $0xffff;
	v16 =	vor.u32 v4, v21;
	v11 =	vor.u32 v4, v11;
	[tilespmem:v20+s23+$0x0] =	vst.idx.msk $0xffff, v19  }
.LBB2_9:
0x150: {  	s7 =	sadd.s32 $0x8, s7;
	v12 =	vor.u32 v1, v12;
	v15 =	vor.u32 v1, v15;
	v9 =	vld.idx.msk [tilespmem:v9+s13+$0x0], $0xffff;
	v4 =	vor.u32 v4, v10  }
0x151: {  	v10 =	vor.u32 v1, v13;
	v13 =	vor.u32 v1, v14;
	v14 =	vor.u32 v1, v16;
	s6 =	sadd.s32 $0x2, s6;
	s8 =	sand.u32 $0x8, s7;
	p0 =	slt.u32 s7, $0x1F8;
	v8 =	vld.idx.msk [tilespmem:v8+s13+$0x0], $0xffff  }
0x152: {  	v11 =	vor.u32 v1, v11;
	s16 =	sand.u32 $0x30, s7;
	s17 =	sand.u32 $0x70, s6;
	v18 =	vor.u32 v1, v4;
	v16 =	vxor.u32 s8, v0;
	s18 =	sor.u32 $0x1, s8;
	v17 =	vld.idx.msk [tilespmem:v7+s13+$0x0], $0xffff  }
0x153: {  	v4 =	vor.u32 s17, v0;
	s17 =	sor.u32 $0x2, s8;
	s19 =	sor.u32 $0x4, s8;
	v7 =	vor.u32 s16, v16;
	v16 =	vxor.u32 s18, v0;
	s18 =	sor.u32 $0x3, s8  }
0x154: {  	s20 =	sor.u32 $0x6, s8;
	v20 =	vshll.u32 v4, $0x6;
	v21 =	vxor.u32 s17, v0;
	s17 =	sor.u32 $0x5, s8;
	s8 =	sor.u32 $0x7, s8;
	v19 =	vand.u32 $0x38, v7  }
0x155: {  	v23 =	vxor.u32 s19, v0;
	v22 =	vxor.u32 s18, v0;
	v19 =	vor.u32 v20, v19;
	[tilespmem:v12+s23+$0x0] =	vst.idx.msk $0xffff, v2  }
0x156: {  	v12 =	vxor.u32 s17, v0;
	v2 =	vor.u32 v1, v19;
	v19 =	vxor.u32 s20, v0;
	[tilespmem:v15+s23+$0x0] =	vst.idx.msk $0xffff, v3  }
0x157: {  	v3 =	vor.u32 s16, v16;
	v15 =	vor.u32 s16, v21;
	v16 =	vxor.u32 s8, v0;
	[tilespmem:v10+s23+$0x0] =	vst.idx.msk $0xffff, v5  }
0x158: {  	v12 =	vor.u32 s16, v12;
	v5 =	vor.u32 s16, v22;
	v10 =	vor.u32 s16, v23;
	[tilespmem:v13+s23+$0x0] =	vst.idx.msk $0xffff, v6  }
0x159: {  	v16 =	vor.u32 s16, v16;
	v6 =	vor.u32 v20, v3;
	v13 =	vor.u32 s16, v19;
	[tilespmem:v14+s23+$0x0] =	vst.idx.msk $0xffff, v9  }
0x15a: {  	v4 =	vand.u32 $0x78, v4;
	v7 =	vshll.u32 v7, $0x7;
	v14 =	vor.u32 v20, v15;
	[tilespmem:v11+s23+$0x0] =	vst.idx.msk $0xffff, v8  }
0x15b: {  	v19 =	vor.u32 v20, v5;
	v21 =	vor.u32 v20, v10;
	v11 =	vld.idx.msk [tilespmem:v2+s13+$0x0], $0xffff;
	v2 =	vor.u32 v4, v7  }
0x15c: {  	v9 =	vor.u32 v20, v12;
	v8 =	vor.u32 v20, v13;
	v22 =	vor.u32 v1, v2  }
.Ltmp3:
0x15d: {  	v3 =	vshll.u32 v3, $0x7;
	v15 =	vshll.u32 v15, $0x7;
	v7 =	vor.u32 v20, v16;
	[tilespmem:v18+s23+$0x0] =	vst.idx.msk $0xffff, v17;
	(pc) =	sbr.rel @p0 .LBB2_9-.Ltmp3, $4  }
0x15e: {  	v17 =	vshll.u32 v10, $0x7;
	v18 =	vshll.u32 v12, $0x7;
	v2 =	vld.idx.msk [tilespmem:v6+s13+$0x0], $0xffff;
	v6 =	vshll.u32 v5, $0x7  }
0x15f: {  	v20 =	vshll.u32 v13, $0x7;
	v12 =	vor.u32 v4, v3;
	v10 =	vshll.u32 v16, $0x7;
	v3 =	vld.idx.msk [tilespmem:v14+s13+$0x0], $0xffff  }
0x160: {  	v15 =	vor.u32 v4, v15;
	v13 =	vor.u32 v4, v6;
	v14 =	vor.u32 v4, v17;
	v5 =	vld.idx.msk [tilespmem:v19+s13+$0x0], $0xffff  }
0x161: {  	v16 =	vor.u32 v4, v18;
	[tilespmem:v22+s23+$0x0] =	vst.idx.msk $0xffff, v11;
	v6 =	vld.idx.msk [tilespmem:v21+s13+$0x0], $0xffff;
	v11 =	vor.u32 v4, v20  }
0x162: {  	v12 =	vor.u32 v1, v12  }
0x163: {  	v15 =	vor.u32 v1, v15  }
0x164: {  	v13 =	vor.u32 v1, v13  }
0x165: {  	v14 =	vor.u32 v1, v14  }
0x166: {  	v9 =	vld.idx.msk [tilespmem:v9+s13+$0x0], $0xffff;
	v16 =	vor.u32 v1, v16  }
0x167: {  	v4 =	vor.u32 v4, v10;
	v8 =	vld.idx.msk [tilespmem:v8+s13+$0x0], $0xffff;
	v63 =	vor.u32 v1, v11;
	[tilespmem:v12+s23+$0x0] =	vst.idx.msk $0xffff, v2  }
0x168: {  	v4 =	vor.u32 v1, v4;
	v2 =	vld.idx.msk [tilespmem:v7+s13+$0x0], $0xffff;
	[tilespmem:v15+s23+$0x0] =	vst.idx.msk $0xffff, v3  }
0x169: {  	[tilespmem:v13+s23+$0x0] =	vst.idx.msk $0xffff, v5  }
0x16a: {  	[tilespmem:v14+s23+$0x0] =	vst.idx.msk $0xffff, v6  }
0x16b: {  	[tilespmem:v16+s23+$0x0] =	vst.idx.msk $0xffff, v9  }
0x16c: {  	[tilespmem:v63+s23+$0x0] =	vst.idx.msk $0xffff, v8  }
0x16d: {  	[tilespmem:v4+s23+$0x0] =	vst.idx.msk $0xffff, v2  }
0x16e: {  	s6 =	rddreg [dreg:$0x1d]  }
0x16f: {  	s20 =	rddreg [dreg:$0x1e]  }
0x170: {  	s7 =	rddreg [dreg:$0x1f];
	s6 =	sadd.s32 s2, s6  }
0x171: {  	[hbm4b:s6+s3] =	stream.linear.scatter [tilespmem:s23], [sflag:$0x2], $0x400, $0x38;
	[tilespmem:$0x12400] =	vst v63  }
0x172: {  	s8 =	sld [smem:$0x7F9];
	s6 =	sadd.s32 s2, s20  }
0x173: {  	[hbm4b:s6+s3] =	stream.linear.scatter [tilespmem:s24], [sflag:$0x2], $0x400, $0x38;
	[tilespmem:$0x12400] =	vst v63  }
0x174: {  	s16 =	sld [smem:$0x7FA];
	s6 =	sadd.s32 s2, s7  }
0x175: {  	[hbm4b:s6+s3] =	stream.linear.scatter [tilespmem:s26], [sflag:$0x2], $0x400, $0x38;
	[tilespmem:$0x12400] =	vst v63  }
0x176: {  	s17 =	sld [smem:$0x7FB];
	s6 =	sadd.s32 s2, s8  }
0x177: {  	[hbm4b:s6+s3] =	stream.linear.scatter [tilespmem:s28], [sflag:$0x2], $0x400, $0x38;
	[tilespmem:$0x12400] =	vst v63  }
0x178: {  	s18 =	sld [smem:$0x7FC];
	s6 =	sadd.s32 s2, s16  }
0x179: {  	[hbm4b:s6+s3] =	stream.linear.scatter [tilespmem:s29], [sflag:$0x2], $0x400, $0x38;
	[tilespmem:$0x12400] =	vst v63  }
0x17a: {  	s5 =	sadd.s32 $0x1, s5;
	s6 =	sadd.s32 s2, s17  }
0x17b: {  	[hbm4b:s6+s3] =	stream.linear.scatter [tilespmem:s30], [sflag:$0x2], $0x400, $0x38;
	[tilespmem:$0x12400] =	vst v63  }
0x17c: {  	p0 =	sne.s32 s5, $0x32;
	s19 =	sld [smem:$0x7FD];
	s6 =	sadd.s32 s2, s18  }
0x17d: {  	[hbm4b:s6+s3] =	stream.linear.scatter [tilespmem:s31], [sflag:$0x2], $0x400, $0x38;
	[tilespmem:$0x12400] =	vst v63  }
.Ltmp4:
0x17e: {  	s25 =	smin.u32 s25, $0xC0;
	(pc) =	sbr.rel @p0 .LBB2_2-.Ltmp4, $4  }
0x17f: {  	s20 =	sadd.s32 s2, s19;
	s2 =	sshll.u32 s25, $0x7  }
0x180: {  	[hbm4b:s20+s3] =	stream.linear.scatter [tilespmem:s0], [sflag:$0x2], $0x400, $0x38;
	[tilespmem:$0x12400] =	vst v63  }
0x181: {  	s2 =	sadd.s32 $0x380, s2  }
0x182: {  	[tilespmem:s13], [sflag:$0x1] =	stream.indirect.gather [hbm4b:s4+s9], $0x40, s2, s9, $0xb8;
	[tilespmem:$0x12400] =	vst v63  }
0x183: {  	_ =	swait.ge [sflag:s1], $0x400  }
0x184: {  	[sflag:s1] =	ssyncset.done $0x0  }
0x185: {  	[sflag:s1] =	ssyncadd.s32 $0xFFFFFC00  }
0x186: {  	_ =	swait.ge [sflag:s1], $0x400  }
0x187: {  	[sflag:s1] =	ssyncset.done $0x0  }
0x188: {  	[sflag:s1] =	ssyncadd.s32 $0xFFFFFC00  }
0x189: {  	_ =	swait.ge [sflag:s1], $0x400  }
0x18a: {  	[sflag:s1] =	ssyncset.done $0x0  }
0x18b: {  	[sflag:s1] =	ssyncadd.s32 $0xFFFFFC00  }
0x18c: {  	_ =	swait.ge [sflag:s1], $0x400  }
0x18d: {  	[sflag:s1] =	ssyncset.done $0x0  }
0x18e: {  	[sflag:s1] =	ssyncadd.s32 $0xFFFFFC00  }
0x18f: {  	_ =	swait.ge [sflag:s1], $0x400  }
0x190: {  	[sflag:s1] =	ssyncset.done $0x0  }
0x191: {  	[sflag:s1] =	ssyncadd.s32 $0xFFFFFC00  }
0x192: {  	_ =	swait.ge [sflag:s1], $0x400  }
0x193: {  	[sflag:s1] =	ssyncset.done $0x0  }
0x194: {  	[sflag:s1] =	ssyncadd.s32 $0xFFFFFC00  }
0x195: {  	_ =	swait.ge [sflag:s1], $0x400  }
0x196: {  	[sflag:s1] =	ssyncset.done $0x0  }
0x197: {  	[sflag:s1] =	ssyncadd.s32 $0xFFFFFC00  }
0x198: {  	_ =	swait.ge [sflag:s1], $0x400  }
0x199: {  	[sflag:s1] =	ssyncset.done $0x0  }
0x19a: {  	[sflag:s1] =	ssyncadd.s32 $0xFFFFFC00  }
0x19b: {  	_ =	swait.ge [sflag:s1], $0x400  }
0x19c: {  	[sflag:s1] =	ssyncset.done $0x0  }
0x19d: {  	[sflag:s1] =	ssyncadd.s32 $0xFFFFFC00  }
0x19e: {  	_ =	swait.ge [sflag:s1], $0x400  }
0x19f: {  	[sflag:s1] =	ssyncset.done $0x0  }
0x1a0: {  	[sflag:s1] =	ssyncadd.s32 $0xFFFFFC00  }
0x1a1: {  	_ =	swait.ge [sflag:s1], $0x400  }
0x1a2: {  	[sflag:s1] =	ssyncset.done $0x0  }
0x1a3: {  	[sflag:s1] =	ssyncadd.s32 $0xFFFFFC00  }
0x1a4: {  	_ =	swait.ge [sflag:s1], $0x400  }
0x1a5: {  	[sflag:s1] =	ssyncset.done $0x0  }
0x1a6: {  	[sflag:s1] =	ssyncadd.s32 $0xFFFFFC00  }
0x1a7: {  	_ =	swait.ge [sflag:s1], $0x400  }
0x1a8: {  	[sflag:s1] =	ssyncset.done $0x0  }
0x1a9: {  	[sflag:s1] =	ssyncadd.s32 $0xFFFFFC00  }
0x1aa: {  	_ =	swait.ge [sflag:s1], $0x400  }
0x1ab: {  	[sflag:s1] =	ssyncset.done $0x0  }
0x1ac: {  	[sflag:s1] =	ssyncadd.s32 $0xFFFFFC00  }
0x1ad: {  	_ =	swait.ge [sflag:s1], $0x400  }
0x1ae: {  	[sflag:s1] =	ssyncset.done $0x0  }
0x1af: {  	[sflag:s1] =	ssyncadd.s32 $0xFFFFFC00  }
0x1b0: {  	_ =	swait.ge [sflag:s1], $0x400  }
0x1b1: {  	[sflag:s1] =	ssyncset.done $0x0  }
0x1b2: {  	[sflag:s1] =	ssyncadd.s32 $0xFFFFFC00  }
0x1b3: {  	_ =	swait.ge [sflag:s14], $0x2000  }
0x1b4: {  	[sflag:s14] =	ssyncset.done $0x0  }
0x1b5: {  	[sflag:s14] =	ssyncadd.s32 $0xFFFFE000  }
0x1b6: {  	_ =	swait.ge [sflag:s14], $0x2000  }
0x1b7: {  	[sflag:s14] =	ssyncset.done $0x0  }
0x1b8: {  	[sflag:s14] =	ssyncadd.s32 $0xFFFFE000  }
0x1b9: {  	_ =	swait.ge [sflag:s14], $0x2000  }
0x1ba: {  	[sflag:s14] =	ssyncset.done $0x0  }
0x1bb: {  	[sflag:s14] =	ssyncadd.s32 $0xFFFFE000  }
0x1bc: {  	_ =	swait.ge [sflag:s14], $0x2000  }
0x1bd: {  	s5 =	sld [smem:$0x7F8];
	_ =	sdelay $0x2  }
0x1be: {  	s2 =	rddreg [dreg:$0x17];
	s5 =	sadd.s32 $0x1, s5  }
0x1bf: {  	p0 =	sne.s32 s5, s2  }
.Ltmp5:
0x1c0: {  	_ = 	snop;
	(pc) =	sbr.rel @p0 .LBB2_1-.Ltmp5, $3  }
0x1c1: {  	_ =	sdelay $0x1  }
0x1c2: {  	[sflag:s14] =	ssyncset.done $0x0  }
0x1c3: {  	[sflag:s14] =	ssyncadd.s32 $0xFFFFE000  }
0x1c4: {  	_ =	sfence.sel $0x180000  }
0x1c5: {  	[bflag:$0x0] =	sbarrier.arrive $0xFFFF  }
0x1c6: {  	_ =	strace $0x9000004A  }
0x1c7: {  	s0 =	stileid.u32;
	[bflag:$0x2] =	sbarrier.arrive $0xFFFF  }
0x1c8: {  	p0 =	sne.s32 s0, $0x0;
	s0 =	rddreg [dreg:$0x2]  }
0x1c9: {  	s0 =	sadd.s32 @!p0 $0x100000, s0  }
0x1ca: {  	[sflag:s0] =	ssyncadd.tile.s32 @!p0 $0x1;
	_ =	shalt  }
.Lfunc_end2:
_tile_overlayer_lowered:
.L_overlay_start_2:
0x1cb: {  	(tag) =	ssettag $0x2  }
0x1cc: {  	s0 =	rddreg [dreg:$0x0];
	s2 =	stileid.u32  }
0x1cd: {  	s1 =	rddreg [dreg:$0x1];
	p0 =	sne.s32 s2, $0x0  }
0x1ce: {  	s3 =	rddreg [dreg:$0x2];
	[bflag:$0x3] =	sbarrier.arrive $0xFFFF;
	s2 =	simm.s32 @!p0 $0x1C03  }
0x1cf: {  	[timem:s3], [sflag:s2] =	dma.local @!p0 [hbm:s0], s1  }
0x1d0: {  	s0 =	simm.s32 @!p0 $0x3  }
0x1d1: {  	_ =	swait.ge @!p0 [sflag:s0], s1  }
0x1d2: {  	s1 =	ssub.s32 @!p0 $0x0, s1;
	[sflag:s0] =	ssyncset.done @!p0 $0x0  }
0x1d3: {  	[sflag:s0] =	ssyncadd.s32 @!p0 s1  }
0x1d4: {  	[bflag:$0x3] =	sbarrier.arrive $0xFFFF  }
0x1d5: {  	_ =	shalt  }

</sc_bundles>
